<compile_context>
chip_gen: v7x
topology: tpu7x:2x2x1
jax: 0.10.2.dev20260603
libtpu: 0.0.44.dev20260713+nightly
codegen_flags: <defaults>
</compile_context>

<pallas_src>
import functools

import jax
import jax.numpy as jnp
from jax import lax
from jax.experimental import pallas as pl
from jax.experimental.pallas import tpu as pltpu
from jax.experimental.pallas import tpu_sc as plsc

HIDDEN = 768
N_EXPERTS = 8
EPAD = 16
BT = 512
RT = 2048
NW = 32
CH = 128



def _router_body(x_ref, wr_ref, idx_ref, rank_ref, cnt_ref, offs_ref, carry_ref):
    @pl.when(pl.program_id(0) == 0)
    def _init():
        carry_ref[...] = jnp.zeros_like(carry_ref)

    x = x_ref[...]
    logits = lax.dot_general(
        x, wr_ref[...], (((1,), (1,)), ((), ())),
        preferred_element_type=jnp.float32)
    mx = jnp.max(logits, axis=1, keepdims=True)
    eids = lax.broadcasted_iota(jnp.int32, logits.shape, 1)
    idx = jnp.min(jnp.where(logits == mx, eids, N_EXPERTS), axis=1)

    oh = (idx[:, None] == lax.broadcasted_iota(
        jnp.int32, (BT, EPAD), 1)).astype(jnp.float32)
    r = lax.broadcasted_iota(jnp.int32, (BT, BT), 0)
    c = lax.broadcasted_iota(jnp.int32, (BT, BT), 1)
    tril = (c < r).astype(jnp.float32)
    excl = lax.dot_general(
        tril, oh, (((1,), (0,)), ((), ())),
        preferred_element_type=jnp.float32)
    carry = carry_ref[...]
    rank = jnp.sum((excl.astype(jnp.int32) + carry) *
                   oh.astype(jnp.int32), axis=1)
    tot = jnp.sum(oh.astype(jnp.int32), axis=0)
    newc = carry + tot[None, :]
    carry_ref[...] = newc
    idx_ref[...] = idx[:, None]
    rank_ref[...] = rank[:, None]
    cnt_ref[...] = jnp.broadcast_to(newc, (8, EPAD))
    ra = lax.broadcasted_iota(jnp.int32, (EPAD, EPAD), 0)
    ca = lax.broadcasted_iota(jnp.int32, (EPAD, EPAD), 1)
    sup = (ra < ca).astype(jnp.float32)
    chi = (newc >> 8).astype(jnp.float32)
    clo = (newc & 255).astype(jnp.float32)
    ohi = lax.dot_general(chi, sup, (((1,), (0,)), ((), ())),
                          preferred_element_type=jnp.float32)
    olo = lax.dot_general(clo, sup, (((1,), (0,)), ((), ())),
                          preferred_element_type=jnp.float32)
    offs = ohi.astype(jnp.int32) * 256 + olo.astype(jnp.int32)
    offs_ref[...] = jnp.broadcast_to(offs, (8, EPAD))


def _router(x, Wr):
    T, H = x.shape
    return pl.pallas_call(
        _router_body,
        grid=(T // BT,),
        in_specs=[
            pl.BlockSpec((BT, H), lambda i: (i, 0)),
            pl.BlockSpec((N_EXPERTS, H), lambda i: (0, 0)),
        ],
        out_specs=[
            pl.BlockSpec((BT, 1), lambda i: (i, 0)),
            pl.BlockSpec((BT, 1), lambda i: (i, 0)),
            pl.BlockSpec((8, EPAD), lambda i: (0, 0)),
            pl.BlockSpec((8, EPAD), lambda i: (0, 0)),
        ],
        out_shape=[
            jax.ShapeDtypeStruct((T, 1), jnp.int32),
            jax.ShapeDtypeStruct((T, 1), jnp.int32),
            jax.ShapeDtypeStruct((8, EPAD), jnp.int32),
            jax.ShapeDtypeStruct((8, EPAD), jnp.int32),
        ],
        scratch_shapes=[pltpu.VMEM((1, EPAD), jnp.int32)],
    )(x, Wr)



BP = 4096


def _pos_body(idx_ref, rank_ref, offs_ref, pos_ref):
    idxv = idx_ref[...]
    oh = (idxv == lax.broadcasted_iota(
        jnp.int32, (BP, EPAD), 1)).astype(jnp.int32)
    base = jnp.sum(oh * offs_ref[0][None, :], axis=1, keepdims=True)
    pos_ref[...] = base + rank_ref[...]


def _pos(idx2, rank2, offs2):
    T = idx2.shape[0]
    return pl.pallas_call(
        _pos_body,
        grid=(T // BP,),
        in_specs=[
            pl.BlockSpec((BP, 1), lambda i: (i, 0)),
            pl.BlockSpec((BP, 1), lambda i: (i, 0)),
            pl.BlockSpec((8, EPAD), lambda i: (0, 0)),
        ],
        out_specs=pl.BlockSpec((BP, 1), lambda i: (i, 0)),
        out_shape=jax.ShapeDtypeStruct((T, 1), jnp.int32),
    )(idx2, rank2, offs2)



def _make_dispatch(T, H):
    per_w = T // NW
    n_ch = per_w // CH
    mesh = plsc.VectorSubcoreMesh(core_axis_name="c", subcore_axis_name="s")

    @functools.partial(
        pl.kernel, mesh=mesh,
        out_type=jax.ShapeDtypeStruct((T, H), jnp.float32),
        scratch_types=[
            pltpu.VMEM((CH,), jnp.int32),
            pltpu.VMEM((CH, H), jnp.float32),
            pltpu.SemaphoreType.DMA,
        ],
    )
    def dispatch(x_hbm, pos_hbm, xs_hbm, pos_v, rows_v, sem):
        wid = lax.axis_index("s") * 2 + lax.axis_index("c")
        for i in range(n_ch):
            base = wid * per_w + i * CH
            pltpu.sync_copy(pos_hbm.at[pl.ds(base, CH)], pos_v)
            pltpu.sync_copy(x_hbm.at[pl.ds(base, CH)], rows_v)
            pltpu.async_copy(rows_v, xs_hbm.at[pos_v], sem).wait()

    return dispatch



def _grouped_body(cnt_ref, xs_ref, we_ref, out_ref):
    i = pl.program_id(0)
    ts = i * RT
    rid = lax.broadcasted_iota(jnp.int32, (RT, 1), 0) + ts
    lo = 0
    for e in range(N_EXPERTS):
        hi = lo + cnt_ref[e]
        pred = jnp.logical_and(lo < ts + RT, hi > ts)
        first = lo <= ts
        covered = jnp.logical_and(first, hi >= ts + RT)

        def _full(e=e):
            out_ref[...] = lax.dot_general(
                xs_ref[...], we_ref[e], (((1,), (1,)), ((), ())),
                preferred_element_type=jnp.float32)

        def _partial_w(lo=lo, hi=hi, e=e):
            ye = lax.dot_general(
                xs_ref[...], we_ref[e], (((1,), (1,)), ((), ())),
                preferred_element_type=jnp.float32)
            m = (jnp.logical_and(rid >= lo, rid < hi)).astype(jnp.float32)
            out_ref[...] = m * ye

        def _partial_a(lo=lo, hi=hi, e=e):
            ye = lax.dot_general(
                xs_ref[...], we_ref[e], (((1,), (1,)), ((), ())),
                preferred_element_type=jnp.float32)
            m = (jnp.logical_and(rid >= lo, rid < hi)).astype(jnp.float32)
            out_ref[...] += m * ye

        partial = jnp.logical_and(pred, jnp.logical_not(covered))
        pl.when(covered)(_full)
        pl.when(jnp.logical_and(partial, first))(_partial_w)
        pl.when(jnp.logical_and(partial, jnp.logical_not(first)))(_partial_a)
        lo = hi


def _grouped(counts, xs, We):
    T, H = xs.shape
    E = We.shape[0]
    grid_spec = pltpu.PrefetchScalarGridSpec(
        num_scalar_prefetch=1,
        grid=(T // RT,),
        in_specs=[
            pl.BlockSpec((RT, H), lambda i, cnt: (i, 0)),
            pl.BlockSpec((E, H, H), lambda i, cnt: (0, 0, 0)),
        ],
        out_specs=pl.BlockSpec((RT, H), lambda i, cnt: (i, 0)),
    )
    return pl.pallas_call(
        _grouped_body,
        grid_spec=grid_spec,
        out_shape=jax.ShapeDtypeStruct((T, H), jnp.float32),
    )(counts, xs, We)



def _make_combine(T, H):
    per_w = T // NW
    n_ch = per_w // CH
    mesh = plsc.VectorSubcoreMesh(core_axis_name="c", subcore_axis_name="s")

    @functools.partial(
        pl.kernel, mesh=mesh,
        out_type=jax.ShapeDtypeStruct((T, H), jnp.float32),
        scratch_types=[
            pltpu.VMEM((CH,), jnp.int32),
            pltpu.VMEM((CH, H), jnp.float32),
            pltpu.SemaphoreType.DMA,
        ],
    )
    def combine(os_hbm, pos_hbm, out_hbm, pos_v, rows_v, sem):
        wid = lax.axis_index("s") * 2 + lax.axis_index("c")
        for i in range(n_ch):
            base = wid * per_w + i * CH
            pltpu.sync_copy(pos_hbm.at[pl.ds(base, CH)], pos_v)
            pltpu.async_copy(os_hbm.at[pos_v], rows_v, sem).wait()
            pltpu.sync_copy(rows_v, out_hbm.at[pl.ds(base, CH)])

    return combine



@jax.jit
def kernel(x, Wr, We):
    T, H = x.shape
    idx2, rank2, counts2, offs2 = _router(x, Wr)
    counts = counts2[0]
    pos = _pos(idx2, rank2, offs2).reshape(T)
    xs = _make_dispatch(T, H)(x, pos)
    os = _grouped(counts, xs, We)
    return _make_combine(T, H)(os, pos)

# --- scband reference (transcript-rebuilt; emitter-appended) ---
"""Pipeline reference for scband-mo-eblock-7516192768627 (READ-ONLY COPY).

The authoritative reference and input builder live on the scoring server;
editing this copy changes nothing except your own understanding.
"""

import jax, jax.numpy as jnp
import numpy as np

HIDDEN = 768
N_EXPERTS = 8
TOKENS = 32768  # batch 4 * seq 8192


def setup_inputs(seed: int = 0) -> dict:
    key = jax.random.key(seed)
    k1, k2, k3 = jax.random.split(key, 3)
    x = jax.random.normal(k1, (TOKENS, HIDDEN), dtype=jnp.float32)
    # router linear weight, nn.Linear(hidden, n_experts, bias=False): W_r[n_experts, hidden]
    Wr = jax.random.normal(k2, (N_EXPERTS, HIDDEN), dtype=jnp.float32) * (1.0 / np.sqrt(HIDDEN))
    # expert linear weights, nn.Linear(hidden, hidden, bias=False): We[n_experts, hidden, hidden]
    We = jax.random.normal(k3, (N_EXPERTS, HIDDEN, HIDDEN), dtype=jnp.float32) * (1.0 / np.sqrt(HIDDEN))
    return {"x": x, "Wr": Wr, "We": We}


def reference(x, Wr, We):
    # router: logits = x @ Wr^T  (nn.Linear applies y = x W^T)
    logits = x @ Wr.T                      # [T, E]
    idx = jnp.argmax(logits, axis=-1)      # [T] top-1 expert per token
    out = jnp.zeros_like(x)
    n_experts = We.shape[0]
    for e in range(n_experts):
        mask = (idx == e).astype(x.dtype)[:, None]   # [T, 1]
        out = out + mask * (x @ We[e].T)             # dense expert compute, masked combine
    return out

if __name__ == "__main__":
    import jax
    _d = setup_inputs()
    print(jax.jit(kernel)(*tuple(_d.values())))

</pallas_src>

<mosaic_0001>
#map = affine_map<(d0, d1) -> (0, 0)>
#map1 = affine_map<(d0, d1) -> (0)>
module attributes {stable_mosaic.version = 14 : i64} {
  func.func @dispatch(%arg0: i32, %arg1: i32, %arg2: memref<32768x768xf32, #tpu.memory_space<hbm>>, %arg3: memref<32768xi32, #tpu.memory_space<hbm>>, %arg4: memref<32768x768xf32, #tpu.memory_space<hbm>>, %arg5: memref<128xi32, #tpu.memory_space<vmem>>, %arg6: memref<128x768xf32, #tpu.memory_space<vmem>>, %arg7: memref<!tpu.dma_semaphore, #tpu.memory_space<semaphore_mem>>) attributes {dimension_semantics = [#tpu.dimension_semantics<core_parallel>, #tpu.dimension_semantics<subcore_parallel>], iteration_bounds = array<i64: 2, 16>, scalar_prefetch = 0 : i64, scratch_operands = 3 : i64, tpu.core_type = #tpu.core_type<sc_vector_subcore>, window_params = [{transform_indices = #map}, {transform_indices = #map1}, {transform_indices = #map}]} {
    %mul3A = arith.constant 2 : i32
    %mul3A_0 = arith.muli %arg1, %mul3A : i32
    %add3A = arith.addi %mul3A_0, %arg0 : i32
    %mul3A_1 = arith.constant 1024 : i32
    %mul3A_2 = arith.muli %add3A, %mul3A_1 : i32
    %add3A_3 = arith.constant 0 : i32
    %add3A_4 = arith.addi %mul3A_2, %add3A_3 : i32
    "tpu.region"() ({
      %run_scoped3A = tpu.sem_alloc : memref<!tpu.dma_semaphore, #tpu.memory_space<semaphore_mem>>
      %dma_start3A_79 = tpu.memref_slice %arg3[%add3A_4] : memref<32768xi32, #tpu.memory_space<hbm>> -> memref<128xi32, #tpu.memory_space<hbm>>
      %dma_start3A_80 = tpu.memref_slice %arg3[%add3A_4] : memref<32768xi32, #tpu.memory_space<hbm>> -> memref<128xi32, #tpu.memory_space<hbm>>
      tpu.enqueue_dma source(%dma_start3A_80 : memref<128xi32, #tpu.memory_space<hbm>>) target(%arg5 : memref<128xi32, #tpu.memory_space<vmem>>) target_semaphore(%run_scoped3A : memref<!tpu.dma_semaphore, #tpu.memory_space<semaphore_mem>>)
      %dma_wait3A_81 = tpu.memref_slice %arg3[%add3A_4] : memref<32768xi32, #tpu.memory_space<hbm>> -> memref<128xi32, #tpu.memory_space<hbm>>
      %dma_wait3A_82 = tpu.memref_slice %arg3[%add3A_4] : memref<32768xi32, #tpu.memory_space<hbm>> -> memref<128xi32, #tpu.memory_space<hbm>>
      tpu.wait_dma2 semaphore(%run_scoped3A : memref<!tpu.dma_semaphore, #tpu.memory_space<semaphore_mem>>) src(%dma_wait3A_82 : memref<128xi32, #tpu.memory_space<hbm>>) dst(%arg5 : memref<128xi32, #tpu.memory_space<vmem>>)
      tpu.yield
    }) : () -> ()
    "tpu.region"() ({
      %run_scoped3A = tpu.sem_alloc : memref<!tpu.dma_semaphore, #tpu.memory_space<semaphore_mem>>
      %dma_start3A_79 = arith.constant 0 : i32
      %dma_start3A_80 = tpu.memref_slice %arg2[%add3A_4, %dma_start3A_79] : memref<32768x768xf32, #tpu.memory_space<hbm>> -> memref<128x768xf32, #tpu.memory_space<hbm>>
      %dma_start3A_81 = arith.constant 0 : i32
      %dma_start3A_82 = tpu.memref_slice %arg2[%add3A_4, %dma_start3A_81] : memref<32768x768xf32, #tpu.memory_space<hbm>> -> memref<128x768xf32, #tpu.memory_space<hbm>>
      tpu.enqueue_dma source(%dma_start3A_82 : memref<128x768xf32, #tpu.memory_space<hbm>>) target(%arg6 : memref<128x768xf32, #tpu.memory_space<vmem>>) target_semaphore(%run_scoped3A : memref<!tpu.dma_semaphore, #tpu.memory_space<semaphore_mem>>)
      %dma_wait3A_83 = arith.constant 0 : i32
      %dma_wait3A_84 = tpu.memref_slice %arg2[%add3A_4, %dma_wait3A_83] : memref<32768x768xf32, #tpu.memory_space<hbm>> -> memref<128x768xf32, #tpu.memory_space<hbm>>
      %dma_wait3A_85 = arith.constant 0 : i32
      %dma_wait3A_86 = tpu.memref_slice %arg2[%add3A_4, %dma_wait3A_85] : memref<32768x768xf32, #tpu.memory_space<hbm>> -> memref<128x768xf32, #tpu.memory_space<hbm>>
      tpu.wait_dma2 semaphore(%run_scoped3A : memref<!tpu.dma_semaphore, #tpu.memory_space<semaphore_mem>>) src(%dma_wait3A_86 : memref<128x768xf32, #tpu.memory_space<hbm>>) dst(%arg6 : memref<128x768xf32, #tpu.memory_space<vmem>>)
      tpu.yield
    }) : () -> ()
    %dma_start3A = arith.constant 0 : i32
    %dma_start3A_5 = arith.constant 0 : i32
    %dma_start3A_6 = tpu.memref_slice %arg4[%dma_start3A, %dma_start3A_5] : memref<32768x768xf32, #tpu.memory_space<hbm>> -> memref<32768x768xf32, #tpu.memory_space<hbm>>
    tpu.enqueue_indirect_dma source(%arg6 : memref<128x768xf32, #tpu.memory_space<vmem>>) target(%dma_start3A_6 : memref<32768x768xf32, #tpu.memory_space<hbm>>) offsets(%arg5 : memref<128xi32, #tpu.memory_space<vmem>>) semaphore(%arg7 : memref<!tpu.dma_semaphore, #tpu.memory_space<semaphore_mem>>)
    %dma_wait3A = arith.constant 0 : i32
    %dma_wait3A_7 = arith.constant 0 : i32
    %dma_wait3A_8 = tpu.memref_slice %arg4[%dma_wait3A, %dma_wait3A_7] : memref<32768x768xf32, #tpu.memory_space<hbm>> -> memref<32768x768xf32, #tpu.memory_space<hbm>>
    tpu.wait_indirect_dma semaphore(%arg7 : memref<!tpu.dma_semaphore, #tpu.memory_space<semaphore_mem>>) src(%arg6 : memref<128x768xf32, #tpu.memory_space<vmem>>) dst(%dma_wait3A_8 : memref<32768x768xf32, #tpu.memory_space<hbm>>)
    %mul3A_9 = arith.constant 1024 : i32
    %mul3A_10 = arith.muli %add3A, %mul3A_9 : i32
    %add3A_11 = arith.constant 128 : i32
    %add3A_12 = arith.addi %mul3A_10, %add3A_11 : i32
    "tpu.region"() ({
      %run_scoped3A = tpu.sem_alloc : memref<!tpu.dma_semaphore, #tpu.memory_space<semaphore_mem>>
      %dma_start3A_79 = tpu.memref_slice %arg3[%add3A_12] : memref<32768xi32, #tpu.memory_space<hbm>> -> memref<128xi32, #tpu.memory_space<hbm>>
      %dma_start3A_80 = tpu.memref_slice %arg3[%add3A_12] : memref<32768xi32, #tpu.memory_space<hbm>> -> memref<128xi32, #tpu.memory_space<hbm>>
      tpu.enqueue_dma source(%dma_start3A_80 : memref<128xi32, #tpu.memory_space<hbm>>) target(%arg5 : memref<128xi32, #tpu.memory_space<vmem>>) target_semaphore(%run_scoped3A : memref<!tpu.dma_semaphore, #tpu.memory_space<semaphore_mem>>)
      %dma_wait3A_81 = tpu.memref_slice %arg3[%add3A_12] : memref<32768xi32, #tpu.memory_space<hbm>> -> memref<128xi32, #tpu.memory_space<hbm>>
      %dma_wait3A_82 = tpu.memref_slice %arg3[%add3A_12] : memref<32768xi32, #tpu.memory_space<hbm>> -> memref<128xi32, #tpu.memory_space<hbm>>
      tpu.wait_dma2 semaphore(%run_scoped3A : memref<!tpu.dma_semaphore, #tpu.memory_space<semaphore_mem>>) src(%dma_wait3A_82 : memref<128xi32, #tpu.memory_space<hbm>>) dst(%arg5 : memref<128xi32, #tpu.memory_space<vmem>>)
      tpu.yield
    }) : () -> ()
    "tpu.region"() ({
      %run_scoped3A = tpu.sem_alloc : memref<!tpu.dma_semaphore, #tpu.memory_space<semaphore_mem>>
      %dma_start3A_79 = arith.constant 0 : i32
      %dma_start3A_80 = tpu.memref_slice %arg2[%add3A_12, %dma_start3A_79] : memref<32768x768xf32, #tpu.memory_space<hbm>> -> memref<128x768xf32, #tpu.memory_space<hbm>>
      %dma_start3A_81 = arith.constant 0 : i32
      %dma_start3A_82 = tpu.memref_slice %arg2[%add3A_12, %dma_start3A_81] : memref<32768x768xf32, #tpu.memory_space<hbm>> -> memref<128x768xf32, #tpu.memory_space<hbm>>
      tpu.enqueue_dma source(%dma_start3A_82 : memref<128x768xf32, #tpu.memory_space<hbm>>) target(%arg6 : memref<128x768xf32, #tpu.memory_space<vmem>>) target_semaphore(%run_scoped3A : memref<!tpu.dma_semaphore, #tpu.memory_space<semaphore_mem>>)
      %dma_wait3A_83 = arith.constant 0 : i32
      %dma_wait3A_84 = tpu.memref_slice %arg2[%add3A_12, %dma_wait3A_83] : memref<32768x768xf32, #tpu.memory_space<hbm>> -> memref<128x768xf32, #tpu.memory_space<hbm>>
      %dma_wait3A_85 = arith.constant 0 : i32
      %dma_wait3A_86 = tpu.memref_slice %arg2[%add3A_12, %dma_wait3A_85] : memref<32768x768xf32, #tpu.memory_space<hbm>> -> memref<128x768xf32, #tpu.memory_space<hbm>>
      tpu.wait_dma2 semaphore(%run_scoped3A : memref<!tpu.dma_semaphore, #tpu.memory_space<semaphore_mem>>) src(%dma_wait3A_86 : memref<128x768xf32, #tpu.memory_space<hbm>>) dst(%arg6 : memref<128x768xf32, #tpu.memory_space<vmem>>)
      tpu.yield
    }) : () -> ()
    %dma_start3A_13 = arith.constant 0 : i32
    %dma_start3A_14 = arith.constant 0 : i32
    %dma_start3A_15 = tpu.memref_slice %arg4[%dma_start3A_13, %dma_start3A_14] : memref<32768x768xf32, #tpu.memory_space<hbm>> -> memref<32768x768xf32, #tpu.memory_space<hbm>>
    tpu.enqueue_indirect_dma source(%arg6 : memref<128x768xf32, #tpu.memory_space<vmem>>) target(%dma_start3A_15 : memref<32768x768xf32, #tpu.memory_space<hbm>>) offsets(%arg5 : memref<128xi32, #tpu.memory_space<vmem>>) semaphore(%arg7 : memref<!tpu.dma_semaphore, #tpu.memory_space<semaphore_mem>>)
    %dma_wait3A_16 = arith.constant 0 : i32
    %dma_wait3A_17 = arith.constant 0 : i32
    %dma_wait3A_18 = tpu.memref_slice %arg4[%dma_wait3A_16, %dma_wait3A_17] : memref<32768x768xf32, #tpu.memory_space<hbm>> -> memref<32768x768xf32, #tpu.memory_space<hbm>>
    tpu.wait_indirect_dma semaphore(%arg7 : memref<!tpu.dma_semaphore, #tpu.memory_space<semaphore_mem>>) src(%arg6 : memref<128x768xf32, #tpu.memory_space<vmem>>) dst(%dma_wait3A_18 : memref<32768x768xf32, #tpu.memory_space<hbm>>)
    %mul3A_19 = arith.constant 1024 : i32
    %mul3A_20 = arith.muli %add3A, %mul3A_19 : i32
    %add3A_21 = arith.constant 256 : i32
    %add3A_22 = arith.addi %mul3A_20, %add3A_21 : i32
    "tpu.region"() ({
      %run_scoped3A = tpu.sem_alloc : memref<!tpu.dma_semaphore, #tpu.memory_space<semaphore_mem>>
      %dma_start3A_79 = tpu.memref_slice %arg3[%add3A_22] : memref<32768xi32, #tpu.memory_space<hbm>> -> memref<128xi32, #tpu.memory_space<hbm>>
      %dma_start3A_80 = tpu.memref_slice %arg3[%add3A_22] : memref<32768xi32, #tpu.memory_space<hbm>> -> memref<128xi32, #tpu.memory_space<hbm>>
      tpu.enqueue_dma source(%dma_start3A_80 : memref<128xi32, #tpu.memory_space<hbm>>) target(%arg5 : memref<128xi32, #tpu.memory_space<vmem>>) target_semaphore(%run_scoped3A : memref<!tpu.dma_semaphore, #tpu.memory_space<semaphore_mem>>)
      %dma_wait3A_81 = tpu.memref_slice %arg3[%add3A_22] : memref<32768xi32, #tpu.memory_space<hbm>> -> memref<128xi32, #tpu.memory_space<hbm>>
      %dma_wait3A_82 = tpu.memref_slice %arg3[%add3A_22] : memref<32768xi32, #tpu.memory_space<hbm>> -> memref<128xi32, #tpu.memory_space<hbm>>
      tpu.wait_dma2 semaphore(%run_scoped3A : memref<!tpu.dma_semaphore, #tpu.memory_space<semaphore_mem>>) src(%dma_wait3A_82 : memref<128xi32, #tpu.memory_space<hbm>>) dst(%arg5 : memref<128xi32, #tpu.memory_space<vmem>>)
      tpu.yield
    }) : () -> ()
    "tpu.region"() ({
      %run_scoped3A = tpu.sem_alloc : memref<!tpu.dma_semaphore, #tpu.memory_space<semaphore_mem>>
      %dma_start3A_79 = arith.constant 0 : i32
      %dma_start3A_80 = tpu.memref_slice %arg2[%add3A_22, %dma_start3A_79] : memref<32768x768xf32, #tpu.memory_space<hbm>> -> memref<128x768xf32, #tpu.memory_space<hbm>>
      %dma_start3A_81 = arith.constant 0 : i32
      %dma_start3A_82 = tpu.memref_slice %arg2[%add3A_22, %dma_start3A_81] : memref<32768x768xf32, #tpu.memory_space<hbm>> -> memref<128x768xf32, #tpu.memory_space<hbm>>
      tpu.enqueue_dma source(%dma_start3A_82 : memref<128x768xf32, #tpu.memory_space<hbm>>) target(%arg6 : memref<128x768xf32, #tpu.memory_space<vmem>>) target_semaphore(%run_scoped3A : memref<!tpu.dma_semaphore, #tpu.memory_space<semaphore_mem>>)
      %dma_wait3A_83 = arith.constant 0 : i32
      %dma_wait3A_84 = tpu.memref_slice %arg2[%add3A_22, %dma_wait3A_83] : memref<32768x768xf32, #tpu.memory_space<hbm>> -> memref<128x768xf32, #tpu.memory_space<hbm>>
      %dma_wait3A_85 = arith.constant 0 : i32
      %dma_wait3A_86 = tpu.memref_slice %arg2[%add3A_22, %dma_wait3A_85] : memref<32768x768xf32, #tpu.memory_space<hbm>> -> memref<128x768xf32, #tpu.memory_space<hbm>>
      tpu.wait_dma2 semaphore(%run_scoped3A : memref<!tpu.dma_semaphore, #tpu.memory_space<semaphore_mem>>) src(%dma_wait3A_86 : memref<128x768xf32, #tpu.memory_space<hbm>>) dst(%arg6 : memref<128x768xf32, #tpu.memory_space<vmem>>)
      tpu.yield
    }) : () -> ()
    %dma_start3A_23 = arith.constant 0 : i32
    %dma_start3A_24 = arith.constant 0 : i32
    %dma_start3A_25 = tpu.memref_slice %arg4[%dma_start3A_23, %dma_start3A_24] : memref<32768x768xf32, #tpu.memory_space<hbm>> -> memref<32768x768xf32, #tpu.memory_space<hbm>>
    tpu.enqueue_indirect_dma source(%arg6 : memref<128x768xf32, #tpu.memory_space<vmem>>) target(%dma_start3A_25 : memref<32768x768xf32, #tpu.memory_space<hbm>>) offsets(%arg5 : memref<128xi32, #tpu.memory_space<vmem>>) semaphore(%arg7 : memref<!tpu.dma_semaphore, #tpu.memory_space<semaphore_mem>>)
    %dma_wait3A_26 = arith.constant 0 : i32
    %dma_wait3A_27 = arith.constant 0 : i32
    %dma_wait3A_28 = tpu.memref_slice %arg4[%dma_wait3A_26, %dma_wait3A_27] : memref<32768x768xf32, #tpu.memory_space<hbm>> -> memref<32768x768xf32, #tpu.memory_space<hbm>>
    tpu.wait_indirect_dma semaphore(%arg7 : memref<!tpu.dma_semaphore, #tpu.memory_space<semaphore_mem>>) src(%arg6 : memref<128x768xf32, #tpu.memory_space<vmem>>) dst(%dma_wait3A_28 : memref<32768x768xf32, #tpu.memory_space<hbm>>)
    %mul3A_29 = arith.constant 1024 : i32
    %mul3A_30 = arith.muli %add3A, %mul3A_29 : i32
    %add3A_31 = arith.constant 384 : i32
    %add3A_32 = arith.addi %mul3A_30, %add3A_31 : i32
    "tpu.region"() ({
      %run_scoped3A = tpu.sem_alloc : memref<!tpu.dma_semaphore, #tpu.memory_space<semaphore_mem>>
      %dma_start3A_79 = tpu.memref_slice %arg3[%add3A_32] : memref<32768xi32, #tpu.memory_space<hbm>> -> memref<128xi32, #tpu.memory_space<hbm>>
      %dma_start3A_80 = tpu.memref_slice %arg3[%add3A_32] : memref<32768xi32, #tpu.memory_space<hbm>> -> memref<128xi32, #tpu.memory_space<hbm>>
      tpu.enqueue_dma source(%dma_start3A_80 : memref<128xi32, #tpu.memory_space<hbm>>) target(%arg5 : memref<128xi32, #tpu.memory_space<vmem>>) target_semaphore(%run_scoped3A : memref<!tpu.dma_semaphore, #tpu.memory_space<semaphore_mem>>)
      %dma_wait3A_81 = tpu.memref_slice %arg3[%add3A_32] : memref<32768xi32, #tpu.memory_space<hbm>> -> memref<128xi32, #tpu.memory_space<hbm>>
      %dma_wait3A_82 = tpu.memref_slice %arg3[%add3A_32] : memref<32768xi32, #tpu.memory_space<hbm>> -> memref<128xi32, #tpu.memory_space<hbm>>
      tpu.wait_dma2 semaphore(%run_scoped3A : memref<!tpu.dma_semaphore, #tpu.memory_space<semaphore_mem>>) src(%dma_wait3A_82 : memref<128xi32, #tpu.memory_space<hbm>>) dst(%arg5 : memref<128xi32, #tpu.memory_space<vmem>>)
      tpu.yield
    }) : () -> ()
    "tpu.region"() ({
      %run_scoped3A = tpu.sem_alloc : memref<!tpu.dma_semaphore, #tpu.memory_space<semaphore_mem>>
      %dma_start3A_79 = arith.constant 0 : i32
      %dma_start3A_80 = tpu.memref_slice %arg2[%add3A_32, %dma_start3A_79] : memref<32768x768xf32, #tpu.memory_space<hbm>> -> memref<128x768xf32, #tpu.memory_space<hbm>>
      %dma_start3A_81 = arith.constant 0 : i32
      %dma_start3A_82 = tpu.memref_slice %arg2[%add3A_32, %dma_start3A_81] : memref<32768x768xf32, #tpu.memory_space<hbm>> -> memref<128x768xf32, #tpu.memory_space<hbm>>
      tpu.enqueue_dma source(%dma_start3A_82 : memref<128x768xf32, #tpu.memory_space<hbm>>) target(%arg6 : memref<128x768xf32, #tpu.memory_space<vmem>>) target_semaphore(%run_scoped3A : memref<!tpu.dma_semaphore, #tpu.memory_space<semaphore_mem>>)
      %dma_wait3A_83 = arith.constant 0 : i32
      %dma_wait3A_84 = tpu.memref_slice %arg2[%add3A_32, %dma_wait3A_83] : memref<32768x768xf32, #tpu.memory_space<hbm>> -> memref<128x768xf32, #tpu.memory_space<hbm>>
      %dma_wait3A_85 = arith.constant 0 : i32
      %dma_wait3A_86 = tpu.memref_slice %arg2[%add3A_32, %dma_wait3A_85] : memref<32768x768xf32, #tpu.memory_space<hbm>> -> memref<128x768xf32, #tpu.memory_space<hbm>>
      tpu.wait_dma2 semaphore(%run_scoped3A : memref<!tpu.dma_semaphore, #tpu.memory_space<semaphore_mem>>) src(%dma_wait3A_86 : memref<128x768xf32, #tpu.memory_space<hbm>>) dst(%arg6 : memref<128x768xf32, #tpu.memory_space<vmem>>)
      tpu.yield
    }) : () -> ()
    %dma_start3A_33 = arith.constant 0 : i32
    %dma_start3A_34 = arith.constant 0 : i32
    %dma_start3A_35 = tpu.memref_slice %arg4[%dma_start3A_33, %dma_start3A_34] : memref<32768x768xf32, #tpu.memory_space<hbm>> -> memref<32768x768xf32, #tpu.memory_space<hbm>>
    tpu.enqueue_indirect_dma source(%arg6 : memref<128x768xf32, #tpu.memory_space<vmem>>) target(%dma_start3A_35 : memref<32768x768xf32, #tpu.memory_space<hbm>>) offsets(%arg5 : memref<128xi32, #tpu.memory_space<vmem>>) semaphore(%arg7 : memref<!tpu.dma_semaphore, #tpu.memory_space<semaphore_mem>>)
    %dma_wait3A_36 = arith.constant 0 : i32
    %dma_wait3A_37 = arith.constant 0 : i32
    %dma_wait3A_38 = tpu.memref_slice %arg4[%dma_wait3A_36, %dma_wait3A_37] : memref<32768x768xf32, #tpu.memory_space<hbm>> -> memref<32768x768xf32, #tpu.memory_space<hbm>>
    tpu.wait_indirect_dma semaphore(%arg7 : memref<!tpu.dma_semaphore, #tpu.memory_space<semaphore_mem>>) src(%arg6 : memref<128x768xf32, #tpu.memory_space<vmem>>) dst(%dma_wait3A_38 : memref<32768x768xf32, #tpu.memory_space<hbm>>)
    %mul3A_39 = arith.constant 1024 : i32
    %mul3A_40 = arith.muli %add3A, %mul3A_39 : i32
    %add3A_41 = arith.constant 512 : i32
    %add3A_42 = arith.addi %mul3A_40, %add3A_41 : i32
    "tpu.region"() ({
      %run_scoped3A = tpu.sem_alloc : memref<!tpu.dma_semaphore, #tpu.memory_space<semaphore_mem>>
      %dma_start3A_79 = tpu.memref_slice %arg3[%add3A_42] : memref<32768xi32, #tpu.memory_space<hbm>> -> memref<128xi32, #tpu.memory_space<hbm>>
      %dma_start3A_80 = tpu.memref_slice %arg3[%add3A_42] : memref<32768xi32, #tpu.memory_space<hbm>> -> memref<128xi32, #tpu.memory_space<hbm>>
      tpu.enqueue_dma source(%dma_start3A_80 : memref<128xi32, #tpu.memory_space<hbm>>) target(%arg5 : memref<128xi32, #tpu.memory_space<vmem>>) target_semaphore(%run_scoped3A : memref<!tpu.dma_semaphore, #tpu.memory_space<semaphore_mem>>)
      %dma_wait3A_81 = tpu.memref_slice %arg3[%add3A_42] : memref<32768xi32, #tpu.memory_space<hbm>> -> memref<128xi32, #tpu.memory_space<hbm>>
      %dma_wait3A_82 = tpu.memref_slice %arg3[%add3A_42] : memref<32768xi32, #tpu.memory_space<hbm>> -> memref<128xi32, #tpu.memory_space<hbm>>
      tpu.wait_dma2 semaphore(%run_scoped3A : memref<!tpu.dma_semaphore, #tpu.memory_space<semaphore_mem>>) src(%dma_wait3A_82 : memref<128xi32, #tpu.memory_space<hbm>>) dst(%arg5 : memref<128xi32, #tpu.memory_space<vmem>>)
      tpu.yield
    }) : () -> ()
    "tpu.region"() ({
      %run_scoped3A = tpu.sem_alloc : memref<!tpu.dma_semaphore, #tpu.memory_space<semaphore_mem>>
      %dma_start3A_79 = arith.constant 0 : i32
      %dma_start3A_80 = tpu.memref_slice %arg2[%add3A_42, %dma_start3A_79] : memref<32768x768xf32, #tpu.memory_space<hbm>> -> memref<128x768xf32, #tpu.memory_space<hbm>>
      %dma_start3A_81 = arith.constant 0 : i32
      %dma_start3A_82 = tpu.memref_slice %arg2[%add3A_42, %dma_start3A_81] : memref<32768x768xf32, #tpu.memory_space<hbm>> -> memref<128x768xf32, #tpu.memory_space<hbm>>
      tpu.enqueue_dma source(%dma_start3A_82 : memref<128x768xf32, #tpu.memory_space<hbm>>) target(%arg6 : memref<128x768xf32, #tpu.memory_space<vmem>>) target_semaphore(%run_scoped3A : memref<!tpu.dma_semaphore, #tpu.memory_space<semaphore_mem>>)
      %dma_wait3A_83 = arith.constant 0 : i32
      %dma_wait3A_84 = tpu.memref_slice %arg2[%add3A_42, %dma_wait3A_83] : memref<32768x768xf32, #tpu.memory_space<hbm>> -> memref<128x768xf32, #tpu.memory_space<hbm>>
      %dma_wait3A_85 = arith.constant 0 : i32
      %dma_wait3A_86 = tpu.memref_slice %arg2[%add3A_42, %dma_wait3A_85] : memref<32768x768xf32, #tpu.memory_space<hbm>> -> memref<128x768xf32, #tpu.memory_space<hbm>>
      tpu.wait_dma2 semaphore(%run_scoped3A : memref<!tpu.dma_semaphore, #tpu.memory_space<semaphore_mem>>) src(%dma_wait3A_86 : memref<128x768xf32, #tpu.memory_space<hbm>>) dst(%arg6 : memref<128x768xf32, #tpu.memory_space<vmem>>)
      tpu.yield
    }) : () -> ()
    %dma_start3A_43 = arith.constant 0 : i32
    %dma_start3A_44 = arith.constant 0 : i32
    %dma_start3A_45 = tpu.memref_slice %arg4[%dma_start3A_43, %dma_start3A_44] : memref<32768x768xf32, #tpu.memory_space<hbm>> -> memref<32768x768xf32, #tpu.memory_space<hbm>>
    tpu.enqueue_indirect_dma source(%arg6 : memref<128x768xf32, #tpu.memory_space<vmem>>) target(%dma_start3A_45 : memref<32768x768xf32, #tpu.memory_space<hbm>>) offsets(%arg5 : memref<128xi32, #tpu.memory_space<vmem>>) semaphore(%arg7 : memref<!tpu.dma_semaphore, #tpu.memory_space<semaphore_mem>>)
    %dma_wait3A_46 = arith.constant 0 : i32
    %dma_wait3A_47 = arith.constant 0 : i32
    %dma_wait3A_48 = tpu.memref_slice %arg4[%dma_wait3A_46, %dma_wait3A_47] : memref<32768x768xf32, #tpu.memory_space<hbm>> -> memref<32768x768xf32, #tpu.memory_space<hbm>>
    tpu.wait_indirect_dma semaphore(%arg7 : memref<!tpu.dma_semaphore, #tpu.memory_space<semaphore_mem>>) src(%arg6 : memref<128x768xf32, #tpu.memory_space<vmem>>) dst(%dma_wait3A_48 : memref<32768x768xf32, #tpu.memory_space<hbm>>)
    %mul3A_49 = arith.constant 1024 : i32
    %mul3A_50 = arith.muli %add3A, %mul3A_49 : i32
    %add3A_51 = arith.constant 640 : i32
    %add3A_52 = arith.addi %mul3A_50, %add3A_51 : i32
    "tpu.region"() ({
      %run_scoped3A = tpu.sem_alloc : memref<!tpu.dma_semaphore, #tpu.memory_space<semaphore_mem>>
      %dma_start3A_79 = tpu.memref_slice %arg3[%add3A_52] : memref<32768xi32, #tpu.memory_space<hbm>> -> memref<128xi32, #tpu.memory_space<hbm>>
      %dma_start3A_80 = tpu.memref_slice %arg3[%add3A_52] : memref<32768xi32, #tpu.memory_space<hbm>> -> memref<128xi32, #tpu.memory_space<hbm>>
      tpu.enqueue_dma source(%dma_start3A_80 : memref<128xi32, #tpu.memory_space<hbm>>) target(%arg5 : memref<128xi32, #tpu.memory_space<vmem>>) target_semaphore(%run_scoped3A : memref<!tpu.dma_semaphore, #tpu.memory_space<semaphore_mem>>)
      %dma_wait3A_81 = tpu.memref_slice %arg3[%add3A_52] : memref<32768xi32, #tpu.memory_space<hbm>> -> memref<128xi32, #tpu.memory_space<hbm>>
      %dma_wait3A_82 = tpu.memref_slice %arg3[%add3A_52] : memref<32768xi32, #tpu.memory_space<hbm>> -> memref<128xi32, #tpu.memory_space<hbm>>
      tpu.wait_dma2 semaphore(%run_scoped3A : memref<!tpu.dma_semaphore, #tpu.memory_space<semaphore_mem>>) src(%dma_wait3A_82 : memref<128xi32, #tpu.memory_space<hbm>>) dst(%arg5 : memref<128xi32, #tpu.memory_space<vmem>>)
      tpu.yield
    }) : () -> ()
    "tpu.region"() ({
      %run_scoped3A = tpu.sem_alloc : memref<!tpu.dma_semaphore, #tpu.memory_space<semaphore_mem>>
      %dma_start3A_79 = arith.constant 0 : i32
      %dma_start3A_80 = tpu.memref_slice %arg2[%add3A_52, %dma_start3A_79] : memref<32768x768xf32, #tpu.memory_space<hbm>> -> memref<128x768xf32, #tpu.memory_space<hbm>>
      %dma_start3A_81 = arith.constant 0 : i32
      %dma_start3A_82 = tpu.memref_slice %arg2[%add3A_52, %dma_start3A_81] : memref<32768x768xf32, #tpu.memory_space<hbm>> -> memref<128x768xf32, #tpu.memory_space<hbm>>
      tpu.enqueue_dma source(%dma_start3A_82 : memref<128x768xf32, #tpu.memory_space<hbm>>) target(%arg6 : memref<128x768xf32, #tpu.memory_space<vmem>>) target_semaphore(%run_scoped3A : memref<!tpu.dma_semaphore, #tpu.memory_space<semaphore_mem>>)
      %dma_wait3A_83 = arith.constant 0 : i32
      %dma_wait3A_84 = tpu.memref_slice %arg2[%add3A_52, %dma_wait3A_83] : memref<32768x768xf32, #tpu.memory_space<hbm>> -> memref<128x768xf32, #tpu.memory_space<hbm>>
      %dma_wait3A_85 = arith.constant 0 : i32
      %dma_wait3A_86 = tpu.memref_slice %arg2[%add3A_52, %dma_wait3A_85] : memref<32768x768xf32, #tpu.memory_space<hbm>> -> memref<128x768xf32, #tpu.memory_space<hbm>>
      tpu.wait_dma2 semaphore(%run_scoped3A : memref<!tpu.dma_semaphore, #tpu.memory_space<semaphore_mem>>) src(%dma_wait3A_86 : memref<128x768xf32, #tpu.memory_space<hbm>>) dst(%arg6 : memref<128x768xf32, #tpu.memory_space<vmem>>)
      tpu.yield
    }) : () -> ()
    %dma_start3A_53 = arith.constant 0 : i32
    %dma_start3A_54 = arith.constant 0 : i32
    %dma_start3A_55 = tpu.memref_slice %arg4[%dma_start3A_53, %dma_start3A_54] : memref<32768x768xf32, #tpu.memory_space<hbm>> -> memref<32768x768xf32, #tpu.memory_space<hbm>>
    tpu.enqueue_indirect_dma source(%arg6 : memref<128x768xf32, #tpu.memory_space<vmem>>) target(%dma_start3A_55 : memref<32768x768xf32, #tpu.memory_space<hbm>>) offsets(%arg5 : memref<128xi32, #tpu.memory_space<vmem>>) semaphore(%arg7 : memref<!tpu.dma_semaphore, #tpu.memory_space<semaphore_mem>>)
    %dma_wait3A_56 = arith.constant 0 : i32
    %dma_wait3A_57 = arith.constant 0 : i32
    %dma_wait3A_58 = tpu.memref_slice %arg4[%dma_wait3A_56, %dma_wait3A_57] : memref<32768x768xf32, #tpu.memory_space<hbm>> -> memref<32768x768xf32, #tpu.memory_space<hbm>>
    tpu.wait_indirect_dma semaphore(%arg7 : memref<!tpu.dma_semaphore, #tpu.memory_space<semaphore_mem>>) src(%arg6 : memref<128x768xf32, #tpu.memory_space<vmem>>) dst(%dma_wait3A_58 : memref<32768x768xf32, #tpu.memory_space<hbm>>)
    %mul3A_59 = arith.constant 1024 : i32
    %mul3A_60 = arith.muli %add3A, %mul3A_59 : i32
    %add3A_61 = arith.constant 768 : i32
    %add3A_62 = arith.addi %mul3A_60, %add3A_61 : i32
    "tpu.region"() ({
      %run_scoped3A = tpu.sem_alloc : memref<!tpu.dma_semaphore, #tpu.memory_space<semaphore_mem>>
      %dma_start3A_79 = tpu.memref_slice %arg3[%add3A_62] : memref<32768xi32, #tpu.memory_space<hbm>> -> memref<128xi32, #tpu.memory_space<hbm>>
      %dma_start3A_80 = tpu.memref_slice %arg3[%add3A_62] : memref<32768xi32, #tpu.memory_space<hbm>> -> memref<128xi32, #tpu.memory_space<hbm>>
      tpu.enqueue_dma source(%dma_start3A_80 : memref<128xi32, #tpu.memory_space<hbm>>) target(%arg5 : memref<128xi32, #tpu.memory_space<vmem>>) target_semaphore(%run_scoped3A : memref<!tpu.dma_semaphore, #tpu.memory_space<semaphore_mem>>)
      %dma_wait3A_81 = tpu.memref_slice %arg3[%add3A_62] : memref<32768xi32, #tpu.memory_space<hbm>> -> memref<128xi32, #tpu.memory_space<hbm>>
      %dma_wait3A_82 = tpu.memref_slice %arg3[%add3A_62] : memref<32768xi32, #tpu.memory_space<hbm>> -> memref<128xi32, #tpu.memory_space<hbm>>
      tpu.wait_dma2 semaphore(%run_scoped3A : memref<!tpu.dma_semaphore, #tpu.memory_space<semaphore_mem>>) src(%dma_wait3A_82 : memref<128xi32, #tpu.memory_space<hbm>>) dst(%arg5 : memref<128xi32, #tpu.memory_space<vmem>>)
      tpu.yield
    }) : () -> ()
    "tpu.region"() ({
      %run_scoped3A = tpu.sem_alloc : memref<!tpu.dma_semaphore, #tpu.memory_space<semaphore_mem>>
      %dma_start3A_79 = arith.constant 0 : i32
      %dma_start3A_80 = tpu.memref_slice %arg2[%add3A_62, %dma_start3A_79] : memref<32768x768xf32, #tpu.memory_space<hbm>> -> memref<128x768xf32, #tpu.memory_space<hbm>>
      %dma_start3A_81 = arith.constant 0 : i32
      %dma_start3A_82 = tpu.memref_slice %arg2[%add3A_62, %dma_start3A_81] : memref<32768x768xf32, #tpu.memory_space<hbm>> -> memref<128x768xf32, #tpu.memory_space<hbm>>
      tpu.enqueue_dma source(%dma_start3A_82 : memref<128x768xf32, #tpu.memory_space<hbm>>) target(%arg6 : memref<128x768xf32, #tpu.memory_space<vmem>>) target_semaphore(%run_scoped3A : memref<!tpu.dma_semaphore, #tpu.memory_space<semaphore_mem>>)
      %dma_wait3A_83 = arith.constant 0 : i32
      %dma_wait3A_84 = tpu.memref_slice %arg2[%add3A_62, %dma_wait3A_83] : memref<32768x768xf32, #tpu.memory_space<hbm>> -> memref<128x768xf32, #tpu.memory_space<hbm>>
      %dma_wait3A_85 = arith.constant 0 : i32
      %dma_wait3A_86 = tpu.memref_slice %arg2[%add3A_62, %dma_wait3A_85] : memref<32768x768xf32, #tpu.memory_space<hbm>> -> memref<128x768xf32, #tpu.memory_space<hbm>>
      tpu.wait_dma2 semaphore(%run_scoped3A : memref<!tpu.dma_semaphore, #tpu.memory_space<semaphore_mem>>) src(%dma_wait3A_86 : memref<128x768xf32, #tpu.memory_space<hbm>>) dst(%arg6 : memref<128x768xf32, #tpu.memory_space<vmem>>)
      tpu.yield
    }) : () -> ()
    %dma_start3A_63 = arith.constant 0 : i32
    %dma_start3A_64 = arith.constant 0 : i32
    %dma_start3A_65 = tpu.memref_slice %arg4[%dma_start3A_63, %dma_start3A_64] : memref<32768x768xf32, #tpu.memory_space<hbm>> -> memref<32768x768xf32, #tpu.memory_space<hbm>>
    tpu.enqueue_indirect_dma source(%arg6 : memref<128x768xf32, #tpu.memory_space<vmem>>) target(%dma_start3A_65 : memref<32768x768xf32, #tpu.memory_space<hbm>>) offsets(%arg5 : memref<128xi32, #tpu.memory_space<vmem>>) semaphore(%arg7 : memref<!tpu.dma_semaphore, #tpu.memory_space<semaphore_mem>>)
    %dma_wait3A_66 = arith.constant 0 : i32
    %dma_wait3A_67 = arith.constant 0 : i32
    %dma_wait3A_68 = tpu.memref_slice %arg4[%dma_wait3A_66, %dma_wait3A_67] : memref<32768x768xf32, #tpu.memory_space<hbm>> -> memref<32768x768xf32, #tpu.memory_space<hbm>>
    tpu.wait_indirect_dma semaphore(%arg7 : memref<!tpu.dma_semaphore, #tpu.memory_space<semaphore_mem>>) src(%arg6 : memref<128x768xf32, #tpu.memory_space<vmem>>) dst(%dma_wait3A_68 : memref<32768x768xf32, #tpu.memory_space<hbm>>)
    %mul3A_69 = arith.constant 1024 : i32
    %mul3A_70 = arith.muli %add3A, %mul3A_69 : i32
    %add3A_71 = arith.constant 896 : i32
    %add3A_72 = arith.addi %mul3A_70, %add3A_71 : i32
    "tpu.region"() ({
      %run_scoped3A = tpu.sem_alloc : memref<!tpu.dma_semaphore, #tpu.memory_space<semaphore_mem>>
      %dma_start3A_79 = tpu.memref_slice %arg3[%add3A_72] : memref<32768xi32, #tpu.memory_space<hbm>> -> memref<128xi32, #tpu.memory_space<hbm>>
      %dma_start3A_80 = tpu.memref_slice %arg3[%add3A_72] : memref<32768xi32, #tpu.memory_space<hbm>> -> memref<128xi32, #tpu.memory_space<hbm>>
      tpu.enqueue_dma source(%dma_start3A_80 : memref<128xi32, #tpu.memory_space<hbm>>) target(%arg5 : memref<128xi32, #tpu.memory_space<vmem>>) target_semaphore(%run_scoped3A : memref<!tpu.dma_semaphore, #tpu.memory_space<semaphore_mem>>)
      %dma_wait3A_81 = tpu.memref_slice %arg3[%add3A_72] : memref<32768xi32, #tpu.memory_space<hbm>> -> memref<128xi32, #tpu.memory_space<hbm>>
      %dma_wait3A_82 = tpu.memref_slice %arg3[%add3A_72] : memref<32768xi32, #tpu.memory_space<hbm>> -> memref<128xi32, #tpu.memory_space<hbm>>
      tpu.wait_dma2 semaphore(%run_scoped3A : memref<!tpu.dma_semaphore, #tpu.memory_space<semaphore_mem>>) src(%dma_wait3A_82 : memref<128xi32, #tpu.memory_space<hbm>>) dst(%arg5 : memref<128xi32, #tpu.memory_space<vmem>>)
      tpu.yield
    }) : () -> ()
    "tpu.region"() ({
      %run_scoped3A = tpu.sem_alloc : memref<!tpu.dma_semaphore, #tpu.memory_space<semaphore_mem>>
      %dma_start3A_79 = arith.constant 0 : i32
      %dma_start3A_80 = tpu.memref_slice %arg2[%add3A_72, %dma_start3A_79] : memref<32768x768xf32, #tpu.memory_space<hbm>> -> memref<128x768xf32, #tpu.memory_space<hbm>>
      %dma_start3A_81 = arith.constant 0 : i32
      %dma_start3A_82 = tpu.memref_slice %arg2[%add3A_72, %dma_start3A_81] : memref<32768x768xf32, #tpu.memory_space<hbm>> -> memref<128x768xf32, #tpu.memory_space<hbm>>
      tpu.enqueue_dma source(%dma_start3A_82 : memref<128x768xf32, #tpu.memory_space<hbm>>) target(%arg6 : memref<128x768xf32, #tpu.memory_space<vmem>>) target_semaphore(%run_scoped3A : memref<!tpu.dma_semaphore, #tpu.memory_space<semaphore_mem>>)
      %dma_wait3A_83 = arith.constant 0 : i32
      %dma_wait3A_84 = tpu.memref_slice %arg2[%add3A_72, %dma_wait3A_83] : memref<32768x768xf32, #tpu.memory_space<hbm>> -> memref<128x768xf32, #tpu.memory_space<hbm>>
      %dma_wait3A_85 = arith.constant 0 : i32
      %dma_wait3A_86 = tpu.memref_slice %arg2[%add3A_72, %dma_wait3A_85] : memref<32768x768xf32, #tpu.memory_space<hbm>> -> memref<128x768xf32, #tpu.memory_space<hbm>>
      tpu.wait_dma2 semaphore(%run_scoped3A : memref<!tpu.dma_semaphore, #tpu.memory_space<semaphore_mem>>) src(%dma_wait3A_86 : memref<128x768xf32, #tpu.memory_space<hbm>>) dst(%arg6 : memref<128x768xf32, #tpu.memory_space<vmem>>)
      tpu.yield
    }) : () -> ()
    %dma_start3A_73 = arith.constant 0 : i32
    %dma_start3A_74 = arith.constant 0 : i32
    %dma_start3A_75 = tpu.memref_slice %arg4[%dma_start3A_73, %dma_start3A_74] : memref<32768x768xf32, #tpu.memory_space<hbm>> -> memref<32768x768xf32, #tpu.memory_space<hbm>>
    tpu.enqueue_indirect_dma source(%arg6 : memref<128x768xf32, #tpu.memory_space<vmem>>) target(%dma_start3A_75 : memref<32768x768xf32, #tpu.memory_space<hbm>>) offsets(%arg5 : memref<128xi32, #tpu.memory_space<vmem>>) semaphore(%arg7 : memref<!tpu.dma_semaphore, #tpu.memory_space<semaphore_mem>>)
    %dma_wait3A_76 = arith.constant 0 : i32
    %dma_wait3A_77 = arith.constant 0 : i32
    %dma_wait3A_78 = tpu.memref_slice %arg4[%dma_wait3A_76, %dma_wait3A_77] : memref<32768x768xf32, #tpu.memory_space<hbm>> -> memref<32768x768xf32, #tpu.memory_space<hbm>>
    tpu.wait_indirect_dma semaphore(%arg7 : memref<!tpu.dma_semaphore, #tpu.memory_space<semaphore_mem>>) src(%arg6 : memref<128x768xf32, #tpu.memory_space<vmem>>) dst(%dma_wait3A_78 : memref<32768x768xf32, #tpu.memory_space<hbm>>)
    return
  }
}

#map = affine_map<(d0, d1) -> (0, 0)>
#map1 = affine_map<(d0, d1) -> (0)>
module attributes {stable_mosaic.version = 14 : i64} {
  func.func @combine(%arg0: i32, %arg1: i32, %arg2: memref<32768x768xf32, #tpu.memory_space<hbm>>, %arg3: memref<32768xi32, #tpu.memory_space<hbm>>, %arg4: memref<32768x768xf32, #tpu.memory_space<hbm>>, %arg5: memref<128xi32, #tpu.memory_space<vmem>>, %arg6: memref<128x768xf32, #tpu.memory_space<vmem>>, %arg7: memref<!tpu.dma_semaphore, #tpu.memory_space<semaphore_mem>>) attributes {dimension_semantics = [#tpu.dimension_semantics<core_parallel>, #tpu.dimension_semantics<subcore_parallel>], iteration_bounds = array<i64: 2, 16>, scalar_prefetch = 0 : i64, scratch_operands = 3 : i64, tpu.core_type = #tpu.core_type<sc_vector_subcore>, window_params = [{transform_indices = #map}, {transform_indices = #map1}, {transform_indices = #map}]} {
    %mul3A = arith.constant 2 : i32
    %mul3A_0 = arith.muli %arg1, %mul3A : i32
    %add3A = arith.addi %mul3A_0, %arg0 : i32
    %mul3A_1 = arith.constant 1024 : i32
    %mul3A_2 = arith.muli %add3A, %mul3A_1 : i32
    %add3A_3 = arith.constant 0 : i32
    %add3A_4 = arith.addi %mul3A_2, %add3A_3 : i32
    "tpu.region"() ({
      %run_scoped3A = tpu.sem_alloc : memref<!tpu.dma_semaphore, #tpu.memory_space<semaphore_mem>>
      %dma_start3A_79 = tpu.memref_slice %arg3[%add3A_4] : memref<32768xi32, #tpu.memory_space<hbm>> -> memref<128xi32, #tpu.memory_space<hbm>>
      %dma_start3A_80 = tpu.memref_slice %arg3[%add3A_4] : memref<32768xi32, #tpu.memory_space<hbm>> -> memref<128xi32, #tpu.memory_space<hbm>>
      tpu.enqueue_dma source(%dma_start3A_80 : memref<128xi32, #tpu.memory_space<hbm>>) target(%arg5 : memref<128xi32, #tpu.memory_space<vmem>>) target_semaphore(%run_scoped3A : memref<!tpu.dma_semaphore, #tpu.memory_space<semaphore_mem>>)
      %dma_wait3A_81 = tpu.memref_slice %arg3[%add3A_4] : memref<32768xi32, #tpu.memory_space<hbm>> -> memref<128xi32, #tpu.memory_space<hbm>>
      %dma_wait3A_82 = tpu.memref_slice %arg3[%add3A_4] : memref<32768xi32, #tpu.memory_space<hbm>> -> memref<128xi32, #tpu.memory_space<hbm>>
      tpu.wait_dma2 semaphore(%run_scoped3A : memref<!tpu.dma_semaphore, #tpu.memory_space<semaphore_mem>>) src(%dma_wait3A_82 : memref<128xi32, #tpu.memory_space<hbm>>) dst(%arg5 : memref<128xi32, #tpu.memory_space<vmem>>)
      tpu.yield
    }) : () -> ()
    %dma_start3A = arith.constant 0 : i32
    %dma_start3A_5 = arith.constant 0 : i32
    %dma_start3A_6 = tpu.memref_slice %arg2[%dma_start3A, %dma_start3A_5] : memref<32768x768xf32, #tpu.memory_space<hbm>> -> memref<32768x768xf32, #tpu.memory_space<hbm>>
    tpu.enqueue_indirect_dma source(%dma_start3A_6 : memref<32768x768xf32, #tpu.memory_space<hbm>>) target(%arg6 : memref<128x768xf32, #tpu.memory_space<vmem>>) offsets(%arg5 : memref<128xi32, #tpu.memory_space<vmem>>) semaphore(%arg7 : memref<!tpu.dma_semaphore, #tpu.memory_space<semaphore_mem>>)
    %dma_wait3A = arith.constant 0 : i32
    %dma_wait3A_7 = arith.constant 0 : i32
    %dma_wait3A_8 = tpu.memref_slice %arg2[%dma_wait3A, %dma_wait3A_7] : memref<32768x768xf32, #tpu.memory_space<hbm>> -> memref<32768x768xf32, #tpu.memory_space<hbm>>
    tpu.wait_indirect_dma semaphore(%arg7 : memref<!tpu.dma_semaphore, #tpu.memory_space<semaphore_mem>>) src(%dma_wait3A_8 : memref<32768x768xf32, #tpu.memory_space<hbm>>) dst(%arg6 : memref<128x768xf32, #tpu.memory_space<vmem>>)
    "tpu.region"() ({
      %run_scoped3A = tpu.sem_alloc : memref<!tpu.dma_semaphore, #tpu.memory_space<semaphore_mem>>
      %dma_start3A_79 = arith.constant 0 : i32
      %dma_start3A_80 = tpu.memref_slice %arg4[%add3A_4, %dma_start3A_79] : memref<32768x768xf32, #tpu.memory_space<hbm>> -> memref<128x768xf32, #tpu.memory_space<hbm>>
      %dma_start3A_81 = arith.constant 0 : i32
      %dma_start3A_82 = tpu.memref_slice %arg4[%add3A_4, %dma_start3A_81] : memref<32768x768xf32, #tpu.memory_space<hbm>> -> memref<128x768xf32, #tpu.memory_space<hbm>>
      tpu.enqueue_dma source(%arg6 : memref<128x768xf32, #tpu.memory_space<vmem>>) target(%dma_start3A_82 : memref<128x768xf32, #tpu.memory_space<hbm>>) target_semaphore(%run_scoped3A : memref<!tpu.dma_semaphore, #tpu.memory_space<semaphore_mem>>)
      %dma_wait3A_83 = arith.constant 0 : i32
      %dma_wait3A_84 = tpu.memref_slice %arg4[%add3A_4, %dma_wait3A_83] : memref<32768x768xf32, #tpu.memory_space<hbm>> -> memref<128x768xf32, #tpu.memory_space<hbm>>
      %dma_wait3A_85 = arith.constant 0 : i32
      %dma_wait3A_86 = tpu.memref_slice %arg4[%add3A_4, %dma_wait3A_85] : memref<32768x768xf32, #tpu.memory_space<hbm>> -> memref<128x768xf32, #tpu.memory_space<hbm>>
      tpu.wait_dma2 semaphore(%run_scoped3A : memref<!tpu.dma_semaphore, #tpu.memory_space<semaphore_mem>>) src(%arg6 : memref<128x768xf32, #tpu.memory_space<vmem>>) dst(%dma_wait3A_86 : memref<128x768xf32, #tpu.memory_space<hbm>>)
      tpu.yield
    }) : () -> ()
    %mul3A_9 = arith.constant 1024 : i32
    %mul3A_10 = arith.muli %add3A, %mul3A_9 : i32
    %add3A_11 = arith.constant 128 : i32
    %add3A_12 = arith.addi %mul3A_10, %add3A_11 : i32
    "tpu.region"() ({
      %run_scoped3A = tpu.sem_alloc : memref<!tpu.dma_semaphore, #tpu.memory_space<semaphore_mem>>
      %dma_start3A_79 = tpu.memref_slice %arg3[%add3A_12] : memref<32768xi32, #tpu.memory_space<hbm>> -> memref<128xi32, #tpu.memory_space<hbm>>
      %dma_start3A_80 = tpu.memref_slice %arg3[%add3A_12] : memref<32768xi32, #tpu.memory_space<hbm>> -> memref<128xi32, #tpu.memory_space<hbm>>
      tpu.enqueue_dma source(%dma_start3A_80 : memref<128xi32, #tpu.memory_space<hbm>>) target(%arg5 : memref<128xi32, #tpu.memory_space<vmem>>) target_semaphore(%run_scoped3A : memref<!tpu.dma_semaphore, #tpu.memory_space<semaphore_mem>>)
      %dma_wait3A_81 = tpu.memref_slice %arg3[%add3A_12] : memref<32768xi32, #tpu.memory_space<hbm>> -> memref<128xi32, #tpu.memory_space<hbm>>
      %dma_wait3A_82 = tpu.memref_slice %arg3[%add3A_12] : memref<32768xi32, #tpu.memory_space<hbm>> -> memref<128xi32, #tpu.memory_space<hbm>>
      tpu.wait_dma2 semaphore(%run_scoped3A : memref<!tpu.dma_semaphore, #tpu.memory_space<semaphore_mem>>) src(%dma_wait3A_82 : memref<128xi32, #tpu.memory_space<hbm>>) dst(%arg5 : memref<128xi32, #tpu.memory_space<vmem>>)
      tpu.yield
    }) : () -> ()
    %dma_start3A_13 = arith.constant 0 : i32
    %dma_start3A_14 = arith.constant 0 : i32
    %dma_start3A_15 = tpu.memref_slice %arg2[%dma_start3A_13, %dma_start3A_14] : memref<32768x768xf32, #tpu.memory_space<hbm>> -> memref<32768x768xf32, #tpu.memory_space<hbm>>
    tpu.enqueue_indirect_dma source(%dma_start3A_15 : memref<32768x768xf32, #tpu.memory_space<hbm>>) target(%arg6 : memref<128x768xf32, #tpu.memory_space<vmem>>) offsets(%arg5 : memref<128xi32, #tpu.memory_space<vmem>>) semaphore(%arg7 : memref<!tpu.dma_semaphore, #tpu.memory_space<semaphore_mem>>)
    %dma_wait3A_16 = arith.constant 0 : i32
    %dma_wait3A_17 = arith.constant 0 : i32
    %dma_wait3A_18 = tpu.memref_slice %arg2[%dma_wait3A_16, %dma_wait3A_17] : memref<32768x768xf32, #tpu.memory_space<hbm>> -> memref<32768x768xf32, #tpu.memory_space<hbm>>
    tpu.wait_indirect_dma semaphore(%arg7 : memref<!tpu.dma_semaphore, #tpu.memory_space<semaphore_mem>>) src(%dma_wait3A_18 : memref<32768x768xf32, #tpu.memory_space<hbm>>) dst(%arg6 : memref<128x768xf32, #tpu.memory_space<vmem>>)
    "tpu.region"() ({
      %run_scoped3A = tpu.sem_alloc : memref<!tpu.dma_semaphore, #tpu.memory_space<semaphore_mem>>
      %dma_start3A_79 = arith.constant 0 : i32
      %dma_start3A_80 = tpu.memref_slice %arg4[%add3A_12, %dma_start3A_79] : memref<32768x768xf32, #tpu.memory_space<hbm>> -> memref<128x768xf32, #tpu.memory_space<hbm>>
      %dma_start3A_81 = arith.constant 0 : i32
      %dma_start3A_82 = tpu.memref_slice %arg4[%add3A_12, %dma_start3A_81] : memref<32768x768xf32, #tpu.memory_space<hbm>> -> memref<128x768xf32, #tpu.memory_space<hbm>>
      tpu.enqueue_dma source(%arg6 : memref<128x768xf32, #tpu.memory_space<vmem>>) target(%dma_start3A_82 : memref<128x768xf32, #tpu.memory_space<hbm>>) target_semaphore(%run_scoped3A : memref<!tpu.dma_semaphore, #tpu.memory_space<semaphore_mem>>)
      %dma_wait3A_83 = arith.constant 0 : i32
      %dma_wait3A_84 = tpu.memref_slice %arg4[%add3A_12, %dma_wait3A_83] : memref<32768x768xf32, #tpu.memory_space<hbm>> -> memref<128x768xf32, #tpu.memory_space<hbm>>
      %dma_wait3A_85 = arith.constant 0 : i32
      %dma_wait3A_86 = tpu.memref_slice %arg4[%add3A_12, %dma_wait3A_85] : memref<32768x768xf32, #tpu.memory_space<hbm>> -> memref<128x768xf32, #tpu.memory_space<hbm>>
      tpu.wait_dma2 semaphore(%run_scoped3A : memref<!tpu.dma_semaphore, #tpu.memory_space<semaphore_mem>>) src(%arg6 : memref<128x768xf32, #tpu.memory_space<vmem>>) dst(%dma_wait3A_86 : memref<128x768xf32, #tpu.memory_space<hbm>>)
      tpu.yield
    }) : () -> ()
    %mul3A_19 = arith.constant 1024 : i32
    %mul3A_20 = arith.muli %add3A, %mul3A_19 : i32
    %add3A_21 = arith.constant 256 : i32
    %add3A_22 = arith.addi %mul3A_20, %add3A_21 : i32
    "tpu.region"() ({
      %run_scoped3A = tpu.sem_alloc : memref<!tpu.dma_semaphore, #tpu.memory_space<semaphore_mem>>
      %dma_start3A_79 = tpu.memref_slice %arg3[%add3A_22] : memref<32768xi32, #tpu.memory_space<hbm>> -> memref<128xi32, #tpu.memory_space<hbm>>
      %dma_start3A_80 = tpu.memref_slice %arg3[%add3A_22] : memref<32768xi32, #tpu.memory_space<hbm>> -> memref<128xi32, #tpu.memory_space<hbm>>
      tpu.enqueue_dma source(%dma_start3A_80 : memref<128xi32, #tpu.memory_space<hbm>>) target(%arg5 : memref<128xi32, #tpu.memory_space<vmem>>) target_semaphore(%run_scoped3A : memref<!tpu.dma_semaphore, #tpu.memory_space<semaphore_mem>>)
      %dma_wait3A_81 = tpu.memref_slice %arg3[%add3A_22] : memref<32768xi32, #tpu.memory_space<hbm>> -> memref<128xi32, #tpu.memory_space<hbm>>
      %dma_wait3A_82 = tpu.memref_slice %arg3[%add3A_22] : memref<32768xi32, #tpu.memory_space<hbm>> -> memref<128xi32, #tpu.memory_space<hbm>>
      tpu.wait_dma2 semaphore(%run_scoped3A : memref<!tpu.dma_semaphore, #tpu.memory_space<semaphore_mem>>) src(%dma_wait3A_82 : memref<128xi32, #tpu.memory_space<hbm>>) dst(%arg5 : memref<128xi32, #tpu.memory_space<vmem>>)
      tpu.yield
    }) : () -> ()
    %dma_start3A_23 = arith.constant 0 : i32
    %dma_start3A_24 = arith.constant 0 : i32
    %dma_start3A_25 = tpu.memref_slice %arg2[%dma_start3A_23, %dma_start3A_24] : memref<32768x768xf32, #tpu.memory_space<hbm>> -> memref<32768x768xf32, #tpu.memory_space<hbm>>
    tpu.enqueue_indirect_dma source(%dma_start3A_25 : memref<32768x768xf32, #tpu.memory_space<hbm>>) target(%arg6 : memref<128x768xf32, #tpu.memory_space<vmem>>) offsets(%arg5 : memref<128xi32, #tpu.memory_space<vmem>>) semaphore(%arg7 : memref<!tpu.dma_semaphore, #tpu.memory_space<semaphore_mem>>)
    %dma_wait3A_26 = arith.constant 0 : i32
    %dma_wait3A_27 = arith.constant 0 : i32
    %dma_wait3A_28 = tpu.memref_slice %arg2[%dma_wait3A_26, %dma_wait3A_27] : memref<32768x768xf32, #tpu.memory_space<hbm>> -> memref<32768x768xf32, #tpu.memory_space<hbm>>
    tpu.wait_indirect_dma semaphore(%arg7 : memref<!tpu.dma_semaphore, #tpu.memory_space<semaphore_mem>>) src(%dma_wait3A_28 : memref<32768x768xf32, #tpu.memory_space<hbm>>) dst(%arg6 : memref<128x768xf32, #tpu.memory_space<vmem>>)
    "tpu.region"() ({
      %run_scoped3A = tpu.sem_alloc : memref<!tpu.dma_semaphore, #tpu.memory_space<semaphore_mem>>
      %dma_start3A_79 = arith.constant 0 : i32
      %dma_start3A_80 = tpu.memref_slice %arg4[%add3A_22, %dma_start3A_79] : memref<32768x768xf32, #tpu.memory_space<hbm>> -> memref<128x768xf32, #tpu.memory_space<hbm>>
      %dma_start3A_81 = arith.constant 0 : i32
      %dma_start3A_82 = tpu.memref_slice %arg4[%add3A_22, %dma_start3A_81] : memref<32768x768xf32, #tpu.memory_space<hbm>> -> memref<128x768xf32, #tpu.memory_space<hbm>>
      tpu.enqueue_dma source(%arg6 : memref<128x768xf32, #tpu.memory_space<vmem>>) target(%dma_start3A_82 : memref<128x768xf32, #tpu.memory_space<hbm>>) target_semaphore(%run_scoped3A : memref<!tpu.dma_semaphore, #tpu.memory_space<semaphore_mem>>)
      %dma_wait3A_83 = arith.constant 0 : i32
      %dma_wait3A_84 = tpu.memref_slice %arg4[%add3A_22, %dma_wait3A_83] : memref<32768x768xf32, #tpu.memory_space<hbm>> -> memref<128x768xf32, #tpu.memory_space<hbm>>
      %dma_wait3A_85 = arith.constant 0 : i32
      %dma_wait3A_86 = tpu.memref_slice %arg4[%add3A_22, %dma_wait3A_85] : memref<32768x768xf32, #tpu.memory_space<hbm>> -> memref<128x768xf32, #tpu.memory_space<hbm>>
      tpu.wait_dma2 semaphore(%run_scoped3A : memref<!tpu.dma_semaphore, #tpu.memory_space<semaphore_mem>>) src(%arg6 : memref<128x768xf32, #tpu.memory_space<vmem>>) dst(%dma_wait3A_86 : memref<128x768xf32, #tpu.memory_space<hbm>>)
      tpu.yield
    }) : () -> ()
    %mul3A_29 = arith.constant 1024 : i32
    %mul3A_30 = arith.muli %add3A, %mul3A_29 : i32
    %add3A_31 = arith.constant 384 : i32
    %add3A_32 = arith.addi %mul3A_30, %add3A_31 : i32
    "tpu.region"() ({
      %run_scoped3A = tpu.sem_alloc : memref<!tpu.dma_semaphore, #tpu.memory_space<semaphore_mem>>
      %dma_start3A_79 = tpu.memref_slice %arg3[%add3A_32] : memref<32768xi32, #tpu.memory_space<hbm>> -> memref<128xi32, #tpu.memory_space<hbm>>
      %dma_start3A_80 = tpu.memref_slice %arg3[%add3A_32] : memref<32768xi32, #tpu.memory_space<hbm>> -> memref<128xi32, #tpu.memory_space<hbm>>
      tpu.enqueue_dma source(%dma_start3A_80 : memref<128xi32, #tpu.memory_space<hbm>>) target(%arg5 : memref<128xi32, #tpu.memory_space<vmem>>) target_semaphore(%run_scoped3A : memref<!tpu.dma_semaphore, #tpu.memory_space<semaphore_mem>>)
      %dma_wait3A_81 = tpu.memref_slice %arg3[%add3A_32] : memref<32768xi32, #tpu.memory_space<hbm>> -> memref<128xi32, #tpu.memory_space<hbm>>
      %dma_wait3A_82 = tpu.memref_slice %arg3[%add3A_32] : memref<32768xi32, #tpu.memory_space<hbm>> -> memref<128xi32, #tpu.memory_space<hbm>>
      tpu.wait_dma2 semaphore(%run_scoped3A : memref<!tpu.dma_semaphore, #tpu.memory_space<semaphore_mem>>) src(%dma_wait3A_82 : memref<128xi32, #tpu.memory_space<hbm>>) dst(%arg5 : memref<128xi32, #tpu.memory_space<vmem>>)
      tpu.yield
    }) : () -> ()
    %dma_start3A_33 = arith.constant 0 : i32
    %dma_start3A_34 = arith.constant 0 : i32
    %dma_start3A_35 = tpu.memref_slice %arg2[%dma_start3A_33, %dma_start3A_34] : memref<32768x768xf32, #tpu.memory_space<hbm>> -> memref<32768x768xf32, #tpu.memory_space<hbm>>
    tpu.enqueue_indirect_dma source(%dma_start3A_35 : memref<32768x768xf32, #tpu.memory_space<hbm>>) target(%arg6 : memref<128x768xf32, #tpu.memory_space<vmem>>) offsets(%arg5 : memref<128xi32, #tpu.memory_space<vmem>>) semaphore(%arg7 : memref<!tpu.dma_semaphore, #tpu.memory_space<semaphore_mem>>)
    %dma_wait3A_36 = arith.constant 0 : i32
    %dma_wait3A_37 = arith.constant 0 : i32
    %dma_wait3A_38 = tpu.memref_slice %arg2[%dma_wait3A_36, %dma_wait3A_37] : memref<32768x768xf32, #tpu.memory_space<hbm>> -> memref<32768x768xf32, #tpu.memory_space<hbm>>
    tpu.wait_indirect_dma semaphore(%arg7 : memref<!tpu.dma_semaphore, #tpu.memory_space<semaphore_mem>>) src(%dma_wait3A_38 : memref<32768x768xf32, #tpu.memory_space<hbm>>) dst(%arg6 : memref<128x768xf32, #tpu.memory_space<vmem>>)
    "tpu.region"() ({
      %run_scoped3A = tpu.sem_alloc : memref<!tpu.dma_semaphore, #tpu.memory_space<semaphore_mem>>
      %dma_start3A_79 = arith.constant 0 : i32
      %dma_start3A_80 = tpu.memref_slice %arg4[%add3A_32, %dma_start3A_79] : memref<32768x768xf32, #tpu.memory_space<hbm>> -> memref<128x768xf32, #tpu.memory_space<hbm>>
      %dma_start3A_81 = arith.constant 0 : i32
      %dma_start3A_82 = tpu.memref_slice %arg4[%add3A_32, %dma_start3A_81] : memref<32768x768xf32, #tpu.memory_space<hbm>> -> memref<128x768xf32, #tpu.memory_space<hbm>>
      tpu.enqueue_dma source(%arg6 : memref<128x768xf32, #tpu.memory_space<vmem>>) target(%dma_start3A_82 : memref<128x768xf32, #tpu.memory_space<hbm>>) target_semaphore(%run_scoped3A : memref<!tpu.dma_semaphore, #tpu.memory_space<semaphore_mem>>)
      %dma_wait3A_83 = arith.constant 0 : i32
      %dma_wait3A_84 = tpu.memref_slice %arg4[%add3A_32, %dma_wait3A_83] : memref<32768x768xf32, #tpu.memory_space<hbm>> -> memref<128x768xf32, #tpu.memory_space<hbm>>
      %dma_wait3A_85 = arith.constant 0 : i32
      %dma_wait3A_86 = tpu.memref_slice %arg4[%add3A_32, %dma_wait3A_85] : memref<32768x768xf32, #tpu.memory_space<hbm>> -> memref<128x768xf32, #tpu.memory_space<hbm>>
      tpu.wait_dma2 semaphore(%run_scoped3A : memref<!tpu.dma_semaphore, #tpu.memory_space<semaphore_mem>>) src(%arg6 : memref<128x768xf32, #tpu.memory_space<vmem>>) dst(%dma_wait3A_86 : memref<128x768xf32, #tpu.memory_space<hbm>>)
      tpu.yield
    }) : () -> ()
    %mul3A_39 = arith.constant 1024 : i32
    %mul3A_40 = arith.muli %add3A, %mul3A_39 : i32
    %add3A_41 = arith.constant 512 : i32
    %add3A_42 = arith.addi %mul3A_40, %add3A_41 : i32
    "tpu.region"() ({
      %run_scoped3A = tpu.sem_alloc : memref<!tpu.dma_semaphore, #tpu.memory_space<semaphore_mem>>
      %dma_start3A_79 = tpu.memref_slice %arg3[%add3A_42] : memref<32768xi32, #tpu.memory_space<hbm>> -> memref<128xi32, #tpu.memory_space<hbm>>
      %dma_start3A_80 = tpu.memref_slice %arg3[%add3A_42] : memref<32768xi32, #tpu.memory_space<hbm>> -> memref<128xi32, #tpu.memory_space<hbm>>
      tpu.enqueue_dma source(%dma_start3A_80 : memref<128xi32, #tpu.memory_space<hbm>>) target(%arg5 : memref<128xi32, #tpu.memory_space<vmem>>) target_semaphore(%run_scoped3A : memref<!tpu.dma_semaphore, #tpu.memory_space<semaphore_mem>>)
      %dma_wait3A_81 = tpu.memref_slice %arg3[%add3A_42] : memref<32768xi32, #tpu.memory_space<hbm>> -> memref<128xi32, #tpu.memory_space<hbm>>
      %dma_wait3A_82 = tpu.memref_slice %arg3[%add3A_42] : memref<32768xi32, #tpu.memory_space<hbm>> -> memref<128xi32, #tpu.memory_space<hbm>>
      tpu.wait_dma2 semaphore(%run_scoped3A : memref<!tpu.dma_semaphore, #tpu.memory_space<semaphore_mem>>) src(%dma_wait3A_82 : memref<128xi32, #tpu.memory_space<hbm>>) dst(%arg5 : memref<128xi32, #tpu.memory_space<vmem>>)
      tpu.yield
    }) : () -> ()
    %dma_start3A_43 = arith.constant 0 : i32
    %dma_start3A_44 = arith.constant 0 : i32
    %dma_start3A_45 = tpu.memref_slice %arg2[%dma_start3A_43, %dma_start3A_44] : memref<32768x768xf32, #tpu.memory_space<hbm>> -> memref<32768x768xf32, #tpu.memory_space<hbm>>
    tpu.enqueue_indirect_dma source(%dma_start3A_45 : memref<32768x768xf32, #tpu.memory_space<hbm>>) target(%arg6 : memref<128x768xf32, #tpu.memory_space<vmem>>) offsets(%arg5 : memref<128xi32, #tpu.memory_space<vmem>>) semaphore(%arg7 : memref<!tpu.dma_semaphore, #tpu.memory_space<semaphore_mem>>)
    %dma_wait3A_46 = arith.constant 0 : i32
    %dma_wait3A_47 = arith.constant 0 : i32
    %dma_wait3A_48 = tpu.memref_slice %arg2[%dma_wait3A_46, %dma_wait3A_47] : memref<32768x768xf32, #tpu.memory_space<hbm>> -> memref<32768x768xf32, #tpu.memory_space<hbm>>
    tpu.wait_indirect_dma semaphore(%arg7 : memref<!tpu.dma_semaphore, #tpu.memory_space<semaphore_mem>>) src(%dma_wait3A_48 : memref<32768x768xf32, #tpu.memory_space<hbm>>) dst(%arg6 : memref<128x768xf32, #tpu.memory_space<vmem>>)
    "tpu.region"() ({
      %run_scoped3A = tpu.sem_alloc : memref<!tpu.dma_semaphore, #tpu.memory_space<semaphore_mem>>
      %dma_start3A_79 = arith.constant 0 : i32
      %dma_start3A_80 = tpu.memref_slice %arg4[%add3A_42, %dma_start3A_79] : memref<32768x768xf32, #tpu.memory_space<hbm>> -> memref<128x768xf32, #tpu.memory_space<hbm>>
      %dma_start3A_81 = arith.constant 0 : i32
      %dma_start3A_82 = tpu.memref_slice %arg4[%add3A_42, %dma_start3A_81] : memref<32768x768xf32, #tpu.memory_space<hbm>> -> memref<128x768xf32, #tpu.memory_space<hbm>>
      tpu.enqueue_dma source(%arg6 : memref<128x768xf32, #tpu.memory_space<vmem>>) target(%dma_start3A_82 : memref<128x768xf32, #tpu.memory_space<hbm>>) target_semaphore(%run_scoped3A : memref<!tpu.dma_semaphore, #tpu.memory_space<semaphore_mem>>)
      %dma_wait3A_83 = arith.constant 0 : i32
      %dma_wait3A_84 = tpu.memref_slice %arg4[%add3A_42, %dma_wait3A_83] : memref<32768x768xf32, #tpu.memory_space<hbm>> -> memref<128x768xf32, #tpu.memory_space<hbm>>
      %dma_wait3A_85 = arith.constant 0 : i32
      %dma_wait3A_86 = tpu.memref_slice %arg4[%add3A_42, %dma_wait3A_85] : memref<32768x768xf32, #tpu.memory_space<hbm>> -> memref<128x768xf32, #tpu.memory_space<hbm>>
      tpu.wait_dma2 semaphore(%run_scoped3A : memref<!tpu.dma_semaphore, #tpu.memory_space<semaphore_mem>>) src(%arg6 : memref<128x768xf32, #tpu.memory_space<vmem>>) dst(%dma_wait3A_86 : memref<128x768xf32, #tpu.memory_space<hbm>>)
      tpu.yield
    }) : () -> ()
    %mul3A_49 = arith.constant 1024 : i32
    %mul3A_50 = arith.muli %add3A, %mul3A_49 : i32
    %add3A_51 = arith.constant 640 : i32
    %add3A_52 = arith.addi %mul3A_50, %add3A_51 : i32
    "tpu.region"() ({
      %run_scoped3A = tpu.sem_alloc : memref<!tpu.dma_semaphore, #tpu.memory_space<semaphore_mem>>
      %dma_start3A_79 = tpu.memref_slice %arg3[%add3A_52] : memref<32768xi32, #tpu.memory_space<hbm>> -> memref<128xi32, #tpu.memory_space<hbm>>
      %dma_start3A_80 = tpu.memref_slice %arg3[%add3A_52] : memref<32768xi32, #tpu.memory_space<hbm>> -> memref<128xi32, #tpu.memory_space<hbm>>
      tpu.enqueue_dma source(%dma_start3A_80 : memref<128xi32, #tpu.memory_space<hbm>>) target(%arg5 : memref<128xi32, #tpu.memory_space<vmem>>) target_semaphore(%run_scoped3A : memref<!tpu.dma_semaphore, #tpu.memory_space<semaphore_mem>>)
      %dma_wait3A_81 = tpu.memref_slice %arg3[%add3A_52] : memref<32768xi32, #tpu.memory_space<hbm>> -> memref<128xi32, #tpu.memory_space<hbm>>
      %dma_wait3A_82 = tpu.memref_slice %arg3[%add3A_52] : memref<32768xi32, #tpu.memory_space<hbm>> -> memref<128xi32, #tpu.memory_space<hbm>>
      tpu.wait_dma2 semaphore(%run_scoped3A : memref<!tpu.dma_semaphore, #tpu.memory_space<semaphore_mem>>) src(%dma_wait3A_82 : memref<128xi32, #tpu.memory_space<hbm>>) dst(%arg5 : memref<128xi32, #tpu.memory_space<vmem>>)
      tpu.yield
    }) : () -> ()
    %dma_start3A_53 = arith.constant 0 : i32
    %dma_start3A_54 = arith.constant 0 : i32
    %dma_start3A_55 = tpu.memref_slice %arg2[%dma_start3A_53, %dma_start3A_54] : memref<32768x768xf32, #tpu.memory_space<hbm>> -> memref<32768x768xf32, #tpu.memory_space<hbm>>
    tpu.enqueue_indirect_dma source(%dma_start3A_55 : memref<32768x768xf32, #tpu.memory_space<hbm>>) target(%arg6 : memref<128x768xf32, #tpu.memory_space<vmem>>) offsets(%arg5 : memref<128xi32, #tpu.memory_space<vmem>>) semaphore(%arg7 : memref<!tpu.dma_semaphore, #tpu.memory_space<semaphore_mem>>)
    %dma_wait3A_56 = arith.constant 0 : i32
    %dma_wait3A_57 = arith.constant 0 : i32
    %dma_wait3A_58 = tpu.memref_slice %arg2[%dma_wait3A_56, %dma_wait3A_57] : memref<32768x768xf32, #tpu.memory_space<hbm>> -> memref<32768x768xf32, #tpu.memory_space<hbm>>
    tpu.wait_indirect_dma semaphore(%arg7 : memref<!tpu.dma_semaphore, #tpu.memory_space<semaphore_mem>>) src(%dma_wait3A_58 : memref<32768x768xf32, #tpu.memory_space<hbm>>) dst(%arg6 : memref<128x768xf32, #tpu.memory_space<vmem>>)
    "tpu.region"() ({
      %run_scoped3A = tpu.sem_alloc : memref<!tpu.dma_semaphore, #tpu.memory_space<semaphore_mem>>
      %dma_start3A_79 = arith.constant 0 : i32
      %dma_start3A_80 = tpu.memref_slice %arg4[%add3A_52, %dma_start3A_79] : memref<32768x768xf32, #tpu.memory_space<hbm>> -> memref<128x768xf32, #tpu.memory_space<hbm>>
      %dma_start3A_81 = arith.constant 0 : i32
      %dma_start3A_82 = tpu.memref_slice %arg4[%add3A_52, %dma_start3A_81] : memref<32768x768xf32, #tpu.memory_space<hbm>> -> memref<128x768xf32, #tpu.memory_space<hbm>>
      tpu.enqueue_dma source(%arg6 : memref<128x768xf32, #tpu.memory_space<vmem>>) target(%dma_start3A_82 : memref<128x768xf32, #tpu.memory_space<hbm>>) target_semaphore(%run_scoped3A : memref<!tpu.dma_semaphore, #tpu.memory_space<semaphore_mem>>)
      %dma_wait3A_83 = arith.constant 0 : i32
      %dma_wait3A_84 = tpu.memref_slice %arg4[%add3A_52, %dma_wait3A_83] : memref<32768x768xf32, #tpu.memory_space<hbm>> -> memref<128x768xf32, #tpu.memory_space<hbm>>
      %dma_wait3A_85 = arith.constant 0 : i32
      %dma_wait3A_86 = tpu.memref_slice %arg4[%add3A_52, %dma_wait3A_85] : memref<32768x768xf32, #tpu.memory_space<hbm>> -> memref<128x768xf32, #tpu.memory_space<hbm>>
      tpu.wait_dma2 semaphore(%run_scoped3A : memref<!tpu.dma_semaphore, #tpu.memory_space<semaphore_mem>>) src(%arg6 : memref<128x768xf32, #tpu.memory_space<vmem>>) dst(%dma_wait3A_86 : memref<128x768xf32, #tpu.memory_space<hbm>>)
      tpu.yield
    }) : () -> ()
    %mul3A_59 = arith.constant 1024 : i32
    %mul3A_60 = arith.muli %add3A, %mul3A_59 : i32
    %add3A_61 = arith.constant 768 : i32
    %add3A_62 = arith.addi %mul3A_60, %add3A_61 : i32
    "tpu.region"() ({
      %run_scoped3A = tpu.sem_alloc : memref<!tpu.dma_semaphore, #tpu.memory_space<semaphore_mem>>
      %dma_start3A_79 = tpu.memref_slice %arg3[%add3A_62] : memref<32768xi32, #tpu.memory_space<hbm>> -> memref<128xi32, #tpu.memory_space<hbm>>
      %dma_start3A_80 = tpu.memref_slice %arg3[%add3A_62] : memref<32768xi32, #tpu.memory_space<hbm>> -> memref<128xi32, #tpu.memory_space<hbm>>
      tpu.enqueue_dma source(%dma_start3A_80 : memref<128xi32, #tpu.memory_space<hbm>>) target(%arg5 : memref<128xi32, #tpu.memory_space<vmem>>) target_semaphore(%run_scoped3A : memref<!tpu.dma_semaphore, #tpu.memory_space<semaphore_mem>>)
      %dma_wait3A_81 = tpu.memref_slice %arg3[%add3A_62] : memref<32768xi32, #tpu.memory_space<hbm>> -> memref<128xi32, #tpu.memory_space<hbm>>
      %dma_wait3A_82 = tpu.memref_slice %arg3[%add3A_62] : memref<32768xi32, #tpu.memory_space<hbm>> -> memref<128xi32, #tpu.memory_space<hbm>>
      tpu.wait_dma2 semaphore(%run_scoped3A : memref<!tpu.dma_semaphore, #tpu.memory_space<semaphore_mem>>) src(%dma_wait3A_82 : memref<128xi32, #tpu.memory_space<hbm>>) dst(%arg5 : memref<128xi32, #tpu.memory_space<vmem>>)
      tpu.yield
    }) : () -> ()
    %dma_start3A_63 = arith.constant 0 : i32
    %dma_start3A_64 = arith.constant 0 : i32
    %dma_start3A_65 = tpu.memref_slice %arg2[%dma_start3A_63, %dma_start3A_64] : memref<32768x768xf32, #tpu.memory_space<hbm>> -> memref<32768x768xf32, #tpu.memory_space<hbm>>
    tpu.enqueue_indirect_dma source(%dma_start3A_65 : memref<32768x768xf32, #tpu.memory_space<hbm>>) target(%arg6 : memref<128x768xf32, #tpu.memory_space<vmem>>) offsets(%arg5 : memref<128xi32, #tpu.memory_space<vmem>>) semaphore(%arg7 : memref<!tpu.dma_semaphore, #tpu.memory_space<semaphore_mem>>)
    %dma_wait3A_66 = arith.constant 0 : i32
    %dma_wait3A_67 = arith.constant 0 : i32
    %dma_wait3A_68 = tpu.memref_slice %arg2[%dma_wait3A_66, %dma_wait3A_67] : memref<32768x768xf32, #tpu.memory_space<hbm>> -> memref<32768x768xf32, #tpu.memory_space<hbm>>
    tpu.wait_indirect_dma semaphore(%arg7 : memref<!tpu.dma_semaphore, #tpu.memory_space<semaphore_mem>>) src(%dma_wait3A_68 : memref<32768x768xf32, #tpu.memory_space<hbm>>) dst(%arg6 : memref<128x768xf32, #tpu.memory_space<vmem>>)
    "tpu.region"() ({
      %run_scoped3A = tpu.sem_alloc : memref<!tpu.dma_semaphore, #tpu.memory_space<semaphore_mem>>
      %dma_start3A_79 = arith.constant 0 : i32
      %dma_start3A_80 = tpu.memref_slice %arg4[%add3A_62, %dma_start3A_79] : memref<32768x768xf32, #tpu.memory_space<hbm>> -> memref<128x768xf32, #tpu.memory_space<hbm>>
      %dma_start3A_81 = arith.constant 0 : i32
      %dma_start3A_82 = tpu.memref_slice %arg4[%add3A_62, %dma_start3A_81] : memref<32768x768xf32, #tpu.memory_space<hbm>> -> memref<128x768xf32, #tpu.memory_space<hbm>>
      tpu.enqueue_dma source(%arg6 : memref<128x768xf32, #tpu.memory_space<vmem>>) target(%dma_start3A_82 : memref<128x768xf32, #tpu.memory_space<hbm>>) target_semaphore(%run_scoped3A : memref<!tpu.dma_semaphore, #tpu.memory_space<semaphore_mem>>)
      %dma_wait3A_83 = arith.constant 0 : i32
      %dma_wait3A_84 = tpu.memref_slice %arg4[%add3A_62, %dma_wait3A_83] : memref<32768x768xf32, #tpu.memory_space<hbm>> -> memref<128x768xf32, #tpu.memory_space<hbm>>
      %dma_wait3A_85 = arith.constant 0 : i32
      %dma_wait3A_86 = tpu.memref_slice %arg4[%add3A_62, %dma_wait3A_85] : memref<32768x768xf32, #tpu.memory_space<hbm>> -> memref<128x768xf32, #tpu.memory_space<hbm>>
      tpu.wait_dma2 semaphore(%run_scoped3A : memref<!tpu.dma_semaphore, #tpu.memory_space<semaphore_mem>>) src(%arg6 : memref<128x768xf32, #tpu.memory_space<vmem>>) dst(%dma_wait3A_86 : memref<128x768xf32, #tpu.memory_space<hbm>>)
      tpu.yield
    }) : () -> ()
    %mul3A_69 = arith.constant 1024 : i32
    %mul3A_70 = arith.muli %add3A, %mul3A_69 : i32
    %add3A_71 = arith.constant 896 : i32
    %add3A_72 = arith.addi %mul3A_70, %add3A_71 : i32
    "tpu.region"() ({
      %run_scoped3A = tpu.sem_alloc : memref<!tpu.dma_semaphore, #tpu.memory_space<semaphore_mem>>
      %dma_start3A_79 = tpu.memref_slice %arg3[%add3A_72] : memref<32768xi32, #tpu.memory_space<hbm>> -> memref<128xi32, #tpu.memory_space<hbm>>
      %dma_start3A_80 = tpu.memref_slice %arg3[%add3A_72] : memref<32768xi32, #tpu.memory_space<hbm>> -> memref<128xi32, #tpu.memory_space<hbm>>
      tpu.enqueue_dma source(%dma_start3A_80 : memref<128xi32, #tpu.memory_space<hbm>>) target(%arg5 : memref<128xi32, #tpu.memory_space<vmem>>) target_semaphore(%run_scoped3A : memref<!tpu.dma_semaphore, #tpu.memory_space<semaphore_mem>>)
      %dma_wait3A_81 = tpu.memref_slice %arg3[%add3A_72] : memref<32768xi32, #tpu.memory_space<hbm>> -> memref<128xi32, #tpu.memory_space<hbm>>
      %dma_wait3A_82 = tpu.memref_slice %arg3[%add3A_72] : memref<32768xi32, #tpu.memory_space<hbm>> -> memref<128xi32, #tpu.memory_space<hbm>>
      tpu.wait_dma2 semaphore(%run_scoped3A : memref<!tpu.dma_semaphore, #tpu.memory_space<semaphore_mem>>) src(%dma_wait3A_82 : memref<128xi32, #tpu.memory_space<hbm>>) dst(%arg5 : memref<128xi32, #tpu.memory_space<vmem>>)
      tpu.yield
    }) : () -> ()
    %dma_start3A_73 = arith.constant 0 : i32
    %dma_start3A_74 = arith.constant 0 : i32
    %dma_start3A_75 = tpu.memref_slice %arg2[%dma_start3A_73, %dma_start3A_74] : memref<32768x768xf32, #tpu.memory_space<hbm>> -> memref<32768x768xf32, #tpu.memory_space<hbm>>
    tpu.enqueue_indirect_dma source(%dma_start3A_75 : memref<32768x768xf32, #tpu.memory_space<hbm>>) target(%arg6 : memref<128x768xf32, #tpu.memory_space<vmem>>) offsets(%arg5 : memref<128xi32, #tpu.memory_space<vmem>>) semaphore(%arg7 : memref<!tpu.dma_semaphore, #tpu.memory_space<semaphore_mem>>)
    %dma_wait3A_76 = arith.constant 0 : i32
    %dma_wait3A_77 = arith.constant 0 : i32
    %dma_wait3A_78 = tpu.memref_slice %arg2[%dma_wait3A_76, %dma_wait3A_77] : memref<32768x768xf32, #tpu.memory_space<hbm>> -> memref<32768x768xf32, #tpu.memory_space<hbm>>
    tpu.wait_indirect_dma semaphore(%arg7 : memref<!tpu.dma_semaphore, #tpu.memory_space<semaphore_mem>>) src(%dma_wait3A_78 : memref<32768x768xf32, #tpu.memory_space<hbm>>) dst(%arg6 : memref<128x768xf32, #tpu.memory_space<vmem>>)
    "tpu.region"() ({
      %run_scoped3A = tpu.sem_alloc : memref<!tpu.dma_semaphore, #tpu.memory_space<semaphore_mem>>
      %dma_start3A_79 = arith.constant 0 : i32
      %dma_start3A_80 = tpu.memref_slice %arg4[%add3A_72, %dma_start3A_79] : memref<32768x768xf32, #tpu.memory_space<hbm>> -> memref<128x768xf32, #tpu.memory_space<hbm>>
      %dma_start3A_81 = arith.constant 0 : i32
      %dma_start3A_82 = tpu.memref_slice %arg4[%add3A_72, %dma_start3A_81] : memref<32768x768xf32, #tpu.memory_space<hbm>> -> memref<128x768xf32, #tpu.memory_space<hbm>>
      tpu.enqueue_dma source(%arg6 : memref<128x768xf32, #tpu.memory_space<vmem>>) target(%dma_start3A_82 : memref<128x768xf32, #tpu.memory_space<hbm>>) target_semaphore(%run_scoped3A : memref<!tpu.dma_semaphore, #tpu.memory_space<semaphore_mem>>)
      %dma_wait3A_83 = arith.constant 0 : i32
      %dma_wait3A_84 = tpu.memref_slice %arg4[%add3A_72, %dma_wait3A_83] : memref<32768x768xf32, #tpu.memory_space<hbm>> -> memref<128x768xf32, #tpu.memory_space<hbm>>
      %dma_wait3A_85 = arith.constant 0 : i32
      %dma_wait3A_86 = tpu.memref_slice %arg4[%add3A_72, %dma_wait3A_85] : memref<32768x768xf32, #tpu.memory_space<hbm>> -> memref<128x768xf32, #tpu.memory_space<hbm>>
      tpu.wait_dma2 semaphore(%run_scoped3A : memref<!tpu.dma_semaphore, #tpu.memory_space<semaphore_mem>>) src(%arg6 : memref<128x768xf32, #tpu.memory_space<vmem>>) dst(%dma_wait3A_86 : memref<128x768xf32, #tpu.memory_space<hbm>>)
      tpu.yield
    }) : () -> ()
    return
  }
}

module attributes {stable_mosaic.version = 14 : i64} {
  func.func @_pos_body(%arg0: i32, %arg1: memref<4096x1xi32, #tpu.memory_space<vmem>>, %arg2: memref<4096x1xi32, #tpu.memory_space<vmem>>, %arg3: memref<8x16xi32, #tpu.memory_space<vmem>>, %arg4: memref<4096x1xi32, #tpu.memory_space<vmem>>) attributes {dimension_semantics = [#tpu.dimension_semantics<arbitrary>], iteration_bounds = array<i64: 8>, scalar_prefetch = 0 : i64, scratch_operands = 0 : i64, tpu.core_type = #tpu.core_type<tc>, window_params = [{transform_indices = @transform_0, window_bounds = array<i64: 4096, 1>}, {transform_indices = @transform_1, window_bounds = array<i64: 4096, 1>}, {pipeline_mode = #tpu.pipeline_mode<synchronous>, transform_indices = @transform_2, window_bounds = array<i64: 8, 16>}, {transform_indices = @transform_3, window_bounds = array<i64: 4096, 1>}]} {
    %get3A = arith.constant 0 : index
    %get3A_0 = arith.constant 0 : index
    %get3A_1 = vector.load %arg1[%get3A, %get3A_0] : memref<4096x1xi32, #tpu.memory_space<vmem>>, vector<4096x1xi32>
    %iota3A = tpu.iota {dimensions = array<i32: 1>} : vector<4096x16xi32>
    %eq3A = vector.broadcast %get3A_1 : vector<4096x1xi32> to vector<4096x16xi32>
    %eq3A_2 = arith.cmpi eq, %eq3A, %iota3A : vector<4096x16xi32>
    %convert_element_type3A = arith.extui %eq3A_2 : vector<4096x16xi1> to vector<4096x16xi32>
    %get3A_3 = arith.constant 0 : index
    %get3A_4 = arith.constant 0 : index
    %get3A_5 = vector.load %arg3[%get3A_3, %get3A_4] : memref<8x16xi32, #tpu.memory_space<vmem>>, vector<1x16xi32>
    %get3A_6 = vector.shape_cast %get3A_5 : vector<1x16xi32> to vector<16xi32>
    %broadcast_in_dim3A = vector.shape_cast %get3A_6 : vector<16xi32> to vector<1x16xi32>
    %mul3A = vector.broadcast %broadcast_in_dim3A : vector<1x16xi32> to vector<4096x16xi32>
    %mul3A_7 = arith.muli %convert_element_type3A, %mul3A : vector<4096x16xi32>
    %reduce_sum3A = arith.constant dense<0> : vector<4096xi32>
    %reduce_sum3A_8 = vector.multi_reduction <add>, %mul3A_7, %reduce_sum3A [1] : vector<4096x16xi32> to vector<4096xi32>
    %broadcast_in_dim3A_9 = vector.shape_cast %reduce_sum3A_8 : vector<4096xi32> to vector<4096x1xi32>
    %get3A_10 = arith.constant 0 : index
    %get3A_11 = arith.constant 0 : index
    %get3A_12 = vector.load %arg2[%get3A_10, %get3A_11] : memref<4096x1xi32, #tpu.memory_space<vmem>>, vector<4096x1xi32>
    %add3A = arith.addi %broadcast_in_dim3A_9, %get3A_12 : vector<4096x1xi32>
    %swap3A = arith.constant 0 : index
    %swap3A_13 = arith.constant 0 : index
    %swap3A_14 = vector.load %arg4[%swap3A, %swap3A_13] : memref<4096x1xi32, #tpu.memory_space<vmem>>, vector<4096x1xi32>
    tpu.vector_store %arg4[%swap3A, %swap3A_13], %add3A {strides = array<i32>} : memref<4096x1xi32, #tpu.memory_space<vmem>>, vector<4096x1xi32>,
    return
  }
  func.func @transform_0(%arg0: i32) -> (i32, i32) {
    %c0_i32 = arith.constant 0 : i32
    %c0_i32_0 = arith.constant 0 : i32
    return %arg0, %c0_i32 : i32, i32
  }
  func.func @transform_1(%arg0: i32) -> (i32, i32) {
    %c0_i32 = arith.constant 0 : i32
    %c0_i32_0 = arith.constant 0 : i32
    return %arg0, %c0_i32 : i32, i32
  }
  func.func @transform_2(%arg0: i32) -> (i32, i32) {
    %c0_i32 = arith.constant 0 : i32
    %c0_i32_0 = arith.constant 0 : i32
    %c0_i32_1 = arith.constant 0 : i32
    return %c0_i32, %c0_i32_0 : i32, i32
  }
  func.func @transform_3(%arg0: i32) -> (i32, i32) {
    %c0_i32 = arith.constant 0 : i32
    %c0_i32_0 = arith.constant 0 : i32
    return %arg0, %c0_i32 : i32, i32
  }
}

module attributes {stable_mosaic.version = 14 : i64} {
  func.func @_router_body(%arg0: i32, %arg1: memref<512x768xf32, #tpu.memory_space<vmem>>, %arg2: memref<8x768xf32, #tpu.memory_space<vmem>>, %arg3: memref<512x1xi32, #tpu.memory_space<vmem>>, %arg4: memref<512x1xi32, #tpu.memory_space<vmem>>, %arg5: memref<8x16xi32, #tpu.memory_space<vmem>>, %arg6: memref<8x16xi32, #tpu.memory_space<vmem>>, %arg7: memref<1x16xi32, #tpu.memory_space<vmem>>) attributes {dimension_semantics = [#tpu.dimension_semantics<arbitrary>], iteration_bounds = array<i64: 64>, scalar_prefetch = 0 : i64, scratch_operands = 1 : i64, tpu.core_type = #tpu.core_type<tc>, window_params = [{transform_indices = @transform_0, window_bounds = array<i64: 512, 768>}, {pipeline_mode = #tpu.pipeline_mode<synchronous>, transform_indices = @transform_1, window_bounds = array<i64: 8, 768>}, {transform_indices = @transform_2, window_bounds = array<i64: 512, 1>}, {transform_indices = @transform_3, window_bounds = array<i64: 512, 1>}, {pipeline_mode = #tpu.pipeline_mode<synchronous>, transform_indices = @transform_4, window_bounds = array<i64: 8, 16>}, {pipeline_mode = #tpu.pipeline_mode<synchronous>, transform_indices = @transform_5, window_bounds = array<i64: 8, 16>}]} {
    %eq3A = arith.constant 0 : i32
    %eq3A_0 = arith.cmpi eq, %arg0, %eq3A : i32
    %convert_element_type3A = arith.extui %eq3A_0 : i1 to i32
    %cond3A = arith.constant 0 : i32
    %cond3A_1 = arith.cmpi ne, %convert_element_type3A, %cond3A : i32
    scf.if %cond3A_1 {
      %broadcast_in_dim3A_78 = arith.constant 0 : i32
      %broadcast_in_dim3A_79 = vector.broadcast %broadcast_in_dim3A_78 : i32 to vector<1x16xi32>
      %swap3A_80 = arith.constant 0 : index
      %swap3A_81 = arith.constant 0 : index
      %swap3A_82 = vector.load %arg7[%swap3A_80, %swap3A_81] : memref<1x16xi32, #tpu.memory_space<vmem>>, vector<1x16xi32>
      tpu.vector_store %arg7[%swap3A_80, %swap3A_81], %broadcast_in_dim3A_79 {strides = array<i32>} : memref<1x16xi32, #tpu.memory_space<vmem>>, vector<1x16xi32>,
    } else {
    }
    %get3A = arith.constant 0 : index
    %get3A_2 = arith.constant 0 : index
    %get3A_3 = vector.load %arg1[%get3A, %get3A_2] : memref<512x768xf32, #tpu.memory_space<vmem>>, vector<512x768xf32>
    %get3A_4 = arith.constant 0 : index
    %get3A_5 = arith.constant 0 : index
    %get3A_6 = vector.load %arg2[%get3A_4, %get3A_5] : memref<8x768xf32, #tpu.memory_space<vmem>>, vector<8x768xf32>
    %dot_general3A = arith.constant dense<0.000000e+00> : vector<512x8xf32>
    %dot_general3A_7 = tpu.matmul %get3A_3, %get3A_6, %dot_general3A {dimension_numbers = #tpu.dot_dimension_numbers<[1], [1], [0], [0], [0, 0, 1, 0], [], []>, transpose_lhs_hint = false} : vector<512x768xf32>, vector<8x768xf32>, vector<512x8xf32> -> vector<512x8xf32>
    %reduce_max3A = arith.constant dense<0xFF800000> : vector<512xf32>
    %reduce_max3A_8 = vector.multi_reduction <maximumf>, %dot_general3A_7, %reduce_max3A [1] : vector<512x8xf32> to vector<512xf32>
    %broadcast_in_dim3A = vector.shape_cast %reduce_max3A_8 : vector<512xf32> to vector<512x1xf32>
    %iota3A = tpu.iota {dimensions = array<i32: 1>} : vector<512x8xi32>
    %eq3A_9 = vector.broadcast %broadcast_in_dim3A : vector<512x1xf32> to vector<512x8xf32>
    %eq3A_10 = arith.cmpf oeq, %dot_general3A_7, %eq3A_9 : vector<512x8xf32>
    %jit3A = arith.constant 8 : i32
    %broadcast_in_dim3A_11 = vector.broadcast %jit3A : i32 to vector<512x8xi32>
    %select_n3A = arith.select %eq3A_10, %iota3A, %broadcast_in_dim3A_11 : vector<512x8xi1>, vector<512x8xi32>
    %reduce_min3A = arith.constant dense<2147483647> : vector<512xi32>
    %reduce_min3A_12 = vector.multi_reduction <minsi>, %select_n3A, %reduce_min3A [1] : vector<512x8xi32> to vector<512xi32>
    %broadcast_in_dim3A_13 = vector.shape_cast %reduce_min3A_12 : vector<512xi32> to vector<512x1xi32>
    %iota3A_14 = tpu.iota {dimensions = array<i32: 1>} : vector<512x16xi32>
    %eq3A_15 = vector.broadcast %broadcast_in_dim3A_13 : vector<512x1xi32> to vector<512x16xi32>
    %eq3A_16 = arith.cmpi eq, %eq3A_15, %iota3A_14 : vector<512x16xi32>
    %convert_element_type3A_17 = arith.extui %eq3A_16 : vector<512x16xi1> to vector<512x16xi32>
    %convert_element_type3A_18 = arith.sitofp %convert_element_type3A_17 : vector<512x16xi32> to vector<512x16xf32>
    %iota3A_19 = tpu.iota {dimensions = array<i32: 0>} : vector<512x512xi32>
    %iota3A_20 = tpu.iota {dimensions = array<i32: 1>} : vector<512x512xi32>
    %lt3A = arith.cmpi slt, %iota3A_20, %iota3A_19 : vector<512x512xi32>
    %convert_element_type3A_21 = arith.extui %lt3A : vector<512x512xi1> to vector<512x512xi32>
    %convert_element_type3A_22 = arith.sitofp %convert_element_type3A_21 : vector<512x512xi32> to vector<512x512xf32>
    %dot_general3A_23 = arith.constant dense<0.000000e+00> : vector<512x16xf32>
    %dot_general3A_24 = tpu.matmul %convert_element_type3A_22, %convert_element_type3A_18, %dot_general3A_23 {dimension_numbers = #tpu.dot_dimension_numbers<[1], [0], [0], [1], [0, 0, 1, 1], [], []>, transpose_lhs_hint = false} : vector<512x512xf32>, vector<512x16xf32>, vector<512x16xf32> -> vector<512x16xf32>
    %get3A_25 = arith.constant 0 : index
    %get3A_26 = arith.constant 0 : index
    %get3A_27 = vector.load %arg7[%get3A_25, %get3A_26] : memref<1x16xi32, #tpu.memory_space<vmem>>, vector<1x16xi32>
    %convert_element_type3A_28 = arith.fptosi %dot_general3A_24 : vector<512x16xf32> to vector<512x16xi32>
    %add3A = vector.broadcast %get3A_27 : vector<1x16xi32> to vector<512x16xi32>
    %add3A_29 = arith.addi %convert_element_type3A_28, %add3A : vector<512x16xi32>
    %convert_element_type3A_30 = arith.fptosi %convert_element_type3A_18 : vector<512x16xf32> to vector<512x16xi32>
    %mul3A = arith.muli %add3A_29, %convert_element_type3A_30 : vector<512x16xi32>
    %reduce_sum3A = arith.constant dense<0> : vector<512xi32>
    %reduce_sum3A_31 = vector.multi_reduction <add>, %mul3A, %reduce_sum3A [1] : vector<512x16xi32> to vector<512xi32>
    %convert_element_type3A_32 = arith.fptosi %convert_element_type3A_18 : vector<512x16xf32> to vector<512x16xi32>
    %reduce_sum3A_33 = arith.constant dense<0> : vector<16xi32>
    %reduce_sum3A_34 = vector.multi_reduction <add>, %convert_element_type3A_32, %reduce_sum3A_33 [0] : vector<512x16xi32> to vector<16xi32>
    %broadcast_in_dim3A_35 = vector.shape_cast %reduce_sum3A_34 : vector<16xi32> to vector<1x16xi32>
    %add3A_36 = arith.addi %get3A_27, %broadcast_in_dim3A_35 : vector<1x16xi32>
    %swap3A = arith.constant 0 : index
    %swap3A_37 = arith.constant 0 : index
    %swap3A_38 = vector.load %arg7[%swap3A, %swap3A_37] : memref<1x16xi32, #tpu.memory_space<vmem>>, vector<1x16xi32>
    tpu.vector_store %arg7[%swap3A, %swap3A_37], %add3A_36 {strides = array<i32>} : memref<1x16xi32, #tpu.memory_space<vmem>>, vector<1x16xi32>,
    %broadcast_in_dim3A_39 = vector.shape_cast %reduce_min3A_12 : vector<512xi32> to vector<512x1xi32>
    %swap3A_40 = arith.constant 0 : index
    %swap3A_41 = arith.constant 0 : index
    %swap3A_42 = vector.load %arg3[%swap3A_40, %swap3A_41] : memref<512x1xi32, #tpu.memory_space<vmem>>, vector<512x1xi32>
    tpu.vector_store %arg3[%swap3A_40, %swap3A_41], %broadcast_in_dim3A_39 {strides = array<i32>} : memref<512x1xi32, #tpu.memory_space<vmem>>, vector<512x1xi32>,
    %broadcast_in_dim3A_43 = vector.shape_cast %reduce_sum3A_31 : vector<512xi32> to vector<512x1xi32>
    %swap3A_44 = arith.constant 0 : index
    %swap3A_45 = arith.constant 0 : index
    %swap3A_46 = vector.load %arg4[%swap3A_44, %swap3A_45] : memref<512x1xi32, #tpu.memory_space<vmem>>, vector<512x1xi32>
    tpu.vector_store %arg4[%swap3A_44, %swap3A_45], %broadcast_in_dim3A_43 {strides = array<i32>} : memref<512x1xi32, #tpu.memory_space<vmem>>, vector<512x1xi32>,
    %broadcast_in_dim3A_47 = vector.shape_cast %add3A_36 : vector<1x16xi32> to vector<1x16xi32>
    %broadcast_in_dim3A_48 = vector.broadcast %broadcast_in_dim3A_47 : vector<1x16xi32> to vector<8x16xi32>
    %swap3A_49 = arith.constant 0 : index
    %swap3A_50 = arith.constant 0 : index
    %swap3A_51 = vector.load %arg5[%swap3A_49, %swap3A_50] : memref<8x16xi32, #tpu.memory_space<vmem>>, vector<8x16xi32>
    tpu.vector_store %arg5[%swap3A_49, %swap3A_50], %broadcast_in_dim3A_48 {strides = array<i32>} : memref<8x16xi32, #tpu.memory_space<vmem>>, vector<8x16xi32>,
    %iota3A_52 = tpu.iota {dimensions = array<i32: 0>} : vector<16x16xi32>
    %iota3A_53 = tpu.iota {dimensions = array<i32: 1>} : vector<16x16xi32>
    %lt3A_54 = arith.cmpi slt, %iota3A_52, %iota3A_53 : vector<16x16xi32>
    %convert_element_type3A_55 = arith.extui %lt3A_54 : vector<16x16xi1> to vector<16x16xi32>
    %convert_element_type3A_56 = arith.sitofp %convert_element_type3A_55 : vector<16x16xi32> to vector<16x16xf32>
    %shift_right_arithmetic3A = arith.constant 8 : i32
    %shift_right_arithmetic3A_57 = vector.broadcast %shift_right_arithmetic3A : i32 to vector<1x16xi32>
    %shift_right_arithmetic3A_58 = arith.shrsi %add3A_36, %shift_right_arithmetic3A_57 : vector<1x16xi32>
    %convert_element_type3A_59 = arith.sitofp %shift_right_arithmetic3A_58 : vector<1x16xi32> to vector<1x16xf32>
    %and3A = arith.constant 255 : i32
    %and3A_60 = vector.broadcast %and3A : i32 to vector<1x16xi32>
    %and3A_61 = arith.andi %add3A_36, %and3A_60 : vector<1x16xi32>
    %convert_element_type3A_62 = arith.sitofp %and3A_61 : vector<1x16xi32> to vector<1x16xf32>
    %dot_general3A_63 = arith.constant dense<0.000000e+00> : vector<1x16xf32>
    %dot_general3A_64 = tpu.matmul %convert_element_type3A_59, %convert_element_type3A_56, %dot_general3A_63 {dimension_numbers = #tpu.dot_dimension_numbers<[1], [0], [0], [1], [0, 0, 1, 1], [], []>, transpose_lhs_hint = false} : vector<1x16xf32>, vector<16x16xf32>, vector<1x16xf32> -> vector<1x16xf32>
    %dot_general3A_65 = arith.constant dense<0.000000e+00> : vector<1x16xf32>
    %dot_general3A_66 = tpu.matmul %convert_element_type3A_62, %convert_element_type3A_56, %dot_general3A_65 {dimension_numbers = #tpu.dot_dimension_numbers<[1], [0], [0], [1], [0, 0, 1, 1], [], []>, transpose_lhs_hint = false} : vector<1x16xf32>, vector<16x16xf32>, vector<1x16xf32> -> vector<1x16xf32>
    %convert_element_type3A_67 = arith.fptosi %dot_general3A_64 : vector<1x16xf32> to vector<1x16xi32>
    %mul3A_68 = arith.constant 256 : i32
    %mul3A_69 = vector.broadcast %mul3A_68 : i32 to vector<1x16xi32>
    %mul3A_70 = arith.muli %convert_element_type3A_67, %mul3A_69 : vector<1x16xi32>
    %convert_element_type3A_71 = arith.fptosi %dot_general3A_66 : vector<1x16xf32> to vector<1x16xi32>
    %add3A_72 = arith.addi %mul3A_70, %convert_element_type3A_71 : vector<1x16xi32>
    %broadcast_in_dim3A_73 = vector.shape_cast %add3A_72 : vector<1x16xi32> to vector<1x16xi32>
    %broadcast_in_dim3A_74 = vector.broadcast %broadcast_in_dim3A_73 : vector<1x16xi32> to vector<8x16xi32>
    %swap3A_75 = arith.constant 0 : index
    %swap3A_76 = arith.constant 0 : index
    %swap3A_77 = vector.load %arg6[%swap3A_75, %swap3A_76] : memref<8x16xi32, #tpu.memory_space<vmem>>, vector<8x16xi32>
    tpu.vector_store %arg6[%swap3A_75, %swap3A_76], %broadcast_in_dim3A_74 {strides = array<i32>} : memref<8x16xi32, #tpu.memory_space<vmem>>, vector<8x16xi32>,
    return
  }
  func.func @transform_0(%arg0: i32) -> (i32, i32) {
    %c0_i32 = arith.constant 0 : i32
    %c0_i32_0 = arith.constant 0 : i32
    return %arg0, %c0_i32 : i32, i32
  }
  func.func @transform_1(%arg0: i32) -> (i32, i32) {
    %c0_i32 = arith.constant 0 : i32
    %c0_i32_0 = arith.constant 0 : i32
    %c0_i32_1 = arith.constant 0 : i32
    return %c0_i32, %c0_i32_0 : i32, i32
  }
  func.func @transform_2(%arg0: i32) -> (i32, i32) {
    %c0_i32 = arith.constant 0 : i32
    %c0_i32_0 = arith.constant 0 : i32
    return %arg0, %c0_i32 : i32, i32
  }
  func.func @transform_3(%arg0: i32) -> (i32, i32) {
    %c0_i32 = arith.constant 0 : i32
    %c0_i32_0 = arith.constant 0 : i32
    return %arg0, %c0_i32 : i32, i32
  }
  func.func @transform_4(%arg0: i32) -> (i32, i32) {
    %c0_i32 = arith.constant 0 : i32
    %c0_i32_0 = arith.constant 0 : i32
    %c0_i32_1 = arith.constant 0 : i32
    return %c0_i32, %c0_i32_0 : i32, i32
  }
  func.func @transform_5(%arg0: i32) -> (i32, i32) {
    %c0_i32 = arith.constant 0 : i32
    %c0_i32_0 = arith.constant 0 : i32
    %c0_i32_1 = arith.constant 0 : i32
    return %c0_i32, %c0_i32_0 : i32, i32
  }
}

module attributes {stable_mosaic.version = 14 : i64} {
  func.func @_grouped_body(%arg0: i32, %arg1: memref<16xi32, #tpu.memory_space<smem>>, %arg2: memref<2048x768xf32, #tpu.memory_space<vmem>>, %arg3: memref<8x768x768xf32, #tpu.memory_space<vmem>>, %arg4: memref<2048x768xf32, #tpu.memory_space<vmem>>) attributes {dimension_semantics = [#tpu.dimension_semantics<arbitrary>], iteration_bounds = array<i64: 16>, scalar_prefetch = 1 : i64, scratch_operands = 0 : i64, tpu.core_type = #tpu.core_type<tc>, window_params = [{transform_indices = @transform_0, window_bounds = array<i64: 2048, 768>}, {pipeline_mode = #tpu.pipeline_mode<synchronous>, transform_indices = @transform_1, window_bounds = array<i64: 8, 768, 768>}, {transform_indices = @transform_2, window_bounds = array<i64: 2048, 768>}]} {
    %mul3A = arith.constant 2048 : i32
    %mul3A_0 = arith.muli %arg0, %mul3A : i32
    %iota3A = tpu.iota {dimensions = array<i32: 0>} : vector<2048x1xi32>
    %add3A = vector.broadcast %mul3A_0 : i32 to vector<2048x1xi32>
    %add3A_1 = arith.addi %iota3A, %add3A : vector<2048x1xi32>
    %get3A = arith.constant 0 : index
    %get3A_2 = memref.load %arg1[%get3A] : memref<16xi32, #tpu.memory_space<smem>>
    %add3A_3 = arith.constant 0 : i32
    %add3A_4 = arith.addi %add3A_3, %get3A_2 : i32
    %add3A_5 = arith.constant 2048 : i32
    %add3A_6 = arith.addi %mul3A_0, %add3A_5 : i32
    %gt3A = arith.constant 0 : i32
    %gt3A_7 = arith.cmpi sgt, %add3A_6, %gt3A : i32
    %gt3A_8 = arith.cmpi sgt, %add3A_4, %mul3A_0 : i32
    %and3A = arith.andi %gt3A_7, %gt3A_8 : i1
    %ge3A = arith.constant 0 : i32
    %ge3A_9 = arith.cmpi sge, %mul3A_0, %ge3A : i32
    %add3A_10 = arith.constant 2048 : i32
    %add3A_11 = arith.addi %mul3A_0, %add3A_10 : i32
    %ge3A_12 = arith.cmpi sge, %add3A_4, %add3A_11 : i32
    %and3A_13 = arith.andi %ge3A_9, %ge3A_12 : i1
    %not3A = arith.constant true
    %not3A_14 = arith.xori %and3A_13, %not3A : i1
    %and3A_15 = arith.andi %and3A, %not3A_14 : i1
    %convert_element_type3A = arith.extui %and3A_13 : i1 to i32
    %cond3A = arith.constant 0 : i32
    %cond3A_16 = arith.cmpi ne, %convert_element_type3A, %cond3A : i32
    scf.if %cond3A_16 {
      %get3A_228 = arith.constant 0 : index
      %get3A_229 = arith.constant 0 : index
      %get3A_230 = vector.load %arg2[%get3A_228, %get3A_229] : memref<2048x768xf32, #tpu.memory_space<vmem>>, vector<2048x768xf32>
      %get3A_231 = arith.constant 0 : index
      %get3A_232 = arith.constant 0 : index
      %get3A_233 = arith.constant 0 : index
      %get3A_234 = vector.load %arg3[%get3A_231, %get3A_232, %get3A_233] : memref<8x768x768xf32, #tpu.memory_space<vmem>>, vector<1x768x768xf32>
      %get3A_235 = vector.shape_cast %get3A_234 : vector<1x768x768xf32> to vector<768x768xf32>
      %dot_general3A = arith.constant dense<0.000000e+00> : vector<2048x768xf32>
      %dot_general3A_236 = tpu.matmul %get3A_230, %get3A_235, %dot_general3A {dimension_numbers = #tpu.dot_dimension_numbers<[1], [1], [0], [0], [0, 0, 1, 0], [], []>, transpose_lhs_hint = false} : vector<2048x768xf32>, vector<768x768xf32>, vector<2048x768xf32> -> vector<2048x768xf32>
      %swap3A = arith.constant 0 : index
      %swap3A_237 = arith.constant 0 : index
      %swap3A_238 = vector.load %arg4[%swap3A, %swap3A_237] : memref<2048x768xf32, #tpu.memory_space<vmem>>, vector<2048x768xf32>
      tpu.vector_store %arg4[%swap3A, %swap3A_237], %dot_general3A_236 {strides = array<i32>} : memref<2048x768xf32, #tpu.memory_space<vmem>>, vector<2048x768xf32>,
    } else {
    }
    %and3A_17 = arith.andi %and3A_15, %ge3A_9 : i1
    %convert_element_type3A_18 = arith.extui %and3A_17 : i1 to i32
    %cond3A_19 = arith.constant 0 : i32
    %cond3A_20 = arith.cmpi ne, %convert_element_type3A_18, %cond3A_19 : i32
    scf.if %cond3A_20 {
      %get3A_228 = arith.constant 0 : index
      %get3A_229 = arith.constant 0 : index
      %get3A_230 = vector.load %arg2[%get3A_228, %get3A_229] : memref<2048x768xf32, #tpu.memory_space<vmem>>, vector<2048x768xf32>
      %get3A_231 = arith.constant 0 : index
      %get3A_232 = arith.constant 0 : index
      %get3A_233 = arith.constant 0 : index
      %get3A_234 = vector.load %arg3[%get3A_231, %get3A_232, %get3A_233] : memref<8x768x768xf32, #tpu.memory_space<vmem>>, vector<1x768x768xf32>
      %get3A_235 = vector.shape_cast %get3A_234 : vector<1x768x768xf32> to vector<768x768xf32>
      %dot_general3A = arith.constant dense<0.000000e+00> : vector<2048x768xf32>
      %dot_general3A_236 = tpu.matmul %get3A_230, %get3A_235, %dot_general3A {dimension_numbers = #tpu.dot_dimension_numbers<[1], [1], [0], [0], [0, 0, 1, 0], [], []>, transpose_lhs_hint = false} : vector<2048x768xf32>, vector<768x768xf32>, vector<2048x768xf32> -> vector<2048x768xf32>
      %ge3A_237 = arith.constant 0 : i32
      %ge3A_238 = vector.broadcast %ge3A_237 : i32 to vector<2048x1xi32>
      %ge3A_239 = arith.cmpi sge, %add3A_1, %ge3A_238 : vector<2048x1xi32>
      %lt3A_240 = vector.broadcast %add3A_4 : i32 to vector<2048x1xi32>
      %lt3A_241 = arith.cmpi slt, %add3A_1, %lt3A_240 : vector<2048x1xi32>
      %and3A_242 = arith.andi %ge3A_239, %lt3A_241 : vector<2048x1xi1>
      %convert_element_type3A_243 = arith.extui %and3A_242 : vector<2048x1xi1> to vector<2048x1xi32>
      %convert_element_type3A_244 = arith.sitofp %convert_element_type3A_243 : vector<2048x1xi32> to vector<2048x1xf32>
      %mul3A_245 = vector.broadcast %convert_element_type3A_244 : vector<2048x1xf32> to vector<2048x768xf32>
      %mul3A_246 = arith.mulf %mul3A_245, %dot_general3A_236 : vector<2048x768xf32>
      %swap3A = arith.constant 0 : index
      %swap3A_247 = arith.constant 0 : index
      %swap3A_248 = vector.load %arg4[%swap3A, %swap3A_247] : memref<2048x768xf32, #tpu.memory_space<vmem>>, vector<2048x768xf32>
      tpu.vector_store %arg4[%swap3A, %swap3A_247], %mul3A_246 {strides = array<i32>} : memref<2048x768xf32, #tpu.memory_space<vmem>>, vector<2048x768xf32>,
    } else {
    }
    %not3A_21 = arith.constant true
    %not3A_22 = arith.xori %ge3A_9, %not3A_21 : i1
    %and3A_23 = arith.andi %and3A_15, %not3A_22 : i1
    %convert_element_type3A_24 = arith.extui %and3A_23 : i1 to i32
    %cond3A_25 = arith.constant 0 : i32
    %cond3A_26 = arith.cmpi ne, %convert_element_type3A_24, %cond3A_25 : i32
    scf.if %cond3A_26 {
      %get3A_228 = arith.constant 0 : index
      %get3A_229 = arith.constant 0 : index
      %get3A_230 = vector.load %arg2[%get3A_228, %get3A_229] : memref<2048x768xf32, #tpu.memory_space<vmem>>, vector<2048x768xf32>
      %get3A_231 = arith.constant 0 : index
      %get3A_232 = arith.constant 0 : index
      %get3A_233 = arith.constant 0 : index
      %get3A_234 = vector.load %arg3[%get3A_231, %get3A_232, %get3A_233] : memref<8x768x768xf32, #tpu.memory_space<vmem>>, vector<1x768x768xf32>
      %get3A_235 = vector.shape_cast %get3A_234 : vector<1x768x768xf32> to vector<768x768xf32>
      %dot_general3A = arith.constant dense<0.000000e+00> : vector<2048x768xf32>
      %dot_general3A_236 = tpu.matmul %get3A_230, %get3A_235, %dot_general3A {dimension_numbers = #tpu.dot_dimension_numbers<[1], [1], [0], [0], [0, 0, 1, 0], [], []>, transpose_lhs_hint = false} : vector<2048x768xf32>, vector<768x768xf32>, vector<2048x768xf32> -> vector<2048x768xf32>
      %ge3A_237 = arith.constant 0 : i32
      %ge3A_238 = vector.broadcast %ge3A_237 : i32 to vector<2048x1xi32>
      %ge3A_239 = arith.cmpi sge, %add3A_1, %ge3A_238 : vector<2048x1xi32>
      %lt3A_240 = vector.broadcast %add3A_4 : i32 to vector<2048x1xi32>
      %lt3A_241 = arith.cmpi slt, %add3A_1, %lt3A_240 : vector<2048x1xi32>
      %and3A_242 = arith.andi %ge3A_239, %lt3A_241 : vector<2048x1xi1>
      %convert_element_type3A_243 = arith.extui %and3A_242 : vector<2048x1xi1> to vector<2048x1xi32>
      %convert_element_type3A_244 = arith.sitofp %convert_element_type3A_243 : vector<2048x1xi32> to vector<2048x1xf32>
      %get3A_245 = arith.constant 0 : index
      %get3A_246 = arith.constant 0 : index
      %get3A_247 = vector.load %arg4[%get3A_245, %get3A_246] : memref<2048x768xf32, #tpu.memory_space<vmem>>, vector<2048x768xf32>
      %mul3A_248 = vector.broadcast %convert_element_type3A_244 : vector<2048x1xf32> to vector<2048x768xf32>
      %mul3A_249 = arith.mulf %mul3A_248, %dot_general3A_236 : vector<2048x768xf32>
      %add3A_250 = arith.addf %get3A_247, %mul3A_249 : vector<2048x768xf32>
      %swap3A = arith.constant 0 : index
      %swap3A_251 = arith.constant 0 : index
      %swap3A_252 = vector.load %arg4[%swap3A, %swap3A_251] : memref<2048x768xf32, #tpu.memory_space<vmem>>, vector<2048x768xf32>
      tpu.vector_store %arg4[%swap3A, %swap3A_251], %add3A_250 {strides = array<i32>} : memref<2048x768xf32, #tpu.memory_space<vmem>>, vector<2048x768xf32>,
    } else {
    }
    %get3A_27 = arith.constant 1 : index
    %get3A_28 = memref.load %arg1[%get3A_27] : memref<16xi32, #tpu.memory_space<smem>>
    %add3A_29 = arith.addi %add3A_4, %get3A_28 : i32
    %add3A_30 = arith.constant 2048 : i32
    %add3A_31 = arith.addi %mul3A_0, %add3A_30 : i32
    %lt3A = arith.cmpi slt, %add3A_4, %add3A_31 : i32
    %gt3A_32 = arith.cmpi sgt, %add3A_29, %mul3A_0 : i32
    %and3A_33 = arith.andi %lt3A, %gt3A_32 : i1
    %le3A = arith.cmpi sle, %add3A_4, %mul3A_0 : i32
    %add3A_34 = arith.constant 2048 : i32
    %add3A_35 = arith.addi %mul3A_0, %add3A_34 : i32
    %ge3A_36 = arith.cmpi sge, %add3A_29, %add3A_35 : i32
    %and3A_37 = arith.andi %le3A, %ge3A_36 : i1
    %not3A_38 = arith.constant true
    %not3A_39 = arith.xori %and3A_37, %not3A_38 : i1
    %and3A_40 = arith.andi %and3A_33, %not3A_39 : i1
    %convert_element_type3A_41 = arith.extui %and3A_37 : i1 to i32
    %cond3A_42 = arith.constant 0 : i32
    %cond3A_43 = arith.cmpi ne, %convert_element_type3A_41, %cond3A_42 : i32
    scf.if %cond3A_43 {
      %get3A_228 = arith.constant 0 : index
      %get3A_229 = arith.constant 0 : index
      %get3A_230 = vector.load %arg2[%get3A_228, %get3A_229] : memref<2048x768xf32, #tpu.memory_space<vmem>>, vector<2048x768xf32>
      %get3A_231 = arith.constant 1 : index
      %get3A_232 = arith.constant 0 : index
      %get3A_233 = arith.constant 0 : index
      %get3A_234 = vector.load %arg3[%get3A_231, %get3A_232, %get3A_233] : memref<8x768x768xf32, #tpu.memory_space<vmem>>, vector<1x768x768xf32>
      %get3A_235 = vector.shape_cast %get3A_234 : vector<1x768x768xf32> to vector<768x768xf32>
      %dot_general3A = arith.constant dense<0.000000e+00> : vector<2048x768xf32>
      %dot_general3A_236 = tpu.matmul %get3A_230, %get3A_235, %dot_general3A {dimension_numbers = #tpu.dot_dimension_numbers<[1], [1], [0], [0], [0, 0, 1, 0], [], []>, transpose_lhs_hint = false} : vector<2048x768xf32>, vector<768x768xf32>, vector<2048x768xf32> -> vector<2048x768xf32>
      %swap3A = arith.constant 0 : index
      %swap3A_237 = arith.constant 0 : index
      %swap3A_238 = vector.load %arg4[%swap3A, %swap3A_237] : memref<2048x768xf32, #tpu.memory_space<vmem>>, vector<2048x768xf32>
      tpu.vector_store %arg4[%swap3A, %swap3A_237], %dot_general3A_236 {strides = array<i32>} : memref<2048x768xf32, #tpu.memory_space<vmem>>, vector<2048x768xf32>,
    } else {
    }
    %and3A_44 = arith.andi %and3A_40, %le3A : i1
    %convert_element_type3A_45 = arith.extui %and3A_44 : i1 to i32
    %cond3A_46 = arith.constant 0 : i32
    %cond3A_47 = arith.cmpi ne, %convert_element_type3A_45, %cond3A_46 : i32
    scf.if %cond3A_47 {
      %get3A_228 = arith.constant 0 : index
      %get3A_229 = arith.constant 0 : index
      %get3A_230 = vector.load %arg2[%get3A_228, %get3A_229] : memref<2048x768xf32, #tpu.memory_space<vmem>>, vector<2048x768xf32>
      %get3A_231 = arith.constant 1 : index
      %get3A_232 = arith.constant 0 : index
      %get3A_233 = arith.constant 0 : index
      %get3A_234 = vector.load %arg3[%get3A_231, %get3A_232, %get3A_233] : memref<8x768x768xf32, #tpu.memory_space<vmem>>, vector<1x768x768xf32>
      %get3A_235 = vector.shape_cast %get3A_234 : vector<1x768x768xf32> to vector<768x768xf32>
      %dot_general3A = arith.constant dense<0.000000e+00> : vector<2048x768xf32>
      %dot_general3A_236 = tpu.matmul %get3A_230, %get3A_235, %dot_general3A {dimension_numbers = #tpu.dot_dimension_numbers<[1], [1], [0], [0], [0, 0, 1, 0], [], []>, transpose_lhs_hint = false} : vector<2048x768xf32>, vector<768x768xf32>, vector<2048x768xf32> -> vector<2048x768xf32>
      %ge3A_237 = vector.broadcast %add3A_4 : i32 to vector<2048x1xi32>
      %ge3A_238 = arith.cmpi sge, %add3A_1, %ge3A_237 : vector<2048x1xi32>
      %lt3A_239 = vector.broadcast %add3A_29 : i32 to vector<2048x1xi32>
      %lt3A_240 = arith.cmpi slt, %add3A_1, %lt3A_239 : vector<2048x1xi32>
      %and3A_241 = arith.andi %ge3A_238, %lt3A_240 : vector<2048x1xi1>
      %convert_element_type3A_242 = arith.extui %and3A_241 : vector<2048x1xi1> to vector<2048x1xi32>
      %convert_element_type3A_243 = arith.sitofp %convert_element_type3A_242 : vector<2048x1xi32> to vector<2048x1xf32>
      %mul3A_244 = vector.broadcast %convert_element_type3A_243 : vector<2048x1xf32> to vector<2048x768xf32>
      %mul3A_245 = arith.mulf %mul3A_244, %dot_general3A_236 : vector<2048x768xf32>
      %swap3A = arith.constant 0 : index
      %swap3A_246 = arith.constant 0 : index
      %swap3A_247 = vector.load %arg4[%swap3A, %swap3A_246] : memref<2048x768xf32, #tpu.memory_space<vmem>>, vector<2048x768xf32>
      tpu.vector_store %arg4[%swap3A, %swap3A_246], %mul3A_245 {strides = array<i32>} : memref<2048x768xf32, #tpu.memory_space<vmem>>, vector<2048x768xf32>,
    } else {
    }
    %not3A_48 = arith.constant true
    %not3A_49 = arith.xori %le3A, %not3A_48 : i1
    %and3A_50 = arith.andi %and3A_40, %not3A_49 : i1
    %convert_element_type3A_51 = arith.extui %and3A_50 : i1 to i32
    %cond3A_52 = arith.constant 0 : i32
    %cond3A_53 = arith.cmpi ne, %convert_element_type3A_51, %cond3A_52 : i32
    scf.if %cond3A_53 {
      %get3A_228 = arith.constant 0 : index
      %get3A_229 = arith.constant 0 : index
      %get3A_230 = vector.load %arg2[%get3A_228, %get3A_229] : memref<2048x768xf32, #tpu.memory_space<vmem>>, vector<2048x768xf32>
      %get3A_231 = arith.constant 1 : index
      %get3A_232 = arith.constant 0 : index
      %get3A_233 = arith.constant 0 : index
      %get3A_234 = vector.load %arg3[%get3A_231, %get3A_232, %get3A_233] : memref<8x768x768xf32, #tpu.memory_space<vmem>>, vector<1x768x768xf32>
      %get3A_235 = vector.shape_cast %get3A_234 : vector<1x768x768xf32> to vector<768x768xf32>
      %dot_general3A = arith.constant dense<0.000000e+00> : vector<2048x768xf32>
      %dot_general3A_236 = tpu.matmul %get3A_230, %get3A_235, %dot_general3A {dimension_numbers = #tpu.dot_dimension_numbers<[1], [1], [0], [0], [0, 0, 1, 0], [], []>, transpose_lhs_hint = false} : vector<2048x768xf32>, vector<768x768xf32>, vector<2048x768xf32> -> vector<2048x768xf32>
      %ge3A_237 = vector.broadcast %add3A_4 : i32 to vector<2048x1xi32>
      %ge3A_238 = arith.cmpi sge, %add3A_1, %ge3A_237 : vector<2048x1xi32>
      %lt3A_239 = vector.broadcast %add3A_29 : i32 to vector<2048x1xi32>
      %lt3A_240 = arith.cmpi slt, %add3A_1, %lt3A_239 : vector<2048x1xi32>
      %and3A_241 = arith.andi %ge3A_238, %lt3A_240 : vector<2048x1xi1>
      %convert_element_type3A_242 = arith.extui %and3A_241 : vector<2048x1xi1> to vector<2048x1xi32>
      %convert_element_type3A_243 = arith.sitofp %convert_element_type3A_242 : vector<2048x1xi32> to vector<2048x1xf32>
      %get3A_244 = arith.constant 0 : index
      %get3A_245 = arith.constant 0 : index
      %get3A_246 = vector.load %arg4[%get3A_244, %get3A_245] : memref<2048x768xf32, #tpu.memory_space<vmem>>, vector<2048x768xf32>
      %mul3A_247 = vector.broadcast %convert_element_type3A_243 : vector<2048x1xf32> to vector<2048x768xf32>
      %mul3A_248 = arith.mulf %mul3A_247, %dot_general3A_236 : vector<2048x768xf32>
      %add3A_249 = arith.addf %get3A_246, %mul3A_248 : vector<2048x768xf32>
      %swap3A = arith.constant 0 : index
      %swap3A_250 = arith.constant 0 : index
      %swap3A_251 = vector.load %arg4[%swap3A, %swap3A_250] : memref<2048x768xf32, #tpu.memory_space<vmem>>, vector<2048x768xf32>
      tpu.vector_store %arg4[%swap3A, %swap3A_250], %add3A_249 {strides = array<i32>} : memref<2048x768xf32, #tpu.memory_space<vmem>>, vector<2048x768xf32>,
    } else {
    }
    %get3A_54 = arith.constant 2 : index
    %get3A_55 = memref.load %arg1[%get3A_54] : memref<16xi32, #tpu.memory_space<smem>>
    %add3A_56 = arith.addi %add3A_29, %get3A_55 : i32
    %add3A_57 = arith.constant 2048 : i32
    %add3A_58 = arith.addi %mul3A_0, %add3A_57 : i32
    %lt3A_59 = arith.cmpi slt, %add3A_29, %add3A_58 : i32
    %gt3A_60 = arith.cmpi sgt, %add3A_56, %mul3A_0 : i32
    %and3A_61 = arith.andi %lt3A_59, %gt3A_60 : i1
    %le3A_62 = arith.cmpi sle, %add3A_29, %mul3A_0 : i32
    %add3A_63 = arith.constant 2048 : i32
    %add3A_64 = arith.addi %mul3A_0, %add3A_63 : i32
    %ge3A_65 = arith.cmpi sge, %add3A_56, %add3A_64 : i32
    %and3A_66 = arith.andi %le3A_62, %ge3A_65 : i1
    %not3A_67 = arith.constant true
    %not3A_68 = arith.xori %and3A_66, %not3A_67 : i1
    %and3A_69 = arith.andi %and3A_61, %not3A_68 : i1
    %convert_element_type3A_70 = arith.extui %and3A_66 : i1 to i32
    %cond3A_71 = arith.constant 0 : i32
    %cond3A_72 = arith.cmpi ne, %convert_element_type3A_70, %cond3A_71 : i32
    scf.if %cond3A_72 {
      %get3A_228 = arith.constant 0 : index
      %get3A_229 = arith.constant 0 : index
      %get3A_230 = vector.load %arg2[%get3A_228, %get3A_229] : memref<2048x768xf32, #tpu.memory_space<vmem>>, vector<2048x768xf32>
      %get3A_231 = arith.constant 2 : index
      %get3A_232 = arith.constant 0 : index
      %get3A_233 = arith.constant 0 : index
      %get3A_234 = vector.load %arg3[%get3A_231, %get3A_232, %get3A_233] : memref<8x768x768xf32, #tpu.memory_space<vmem>>, vector<1x768x768xf32>
      %get3A_235 = vector.shape_cast %get3A_234 : vector<1x768x768xf32> to vector<768x768xf32>
      %dot_general3A = arith.constant dense<0.000000e+00> : vector<2048x768xf32>
      %dot_general3A_236 = tpu.matmul %get3A_230, %get3A_235, %dot_general3A {dimension_numbers = #tpu.dot_dimension_numbers<[1], [1], [0], [0], [0, 0, 1, 0], [], []>, transpose_lhs_hint = false} : vector<2048x768xf32>, vector<768x768xf32>, vector<2048x768xf32> -> vector<2048x768xf32>
      %swap3A = arith.constant 0 : index
      %swap3A_237 = arith.constant 0 : index
      %swap3A_238 = vector.load %arg4[%swap3A, %swap3A_237] : memref<2048x768xf32, #tpu.memory_space<vmem>>, vector<2048x768xf32>
      tpu.vector_store %arg4[%swap3A, %swap3A_237], %dot_general3A_236 {strides = array<i32>} : memref<2048x768xf32, #tpu.memory_space<vmem>>, vector<2048x768xf32>,
    } else {
    }
    %and3A_73 = arith.andi %and3A_69, %le3A_62 : i1
    %convert_element_type3A_74 = arith.extui %and3A_73 : i1 to i32
    %cond3A_75 = arith.constant 0 : i32
    %cond3A_76 = arith.cmpi ne, %convert_element_type3A_74, %cond3A_75 : i32
    scf.if %cond3A_76 {
      %get3A_228 = arith.constant 0 : index
      %get3A_229 = arith.constant 0 : index
      %get3A_230 = vector.load %arg2[%get3A_228, %get3A_229] : memref<2048x768xf32, #tpu.memory_space<vmem>>, vector<2048x768xf32>
      %get3A_231 = arith.constant 2 : index
      %get3A_232 = arith.constant 0 : index
      %get3A_233 = arith.constant 0 : index
      %get3A_234 = vector.load %arg3[%get3A_231, %get3A_232, %get3A_233] : memref<8x768x768xf32, #tpu.memory_space<vmem>>, vector<1x768x768xf32>
      %get3A_235 = vector.shape_cast %get3A_234 : vector<1x768x768xf32> to vector<768x768xf32>
      %dot_general3A = arith.constant dense<0.000000e+00> : vector<2048x768xf32>
      %dot_general3A_236 = tpu.matmul %get3A_230, %get3A_235, %dot_general3A {dimension_numbers = #tpu.dot_dimension_numbers<[1], [1], [0], [0], [0, 0, 1, 0], [], []>, transpose_lhs_hint = false} : vector<2048x768xf32>, vector<768x768xf32>, vector<2048x768xf32> -> vector<2048x768xf32>
      %ge3A_237 = vector.broadcast %add3A_29 : i32 to vector<2048x1xi32>
      %ge3A_238 = arith.cmpi sge, %add3A_1, %ge3A_237 : vector<2048x1xi32>
      %lt3A_239 = vector.broadcast %add3A_56 : i32 to vector<2048x1xi32>
      %lt3A_240 = arith.cmpi slt, %add3A_1, %lt3A_239 : vector<2048x1xi32>
      %and3A_241 = arith.andi %ge3A_238, %lt3A_240 : vector<2048x1xi1>
      %convert_element_type3A_242 = arith.extui %and3A_241 : vector<2048x1xi1> to vector<2048x1xi32>
      %convert_element_type3A_243 = arith.sitofp %convert_element_type3A_242 : vector<2048x1xi32> to vector<2048x1xf32>
      %mul3A_244 = vector.broadcast %convert_element_type3A_243 : vector<2048x1xf32> to vector<2048x768xf32>
      %mul3A_245 = arith.mulf %mul3A_244, %dot_general3A_236 : vector<2048x768xf32>
      %swap3A = arith.constant 0 : index
      %swap3A_246 = arith.constant 0 : index
      %swap3A_247 = vector.load %arg4[%swap3A, %swap3A_246] : memref<2048x768xf32, #tpu.memory_space<vmem>>, vector<2048x768xf32>
      tpu.vector_store %arg4[%swap3A, %swap3A_246], %mul3A_245 {strides = array<i32>} : memref<2048x768xf32, #tpu.memory_space<vmem>>, vector<2048x768xf32>,
    } else {
    }
    %not3A_77 = arith.constant true
    %not3A_78 = arith.xori %le3A_62, %not3A_77 : i1
    %and3A_79 = arith.andi %and3A_69, %not3A_78 : i1
    %convert_element_type3A_80 = arith.extui %and3A_79 : i1 to i32
    %cond3A_81 = arith.constant 0 : i32
    %cond3A_82 = arith.cmpi ne, %convert_element_type3A_80, %cond3A_81 : i32
    scf.if %cond3A_82 {
      %get3A_228 = arith.constant 0 : index
      %get3A_229 = arith.constant 0 : index
      %get3A_230 = vector.load %arg2[%get3A_228, %get3A_229] : memref<2048x768xf32, #tpu.memory_space<vmem>>, vector<2048x768xf32>
      %get3A_231 = arith.constant 2 : index
      %get3A_232 = arith.constant 0 : index
      %get3A_233 = arith.constant 0 : index
      %get3A_234 = vector.load %arg3[%get3A_231, %get3A_232, %get3A_233] : memref<8x768x768xf32, #tpu.memory_space<vmem>>, vector<1x768x768xf32>
      %get3A_235 = vector.shape_cast %get3A_234 : vector<1x768x768xf32> to vector<768x768xf32>
      %dot_general3A = arith.constant dense<0.000000e+00> : vector<2048x768xf32>
      %dot_general3A_236 = tpu.matmul %get3A_230, %get3A_235, %dot_general3A {dimension_numbers = #tpu.dot_dimension_numbers<[1], [1], [0], [0], [0, 0, 1, 0], [], []>, transpose_lhs_hint = false} : vector<2048x768xf32>, vector<768x768xf32>, vector<2048x768xf32> -> vector<2048x768xf32>
      %ge3A_237 = vector.broadcast %add3A_29 : i32 to vector<2048x1xi32>
      %ge3A_238 = arith.cmpi sge, %add3A_1, %ge3A_237 : vector<2048x1xi32>
      %lt3A_239 = vector.broadcast %add3A_56 : i32 to vector<2048x1xi32>
      %lt3A_240 = arith.cmpi slt, %add3A_1, %lt3A_239 : vector<2048x1xi32>
      %and3A_241 = arith.andi %ge3A_238, %lt3A_240 : vector<2048x1xi1>
      %convert_element_type3A_242 = arith.extui %and3A_241 : vector<2048x1xi1> to vector<2048x1xi32>
      %convert_element_type3A_243 = arith.sitofp %convert_element_type3A_242 : vector<2048x1xi32> to vector<2048x1xf32>
      %get3A_244 = arith.constant 0 : index
      %get3A_245 = arith.constant 0 : index
      %get3A_246 = vector.load %arg4[%get3A_244, %get3A_245] : memref<2048x768xf32, #tpu.memory_space<vmem>>, vector<2048x768xf32>
      %mul3A_247 = vector.broadcast %convert_element_type3A_243 : vector<2048x1xf32> to vector<2048x768xf32>
      %mul3A_248 = arith.mulf %mul3A_247, %dot_general3A_236 : vector<2048x768xf32>
      %add3A_249 = arith.addf %get3A_246, %mul3A_248 : vector<2048x768xf32>
      %swap3A = arith.constant 0 : index
      %swap3A_250 = arith.constant 0 : index
      %swap3A_251 = vector.load %arg4[%swap3A, %swap3A_250] : memref<2048x768xf32, #tpu.memory_space<vmem>>, vector<2048x768xf32>
      tpu.vector_store %arg4[%swap3A, %swap3A_250], %add3A_249 {strides = array<i32>} : memref<2048x768xf32, #tpu.memory_space<vmem>>, vector<2048x768xf32>,
    } else {
    }
    %get3A_83 = arith.constant 3 : index
    %get3A_84 = memref.load %arg1[%get3A_83] : memref<16xi32, #tpu.memory_space<smem>>
    %add3A_85 = arith.addi %add3A_56, %get3A_84 : i32
    %add3A_86 = arith.constant 2048 : i32
    %add3A_87 = arith.addi %mul3A_0, %add3A_86 : i32
    %lt3A_88 = arith.cmpi slt, %add3A_56, %add3A_87 : i32
    %gt3A_89 = arith.cmpi sgt, %add3A_85, %mul3A_0 : i32
    %and3A_90 = arith.andi %lt3A_88, %gt3A_89 : i1
    %le3A_91 = arith.cmpi sle, %add3A_56, %mul3A_0 : i32
    %add3A_92 = arith.constant 2048 : i32
    %add3A_93 = arith.addi %mul3A_0, %add3A_92 : i32
    %ge3A_94 = arith.cmpi sge, %add3A_85, %add3A_93 : i32
    %and3A_95 = arith.andi %le3A_91, %ge3A_94 : i1
    %not3A_96 = arith.constant true
    %not3A_97 = arith.xori %and3A_95, %not3A_96 : i1
    %and3A_98 = arith.andi %and3A_90, %not3A_97 : i1
    %convert_element_type3A_99 = arith.extui %and3A_95 : i1 to i32
    %cond3A_100 = arith.constant 0 : i32
    %cond3A_101 = arith.cmpi ne, %convert_element_type3A_99, %cond3A_100 : i32
    scf.if %cond3A_101 {
      %get3A_228 = arith.constant 0 : index
      %get3A_229 = arith.constant 0 : index
      %get3A_230 = vector.load %arg2[%get3A_228, %get3A_229] : memref<2048x768xf32, #tpu.memory_space<vmem>>, vector<2048x768xf32>
      %get3A_231 = arith.constant 3 : index
      %get3A_232 = arith.constant 0 : index
      %get3A_233 = arith.constant 0 : index
      %get3A_234 = vector.load %arg3[%get3A_231, %get3A_232, %get3A_233] : memref<8x768x768xf32, #tpu.memory_space<vmem>>, vector<1x768x768xf32>
      %get3A_235 = vector.shape_cast %get3A_234 : vector<1x768x768xf32> to vector<768x768xf32>
      %dot_general3A = arith.constant dense<0.000000e+00> : vector<2048x768xf32>
      %dot_general3A_236 = tpu.matmul %get3A_230, %get3A_235, %dot_general3A {dimension_numbers = #tpu.dot_dimension_numbers<[1], [1], [0], [0], [0, 0, 1, 0], [], []>, transpose_lhs_hint = false} : vector<2048x768xf32>, vector<768x768xf32>, vector<2048x768xf32> -> vector<2048x768xf32>
      %swap3A = arith.constant 0 : index
      %swap3A_237 = arith.constant 0 : index
      %swap3A_238 = vector.load %arg4[%swap3A, %swap3A_237] : memref<2048x768xf32, #tpu.memory_space<vmem>>, vector<2048x768xf32>
      tpu.vector_store %arg4[%swap3A, %swap3A_237], %dot_general3A_236 {strides = array<i32>} : memref<2048x768xf32, #tpu.memory_space<vmem>>, vector<2048x768xf32>,
    } else {
    }
    %and3A_102 = arith.andi %and3A_98, %le3A_91 : i1
    %convert_element_type3A_103 = arith.extui %and3A_102 : i1 to i32
    %cond3A_104 = arith.constant 0 : i32
    %cond3A_105 = arith.cmpi ne, %convert_element_type3A_103, %cond3A_104 : i32
    scf.if %cond3A_105 {
      %get3A_228 = arith.constant 0 : index
      %get3A_229 = arith.constant 0 : index
      %get3A_230 = vector.load %arg2[%get3A_228, %get3A_229] : memref<2048x768xf32, #tpu.memory_space<vmem>>, vector<2048x768xf32>
      %get3A_231 = arith.constant 3 : index
      %get3A_232 = arith.constant 0 : index
      %get3A_233 = arith.constant 0 : index
      %get3A_234 = vector.load %arg3[%get3A_231, %get3A_232, %get3A_233] : memref<8x768x768xf32, #tpu.memory_space<vmem>>, vector<1x768x768xf32>
      %get3A_235 = vector.shape_cast %get3A_234 : vector<1x768x768xf32> to vector<768x768xf32>
      %dot_general3A = arith.constant dense<0.000000e+00> : vector<2048x768xf32>
      %dot_general3A_236 = tpu.matmul %get3A_230, %get3A_235, %dot_general3A {dimension_numbers = #tpu.dot_dimension_numbers<[1], [1], [0], [0], [0, 0, 1, 0], [], []>, transpose_lhs_hint = false} : vector<2048x768xf32>, vector<768x768xf32>, vector<2048x768xf32> -> vector<2048x768xf32>
      %ge3A_237 = vector.broadcast %add3A_56 : i32 to vector<2048x1xi32>
      %ge3A_238 = arith.cmpi sge, %add3A_1, %ge3A_237 : vector<2048x1xi32>
      %lt3A_239 = vector.broadcast %add3A_85 : i32 to vector<2048x1xi32>
      %lt3A_240 = arith.cmpi slt, %add3A_1, %lt3A_239 : vector<2048x1xi32>
      %and3A_241 = arith.andi %ge3A_238, %lt3A_240 : vector<2048x1xi1>
      %convert_element_type3A_242 = arith.extui %and3A_241 : vector<2048x1xi1> to vector<2048x1xi32>
      %convert_element_type3A_243 = arith.sitofp %convert_element_type3A_242 : vector<2048x1xi32> to vector<2048x1xf32>
      %mul3A_244 = vector.broadcast %convert_element_type3A_243 : vector<2048x1xf32> to vector<2048x768xf32>
      %mul3A_245 = arith.mulf %mul3A_244, %dot_general3A_236 : vector<2048x768xf32>
      %swap3A = arith.constant 0 : index
      %swap3A_246 = arith.constant 0 : index
      %swap3A_247 = vector.load %arg4[%swap3A, %swap3A_246] : memref<2048x768xf32, #tpu.memory_space<vmem>>, vector<2048x768xf32>
      tpu.vector_store %arg4[%swap3A, %swap3A_246], %mul3A_245 {strides = array<i32>} : memref<2048x768xf32, #tpu.memory_space<vmem>>, vector<2048x768xf32>,
    } else {
    }
    %not3A_106 = arith.constant true
    %not3A_107 = arith.xori %le3A_91, %not3A_106 : i1
    %and3A_108 = arith.andi %and3A_98, %not3A_107 : i1
    %convert_element_type3A_109 = arith.extui %and3A_108 : i1 to i32
    %cond3A_110 = arith.constant 0 : i32
    %cond3A_111 = arith.cmpi ne, %convert_element_type3A_109, %cond3A_110 : i32
    scf.if %cond3A_111 {
      %get3A_228 = arith.constant 0 : index
      %get3A_229 = arith.constant 0 : index
      %get3A_230 = vector.load %arg2[%get3A_228, %get3A_229] : memref<2048x768xf32, #tpu.memory_space<vmem>>, vector<2048x768xf32>
      %get3A_231 = arith.constant 3 : index
      %get3A_232 = arith.constant 0 : index
      %get3A_233 = arith.constant 0 : index
      %get3A_234 = vector.load %arg3[%get3A_231, %get3A_232, %get3A_233] : memref<8x768x768xf32, #tpu.memory_space<vmem>>, vector<1x768x768xf32>
      %get3A_235 = vector.shape_cast %get3A_234 : vector<1x768x768xf32> to vector<768x768xf32>
      %dot_general3A = arith.constant dense<0.000000e+00> : vector<2048x768xf32>
      %dot_general3A_236 = tpu.matmul %get3A_230, %get3A_235, %dot_general3A {dimension_numbers = #tpu.dot_dimension_numbers<[1], [1], [0], [0], [0, 0, 1, 0], [], []>, transpose_lhs_hint = false} : vector<2048x768xf32>, vector<768x768xf32>, vector<2048x768xf32> -> vector<2048x768xf32>
      %ge3A_237 = vector.broadcast %add3A_56 : i32 to vector<2048x1xi32>
      %ge3A_238 = arith.cmpi sge, %add3A_1, %ge3A_237 : vector<2048x1xi32>
      %lt3A_239 = vector.broadcast %add3A_85 : i32 to vector<2048x1xi32>
      %lt3A_240 = arith.cmpi slt, %add3A_1, %lt3A_239 : vector<2048x1xi32>
      %and3A_241 = arith.andi %ge3A_238, %lt3A_240 : vector<2048x1xi1>
      %convert_element_type3A_242 = arith.extui %and3A_241 : vector<2048x1xi1> to vector<2048x1xi32>
      %convert_element_type3A_243 = arith.sitofp %convert_element_type3A_242 : vector<2048x1xi32> to vector<2048x1xf32>
      %get3A_244 = arith.constant 0 : index
      %get3A_245 = arith.constant 0 : index
      %get3A_246 = vector.load %arg4[%get3A_244, %get3A_245] : memref<2048x768xf32, #tpu.memory_space<vmem>>, vector<2048x768xf32>
      %mul3A_247 = vector.broadcast %convert_element_type3A_243 : vector<2048x1xf32> to vector<2048x768xf32>
      %mul3A_248 = arith.mulf %mul3A_247, %dot_general3A_236 : vector<2048x768xf32>
      %add3A_249 = arith.addf %get3A_246, %mul3A_248 : vector<2048x768xf32>
      %swap3A = arith.constant 0 : index
      %swap3A_250 = arith.constant 0 : index
      %swap3A_251 = vector.load %arg4[%swap3A, %swap3A_250] : memref<2048x768xf32, #tpu.memory_space<vmem>>, vector<2048x768xf32>
      tpu.vector_store %arg4[%swap3A, %swap3A_250], %add3A_249 {strides = array<i32>} : memref<2048x768xf32, #tpu.memory_space<vmem>>, vector<2048x768xf32>,
    } else {
    }
    %get3A_112 = arith.constant 4 : index
    %get3A_113 = memref.load %arg1[%get3A_112] : memref<16xi32, #tpu.memory_space<smem>>
    %add3A_114 = arith.addi %add3A_85, %get3A_113 : i32
    %add3A_115 = arith.constant 2048 : i32
    %add3A_116 = arith.addi %mul3A_0, %add3A_115 : i32
    %lt3A_117 = arith.cmpi slt, %add3A_85, %add3A_116 : i32
    %gt3A_118 = arith.cmpi sgt, %add3A_114, %mul3A_0 : i32
    %and3A_119 = arith.andi %lt3A_117, %gt3A_118 : i1
    %le3A_120 = arith.cmpi sle, %add3A_85, %mul3A_0 : i32
    %add3A_121 = arith.constant 2048 : i32
    %add3A_122 = arith.addi %mul3A_0, %add3A_121 : i32
    %ge3A_123 = arith.cmpi sge, %add3A_114, %add3A_122 : i32
    %and3A_124 = arith.andi %le3A_120, %ge3A_123 : i1
    %not3A_125 = arith.constant true
    %not3A_126 = arith.xori %and3A_124, %not3A_125 : i1
    %and3A_127 = arith.andi %and3A_119, %not3A_126 : i1
    %convert_element_type3A_128 = arith.extui %and3A_124 : i1 to i32
    %cond3A_129 = arith.constant 0 : i32
    %cond3A_130 = arith.cmpi ne, %convert_element_type3A_128, %cond3A_129 : i32
    scf.if %cond3A_130 {
      %get3A_228 = arith.constant 0 : index
      %get3A_229 = arith.constant 0 : index
      %get3A_230 = vector.load %arg2[%get3A_228, %get3A_229] : memref<2048x768xf32, #tpu.memory_space<vmem>>, vector<2048x768xf32>
      %get3A_231 = arith.constant 4 : index
      %get3A_232 = arith.constant 0 : index
      %get3A_233 = arith.constant 0 : index
      %get3A_234 = vector.load %arg3[%get3A_231, %get3A_232, %get3A_233] : memref<8x768x768xf32, #tpu.memory_space<vmem>>, vector<1x768x768xf32>
      %get3A_235 = vector.shape_cast %get3A_234 : vector<1x768x768xf32> to vector<768x768xf32>
      %dot_general3A = arith.constant dense<0.000000e+00> : vector<2048x768xf32>
      %dot_general3A_236 = tpu.matmul %get3A_230, %get3A_235, %dot_general3A {dimension_numbers = #tpu.dot_dimension_numbers<[1], [1], [0], [0], [0, 0, 1, 0], [], []>, transpose_lhs_hint = false} : vector<2048x768xf32>, vector<768x768xf32>, vector<2048x768xf32> -> vector<2048x768xf32>
      %swap3A = arith.constant 0 : index
      %swap3A_237 = arith.constant 0 : index
      %swap3A_238 = vector.load %arg4[%swap3A, %swap3A_237] : memref<2048x768xf32, #tpu.memory_space<vmem>>, vector<2048x768xf32>
      tpu.vector_store %arg4[%swap3A, %swap3A_237], %dot_general3A_236 {strides = array<i32>} : memref<2048x768xf32, #tpu.memory_space<vmem>>, vector<2048x768xf32>,
    } else {
    }
    %and3A_131 = arith.andi %and3A_127, %le3A_120 : i1
    %convert_element_type3A_132 = arith.extui %and3A_131 : i1 to i32
    %cond3A_133 = arith.constant 0 : i32
    %cond3A_134 = arith.cmpi ne, %convert_element_type3A_132, %cond3A_133 : i32
    scf.if %cond3A_134 {
      %get3A_228 = arith.constant 0 : index
      %get3A_229 = arith.constant 0 : index
      %get3A_230 = vector.load %arg2[%get3A_228, %get3A_229] : memref<2048x768xf32, #tpu.memory_space<vmem>>, vector<2048x768xf32>
      %get3A_231 = arith.constant 4 : index
      %get3A_232 = arith.constant 0 : index
      %get3A_233 = arith.constant 0 : index
      %get3A_234 = vector.load %arg3[%get3A_231, %get3A_232, %get3A_233] : memref<8x768x768xf32, #tpu.memory_space<vmem>>, vector<1x768x768xf32>
      %get3A_235 = vector.shape_cast %get3A_234 : vector<1x768x768xf32> to vector<768x768xf32>
      %dot_general3A = arith.constant dense<0.000000e+00> : vector<2048x768xf32>
      %dot_general3A_236 = tpu.matmul %get3A_230, %get3A_235, %dot_general3A {dimension_numbers = #tpu.dot_dimension_numbers<[1], [1], [0], [0], [0, 0, 1, 0], [], []>, transpose_lhs_hint = false} : vector<2048x768xf32>, vector<768x768xf32>, vector<2048x768xf32> -> vector<2048x768xf32>
      %ge3A_237 = vector.broadcast %add3A_85 : i32 to vector<2048x1xi32>
      %ge3A_238 = arith.cmpi sge, %add3A_1, %ge3A_237 : vector<2048x1xi32>
      %lt3A_239 = vector.broadcast %add3A_114 : i32 to vector<2048x1xi32>
      %lt3A_240 = arith.cmpi slt, %add3A_1, %lt3A_239 : vector<2048x1xi32>
      %and3A_241 = arith.andi %ge3A_238, %lt3A_240 : vector<2048x1xi1>
      %convert_element_type3A_242 = arith.extui %and3A_241 : vector<2048x1xi1> to vector<2048x1xi32>
      %convert_element_type3A_243 = arith.sitofp %convert_element_type3A_242 : vector<2048x1xi32> to vector<2048x1xf32>
      %mul3A_244 = vector.broadcast %convert_element_type3A_243 : vector<2048x1xf32> to vector<2048x768xf32>
      %mul3A_245 = arith.mulf %mul3A_244, %dot_general3A_236 : vector<2048x768xf32>
      %swap3A = arith.constant 0 : index
      %swap3A_246 = arith.constant 0 : index
      %swap3A_247 = vector.load %arg4[%swap3A, %swap3A_246] : memref<2048x768xf32, #tpu.memory_space<vmem>>, vector<2048x768xf32>
      tpu.vector_store %arg4[%swap3A, %swap3A_246], %mul3A_245 {strides = array<i32>} : memref<2048x768xf32, #tpu.memory_space<vmem>>, vector<2048x768xf32>,
    } else {
    }
    %not3A_135 = arith.constant true
    %not3A_136 = arith.xori %le3A_120, %not3A_135 : i1
    %and3A_137 = arith.andi %and3A_127, %not3A_136 : i1
    %convert_element_type3A_138 = arith.extui %and3A_137 : i1 to i32
    %cond3A_139 = arith.constant 0 : i32
    %cond3A_140 = arith.cmpi ne, %convert_element_type3A_138, %cond3A_139 : i32
    scf.if %cond3A_140 {
      %get3A_228 = arith.constant 0 : index
      %get3A_229 = arith.constant 0 : index
      %get3A_230 = vector.load %arg2[%get3A_228, %get3A_229] : memref<2048x768xf32, #tpu.memory_space<vmem>>, vector<2048x768xf32>
      %get3A_231 = arith.constant 4 : index
      %get3A_232 = arith.constant 0 : index
      %get3A_233 = arith.constant 0 : index
      %get3A_234 = vector.load %arg3[%get3A_231, %get3A_232, %get3A_233] : memref<8x768x768xf32, #tpu.memory_space<vmem>>, vector<1x768x768xf32>
      %get3A_235 = vector.shape_cast %get3A_234 : vector<1x768x768xf32> to vector<768x768xf32>
      %dot_general3A = arith.constant dense<0.000000e+00> : vector<2048x768xf32>
      %dot_general3A_236 = tpu.matmul %get3A_230, %get3A_235, %dot_general3A {dimension_numbers = #tpu.dot_dimension_numbers<[1], [1], [0], [0], [0, 0, 1, 0], [], []>, transpose_lhs_hint = false} : vector<2048x768xf32>, vector<768x768xf32>, vector<2048x768xf32> -> vector<2048x768xf32>
      %ge3A_237 = vector.broadcast %add3A_85 : i32 to vector<2048x1xi32>
      %ge3A_238 = arith.cmpi sge, %add3A_1, %ge3A_237 : vector<2048x1xi32>
      %lt3A_239 = vector.broadcast %add3A_114 : i32 to vector<2048x1xi32>
      %lt3A_240 = arith.cmpi slt, %add3A_1, %lt3A_239 : vector<2048x1xi32>
      %and3A_241 = arith.andi %ge3A_238, %lt3A_240 : vector<2048x1xi1>
      %convert_element_type3A_242 = arith.extui %and3A_241 : vector<2048x1xi1> to vector<2048x1xi32>
      %convert_element_type3A_243 = arith.sitofp %convert_element_type3A_242 : vector<2048x1xi32> to vector<2048x1xf32>
      %get3A_244 = arith.constant 0 : index
      %get3A_245 = arith.constant 0 : index
      %get3A_246 = vector.load %arg4[%get3A_244, %get3A_245] : memref<2048x768xf32, #tpu.memory_space<vmem>>, vector<2048x768xf32>
      %mul3A_247 = vector.broadcast %convert_element_type3A_243 : vector<2048x1xf32> to vector<2048x768xf32>
      %mul3A_248 = arith.mulf %mul3A_247, %dot_general3A_236 : vector<2048x768xf32>
      %add3A_249 = arith.addf %get3A_246, %mul3A_248 : vector<2048x768xf32>
      %swap3A = arith.constant 0 : index
      %swap3A_250 = arith.constant 0 : index
      %swap3A_251 = vector.load %arg4[%swap3A, %swap3A_250] : memref<2048x768xf32, #tpu.memory_space<vmem>>, vector<2048x768xf32>
      tpu.vector_store %arg4[%swap3A, %swap3A_250], %add3A_249 {strides = array<i32>} : memref<2048x768xf32, #tpu.memory_space<vmem>>, vector<2048x768xf32>,
    } else {
    }
    %get3A_141 = arith.constant 5 : index
    %get3A_142 = memref.load %arg1[%get3A_141] : memref<16xi32, #tpu.memory_space<smem>>
    %add3A_143 = arith.addi %add3A_114, %get3A_142 : i32
    %add3A_144 = arith.constant 2048 : i32
    %add3A_145 = arith.addi %mul3A_0, %add3A_144 : i32
    %lt3A_146 = arith.cmpi slt, %add3A_114, %add3A_145 : i32
    %gt3A_147 = arith.cmpi sgt, %add3A_143, %mul3A_0 : i32
    %and3A_148 = arith.andi %lt3A_146, %gt3A_147 : i1
    %le3A_149 = arith.cmpi sle, %add3A_114, %mul3A_0 : i32
    %add3A_150 = arith.constant 2048 : i32
    %add3A_151 = arith.addi %mul3A_0, %add3A_150 : i32
    %ge3A_152 = arith.cmpi sge, %add3A_143, %add3A_151 : i32
    %and3A_153 = arith.andi %le3A_149, %ge3A_152 : i1
    %not3A_154 = arith.constant true
    %not3A_155 = arith.xori %and3A_153, %not3A_154 : i1
    %and3A_156 = arith.andi %and3A_148, %not3A_155 : i1
    %convert_element_type3A_157 = arith.extui %and3A_153 : i1 to i32
    %cond3A_158 = arith.constant 0 : i32
    %cond3A_159 = arith.cmpi ne, %convert_element_type3A_157, %cond3A_158 : i32
    scf.if %cond3A_159 {
      %get3A_228 = arith.constant 0 : index
      %get3A_229 = arith.constant 0 : index
      %get3A_230 = vector.load %arg2[%get3A_228, %get3A_229] : memref<2048x768xf32, #tpu.memory_space<vmem>>, vector<2048x768xf32>
      %get3A_231 = arith.constant 5 : index
      %get3A_232 = arith.constant 0 : index
      %get3A_233 = arith.constant 0 : index
      %get3A_234 = vector.load %arg3[%get3A_231, %get3A_232, %get3A_233] : memref<8x768x768xf32, #tpu.memory_space<vmem>>, vector<1x768x768xf32>
      %get3A_235 = vector.shape_cast %get3A_234 : vector<1x768x768xf32> to vector<768x768xf32>
      %dot_general3A = arith.constant dense<0.000000e+00> : vector<2048x768xf32>
      %dot_general3A_236 = tpu.matmul %get3A_230, %get3A_235, %dot_general3A {dimension_numbers = #tpu.dot_dimension_numbers<[1], [1], [0], [0], [0, 0, 1, 0], [], []>, transpose_lhs_hint = false} : vector<2048x768xf32>, vector<768x768xf32>, vector<2048x768xf32> -> vector<2048x768xf32>
      %swap3A = arith.constant 0 : index
      %swap3A_237 = arith.constant 0 : index
      %swap3A_238 = vector.load %arg4[%swap3A, %swap3A_237] : memref<2048x768xf32, #tpu.memory_space<vmem>>, vector<2048x768xf32>
      tpu.vector_store %arg4[%swap3A, %swap3A_237], %dot_general3A_236 {strides = array<i32>} : memref<2048x768xf32, #tpu.memory_space<vmem>>, vector<2048x768xf32>,
    } else {
    }
    %and3A_160 = arith.andi %and3A_156, %le3A_149 : i1
    %convert_element_type3A_161 = arith.extui %and3A_160 : i1 to i32
    %cond3A_162 = arith.constant 0 : i32
    %cond3A_163 = arith.cmpi ne, %convert_element_type3A_161, %cond3A_162 : i32
    scf.if %cond3A_163 {
      %get3A_228 = arith.constant 0 : index
      %get3A_229 = arith.constant 0 : index
      %get3A_230 = vector.load %arg2[%get3A_228, %get3A_229] : memref<2048x768xf32, #tpu.memory_space<vmem>>, vector<2048x768xf32>
      %get3A_231 = arith.constant 5 : index
      %get3A_232 = arith.constant 0 : index
      %get3A_233 = arith.constant 0 : index
      %get3A_234 = vector.load %arg3[%get3A_231, %get3A_232, %get3A_233] : memref<8x768x768xf32, #tpu.memory_space<vmem>>, vector<1x768x768xf32>
      %get3A_235 = vector.shape_cast %get3A_234 : vector<1x768x768xf32> to vector<768x768xf32>
      %dot_general3A = arith.constant dense<0.000000e+00> : vector<2048x768xf32>
      %dot_general3A_236 = tpu.matmul %get3A_230, %get3A_235, %dot_general3A {dimension_numbers = #tpu.dot_dimension_numbers<[1], [1], [0], [0], [0, 0, 1, 0], [], []>, transpose_lhs_hint = false} : vector<2048x768xf32>, vector<768x768xf32>, vector<2048x768xf32> -> vector<2048x768xf32>
      %ge3A_237 = vector.broadcast %add3A_114 : i32 to vector<2048x1xi32>
      %ge3A_238 = arith.cmpi sge, %add3A_1, %ge3A_237 : vector<2048x1xi32>
      %lt3A_239 = vector.broadcast %add3A_143 : i32 to vector<2048x1xi32>
      %lt3A_240 = arith.cmpi slt, %add3A_1, %lt3A_239 : vector<2048x1xi32>
      %and3A_241 = arith.andi %ge3A_238, %lt3A_240 : vector<2048x1xi1>
      %convert_element_type3A_242 = arith.extui %and3A_241 : vector<2048x1xi1> to vector<2048x1xi32>
      %convert_element_type3A_243 = arith.sitofp %convert_element_type3A_242 : vector<2048x1xi32> to vector<2048x1xf32>
      %mul3A_244 = vector.broadcast %convert_element_type3A_243 : vector<2048x1xf32> to vector<2048x768xf32>
      %mul3A_245 = arith.mulf %mul3A_244, %dot_general3A_236 : vector<2048x768xf32>
      %swap3A = arith.constant 0 : index
      %swap3A_246 = arith.constant 0 : index
      %swap3A_247 = vector.load %arg4[%swap3A, %swap3A_246] : memref<2048x768xf32, #tpu.memory_space<vmem>>, vector<2048x768xf32>
      tpu.vector_store %arg4[%swap3A, %swap3A_246], %mul3A_245 {strides = array<i32>} : memref<2048x768xf32, #tpu.memory_space<vmem>>, vector<2048x768xf32>,
    } else {
    }
    %not3A_164 = arith.constant true
    %not3A_165 = arith.xori %le3A_149, %not3A_164 : i1
    %and3A_166 = arith.andi %and3A_156, %not3A_165 : i1
    %convert_element_type3A_167 = arith.extui %and3A_166 : i1 to i32
    %cond3A_168 = arith.constant 0 : i32
    %cond3A_169 = arith.cmpi ne, %convert_element_type3A_167, %cond3A_168 : i32
    scf.if %cond3A_169 {
      %get3A_228 = arith.constant 0 : index
      %get3A_229 = arith.constant 0 : index
      %get3A_230 = vector.load %arg2[%get3A_228, %get3A_229] : memref<2048x768xf32, #tpu.memory_space<vmem>>, vector<2048x768xf32>
      %get3A_231 = arith.constant 5 : index
      %get3A_232 = arith.constant 0 : index
      %get3A_233 = arith.constant 0 : index
      %get3A_234 = vector.load %arg3[%get3A_231, %get3A_232, %get3A_233] : memref<8x768x768xf32, #tpu.memory_space<vmem>>, vector<1x768x768xf32>
      %get3A_235 = vector.shape_cast %get3A_234 : vector<1x768x768xf32> to vector<768x768xf32>
      %dot_general3A = arith.constant dense<0.000000e+00> : vector<2048x768xf32>
      %dot_general3A_236 = tpu.matmul %get3A_230, %get3A_235, %dot_general3A {dimension_numbers = #tpu.dot_dimension_numbers<[1], [1], [0], [0], [0, 0, 1, 0], [], []>, transpose_lhs_hint = false} : vector<2048x768xf32>, vector<768x768xf32>, vector<2048x768xf32> -> vector<2048x768xf32>
      %ge3A_237 = vector.broadcast %add3A_114 : i32 to vector<2048x1xi32>
      %ge3A_238 = arith.cmpi sge, %add3A_1, %ge3A_237 : vector<2048x1xi32>
      %lt3A_239 = vector.broadcast %add3A_143 : i32 to vector<2048x1xi32>
      %lt3A_240 = arith.cmpi slt, %add3A_1, %lt3A_239 : vector<2048x1xi32>
      %and3A_241 = arith.andi %ge3A_238, %lt3A_240 : vector<2048x1xi1>
      %convert_element_type3A_242 = arith.extui %and3A_241 : vector<2048x1xi1> to vector<2048x1xi32>
      %convert_element_type3A_243 = arith.sitofp %convert_element_type3A_242 : vector<2048x1xi32> to vector<2048x1xf32>
      %get3A_244 = arith.constant 0 : index
      %get3A_245 = arith.constant 0 : index
      %get3A_246 = vector.load %arg4[%get3A_244, %get3A_245] : memref<2048x768xf32, #tpu.memory_space<vmem>>, vector<2048x768xf32>
      %mul3A_247 = vector.broadcast %convert_element_type3A_243 : vector<2048x1xf32> to vector<2048x768xf32>
      %mul3A_248 = arith.mulf %mul3A_247, %dot_general3A_236 : vector<2048x768xf32>
      %add3A_249 = arith.addf %get3A_246, %mul3A_248 : vector<2048x768xf32>
      %swap3A = arith.constant 0 : index
      %swap3A_250 = arith.constant 0 : index
      %swap3A_251 = vector.load %arg4[%swap3A, %swap3A_250] : memref<2048x768xf32, #tpu.memory_space<vmem>>, vector<2048x768xf32>
      tpu.vector_store %arg4[%swap3A, %swap3A_250], %add3A_249 {strides = array<i32>} : memref<2048x768xf32, #tpu.memory_space<vmem>>, vector<2048x768xf32>,
    } else {
    }
    %get3A_170 = arith.constant 6 : index
    %get3A_171 = memref.load %arg1[%get3A_170] : memref<16xi32, #tpu.memory_space<smem>>
    %add3A_172 = arith.addi %add3A_143, %get3A_171 : i32
    %add3A_173 = arith.constant 2048 : i32
    %add3A_174 = arith.addi %mul3A_0, %add3A_173 : i32
    %lt3A_175 = arith.cmpi slt, %add3A_143, %add3A_174 : i32
    %gt3A_176 = arith.cmpi sgt, %add3A_172, %mul3A_0 : i32
    %and3A_177 = arith.andi %lt3A_175, %gt3A_176 : i1
    %le3A_178 = arith.cmpi sle, %add3A_143, %mul3A_0 : i32
    %add3A_179 = arith.constant 2048 : i32
    %add3A_180 = arith.addi %mul3A_0, %add3A_179 : i32
    %ge3A_181 = arith.cmpi sge, %add3A_172, %add3A_180 : i32
    %and3A_182 = arith.andi %le3A_178, %ge3A_181 : i1
    %not3A_183 = arith.constant true
    %not3A_184 = arith.xori %and3A_182, %not3A_183 : i1
    %and3A_185 = arith.andi %and3A_177, %not3A_184 : i1
    %convert_element_type3A_186 = arith.extui %and3A_182 : i1 to i32
    %cond3A_187 = arith.constant 0 : i32
    %cond3A_188 = arith.cmpi ne, %convert_element_type3A_186, %cond3A_187 : i32
    scf.if %cond3A_188 {
      %get3A_228 = arith.constant 0 : index
      %get3A_229 = arith.constant 0 : index
      %get3A_230 = vector.load %arg2[%get3A_228, %get3A_229] : memref<2048x768xf32, #tpu.memory_space<vmem>>, vector<2048x768xf32>
      %get3A_231 = arith.constant 6 : index
      %get3A_232 = arith.constant 0 : index
      %get3A_233 = arith.constant 0 : index
      %get3A_234 = vector.load %arg3[%get3A_231, %get3A_232, %get3A_233] : memref<8x768x768xf32, #tpu.memory_space<vmem>>, vector<1x768x768xf32>
      %get3A_235 = vector.shape_cast %get3A_234 : vector<1x768x768xf32> to vector<768x768xf32>
      %dot_general3A = arith.constant dense<0.000000e+00> : vector<2048x768xf32>
      %dot_general3A_236 = tpu.matmul %get3A_230, %get3A_235, %dot_general3A {dimension_numbers = #tpu.dot_dimension_numbers<[1], [1], [0], [0], [0, 0, 1, 0], [], []>, transpose_lhs_hint = false} : vector<2048x768xf32>, vector<768x768xf32>, vector<2048x768xf32> -> vector<2048x768xf32>
      %swap3A = arith.constant 0 : index
      %swap3A_237 = arith.constant 0 : index
      %swap3A_238 = vector.load %arg4[%swap3A, %swap3A_237] : memref<2048x768xf32, #tpu.memory_space<vmem>>, vector<2048x768xf32>
      tpu.vector_store %arg4[%swap3A, %swap3A_237], %dot_general3A_236 {strides = array<i32>} : memref<2048x768xf32, #tpu.memory_space<vmem>>, vector<2048x768xf32>,
    } else {
    }
    %and3A_189 = arith.andi %and3A_185, %le3A_178 : i1
    %convert_element_type3A_190 = arith.extui %and3A_189 : i1 to i32
    %cond3A_191 = arith.constant 0 : i32
    %cond3A_192 = arith.cmpi ne, %convert_element_type3A_190, %cond3A_191 : i32
    scf.if %cond3A_192 {
      %get3A_228 = arith.constant 0 : index
      %get3A_229 = arith.constant 0 : index
      %get3A_230 = vector.load %arg2[%get3A_228, %get3A_229] : memref<2048x768xf32, #tpu.memory_space<vmem>>, vector<2048x768xf32>
      %get3A_231 = arith.constant 6 : index
      %get3A_232 = arith.constant 0 : index
      %get3A_233 = arith.constant 0 : index
      %get3A_234 = vector.load %arg3[%get3A_231, %get3A_232, %get3A_233] : memref<8x768x768xf32, #tpu.memory_space<vmem>>, vector<1x768x768xf32>
      %get3A_235 = vector.shape_cast %get3A_234 : vector<1x768x768xf32> to vector<768x768xf32>
      %dot_general3A = arith.constant dense<0.000000e+00> : vector<2048x768xf32>
      %dot_general3A_236 = tpu.matmul %get3A_230, %get3A_235, %dot_general3A {dimension_numbers = #tpu.dot_dimension_numbers<[1], [1], [0], [0], [0, 0, 1, 0], [], []>, transpose_lhs_hint = false} : vector<2048x768xf32>, vector<768x768xf32>, vector<2048x768xf32> -> vector<2048x768xf32>
      %ge3A_237 = vector.broadcast %add3A_143 : i32 to vector<2048x1xi32>
      %ge3A_238 = arith.cmpi sge, %add3A_1, %ge3A_237 : vector<2048x1xi32>
      %lt3A_239 = vector.broadcast %add3A_172 : i32 to vector<2048x1xi32>
      %lt3A_240 = arith.cmpi slt, %add3A_1, %lt3A_239 : vector<2048x1xi32>
      %and3A_241 = arith.andi %ge3A_238, %lt3A_240 : vector<2048x1xi1>
      %convert_element_type3A_242 = arith.extui %and3A_241 : vector<2048x1xi1> to vector<2048x1xi32>
      %convert_element_type3A_243 = arith.sitofp %convert_element_type3A_242 : vector<2048x1xi32> to vector<2048x1xf32>
      %mul3A_244 = vector.broadcast %convert_element_type3A_243 : vector<2048x1xf32> to vector<2048x768xf32>
      %mul3A_245 = arith.mulf %mul3A_244, %dot_general3A_236 : vector<2048x768xf32>
      %swap3A = arith.constant 0 : index
      %swap3A_246 = arith.constant 0 : index
      %swap3A_247 = vector.load %arg4[%swap3A, %swap3A_246] : memref<2048x768xf32, #tpu.memory_space<vmem>>, vector<2048x768xf32>
      tpu.vector_store %arg4[%swap3A, %swap3A_246], %mul3A_245 {strides = array<i32>} : memref<2048x768xf32, #tpu.memory_space<vmem>>, vector<2048x768xf32>,
    } else {
    }
    %not3A_193 = arith.constant true
    %not3A_194 = arith.xori %le3A_178, %not3A_193 : i1
    %and3A_195 = arith.andi %and3A_185, %not3A_194 : i1
    %convert_element_type3A_196 = arith.extui %and3A_195 : i1 to i32
    %cond3A_197 = arith.constant 0 : i32
    %cond3A_198 = arith.cmpi ne, %convert_element_type3A_196, %cond3A_197 : i32
    scf.if %cond3A_198 {
      %get3A_228 = arith.constant 0 : index
      %get3A_229 = arith.constant 0 : index
      %get3A_230 = vector.load %arg2[%get3A_228, %get3A_229] : memref<2048x768xf32, #tpu.memory_space<vmem>>, vector<2048x768xf32>
      %get3A_231 = arith.constant 6 : index
      %get3A_232 = arith.constant 0 : index
      %get3A_233 = arith.constant 0 : index
      %get3A_234 = vector.load %arg3[%get3A_231, %get3A_232, %get3A_233] : memref<8x768x768xf32, #tpu.memory_space<vmem>>, vector<1x768x768xf32>
      %get3A_235 = vector.shape_cast %get3A_234 : vector<1x768x768xf32> to vector<768x768xf32>
      %dot_general3A = arith.constant dense<0.000000e+00> : vector<2048x768xf32>
      %dot_general3A_236 = tpu.matmul %get3A_230, %get3A_235, %dot_general3A {dimension_numbers = #tpu.dot_dimension_numbers<[1], [1], [0], [0], [0, 0, 1, 0], [], []>, transpose_lhs_hint = false} : vector<2048x768xf32>, vector<768x768xf32>, vector<2048x768xf32> -> vector<2048x768xf32>
      %ge3A_237 = vector.broadcast %add3A_143 : i32 to vector<2048x1xi32>
      %ge3A_238 = arith.cmpi sge, %add3A_1, %ge3A_237 : vector<2048x1xi32>
      %lt3A_239 = vector.broadcast %add3A_172 : i32 to vector<2048x1xi32>
      %lt3A_240 = arith.cmpi slt, %add3A_1, %lt3A_239 : vector<2048x1xi32>
      %and3A_241 = arith.andi %ge3A_238, %lt3A_240 : vector<2048x1xi1>
      %convert_element_type3A_242 = arith.extui %and3A_241 : vector<2048x1xi1> to vector<2048x1xi32>
      %convert_element_type3A_243 = arith.sitofp %convert_element_type3A_242 : vector<2048x1xi32> to vector<2048x1xf32>
      %get3A_244 = arith.constant 0 : index
      %get3A_245 = arith.constant 0 : index
      %get3A_246 = vector.load %arg4[%get3A_244, %get3A_245] : memref<2048x768xf32, #tpu.memory_space<vmem>>, vector<2048x768xf32>
      %mul3A_247 = vector.broadcast %convert_element_type3A_243 : vector<2048x1xf32> to vector<2048x768xf32>
      %mul3A_248 = arith.mulf %mul3A_247, %dot_general3A_236 : vector<2048x768xf32>
      %add3A_249 = arith.addf %get3A_246, %mul3A_248 : vector<2048x768xf32>
      %swap3A = arith.constant 0 : index
      %swap3A_250 = arith.constant 0 : index
      %swap3A_251 = vector.load %arg4[%swap3A, %swap3A_250] : memref<2048x768xf32, #tpu.memory_space<vmem>>, vector<2048x768xf32>
      tpu.vector_store %arg4[%swap3A, %swap3A_250], %add3A_249 {strides = array<i32>} : memref<2048x768xf32, #tpu.memory_space<vmem>>, vector<2048x768xf32>,
    } else {
    }
    %get3A_199 = arith.constant 7 : index
    %get3A_200 = memref.load %arg1[%get3A_199] : memref<16xi32, #tpu.memory_space<smem>>
    %add3A_201 = arith.addi %add3A_172, %get3A_200 : i32
    %add3A_202 = arith.constant 2048 : i32
    %add3A_203 = arith.addi %mul3A_0, %add3A_202 : i32
    %lt3A_204 = arith.cmpi slt, %add3A_172, %add3A_203 : i32
    %gt3A_205 = arith.cmpi sgt, %add3A_201, %mul3A_0 : i32
    %and3A_206 = arith.andi %lt3A_204, %gt3A_205 : i1
    %le3A_207 = arith.cmpi sle, %add3A_172, %mul3A_0 : i32
    %add3A_208 = arith.constant 2048 : i32
    %add3A_209 = arith.addi %mul3A_0, %add3A_208 : i32
    %ge3A_210 = arith.cmpi sge, %add3A_201, %add3A_209 : i32
    %and3A_211 = arith.andi %le3A_207, %ge3A_210 : i1
    %not3A_212 = arith.constant true
    %not3A_213 = arith.xori %and3A_211, %not3A_212 : i1
    %and3A_214 = arith.andi %and3A_206, %not3A_213 : i1
    %convert_element_type3A_215 = arith.extui %and3A_211 : i1 to i32
    %cond3A_216 = arith.constant 0 : i32
    %cond3A_217 = arith.cmpi ne, %convert_element_type3A_215, %cond3A_216 : i32
    scf.if %cond3A_217 {
      %get3A_228 = arith.constant 0 : index
      %get3A_229 = arith.constant 0 : index
      %get3A_230 = vector.load %arg2[%get3A_228, %get3A_229] : memref<2048x768xf32, #tpu.memory_space<vmem>>, vector<2048x768xf32>
      %get3A_231 = arith.constant 7 : index
      %get3A_232 = arith.constant 0 : index
      %get3A_233 = arith.constant 0 : index
      %get3A_234 = vector.load %arg3[%get3A_231, %get3A_232, %get3A_233] : memref<8x768x768xf32, #tpu.memory_space<vmem>>, vector<1x768x768xf32>
      %get3A_235 = vector.shape_cast %get3A_234 : vector<1x768x768xf32> to vector<768x768xf32>
      %dot_general3A = arith.constant dense<0.000000e+00> : vector<2048x768xf32>
      %dot_general3A_236 = tpu.matmul %get3A_230, %get3A_235, %dot_general3A {dimension_numbers = #tpu.dot_dimension_numbers<[1], [1], [0], [0], [0, 0, 1, 0], [], []>, transpose_lhs_hint = false} : vector<2048x768xf32>, vector<768x768xf32>, vector<2048x768xf32> -> vector<2048x768xf32>
      %swap3A = arith.constant 0 : index
      %swap3A_237 = arith.constant 0 : index
      %swap3A_238 = vector.load %arg4[%swap3A, %swap3A_237] : memref<2048x768xf32, #tpu.memory_space<vmem>>, vector<2048x768xf32>
      tpu.vector_store %arg4[%swap3A, %swap3A_237], %dot_general3A_236 {strides = array<i32>} : memref<2048x768xf32, #tpu.memory_space<vmem>>, vector<2048x768xf32>,
    } else {
    }
    %and3A_218 = arith.andi %and3A_214, %le3A_207 : i1
    %convert_element_type3A_219 = arith.extui %and3A_218 : i1 to i32
    %cond3A_220 = arith.constant 0 : i32
    %cond3A_221 = arith.cmpi ne, %convert_element_type3A_219, %cond3A_220 : i32
    scf.if %cond3A_221 {
      %get3A_228 = arith.constant 0 : index
      %get3A_229 = arith.constant 0 : index
      %get3A_230 = vector.load %arg2[%get3A_228, %get3A_229] : memref<2048x768xf32, #tpu.memory_space<vmem>>, vector<2048x768xf32>
      %get3A_231 = arith.constant 7 : index
      %get3A_232 = arith.constant 0 : index
      %get3A_233 = arith.constant 0 : index
      %get3A_234 = vector.load %arg3[%get3A_231, %get3A_232, %get3A_233] : memref<8x768x768xf32, #tpu.memory_space<vmem>>, vector<1x768x768xf32>
      %get3A_235 = vector.shape_cast %get3A_234 : vector<1x768x768xf32> to vector<768x768xf32>
      %dot_general3A = arith.constant dense<0.000000e+00> : vector<2048x768xf32>
      %dot_general3A_236 = tpu.matmul %get3A_230, %get3A_235, %dot_general3A {dimension_numbers = #tpu.dot_dimension_numbers<[1], [1], [0], [0], [0, 0, 1, 0], [], []>, transpose_lhs_hint = false} : vector<2048x768xf32>, vector<768x768xf32>, vector<2048x768xf32> -> vector<2048x768xf32>
      %ge3A_237 = vector.broadcast %add3A_172 : i32 to vector<2048x1xi32>
      %ge3A_238 = arith.cmpi sge, %add3A_1, %ge3A_237 : vector<2048x1xi32>
      %lt3A_239 = vector.broadcast %add3A_201 : i32 to vector<2048x1xi32>
      %lt3A_240 = arith.cmpi slt, %add3A_1, %lt3A_239 : vector<2048x1xi32>
      %and3A_241 = arith.andi %ge3A_238, %lt3A_240 : vector<2048x1xi1>
      %convert_element_type3A_242 = arith.extui %and3A_241 : vector<2048x1xi1> to vector<2048x1xi32>
      %convert_element_type3A_243 = arith.sitofp %convert_element_type3A_242 : vector<2048x1xi32> to vector<2048x1xf32>
      %mul3A_244 = vector.broadcast %convert_element_type3A_243 : vector<2048x1xf32> to vector<2048x768xf32>
      %mul3A_245 = arith.mulf %mul3A_244, %dot_general3A_236 : vector<2048x768xf32>
      %swap3A = arith.constant 0 : index
      %swap3A_246 = arith.constant 0 : index
      %swap3A_247 = vector.load %arg4[%swap3A, %swap3A_246] : memref<2048x768xf32, #tpu.memory_space<vmem>>, vector<2048x768xf32>
      tpu.vector_store %arg4[%swap3A, %swap3A_246], %mul3A_245 {strides = array<i32>} : memref<2048x768xf32, #tpu.memory_space<vmem>>, vector<2048x768xf32>,
    } else {
    }
    %not3A_222 = arith.constant true
    %not3A_223 = arith.xori %le3A_207, %not3A_222 : i1
    %and3A_224 = arith.andi %and3A_214, %not3A_223 : i1
    %convert_element_type3A_225 = arith.extui %and3A_224 : i1 to i32
    %cond3A_226 = arith.constant 0 : i32
    %cond3A_227 = arith.cmpi ne, %convert_element_type3A_225, %cond3A_226 : i32
    scf.if %cond3A_227 {
      %get3A_228 = arith.constant 0 : index
      %get3A_229 = arith.constant 0 : index
      %get3A_230 = vector.load %arg2[%get3A_228, %get3A_229] : memref<2048x768xf32, #tpu.memory_space<vmem>>, vector<2048x768xf32>
      %get3A_231 = arith.constant 7 : index
      %get3A_232 = arith.constant 0 : index
      %get3A_233 = arith.constant 0 : index
      %get3A_234 = vector.load %arg3[%get3A_231, %get3A_232, %get3A_233] : memref<8x768x768xf32, #tpu.memory_space<vmem>>, vector<1x768x768xf32>
      %get3A_235 = vector.shape_cast %get3A_234 : vector<1x768x768xf32> to vector<768x768xf32>
      %dot_general3A = arith.constant dense<0.000000e+00> : vector<2048x768xf32>
      %dot_general3A_236 = tpu.matmul %get3A_230, %get3A_235, %dot_general3A {dimension_numbers = #tpu.dot_dimension_numbers<[1], [1], [0], [0], [0, 0, 1, 0], [], []>, transpose_lhs_hint = false} : vector<2048x768xf32>, vector<768x768xf32>, vector<2048x768xf32> -> vector<2048x768xf32>
      %ge3A_237 = vector.broadcast %add3A_172 : i32 to vector<2048x1xi32>
      %ge3A_238 = arith.cmpi sge, %add3A_1, %ge3A_237 : vector<2048x1xi32>
      %lt3A_239 = vector.broadcast %add3A_201 : i32 to vector<2048x1xi32>
      %lt3A_240 = arith.cmpi slt, %add3A_1, %lt3A_239 : vector<2048x1xi32>
      %and3A_241 = arith.andi %ge3A_238, %lt3A_240 : vector<2048x1xi1>
      %convert_element_type3A_242 = arith.extui %and3A_241 : vector<2048x1xi1> to vector<2048x1xi32>
      %convert_element_type3A_243 = arith.sitofp %convert_element_type3A_242 : vector<2048x1xi32> to vector<2048x1xf32>
      %get3A_244 = arith.constant 0 : index
      %get3A_245 = arith.constant 0 : index
      %get3A_246 = vector.load %arg4[%get3A_244, %get3A_245] : memref<2048x768xf32, #tpu.memory_space<vmem>>, vector<2048x768xf32>
      %mul3A_247 = vector.broadcast %convert_element_type3A_243 : vector<2048x1xf32> to vector<2048x768xf32>
      %mul3A_248 = arith.mulf %mul3A_247, %dot_general3A_236 : vector<2048x768xf32>
      %add3A_249 = arith.addf %get3A_246, %mul3A_248 : vector<2048x768xf32>
      %swap3A = arith.constant 0 : index
      %swap3A_250 = arith.constant 0 : index
      %swap3A_251 = vector.load %arg4[%swap3A, %swap3A_250] : memref<2048x768xf32, #tpu.memory_space<vmem>>, vector<2048x768xf32>
      tpu.vector_store %arg4[%swap3A, %swap3A_250], %add3A_249 {strides = array<i32>} : memref<2048x768xf32, #tpu.memory_space<vmem>>, vector<2048x768xf32>,
    } else {
    }
    return
  }
  func.func @transform_0(%arg0: i32, %arg1: memref<16xi32, #tpu.memory_space<smem>>) -> (i32, i32) {
    %c0_i32 = arith.constant 0 : i32
    %c0_i32_0 = arith.constant 0 : i32
    return %arg0, %c0_i32 : i32, i32
  }
  func.func @transform_1(%arg0: i32, %arg1: memref<16xi32, #tpu.memory_space<smem>>) -> (i32, i32, i32) {
    %c0_i32 = arith.constant 0 : i32
    %c0_i32_0 = arith.constant 0 : i32
    %c0_i32_1 = arith.constant 0 : i32
    %c0_i32_2 = arith.constant 0 : i32
    return %c0_i32, %c0_i32_0, %c0_i32_1 : i32, i32, i32
  }
  func.func @transform_2(%arg0: i32, %arg1: memref<16xi32, #tpu.memory_space<smem>>) -> (i32, i32) {
    %c0_i32 = arith.constant 0 : i32
    %c0_i32_0 = arith.constant 0 : i32
    return %arg0, %c0_i32 : i32, i32
  }
}

</mosaic_0001>

<sc_bundles>
// kernel: kernel.10.cloned.1.call-start
scs
__scs_entry_jumppad:
0x0: {  	(pc) =	sbr.rel $0x88, $3  }
0x1: {  	(tag) =	ssettag $0x0;
	lr =	simm.s32 $0x1  }
0x2: {  	[smem:$0x3F9E] =	sst lr;
	_ =	strace $0xD0000000  }
0x3: {  	_ = 	snop  }
0x4: {  	_ = 	snop  }
0x5: {  	_ = 	snop  }
0x6: {  	_ = 	snop  }
0x7: {  	_ = 	snop  }
__scs_overlays_trampoline_lowered:
0x8: {  	[smem:$0x3FAD] =	sst s0  }
0x9: {  	[smem:$0x3FAE] =	sst s1  }
0xa: {  	[smem:$0x3FAF] =	sst s2  }
0xb: {  	[smem:$0x3FB0] =	sst s3  }
0xc: {  	[smem:$0x3FB1] =	sst s4  }
0xd: {  	[smem:$0x3FB2] =	sst s5  }
0xe: {  	[smem:$0x3FB3] =	sst s6  }
0xf: {  	[smem:$0x3FB4] =	sst s7  }
0x10: {  	[smem:$0x3FB5] =	sst s8  }
0x11: {  	[smem:$0x3FB6] =	sst s9;
	s0 =	simm.s32 @!p0 $0x0  }
0x12: {  	s1 =	sld [smem:$0x3F9C];
	s0 =	simm.s32 @p0 $0x1  }
0x13: {  	[smem:$0x3FB7] =	sst s0;
	s0 =	simm.s32 @!p1 $0x0  }
0x14: {  	s2 =	sld [smem:$0x3F9B];
	s0 =	simm.s32 @p1 $0x1  }
0x15: {  	[smem:$0x3FB8] =	sst s0;
	s0 =	simm.s32 @!p2 $0x0  }
0x16: {  	s3 =	sld [smem:$0x3FDB];
	s0 =	simm.s32 @p2 $0x1  }
0x17: {  	s4 =	simm.s32 $0x1BF5;
	[smem:$0x3FBA] =	sst s0  }
0x18: {  	s0 =	sld [smem:$0x3F9D];
	_ =	swait.ge [sflag:s4], $0x0  }
0x19: {  	s7 =	sld [smem:$0x3F9E]  }
0x1a: {  	s8 =	sadd.s32 $0xFFFFE003, lr  }
0x1b: {  	s9 =	sadd.s32 $0xFFFFFEF7, lr;
	s5 =	simm.s32 $0xFFFFFFFF;
	p2 =	slt.u32 s8, $0xFFFFF086  }
0x1c: {  	p1 =	slt.u32 s9, $0xF7A;
	s5 =	simm.s32 @!p2 $0x0  }
0x1d: {  	s5 =	simm.s32 @p1 $0x1;
	p0 =	seq.s32 s7, s2  }
0x1e: {  	s7 =	smul.u32 @!p0 $0xF7A, s2;
	p2 =	seq.s32 @!p0 s5, $0x0  }
0x1f: {  	s9 =	smul.u32 $0xF7A, s1;
	s8 =	simm.s32 @!p0 $0x1BF5;
	p2 =	por !p2, p0  }
0x20: {  	[sflag:s8] =	ssyncset.s32 @!p0 $0xFFFFF086;
	s6 =	sadd.s32 @!p0 s3, s7;
	s7 =	simm.s32 @!p0 $0x108  }
0x21: {  	s3 =	sadd.s32 s3, s9;
	s6 =	sadd.s32 @!p0 $0x88, s6;
	s7 =	simm.s32 @p2 $0x1082  }
0x22: {  	[simem:s7], [sflag:s8] =	dma.local @!p0 [hbm:s6], $0xF7A  }
0x23: {  	s9 =	sor.u32 $0xD0000000, s2;
	s6 =	simm.s32 $0x108;
	_ =	swait.ge @!p0 [sflag:s8], $0x0  }
0x24: {  	s3 =	sadd.s32 $0x88, s3;
	s6 =	simm.s32 @!p1 $0x1082;
	[sflag:s4] =	ssyncset.s32 $0xFFFFF086  }
0x25: {  	[simem:s6], [sflag:s4] =	dma.local [hbm:s3], $0xF7A  }
0x26: {  	[smem:$0x3F9E] =	sst s1;
	(tag) =	ssettag s2;
	_ =	strace s9  }
0x27: {  	s1 =	sld [smem:$0x3FAE]  }
0x28: {  	s2 =	sld [smem:$0x3FAF]  }
0x29: {  	s4 =	sld [smem:$0x3FB1]  }
0x2a: {  	p0 =	seq.s32 s5, $0x0;
	s5 =	sld [smem:$0x3FB2]  }
0x2b: {  	s6 =	sld [smem:$0x3FB3]  }
0x2c: {  	s7 =	sld [smem:$0x3FB4]  }
0x2d: {  	s3 =	simm.s32 $0x108;
	s8 =	sld [smem:$0x3FB5]  }
0x2e: {  	s3 =	simm.s32 @!p0 $0x1082;
	s9 =	sld [smem:$0x3FB6]  }
0x2f: {  	lr =	sadd.s32 s0, s3;
	s0 =	sld [smem:$0x3FAD]  }
0x30: {  	s3 =	sld [smem:$0x3FB0]  }
0x31: {  	[smem:$0x3FB9] =	sst s10  }
0x32: {  	s10 =	sld [smem:$0x3FB7];
	_ =	sdelay $0x3  }
0x33: {  	p0 =	seq.s32 s10, $0x1;
	s10 =	sld [smem:$0x3FB9];
	_ =	sdelay $0x3  }
0x34: {  	[smem:$0x3FB9] =	sst s10  }
0x35: {  	s10 =	sld [smem:$0x3FB8];
	_ =	sdelay $0x3  }
0x36: {  	p1 =	seq.s32 s10, $0x1;
	s10 =	sld [smem:$0x3FB9];
	_ =	sdelay $0x3  }
0x37: {  	[smem:$0x3FB9] =	sst s10  }
0x38: {  	s10 =	sld [smem:$0x3FBA]  }
0x39: {  	_ = 	snop;
	(pc) =	sbr.ind lr, $3  }
0x3a: {  	_ = 	snop  }
0x3b: {  	_ = 	snop  }
0x3c: {  	p2 =	seq.s32 s10, $0x1;
	s10 =	sld [smem:$0x3FB9]  }
0x3d: {  	_ =	shalt  }
0x3e: {  	_ =	shalt  }
0x3f: {  	_ =	shalt  }
0x40: {  	_ =	shalt  }
0x41: {  	_ =	shalt  }
0x42: {  	_ =	shalt  }
0x43: {  	_ =	shalt  }
0x44: {  	_ =	shalt  }
0x45: {  	_ =	shalt  }
0x46: {  	_ =	shalt  }
0x47: {  	_ =	shalt  }
0x48: {  	_ =	shalt  }
0x49: {  	_ =	shalt  }
0x4a: {  	_ =	shalt  }
0x4b: {  	_ =	shalt  }
0x4c: {  	_ =	shalt  }
0x4d: {  	_ =	shalt  }
0x4e: {  	_ =	shalt  }
0x4f: {  	_ =	shalt  }
0x50: {  	_ =	shalt  }
0x51: {  	_ =	shalt  }
0x52: {  	_ =	shalt  }
0x53: {  	_ =	shalt  }
0x54: {  	_ =	shalt  }
0x55: {  	_ =	shalt  }
0x56: {  	_ =	shalt  }
0x57: {  	_ =	shalt  }
0x58: {  	_ =	shalt  }
0x59: {  	_ =	shalt  }
0x5a: {  	_ =	shalt  }
0x5b: {  	_ =	shalt  }
0x5c: {  	_ =	shalt  }
0x5d: {  	_ =	shalt  }
0x5e: {  	_ =	shalt  }
0x5f: {  	_ =	shalt  }
0x60: {  	_ =	shalt  }
0x61: {  	_ =	shalt  }
0x62: {  	_ =	shalt  }
0x63: {  	_ =	shalt  }
0x64: {  	_ =	shalt  }
0x65: {  	_ =	shalt  }
0x66: {  	_ =	shalt  }
0x67: {  	_ =	shalt  }
0x68: {  	_ =	shalt  }
0x69: {  	_ =	shalt  }
0x6a: {  	_ =	shalt  }
0x6b: {  	_ =	shalt  }
0x6c: {  	_ =	shalt  }
0x6d: {  	_ =	shalt  }
0x6e: {  	_ =	shalt  }
0x6f: {  	_ =	shalt  }
0x70: {  	_ =	shalt  }
0x71: {  	_ =	shalt  }
0x72: {  	_ =	shalt  }
0x73: {  	_ =	shalt  }
0x74: {  	_ =	shalt  }
0x75: {  	_ =	shalt  }
0x76: {  	_ =	shalt  }
0x77: {  	_ =	shalt  }
0x78: {  	_ =	shalt  }
0x79: {  	_ =	shalt  }
0x7a: {  	_ =	shalt  }
0x7b: {  	_ =	shalt  }
0x7c: {  	_ =	shalt  }
0x7d: {  	_ =	shalt  }
0x7e: {  	_ =	shalt  }
0x7f: {  	_ =	shalt  }
0x80: {  	_ =	shalt  }
0x81: {  	_ =	shalt  }
0x82: {  	_ =	shalt  }
0x83: {  	_ =	shalt  }
0x84: {  	_ =	shalt  }
0x85: {  	_ =	shalt  }
0x86: {  	_ =	shalt  }
0x87: {  	_ =	shalt  }
.Lfunc_end0:
.L_simem_size_0:
called_computation.1_lowered:
.L_overlay_start_0:
0x88: {  	s2 =	sld [smem:$0x3FD9]  }
0x89: {  	s3 =	sld [smem:$0x3FFE];
	_ =	sdelay $0x1  }
0x8a: {  	s1 =	srdreg.scid  }
0x8b: {  	s0 =	sand.u32 $0x1, s1  }
0x8c: {  	s17 =	sshll.u32 s0, $0xA;
	s2 =	sadd.s32 s3, s2  }
0x8d: {  	s2 =	sadd.s32 s2, s17  }
0x8e: {  	[smem:$0x3FC5] =	sst s2  }
0x8f: {  	_ = 	snop  }
0x90: {  	s2 =	sld [smem:$0x3FD0];
	(tm) =	ssettm $0x1  }
0x91: {  	s18 =	sld [smem:$0x3FFB];
	_ =	sdelay $0x3  }
0x92: {  	_ =	strace s18  }
0x93: {  	s3 =	sld [smem:$0x3FFC];
	_ =	sdelay $0x3  }
0x94: {  	_ =	strace s3  }
0x95: {  	s3 =	sld [smem:$0x3FFD];
	_ =	sdelay $0x3  }
0x96: {  	_ =	strace s3  }
0x97: {  	_ =	strace $0x8FFFFFFF  }
0x98: {  	s19 =	sld [smem:$0x3FDB];
	_ =	sdelay $0x1  }
0x99: {  	s4 =	simm.s32 $_scs_section_size  }
0x9a: {  	s5 =	simm.s32 $_size__tile_overlayer_lowered;
	s6 =	simm.s32 $_tile_overlayer_lowered  }
0x9b: {  	s22 =	simm.s32 $0x1BFF;
	s21 =	sshll.u32 s6, $0x1;
	s3 =	sadd.s32 s4, s19  }
0x9c: {  	s7 =	simm.s32 $0x0;
	s20 =	sshll.u32 s5, $0x1;
	s5 =	sadd.s32 s21, s3  }
0x9d: {  	[timem:s7], [sflag:s22] =	dma.local [hbm:s5], s20  }
0x9e: {  	_ =	swait.ge [sflag:s22], s20  }
0x9f: {  	s4 =	ssub.s32 $0x0, s20;
	[sflag:s22] =	ssyncset.done $0x0  }
0xa0: {  	[sflag:s22] =	ssyncadd.s32 s4;
	_ =	sdelay $0x1  }
0xa1: {  	s23 =	simm.s32 $0x1B8B  }
0xa2: {  	_ =	swait.ge [sflag:s23], $0x1  }
0xa3: {  	[sflag:s23] =	ssyncset.done $0x0  }
0xa4: {  	s25 =	simm.s32 $0x1B8E;
	s24 =	sld [smem:$0x3FFE];
	[sflag:s23] =	ssyncadd.s32 $0xFFFFFFFF  }
0xa5: {  	s26 =	simm.s32 $execute0_lowered;
	[smem:$0x3FD2] =	sst s25  }
0xa6: {  	s5 =	sshll.u32 s26, $0x1;
	_ =	strace $0x80000049;
	[dreg:$0x1] =	wrdreg $0xFFFFFFFF  }
0xa7: {  	s28 =	simm.s32 $_size_execute0_lowered;
	s3 =	sadd.s32 s3, s5;
	[dreg:$0x0] =	wrdreg $0x0  }
0xa8: {  	s5 =	sshll.u32 s28, $0x1;
	[dreg:$0x2] =	wrdreg s3  }
0xa9: {  	[dreg:$0x3] =	wrdreg s5  }
0xaa: {  	[dreg:$0x4] =	wrdreg $0xC0  }
0xab: {  	_ =	task [dreg:s7], $0x5FFFF  }
0xac: {  	[dreg:$0x1] =	wrdreg $0xFFFFFFFF  }
0xad: {  	[dreg:$0x0] =	wrdreg $0x60  }
0xae: {  	[dreg:$0x2] =	wrdreg s24  }
0xaf: {  	[dreg:$0x3] =	wrdreg s2  }
0xb0: {  	[dreg:$0x4] =	wrdreg $0x9  }
0xb1: {  	_ =	task.clear_ibuf [dreg:s7], $0x5FFFF;
	_ =	strace $0x90000049  }
0xb2: {  	s29 =	simm.s32 $0x9;
	_ =	strace $0x8000004B  }
0xb3: {  	_ =	swait.ge [sflag:s29], $0x1  }
0xb4: {  	[sflag:s29] =	ssyncadd.s32 $0xFFFFFFFF  }
0xb5: {  	_ =	strace $0x9000004B  }
0xb6: {  	_ =	sfence  }
0xb7: {  	s30 =	sld [smem:$0x0];
	_ =	sdelay $0x2  }
0xb8: {  	s31 =	sshll.u32 s1, $0xD;
	s1 =	sshrl.u32 s1, $0x2  }
0xb9: {  	s3 =	sand.u32 $0x4000, s31;
	s1 =	sadd.s32 s1, s30  }
0xba: {  	s0 =	sor.u32 s3, s0;
	s1 =	sshll.u32 s1, $0x11  }
0xbb: {  	s0 =	sor.u32 s1, s0  }
0xbc: {  	s0 =	sadd.s32 $0x8F2B, s0  }
0xbd: {  	[sflag:s0] =	ssyncadd.remote.s32 $0x1  }
0xbe: {  	_ =	sfence.sel $0xFFFF  }
0xbf: {  	[dreg:$0x0] =	wrdreg $0xFFFFFFFF;
	(pc) =	sbr.abs _section_cstart, $3  }
0xc0: {  	[dreg:$0x1] =	wrdreg $0xFFFFFFFF  }
0xc1: {  	_ =	task.clear_ibuf [dreg:s7], $0x2FFFF;
	_ =	strace $0x9FFFFFFF  }
0xc2: {  	(tm) =	ssettm $0x7FFFFFFF  }
0xc3: {  	_ =	shalt  }
tec
execute0_lowered:
.L_overlay_start_1:
0x0: {  	(tag) =	ssettag $0x1  }
0x1: {  	s0 =	rddreg [dreg:$0x0]  }
0x2: {  	s1 =	rddreg [dreg:$0x1];
	s3 =	srdreg.scid  }
0x3: {  	s2 =	simm.s32 $0x0;
	s5 =	stileid.u32;
	s4 =	sand.u32 $0x1, s3  }
0x4: {  	[smem:$0x7FF] =	sst s2;
	s24 =	sshll.u32 s5, $0x8;
	s25 =	sshll.u32 s4, $0x7  }
0x5: {  	s6 =	sadd.s32 $0xE00, s0;
	_ =	strace $0x8000004A;
	s5 =	sor.u32 s25, s24  }
0x6: {  	s7 =	smul.u32 $0x300, s5;
	s8 =	sadd.s32 s6, s5;
	s9 =	sor.u32 $0x10, s5  }
0x7: {  	s29 =	sor.u32 $0x20, s5;
	s11 =	sor.u32 $0x30, s5;
	s15 =	sor.u32 $0x40, s5  }
0x8: {  	s19 =	sor.u32 $0x50, s5;
	[dreg:$0x3] =	wrdreg s8;
	s28 =	sadd.s32 s6, s9  }
0x9: {  	s23 =	sor.u32 $0x60, s5;
	s10 =	sadd.s32 s6, s29;
	[dreg:$0x5] =	wrdreg s28  }
0xa: {  	s5 =	sor.u32 $0x70, s5;
	s14 =	sadd.s32 s6, s11;
	[dreg:$0x7] =	wrdreg s10  }
0xb: {  	s26 =	smul.u32 $0x300, s9;
	s18 =	sadd.s32 s6, s15;
	[dreg:$0x9] =	wrdreg s14  }
0xc: {  	s31 =	smul.u32 $0x300, s29;
	s22 =	sadd.s32 s6, s19;
	[dreg:$0xb] =	wrdreg s18  }
0xd: {  	s29 =	smul.u32 $0x300, s5;
	s5 =	sadd.s32 s6, s5;
	[dreg:$0xd] =	wrdreg s22  }
0xe: {  	s3 =	sadd.s32 $0x1E00, s0;
	s7 =	sadd.s32 s1, s7;
	[dreg:$0x11] =	wrdreg s5  }
0xf: {  	s13 =	smul.u32 $0x300, s11;
	[dreg:$0x4] =	wrdreg s7;
	s30 =	sadd.s32 s1, s26  }
0x10: {  	s17 =	smul.u32 $0x300, s15;
	s12 =	sadd.s32 s1, s31;
	[dreg:$0x6] =	wrdreg s30  }
0x11: {  	s21 =	smul.u32 $0x300, s19;
	s16 =	sadd.s32 s1, s13;
	[dreg:$0x8] =	wrdreg s12  }
0x12: {  	s4 =	ssub.s32 $0x2, s4;
	s20 =	sadd.s32 s1, s17;
	[dreg:$0xa] =	wrdreg s16  }
0x13: {  	s25 =	smul.u32 $0x300, s23;
	s24 =	sadd.s32 s1, s21;
	[dreg:$0xc] =	wrdreg s20  }
0x14: {  	s5 =	sadd.s32 $0x2000, s0;
	s26 =	sadd.s32 s6, s23;
	[dreg:$0xe] =	wrdreg s24  }
0x15: {  	s28 =	sadd.s32 s1, s25;
	s1 =	sadd.s32 s1, s29;
	[dreg:$0xf] =	wrdreg s26  }
0x16: {  	v2 =	vlaneseq.u32;
	s7 =	simm.s32 $0x2;
	s30 =	sshrl.u32 s4, $0x1;
	[dreg:$0x10] =	wrdreg s28  }
0x17: {  	vm0 =	vmmov $0xffff;
	v1 =	vshrl.u32 v2, $0x3;
	[dreg:$0x12] =	wrdreg s1;
	s16 =	simm.s32 $0x80;
	s31 =	ssub.s32 s4, s30  }
0x18: {  	v0 =	vand.u32 $0x7, v2;
	v2 =	vor.u32 $0x8, v2;
	v1 =	vmul.u32 $0x8, v1;
	s1 =	simm.s32 $0x1;
	s4 =	sadd.s32 $0x1F00, s0;
	s0 =	smax.u32 s31, $0x1  }
.LBB2_1:
0x19: {  	[dreg:$0x13] =	wrdreg s0  }
0x1a: {  	s9 =	rddreg [dreg:$0x3]  }
0x1b: {  	[tilespmem:s2], [sflag:$0x2] =	stream.linear.gather [hbm4b:s9+s2], $0x80, $0x38;
	[tilespmem:$0x18080] =	vst v63  }
0x1c: {  	_ =	swait.ge [sflag:s7], $0x80  }
0x1d: {  	[sflag:s7] =	ssyncset.done $0x0  }
0x1e: {  	[sflag:s7] =	ssyncadd.s32 $0xFFFFFF80  }
0x1f: {  	v3 =	vld [tilespmem:$0x0];
	_ =	sdelay $0x4  }
0x20: {  	v4 =	vshrl.u32 v3, $0x3  }
0x21: {  	v4 =	vmul.u32 $0x30, v4  }
0x22: {  	v3 =	vand.u32 $0x7, v3  }
0x23: {  	v3 =	vor.u32 v3, v4  }
0x24: {  	v4 =	vperm.xlane v3, v0;
	_ =	sdelay $0x1  }
0x25: {  	v4 =	vadd.s32 v1, v4;
	_ =	sdelay $0x3  }
0x26: {  	v3 =	vperm.xlane v3, v2  }
0x27: {  	[tilespmem:s16], [sflag:$0x1] =	stream.indirect_vreg.gather [hbm4b:s3+s2], $0x80, v4, vm0, $0xb8;
	[tilespmem:$0x18080] =	vst v63  }
0x28: {  	s12 =	simm.s32 $0x880;
	v3 =	vadd.s32 v1, v3  }
0x29: {  	[tilespmem:s12], [sflag:$0x1] =	stream.indirect_vreg.gather [hbm4b:s4+s2], $0x80, v4, vm0, $0xb8;
	[tilespmem:$0x18080] =	vst v63  }
0x2a: {  	s13 =	simm.s32 $0x1080  }
0x2b: {  	[tilespmem:s13], [sflag:$0x1] =	stream.indirect_vreg.gather [hbm4b:s5+s2], $0x80, v4, vm0, $0xb8;
	[tilespmem:$0x18080] =	vst v63  }
0x2c: {  	s14 =	simm.s32 $0x1880  }
0x2d: {  	[tilespmem:s14], [sflag:$0x1] =	stream.indirect_vreg.gather [hbm4b:s3+s2], $0x80, v3, vm0, $0xb8;
	[tilespmem:$0x18080] =	vst v63  }
0x2e: {  	s15 =	simm.s32 $0x2080  }
0x2f: {  	[tilespmem:s15], [sflag:$0x1] =	stream.indirect_vreg.gather [hbm4b:s4+s2], $0x80, v3, vm0, $0xb8;
	[tilespmem:$0x18080] =	vst v63  }
0x30: {  	s17 =	simm.s32 $0x2880  }
0x31: {  	[tilespmem:s17], [sflag:$0x1] =	stream.indirect_vreg.gather [hbm4b:s5+s2], $0x80, v3, vm0, $0xb8;
	[tilespmem:$0x18080] =	vst v63  }
0x32: {  	v3 =	vld [tilespmem:$0x10];
	_ =	sdelay $0x4  }
0x33: {  	v57 =	vshrl.u32 v3, $0x3  }
0x34: {  	v4 =	vmul.u32 $0x30, v57  }
0x35: {  	v3 =	vand.u32 $0x7, v3  }
0x36: {  	v3 =	vor.u32 v3, v4  }
0x37: {  	v4 =	vperm.xlane v3, v0;
	_ =	sdelay $0x1  }
0x38: {  	v4 =	vadd.s32 v1, v4;
	_ =	sdelay $0x3  }
0x39: {  	s18 =	simm.s32 $0x3080;
	v3 =	vperm.xlane v3, v2  }
0x3a: {  	[tilespmem:s18], [sflag:$0x1] =	stream.indirect_vreg.gather [hbm4b:s3+s2], $0x80, v4, vm0, $0xb8;
	[tilespmem:$0x18080] =	vst v63  }
0x3b: {  	s19 =	simm.s32 $0x3880;
	v3 =	vadd.s32 v1, v3  }
0x3c: {  	[tilespmem:s19], [sflag:$0x1] =	stream.indirect_vreg.gather [hbm4b:s4+s2], $0x80, v4, vm0, $0xb8;
	[tilespmem:$0x18080] =	vst v63  }
0x3d: {  	s20 =	simm.s32 $0x4080  }
0x3e: {  	[tilespmem:s20], [sflag:$0x1] =	stream.indirect_vreg.gather [hbm4b:s5+s2], $0x80, v4, vm0, $0xb8;
	[tilespmem:$0x18080] =	vst v63  }
0x3f: {  	s21 =	simm.s32 $0x4880  }
0x40: {  	[tilespmem:s21], [sflag:$0x1] =	stream.indirect_vreg.gather [hbm4b:s3+s2], $0x80, v3, vm0, $0xb8;
	[tilespmem:$0x18080] =	vst v63  }
0x41: {  	s22 =	simm.s32 $0x5080  }
0x42: {  	[tilespmem:s22], [sflag:$0x1] =	stream.indirect_vreg.gather [hbm4b:s4+s2], $0x80, v3, vm0, $0xb8;
	[tilespmem:$0x18080] =	vst v63  }
0x43: {  	s23 =	simm.s32 $0x5880  }
0x44: {  	[tilespmem:s23], [sflag:$0x1] =	stream.indirect_vreg.gather [hbm4b:s5+s2], $0x80, v3, vm0, $0xb8;
	[tilespmem:$0x18080] =	vst v63  }
0x45: {  	v3 =	vld [tilespmem:$0x20];
	_ =	sdelay $0x4  }
0x46: {  	v58 =	vshrl.u32 v3, $0x3  }
0x47: {  	v4 =	vmul.u32 $0x30, v58  }
0x48: {  	v3 =	vand.u32 $0x7, v3  }
0x49: {  	v3 =	vor.u32 v3, v4  }
0x4a: {  	v4 =	vperm.xlane v3, v0;
	_ =	sdelay $0x1  }
0x4b: {  	v4 =	vadd.s32 v1, v4;
	_ =	sdelay $0x3  }
0x4c: {  	s24 =	simm.s32 $0x6080;
	v3 =	vperm.xlane v3, v2  }
0x4d: {  	[tilespmem:s24], [sflag:$0x1] =	stream.indirect_vreg.gather [hbm4b:s3+s2], $0x80, v4, vm0, $0xb8;
	[tilespmem:$0x18080] =	vst v63  }
0x4e: {  	s25 =	simm.s32 $0x6880;
	v3 =	vadd.s32 v1, v3  }
0x4f: {  	[tilespmem:s25], [sflag:$0x1] =	stream.indirect_vreg.gather [hbm4b:s4+s2], $0x80, v4, vm0, $0xb8;
	[tilespmem:$0x18080] =	vst v63  }
0x50: {  	s26 =	simm.s32 $0x7080  }
0x51: {  	[tilespmem:s26], [sflag:$0x1] =	stream.indirect_vreg.gather [hbm4b:s5+s2], $0x80, v4, vm0, $0xb8;
	[tilespmem:$0x18080] =	vst v63  }
0x52: {  	s28 =	simm.s32 $0x7880  }
0x53: {  	[tilespmem:s28], [sflag:$0x1] =	stream.indirect_vreg.gather [hbm4b:s3+s2], $0x80, v3, vm0, $0xb8;
	[tilespmem:$0x18080] =	vst v63  }
0x54: {  	s29 =	simm.s32 $0x8080  }
0x55: {  	[tilespmem:s29], [sflag:$0x1] =	stream.indirect_vreg.gather [hbm4b:s4+s2], $0x80, v3, vm0, $0xb8;
	[tilespmem:$0x18080] =	vst v63  }
0x56: {  	s30 =	simm.s32 $0x8880  }
0x57: {  	[tilespmem:s30], [sflag:$0x1] =	stream.indirect_vreg.gather [hbm4b:s5+s2], $0x80, v3, vm0, $0xb8;
	[tilespmem:$0x18080] =	vst v63  }
0x58: {  	v3 =	vld [tilespmem:$0x30];
	_ =	sdelay $0x4  }
0x59: {  	v59 =	vshrl.u32 v3, $0x3  }
0x5a: {  	v4 =	vmul.u32 $0x30, v59  }
0x5b: {  	v3 =	vand.u32 $0x7, v3  }
0x5c: {  	v3 =	vor.u32 v3, v4  }
0x5d: {  	v4 =	vperm.xlane v3, v0;
	_ =	sdelay $0x1  }
0x5e: {  	v4 =	vadd.s32 v1, v4;
	_ =	sdelay $0x3  }
0x5f: {  	s31 =	simm.s32 $0x9080;
	v3 =	vperm.xlane v3, v2  }
0x60: {  	[tilespmem:s31], [sflag:$0x1] =	stream.indirect_vreg.gather [hbm4b:s3+s2], $0x80, v4, vm0, $0xb8;
	[tilespmem:$0x18080] =	vst v63  }
0x61: {  	s9 =	simm.s32 $0x9880;
	v3 =	vadd.s32 v1, v3  }
0x62: {  	[tilespmem:s9], [sflag:$0x1] =	stream.indirect_vreg.gather [hbm4b:s4+s2], $0x80, v4, vm0, $0xb8;
	[tilespmem:$0x18080] =	vst v63  }
0x63: {  	s12 =	simm.s32 $0xA080  }
0x64: {  	[tilespmem:s12], [sflag:$0x1] =	stream.indirect_vreg.gather [hbm4b:s5+s2], $0x80, v4, vm0, $0xb8;
	[tilespmem:$0x18080] =	vst v63  }
0x65: {  	s15 =	simm.s32 $0xA880  }
0x66: {  	[tilespmem:s15], [sflag:$0x1] =	stream.indirect_vreg.gather [hbm4b:s3+s2], $0x80, v3, vm0, $0xb8;
	[tilespmem:$0x18080] =	vst v63  }
0x67: {  	s17 =	simm.s32 $0xB080  }
0x68: {  	[tilespmem:s17], [sflag:$0x1] =	stream.indirect_vreg.gather [hbm4b:s4+s2], $0x80, v3, vm0, $0xb8;
	[tilespmem:$0x18080] =	vst v63  }
0x69: {  	s18 =	simm.s32 $0xB880  }
0x6a: {  	[tilespmem:s18], [sflag:$0x1] =	stream.indirect_vreg.gather [hbm4b:s5+s2], $0x80, v3, vm0, $0xb8;
	[tilespmem:$0x18080] =	vst v63  }
0x6b: {  	v3 =	vld [tilespmem:$0x40];
	_ =	sdelay $0x4  }
0x6c: {  	v60 =	vshrl.u32 v3, $0x3  }
0x6d: {  	v4 =	vmul.u32 $0x30, v60  }
0x6e: {  	v3 =	vand.u32 $0x7, v3  }
0x6f: {  	v3 =	vor.u32 v3, v4  }
0x70: {  	v4 =	vperm.xlane v3, v0;
	_ =	sdelay $0x1  }
0x71: {  	v4 =	vadd.s32 v1, v4;
	_ =	sdelay $0x3  }
0x72: {  	s19 =	simm.s32 $0xC080;
	v3 =	vperm.xlane v3, v2  }
0x73: {  	[tilespmem:s19], [sflag:$0x1] =	stream.indirect_vreg.gather [hbm4b:s3+s2], $0x80, v4, vm0, $0xb8;
	[tilespmem:$0x18080] =	vst v63  }
0x74: {  	s20 =	simm.s32 $0xC880;
	v3 =	vadd.s32 v1, v3  }
0x75: {  	[tilespmem:s20], [sflag:$0x1] =	stream.indirect_vreg.gather [hbm4b:s4+s2], $0x80, v4, vm0, $0xb8;
	[tilespmem:$0x18080] =	vst v63  }
0x76: {  	s21 =	simm.s32 $0xD080  }
0x77: {  	[tilespmem:s21], [sflag:$0x1] =	stream.indirect_vreg.gather [hbm4b:s5+s2], $0x80, v4, vm0, $0xb8;
	[tilespmem:$0x18080] =	vst v63  }
0x78: {  	s22 =	simm.s32 $0xD880  }
0x79: {  	[tilespmem:s22], [sflag:$0x1] =	stream.indirect_vreg.gather [hbm4b:s3+s2], $0x80, v3, vm0, $0xb8;
	[tilespmem:$0x18080] =	vst v63  }
0x7a: {  	s23 =	simm.s32 $0xE080  }
0x7b: {  	[tilespmem:s23], [sflag:$0x1] =	stream.indirect_vreg.gather [hbm4b:s4+s2], $0x80, v3, vm0, $0xb8;
	[tilespmem:$0x18080] =	vst v63  }
0x7c: {  	s24 =	simm.s32 $0xE880  }
0x7d: {  	[tilespmem:s24], [sflag:$0x1] =	stream.indirect_vreg.gather [hbm4b:s5+s2], $0x80, v3, vm0, $0xb8;
	[tilespmem:$0x18080] =	vst v63  }
0x7e: {  	v3 =	vld [tilespmem:$0x50];
	_ =	sdelay $0x4  }
0x7f: {  	v61 =	vshrl.u32 v3, $0x3  }
0x80: {  	v4 =	vmul.u32 $0x30, v61  }
0x81: {  	v3 =	vand.u32 $0x7, v3  }
0x82: {  	v3 =	vor.u32 v3, v4  }
0x83: {  	v4 =	vperm.xlane v3, v0;
	_ =	sdelay $0x1  }
0x84: {  	v4 =	vadd.s32 v1, v4;
	_ =	sdelay $0x3  }
0x85: {  	s25 =	simm.s32 $0xF080;
	v3 =	vperm.xlane v3, v2  }
0x86: {  	[tilespmem:s25], [sflag:$0x1] =	stream.indirect_vreg.gather [hbm4b:s3+s2], $0x80, v4, vm0, $0xb8;
	[tilespmem:$0x18080] =	vst v63  }
0x87: {  	s26 =	simm.s32 $0xF880;
	v3 =	vadd.s32 v1, v3  }
0x88: {  	[tilespmem:s26], [sflag:$0x1] =	stream.indirect_vreg.gather [hbm4b:s4+s2], $0x80, v4, vm0, $0xb8;
	[tilespmem:$0x18080] =	vst v63  }
0x89: {  	s28 =	simm.s32 $0x10080  }
0x8a: {  	[tilespmem:s28], [sflag:$0x1] =	stream.indirect_vreg.gather [hbm4b:s5+s2], $0x80, v4, vm0, $0xb8;
	[tilespmem:$0x18080] =	vst v63  }
0x8b: {  	s29 =	simm.s32 $0x10880  }
0x8c: {  	[tilespmem:s29], [sflag:$0x1] =	stream.indirect_vreg.gather [hbm4b:s3+s2], $0x80, v3, vm0, $0xb8;
	[tilespmem:$0x18080] =	vst v63  }
0x8d: {  	s30 =	simm.s32 $0x11080  }
0x8e: {  	[tilespmem:s30], [sflag:$0x1] =	stream.indirect_vreg.gather [hbm4b:s4+s2], $0x80, v3, vm0, $0xb8;
	[tilespmem:$0x18080] =	vst v63  }
0x8f: {  	s31 =	simm.s32 $0x11880  }
0x90: {  	[tilespmem:s31], [sflag:$0x1] =	stream.indirect_vreg.gather [hbm4b:s5+s2], $0x80, v3, vm0, $0xb8;
	[tilespmem:$0x18080] =	vst v63  }
0x91: {  	v3 =	vld [tilespmem:$0x60];
	_ =	sdelay $0x4  }
0x92: {  	v62 =	vshrl.u32 v3, $0x3  }
0x93: {  	v4 =	vmul.u32 $0x30, v62  }
0x94: {  	v3 =	vand.u32 $0x7, v3  }
0x95: {  	v3 =	vor.u32 v3, v4  }
0x96: {  	v4 =	vperm.xlane v3, v0;
	_ =	sdelay $0x1  }
0x97: {  	v4 =	vadd.s32 v1, v4;
	_ =	sdelay $0x3  }
0x98: {  	s0 =	simm.s32 $0x12080;
	v3 =	vperm.xlane v3, v2  }
0x99: {  	[tilespmem:s0], [sflag:$0x1] =	stream.indirect_vreg.gather [hbm4b:s3+s2], $0x80, v4, vm0, $0xb8;
	[tilespmem:$0x18080] =	vst v63  }
0x9a: {  	s12 =	simm.s32 $0x12880;
	v3 =	vadd.s32 v1, v3  }
0x9b: {  	[tilespmem:s12], [sflag:$0x1] =	stream.indirect_vreg.gather [hbm4b:s4+s2], $0x80, v4, vm0, $0xb8;
	[tilespmem:$0x18080] =	vst v63  }
0x9c: {  	s15 =	simm.s32 $0x13080  }
0x9d: {  	[tilespmem:s15], [sflag:$0x1] =	stream.indirect_vreg.gather [hbm4b:s5+s2], $0x80, v4, vm0, $0xb8;
	[tilespmem:$0x18080] =	vst v63  }
0x9e: {  	s23 =	simm.s32 $0x13880  }
0x9f: {  	[tilespmem:s23], [sflag:$0x1] =	stream.indirect_vreg.gather [hbm4b:s3+s2], $0x80, v3, vm0, $0xb8;
	[tilespmem:$0x18080] =	vst v63  }
0xa0: {  	s24 =	simm.s32 $0x14080  }
0xa1: {  	[tilespmem:s24], [sflag:$0x1] =	stream.indirect_vreg.gather [hbm4b:s4+s2], $0x80, v3, vm0, $0xb8;
	[tilespmem:$0x18080] =	vst v63  }
0xa2: {  	s25 =	simm.s32 $0x14880  }
0xa3: {  	[tilespmem:s25], [sflag:$0x1] =	stream.indirect_vreg.gather [hbm4b:s5+s2], $0x80, v3, vm0, $0xb8;
	[tilespmem:$0x18080] =	vst v63  }
0xa4: {  	v3 =	vld [tilespmem:$0x70];
	_ =	sdelay $0x4  }
0xa5: {  	v63 =	vshrl.u32 v3, $0x3  }
0xa6: {  	v4 =	vmul.u32 $0x30, v63  }
0xa7: {  	v3 =	vand.u32 $0x7, v3  }
0xa8: {  	v3 =	vor.u32 v3, v4  }
0xa9: {  	v4 =	vperm.xlane v3, v0;
	_ =	sdelay $0x1  }
0xaa: {  	v4 =	vadd.s32 v1, v4;
	_ =	sdelay $0x3  }
0xab: {  	s26 =	simm.s32 $0x15080;
	v3 =	vperm.xlane v3, v2  }
0xac: {  	[tilespmem:s26], [sflag:$0x1] =	stream.indirect_vreg.gather [hbm4b:s3+s2], $0x80, v4, vm0, $0xb8;
	[tilespmem:$0x18080] =	vst v63  }
0xad: {  	s28 =	simm.s32 $0x15880;
	v3 =	vadd.s32 v1, v3  }
0xae: {  	[tilespmem:s28], [sflag:$0x1] =	stream.indirect_vreg.gather [hbm4b:s4+s2], $0x80, v4, vm0, $0xb8;
	[tilespmem:$0x18080] =	vst v63  }
0xaf: {  	s29 =	simm.s32 $0x16080  }
0xb0: {  	[tilespmem:s29], [sflag:$0x1] =	stream.indirect_vreg.gather [hbm4b:s5+s2], $0x80, v4, vm0, $0xb8;
	[tilespmem:$0x18080] =	vst v63  }
0xb1: {  	s30 =	simm.s32 $0x16880  }
0xb2: {  	[tilespmem:s30], [sflag:$0x1] =	stream.indirect_vreg.gather [hbm4b:s3+s2], $0x80, v3, vm0, $0xb8;
	[tilespmem:$0x18080] =	vst v63  }
0xb3: {  	s31 =	simm.s32 $0x17080  }
0xb4: {  	[tilespmem:s31], [sflag:$0x1] =	stream.indirect_vreg.gather [hbm4b:s4+s2], $0x80, v3, vm0, $0xb8;
	[tilespmem:$0x18080] =	vst v63  }
0xb5: {  	s0 =	simm.s32 $0x17880  }
0xb6: {  	[tilespmem:s0], [sflag:$0x1] =	stream.indirect_vreg.gather [hbm4b:s5+s2], $0x80, v3, vm0, $0xb8;
	[tilespmem:$0x18080] =	vst v63  }
0xb7: {  	_ =	swait.ge [sflag:s1], $0x18000  }
0xb8: {  	[sflag:s1] =	ssyncset.done $0x0  }
0xb9: {  	s12 =	rddreg [dreg:$0x4];
	[sflag:s1] =	ssyncadd.s32 $0xFFFE8000  }
0xba: {  	[hbm4b:s12+s2] =	stream.linear.scatter [tilespmem:s16], [sflag:$0x2], $0x18000, $0x38;
	[tilespmem:$0x18080] =	vst v63  }
0xbb: {  	_ =	swait.ge [sflag:s7], $0x18000  }
0xbc: {  	[sflag:s7] =	ssyncset.done $0x0  }
0xbd: {  	s15 =	rddreg [dreg:$0x5];
	[sflag:s7] =	ssyncadd.s32 $0xFFFE8000  }
0xbe: {  	[tilespmem:s2], [sflag:$0x2] =	stream.linear.gather [hbm4b:s15+s2], $0x80, $0x38;
	[tilespmem:$0x18080] =	vst v63  }
0xbf: {  	_ =	swait.ge [sflag:s7], $0x80  }
0xc0: {  	[sflag:s7] =	ssyncset.done $0x0  }
0xc1: {  	[sflag:s7] =	ssyncadd.s32 $0xFFFFFF80  }
0xc2: {  	v3 =	vld [tilespmem:$0x0];
	_ =	sdelay $0x4  }
0xc3: {  	v8 =	vshrl.u32 v3, $0x3  }
0xc4: {  	v4 =	vmul.u32 $0x30, v8  }
0xc5: {  	v3 =	vand.u32 $0x7, v3  }
0xc6: {  	v3 =	vor.u32 v3, v4  }
0xc7: {  	v4 =	vperm.xlane v3, v0;
	_ =	sdelay $0x1  }
0xc8: {  	v4 =	vadd.s32 v1, v4;
	_ =	sdelay $0x3  }
0xc9: {  	v3 =	vperm.xlane v3, v2  }
0xca: {  	[tilespmem:s16], [sflag:$0x1] =	stream.indirect_vreg.gather [hbm4b:s3+s2], $0x80, v4, vm0, $0xb8;
	[tilespmem:$0x18080] =	vst v63  }
0xcb: {  	s25 =	simm.s32 $0x880;
	v3 =	vadd.s32 v1, v3  }
0xcc: {  	[tilespmem:s25], [sflag:$0x1] =	stream.indirect_vreg.gather [hbm4b:s4+s2], $0x80, v4, vm0, $0xb8;
	[tilespmem:$0x18080] =	vst v63  }
0xcd: {  	s26 =	simm.s32 $0x1080  }
0xce: {  	[tilespmem:s26], [sflag:$0x1] =	stream.indirect_vreg.gather [hbm4b:s5+s2], $0x80, v4, vm0, $0xb8;
	[tilespmem:$0x18080] =	vst v63  }
0xcf: {  	s28 =	simm.s32 $0x1880  }
0xd0: {  	[tilespmem:s28], [sflag:$0x1] =	stream.indirect_vreg.gather [hbm4b:s3+s2], $0x80, v3, vm0, $0xb8;
	[tilespmem:$0x18080] =	vst v63  }
0xd1: {  	s29 =	simm.s32 $0x2080  }
0xd2: {  	[tilespmem:s29], [sflag:$0x1] =	stream.indirect_vreg.gather [hbm4b:s4+s2], $0x80, v3, vm0, $0xb8;
	[tilespmem:$0x18080] =	vst v63  }
0xd3: {  	s6 =	simm.s32 $0x2880  }
0xd4: {  	[tilespmem:s6], [sflag:$0x1] =	stream.indirect_vreg.gather [hbm4b:s5+s2], $0x80, v3, vm0, $0xb8;
	[tilespmem:$0x18080] =	vst v63  }
0xd5: {  	v3 =	vld [tilespmem:$0x10];
	_ =	sdelay $0x4  }
0xd6: {  	v9 =	vshrl.u32 v3, $0x3  }
0xd7: {  	v4 =	vmul.u32 $0x30, v9  }
0xd8: {  	v3 =	vand.u32 $0x7, v3  }
0xd9: {  	v3 =	vor.u32 v3, v4  }
0xda: {  	v4 =	vperm.xlane v3, v0;
	_ =	sdelay $0x1  }
0xdb: {  	v4 =	vadd.s32 v1, v4;
	_ =	sdelay $0x3  }
0xdc: {  	s8 =	simm.s32 $0x3080;
	v3 =	vperm.xlane v3, v2  }
0xdd: {  	[tilespmem:s8], [sflag:$0x1] =	stream.indirect_vreg.gather [hbm4b:s3+s2], $0x80, v4, vm0, $0xb8;
	[tilespmem:$0x18080] =	vst v63  }
0xde: {  	s30 =	simm.s32 $0x3880;
	v3 =	vadd.s32 v1, v3  }
0xdf: {  	[tilespmem:s30], [sflag:$0x1] =	stream.indirect_vreg.gather [hbm4b:s4+s2], $0x80, v4, vm0, $0xb8;
	[tilespmem:$0x18080] =	vst v63  }
0xe0: {  	s31 =	simm.s32 $0x4080  }
0xe1: {  	[tilespmem:s31], [sflag:$0x1] =	stream.indirect_vreg.gather [hbm4b:s5+s2], $0x80, v4, vm0, $0xb8;
	[tilespmem:$0x18080] =	vst v63  }
0xe2: {  	s0 =	simm.s32 $0x4880  }
0xe3: {  	[tilespmem:s0], [sflag:$0x1] =	stream.indirect_vreg.gather [hbm4b:s3+s2], $0x80, v3, vm0, $0xb8;
	[tilespmem:$0x18080] =	vst v63  }
0xe4: {  	s6 =	simm.s32 $0x5080  }
0xe5: {  	[tilespmem:s6], [sflag:$0x1] =	stream.indirect_vreg.gather [hbm4b:s4+s2], $0x80, v3, vm0, $0xb8;
	[tilespmem:$0x18080] =	vst v63  }
0xe6: {  	s10 =	simm.s32 $0x5880  }
0xe7: {  	[tilespmem:s10], [sflag:$0x1] =	stream.indirect_vreg.gather [hbm4b:s5+s2], $0x80, v3, vm0, $0xb8;
	[tilespmem:$0x18080] =	vst v63  }
0xe8: {  	v3 =	vld [tilespmem:$0x20];
	_ =	sdelay $0x4  }
0xe9: {  	v10 =	vshrl.u32 v3, $0x3  }
0xea: {  	v4 =	vmul.u32 $0x30, v10  }
0xeb: {  	v3 =	vand.u32 $0x7, v3  }
0xec: {  	v3 =	vor.u32 v3, v4  }
0xed: {  	v4 =	vperm.xlane v3, v0;
	_ =	sdelay $0x1  }
0xee: {  	v4 =	vadd.s32 v1, v4;
	_ =	sdelay $0x3  }
0xef: {  	s11 =	simm.s32 $0x6080;
	v3 =	vperm.xlane v3, v2  }
0xf0: {  	[tilespmem:s11], [sflag:$0x1] =	stream.indirect_vreg.gather [hbm4b:s3+s2], $0x80, v4, vm0, $0xb8;
	[tilespmem:$0x18080] =	vst v63  }
0xf1: {  	s8 =	simm.s32 $0x6880;
	v3 =	vadd.s32 v1, v3  }
0xf2: {  	[tilespmem:s8], [sflag:$0x1] =	stream.indirect_vreg.gather [hbm4b:s4+s2], $0x80, v4, vm0, $0xb8;
	[tilespmem:$0x18080] =	vst v63  }
0xf3: {  	s10 =	simm.s32 $0x7080  }
0xf4: {  	[tilespmem:s10], [sflag:$0x1] =	stream.indirect_vreg.gather [hbm4b:s5+s2], $0x80, v4, vm0, $0xb8;
	[tilespmem:$0x18080] =	vst v63  }
0xf5: {  	s11 =	simm.s32 $0x7880  }
0xf6: {  	[tilespmem:s11], [sflag:$0x1] =	stream.indirect_vreg.gather [hbm4b:s3+s2], $0x80, v3, vm0, $0xb8;
	[tilespmem:$0x18080] =	vst v63  }
0xf7: {  	s12 =	simm.s32 $0x8080  }
0xf8: {  	[tilespmem:s12], [sflag:$0x1] =	stream.indirect_vreg.gather [hbm4b:s4+s2], $0x80, v3, vm0, $0xb8;
	[tilespmem:$0x18080] =	vst v63  }
0xf9: {  	s13 =	simm.s32 $0x8880  }
0xfa: {  	[tilespmem:s13], [sflag:$0x1] =	stream.indirect_vreg.gather [hbm4b:s5+s2], $0x80, v3, vm0, $0xb8;
	[tilespmem:$0x18080] =	vst v63  }
0xfb: {  	v3 =	vld [tilespmem:$0x30];
	_ =	sdelay $0x4  }
0xfc: {  	v11 =	vshrl.u32 v3, $0x3  }
0xfd: {  	v4 =	vmul.u32 $0x30, v11  }
0xfe: {  	v3 =	vand.u32 $0x7, v3  }
0xff: {  	v3 =	vor.u32 v3, v4  }
0x100: {  	v4 =	vperm.xlane v3, v0;
	_ =	sdelay $0x1  }
0x101: {  	v4 =	vadd.s32 v1, v4;
	_ =	sdelay $0x3  }
0x102: {  	s14 =	simm.s32 $0x9080;
	v3 =	vperm.xlane v3, v2  }
0x103: {  	[tilespmem:s14], [sflag:$0x1] =	stream.indirect_vreg.gather [hbm4b:s3+s2], $0x80, v4, vm0, $0xb8;
	[tilespmem:$0x18080] =	vst v63  }
0x104: {  	s13 =	simm.s32 $0x9880;
	v3 =	vadd.s32 v1, v3  }
0x105: {  	[tilespmem:s13], [sflag:$0x1] =	stream.indirect_vreg.gather [hbm4b:s4+s2], $0x80, v4, vm0, $0xb8;
	[tilespmem:$0x18080] =	vst v63  }
0x106: {  	s14 =	simm.s32 $0xA080  }
0x107: {  	[tilespmem:s14], [sflag:$0x1] =	stream.indirect_vreg.gather [hbm4b:s5+s2], $0x80, v4, vm0, $0xb8;
	[tilespmem:$0x18080] =	vst v63  }
0x108: {  	s15 =	simm.s32 $0xA880  }
0x109: {  	[tilespmem:s15], [sflag:$0x1] =	stream.indirect_vreg.gather [hbm4b:s3+s2], $0x80, v3, vm0, $0xb8;
	[tilespmem:$0x18080] =	vst v63  }
0x10a: {  	s9 =	simm.s32 $0xB080  }
0x10b: {  	[tilespmem:s9], [sflag:$0x1] =	stream.indirect_vreg.gather [hbm4b:s4+s2], $0x80, v3, vm0, $0xb8;
	[tilespmem:$0x18080] =	vst v63  }
0x10c: {  	s17 =	simm.s32 $0xB880  }
0x10d: {  	[tilespmem:s17], [sflag:$0x1] =	stream.indirect_vreg.gather [hbm4b:s5+s2], $0x80, v3, vm0, $0xb8;
	[tilespmem:$0x18080] =	vst v63  }
0x10e: {  	v3 =	vld [tilespmem:$0x40];
	_ =	sdelay $0x4  }
0x10f: {  	v12 =	vshrl.u32 v3, $0x3  }
0x110: {  	v4 =	vmul.u32 $0x30, v12  }
0x111: {  	v3 =	vand.u32 $0x7, v3  }
0x112: {  	v3 =	vor.u32 v3, v4  }
0x113: {  	v4 =	vperm.xlane v3, v0;
	_ =	sdelay $0x1  }
0x114: {  	v4 =	vadd.s32 v1, v4;
	_ =	sdelay $0x3  }
0x115: {  	s18 =	simm.s32 $0xC080;
	v3 =	vperm.xlane v3, v2  }
0x116: {  	[tilespmem:s18], [sflag:$0x1] =	stream.indirect_vreg.gather [hbm4b:s3+s2], $0x80, v4, vm0, $0xb8;
	[tilespmem:$0x18080] =	vst v63  }
0x117: {  	s17 =	simm.s32 $0xC880;
	v3 =	vadd.s32 v1, v3  }
0x118: {  	[tilespmem:s17], [sflag:$0x1] =	stream.indirect_vreg.gather [hbm4b:s4+s2], $0x80, v4, vm0, $0xb8;
	[tilespmem:$0x18080] =	vst v63  }
0x119: {  	s18 =	simm.s32 $0xD080  }
0x11a: {  	[tilespmem:s18], [sflag:$0x1] =	stream.indirect_vreg.gather [hbm4b:s5+s2], $0x80, v4, vm0, $0xb8;
	[tilespmem:$0x18080] =	vst v63  }
0x11b: {  	s9 =	simm.s32 $0xD880  }
0x11c: {  	[tilespmem:s9], [sflag:$0x1] =	stream.indirect_vreg.gather [hbm4b:s3+s2], $0x80, v3, vm0, $0xb8;
	[tilespmem:$0x18080] =	vst v63  }
0x11d: {  	s9 =	simm.s32 $0xE080  }
0x11e: {  	[tilespmem:s9], [sflag:$0x1] =	stream.indirect_vreg.gather [hbm4b:s4+s2], $0x80, v3, vm0, $0xb8;
	[tilespmem:$0x18080] =	vst v63  }
0x11f: {  	s19 =	simm.s32 $0xE880  }
0x120: {  	[tilespmem:s19], [sflag:$0x1] =	stream.indirect_vreg.gather [hbm4b:s5+s2], $0x80, v3, vm0, $0xb8;
	[tilespmem:$0x18080] =	vst v63  }
0x121: {  	v3 =	vld [tilespmem:$0x50];
	_ =	sdelay $0x4  }
0x122: {  	v13 =	vshrl.u32 v3, $0x3  }
0x123: {  	v4 =	vmul.u32 $0x30, v13  }
0x124: {  	v3 =	vand.u32 $0x7, v3  }
0x125: {  	v3 =	vor.u32 v3, v4  }
0x126: {  	v4 =	vperm.xlane v3, v0;
	_ =	sdelay $0x1  }
0x127: {  	v4 =	vadd.s32 v1, v4;
	_ =	sdelay $0x3  }
0x128: {  	s20 =	simm.s32 $0xF080;
	v3 =	vperm.xlane v3, v2  }
0x129: {  	[tilespmem:s20], [sflag:$0x1] =	stream.indirect_vreg.gather [hbm4b:s3+s2], $0x80, v4, vm0, $0xb8;
	[tilespmem:$0x18080] =	vst v63  }
0x12a: {  	s19 =	simm.s32 $0xF880;
	v3 =	vadd.s32 v1, v3  }
0x12b: {  	[tilespmem:s19], [sflag:$0x1] =	stream.indirect_vreg.gather [hbm4b:s4+s2], $0x80, v4, vm0, $0xb8;
	[tilespmem:$0x18080] =	vst v63  }
0x12c: {  	s20 =	simm.s32 $0x10080  }
0x12d: {  	[tilespmem:s20], [sflag:$0x1] =	stream.indirect_vreg.gather [hbm4b:s5+s2], $0x80, v4, vm0, $0xb8;
	[tilespmem:$0x18080] =	vst v63  }
0x12e: {  	s9 =	simm.s32 $0x10880  }
0x12f: {  	[tilespmem:s9], [sflag:$0x1] =	stream.indirect_vreg.gather [hbm4b:s3+s2], $0x80, v3, vm0, $0xb8;
	[tilespmem:$0x18080] =	vst v63  }
0x130: {  	s9 =	simm.s32 $0x11080  }
0x131: {  	[tilespmem:s9], [sflag:$0x1] =	stream.indirect_vreg.gather [hbm4b:s4+s2], $0x80, v3, vm0, $0xb8;
	[tilespmem:$0x18080] =	vst v63  }
0x132: {  	s21 =	simm.s32 $0x11880  }
0x133: {  	[tilespmem:s21], [sflag:$0x1] =	stream.indirect_vreg.gather [hbm4b:s5+s2], $0x80, v3, vm0, $0xb8;
	[tilespmem:$0x18080] =	vst v63  }
0x134: {  	v3 =	vld [tilespmem:$0x60];
	_ =	sdelay $0x4  }
0x135: {  	v14 =	vshrl.u32 v3, $0x3  }
0x136: {  	v4 =	vmul.u32 $0x30, v14  }
0x137: {  	v3 =	vand.u32 $0x7, v3  }
0x138: {  	v3 =	vor.u32 v3, v4  }
0x139: {  	v4 =	vperm.xlane v3, v0;
	_ =	sdelay $0x1  }
0x13a: {  	v4 =	vadd.s32 v1, v4;
	_ =	sdelay $0x3  }
0x13b: {  	s22 =	simm.s32 $0x12080;
	v3 =	vperm.xlane v3, v2  }
0x13c: {  	[tilespmem:s22], [sflag:$0x1] =	stream.indirect_vreg.gather [hbm4b:s3+s2], $0x80, v4, vm0, $0xb8;
	[tilespmem:$0x18080] =	vst v63  }
0x13d: {  	s21 =	simm.s32 $0x12880;
	v3 =	vadd.s32 v1, v3  }
0x13e: {  	[tilespmem:s21], [sflag:$0x1] =	stream.indirect_vreg.gather [hbm4b:s4+s2], $0x80, v4, vm0, $0xb8;
	[tilespmem:$0x18080] =	vst v63  }
0x13f: {  	s22 =	simm.s32 $0x13080  }
0x140: {  	[tilespmem:s22], [sflag:$0x1] =	stream.indirect_vreg.gather [hbm4b:s5+s2], $0x80, v4, vm0, $0xb8;
	[tilespmem:$0x18080] =	vst v63  }
0x141: {  	s9 =	simm.s32 $0x13880  }
0x142: {  	[tilespmem:s9], [sflag:$0x1] =	stream.indirect_vreg.gather [hbm4b:s3+s2], $0x80, v3, vm0, $0xb8;
	[tilespmem:$0x18080] =	vst v63  }
0x143: {  	s9 =	simm.s32 $0x14080  }
0x144: {  	[tilespmem:s9], [sflag:$0x1] =	stream.indirect_vreg.gather [hbm4b:s4+s2], $0x80, v3, vm0, $0xb8;
	[tilespmem:$0x18080] =	vst v63  }
0x145: {  	s23 =	simm.s32 $0x14880  }
0x146: {  	[tilespmem:s23], [sflag:$0x1] =	stream.indirect_vreg.gather [hbm4b:s5+s2], $0x80, v3, vm0, $0xb8;
	[tilespmem:$0x18080] =	vst v63  }
0x147: {  	v3 =	vld [tilespmem:$0x70];
	_ =	sdelay $0x4  }
0x148: {  	v15 =	vshrl.u32 v3, $0x3  }
0x149: {  	v4 =	vmul.u32 $0x30, v15  }
0x14a: {  	v3 =	vand.u32 $0x7, v3  }
0x14b: {  	v3 =	vor.u32 v3, v4  }
0x14c: {  	v4 =	vperm.xlane v3, v0;
	_ =	sdelay $0x1  }
0x14d: {  	v4 =	vadd.s32 v1, v4;
	_ =	sdelay $0x3  }
0x14e: {  	s24 =	simm.s32 $0x15080;
	v3 =	vperm.xlane v3, v2  }
0x14f: {  	[tilespmem:s24], [sflag:$0x1] =	stream.indirect_vreg.gather [hbm4b:s3+s2], $0x80, v4, vm0, $0xb8;
	[tilespmem:$0x18080] =	vst v63  }
0x150: {  	s23 =	simm.s32 $0x15880;
	v3 =	vadd.s32 v1, v3  }
0x151: {  	[tilespmem:s23], [sflag:$0x1] =	stream.indirect_vreg.gather [hbm4b:s4+s2], $0x80, v4, vm0, $0xb8;
	[tilespmem:$0x18080] =	vst v63  }
0x152: {  	s24 =	simm.s32 $0x16080  }
0x153: {  	[tilespmem:s24], [sflag:$0x1] =	stream.indirect_vreg.gather [hbm4b:s5+s2], $0x80, v4, vm0, $0xb8;
	[tilespmem:$0x18080] =	vst v63  }
0x154: {  	s9 =	simm.s32 $0x16880  }
0x155: {  	[tilespmem:s9], [sflag:$0x1] =	stream.indirect_vreg.gather [hbm4b:s3+s2], $0x80, v3, vm0, $0xb8;
	[tilespmem:$0x18080] =	vst v63  }
0x156: {  	s9 =	simm.s32 $0x17080  }
0x157: {  	[tilespmem:s9], [sflag:$0x1] =	stream.indirect_vreg.gather [hbm4b:s4+s2], $0x80, v3, vm0, $0xb8;
	[tilespmem:$0x18080] =	vst v63  }
0x158: {  	s9 =	simm.s32 $0x17880  }
0x159: {  	[tilespmem:s9], [sflag:$0x1] =	stream.indirect_vreg.gather [hbm4b:s5+s2], $0x80, v3, vm0, $0xb8;
	[tilespmem:$0x18080] =	vst v63  }
0x15a: {  	_ =	swait.ge [sflag:s1], $0x18000  }
0x15b: {  	[sflag:s1] =	ssyncset.done $0x0  }
0x15c: {  	s9 =	rddreg [dreg:$0x6];
	[sflag:s1] =	ssyncadd.s32 $0xFFFE8000  }
0x15d: {  	[hbm4b:s9+s2] =	stream.linear.scatter [tilespmem:s16], [sflag:$0x2], $0x18000, $0x38;
	[tilespmem:$0x18080] =	vst v63  }
0x15e: {  	_ =	swait.ge [sflag:s7], $0x18000  }
0x15f: {  	[sflag:s7] =	ssyncset.done $0x0  }
0x160: {  	s9 =	rddreg [dreg:$0x7];
	[sflag:s7] =	ssyncadd.s32 $0xFFFE8000  }
0x161: {  	[tilespmem:s2], [sflag:$0x2] =	stream.linear.gather [hbm4b:s9+s2], $0x80, $0x38;
	[tilespmem:$0x18080] =	vst v63  }
0x162: {  	_ =	swait.ge [sflag:s7], $0x80  }
0x163: {  	[sflag:s7] =	ssyncset.done $0x0  }
0x164: {  	[sflag:s7] =	ssyncadd.s32 $0xFFFFFF80  }
0x165: {  	v3 =	vld [tilespmem:$0x0];
	_ =	sdelay $0x4  }
0x166: {  	v16 =	vshrl.u32 v3, $0x3  }
0x167: {  	v4 =	vmul.u32 $0x30, v16  }
0x168: {  	v3 =	vand.u32 $0x7, v3  }
0x169: {  	v3 =	vor.u32 v3, v4  }
0x16a: {  	v4 =	vperm.xlane v3, v0;
	_ =	sdelay $0x1  }
0x16b: {  	v4 =	vadd.s32 v1, v4;
	_ =	sdelay $0x3  }
0x16c: {  	v3 =	vperm.xlane v3, v2  }
0x16d: {  	[tilespmem:s16], [sflag:$0x1] =	stream.indirect_vreg.gather [hbm4b:s3+s2], $0x80, v4, vm0, $0xb8;
	[tilespmem:$0x18080] =	vst v63  }
0x16e: {  	v3 =	vadd.s32 v1, v3  }
0x16f: {  	[tilespmem:s25], [sflag:$0x1] =	stream.indirect_vreg.gather [hbm4b:s4+s2], $0x80, v4, vm0, $0xb8;
	[tilespmem:$0x18080] =	vst v63  }
0x170: {  	_ = 	snop  }
0x171: {  	[tilespmem:s26], [sflag:$0x1] =	stream.indirect_vreg.gather [hbm4b:s5+s2], $0x80, v4, vm0, $0xb8;
	[tilespmem:$0x18080] =	vst v63  }
0x172: {  	_ = 	snop  }
0x173: {  	[tilespmem:s28], [sflag:$0x1] =	stream.indirect_vreg.gather [hbm4b:s3+s2], $0x80, v3, vm0, $0xb8;
	[tilespmem:$0x18080] =	vst v63  }
0x174: {  	_ = 	snop  }
0x175: {  	[tilespmem:s29], [sflag:$0x1] =	stream.indirect_vreg.gather [hbm4b:s4+s2], $0x80, v3, vm0, $0xb8;
	[tilespmem:$0x18080] =	vst v63  }
0x176: {  	s9 =	simm.s32 $0x2880  }
0x177: {  	[tilespmem:s9], [sflag:$0x1] =	stream.indirect_vreg.gather [hbm4b:s5+s2], $0x80, v3, vm0, $0xb8;
	[tilespmem:$0x18080] =	vst v63  }
0x178: {  	v3 =	vld [tilespmem:$0x10];
	_ =	sdelay $0x4  }
0x179: {  	v17 =	vshrl.u32 v3, $0x3  }
0x17a: {  	v4 =	vmul.u32 $0x30, v17  }
0x17b: {  	v3 =	vand.u32 $0x7, v3  }
0x17c: {  	v3 =	vor.u32 v3, v4  }
0x17d: {  	v4 =	vperm.xlane v3, v0;
	_ =	sdelay $0x1  }
0x17e: {  	v4 =	vadd.s32 v1, v4;
	_ =	sdelay $0x3  }
0x17f: {  	s9 =	simm.s32 $0x3080;
	v3 =	vperm.xlane v3, v2  }
0x180: {  	[tilespmem:s9], [sflag:$0x1] =	stream.indirect_vreg.gather [hbm4b:s3+s2], $0x80, v4, vm0, $0xb8;
	[tilespmem:$0x18080] =	vst v63  }
0x181: {  	v3 =	vadd.s32 v1, v3  }
0x182: {  	[tilespmem:s30], [sflag:$0x1] =	stream.indirect_vreg.gather [hbm4b:s4+s2], $0x80, v4, vm0, $0xb8;
	[tilespmem:$0x18080] =	vst v63  }
0x183: {  	_ = 	snop  }
0x184: {  	[tilespmem:s31], [sflag:$0x1] =	stream.indirect_vreg.gather [hbm4b:s5+s2], $0x80, v4, vm0, $0xb8;
	[tilespmem:$0x18080] =	vst v63  }
0x185: {  	_ = 	snop  }
0x186: {  	[tilespmem:s0], [sflag:$0x1] =	stream.indirect_vreg.gather [hbm4b:s3+s2], $0x80, v3, vm0, $0xb8;
	[tilespmem:$0x18080] =	vst v63  }
0x187: {  	_ = 	snop  }
0x188: {  	[tilespmem:s6], [sflag:$0x1] =	stream.indirect_vreg.gather [hbm4b:s4+s2], $0x80, v3, vm0, $0xb8;
	[tilespmem:$0x18080] =	vst v63  }
0x189: {  	s9 =	simm.s32 $0x5880  }
0x18a: {  	[tilespmem:s9], [sflag:$0x1] =	stream.indirect_vreg.gather [hbm4b:s5+s2], $0x80, v3, vm0, $0xb8;
	[tilespmem:$0x18080] =	vst v63  }
0x18b: {  	v3 =	vld [tilespmem:$0x20];
	_ =	sdelay $0x4  }
0x18c: {  	v18 =	vshrl.u32 v3, $0x3  }
0x18d: {  	v4 =	vmul.u32 $0x30, v18  }
0x18e: {  	v3 =	vand.u32 $0x7, v3  }
0x18f: {  	v3 =	vor.u32 v3, v4  }
0x190: {  	v4 =	vperm.xlane v3, v0;
	_ =	sdelay $0x1  }
0x191: {  	v4 =	vadd.s32 v1, v4;
	_ =	sdelay $0x3  }
0x192: {  	s9 =	simm.s32 $0x6080;
	v3 =	vperm.xlane v3, v2  }
0x193: {  	[tilespmem:s9], [sflag:$0x1] =	stream.indirect_vreg.gather [hbm4b:s3+s2], $0x80, v4, vm0, $0xb8;
	[tilespmem:$0x18080] =	vst v63  }
0x194: {  	v3 =	vadd.s32 v1, v3  }
0x195: {  	[tilespmem:s8], [sflag:$0x1] =	stream.indirect_vreg.gather [hbm4b:s4+s2], $0x80, v4, vm0, $0xb8;
	[tilespmem:$0x18080] =	vst v63  }
0x196: {  	_ = 	snop  }
0x197: {  	[tilespmem:s10], [sflag:$0x1] =	stream.indirect_vreg.gather [hbm4b:s5+s2], $0x80, v4, vm0, $0xb8;
	[tilespmem:$0x18080] =	vst v63  }
0x198: {  	_ = 	snop  }
0x199: {  	[tilespmem:s11], [sflag:$0x1] =	stream.indirect_vreg.gather [hbm4b:s3+s2], $0x80, v3, vm0, $0xb8;
	[tilespmem:$0x18080] =	vst v63  }
0x19a: {  	_ = 	snop  }
0x19b: {  	[tilespmem:s12], [sflag:$0x1] =	stream.indirect_vreg.gather [hbm4b:s4+s2], $0x80, v3, vm0, $0xb8;
	[tilespmem:$0x18080] =	vst v63  }
0x19c: {  	s9 =	simm.s32 $0x8880  }
0x19d: {  	[tilespmem:s9], [sflag:$0x1] =	stream.indirect_vreg.gather [hbm4b:s5+s2], $0x80, v3, vm0, $0xb8;
	[tilespmem:$0x18080] =	vst v63  }
0x19e: {  	v3 =	vld [tilespmem:$0x30];
	_ =	sdelay $0x4  }
0x19f: {  	v19 =	vshrl.u32 v3, $0x3  }
0x1a0: {  	v4 =	vmul.u32 $0x30, v19  }
0x1a1: {  	v3 =	vand.u32 $0x7, v3  }
0x1a2: {  	v3 =	vor.u32 v3, v4  }
0x1a3: {  	v4 =	vperm.xlane v3, v0;
	_ =	sdelay $0x1  }
0x1a4: {  	v4 =	vadd.s32 v1, v4;
	_ =	sdelay $0x3  }
0x1a5: {  	s9 =	simm.s32 $0x9080;
	v3 =	vperm.xlane v3, v2  }
0x1a6: {  	[tilespmem:s9], [sflag:$0x1] =	stream.indirect_vreg.gather [hbm4b:s3+s2], $0x80, v4, vm0, $0xb8;
	[tilespmem:$0x18080] =	vst v63  }
0x1a7: {  	v3 =	vadd.s32 v1, v3  }
0x1a8: {  	[tilespmem:s13], [sflag:$0x1] =	stream.indirect_vreg.gather [hbm4b:s4+s2], $0x80, v4, vm0, $0xb8;
	[tilespmem:$0x18080] =	vst v63  }
0x1a9: {  	_ = 	snop  }
0x1aa: {  	[tilespmem:s14], [sflag:$0x1] =	stream.indirect_vreg.gather [hbm4b:s5+s2], $0x80, v4, vm0, $0xb8;
	[tilespmem:$0x18080] =	vst v63  }
0x1ab: {  	_ = 	snop  }
0x1ac: {  	[tilespmem:s15], [sflag:$0x1] =	stream.indirect_vreg.gather [hbm4b:s3+s2], $0x80, v3, vm0, $0xb8;
	[tilespmem:$0x18080] =	vst v63  }
0x1ad: {  	s9 =	simm.s32 $0xB080  }
0x1ae: {  	[tilespmem:s9], [sflag:$0x1] =	stream.indirect_vreg.gather [hbm4b:s4+s2], $0x80, v3, vm0, $0xb8;
	[tilespmem:$0x18080] =	vst v63  }
0x1af: {  	s9 =	simm.s32 $0xB880  }
0x1b0: {  	[tilespmem:s9], [sflag:$0x1] =	stream.indirect_vreg.gather [hbm4b:s5+s2], $0x80, v3, vm0, $0xb8;
	[tilespmem:$0x18080] =	vst v63  }
0x1b1: {  	v3 =	vld [tilespmem:$0x40];
	_ =	sdelay $0x4  }
0x1b2: {  	v20 =	vshrl.u32 v3, $0x3  }
0x1b3: {  	v4 =	vmul.u32 $0x30, v20  }
0x1b4: {  	v3 =	vand.u32 $0x7, v3  }
0x1b5: {  	v3 =	vor.u32 v3, v4  }
0x1b6: {  	v4 =	vperm.xlane v3, v0;
	_ =	sdelay $0x1  }
0x1b7: {  	v4 =	vadd.s32 v1, v4;
	_ =	sdelay $0x3  }
0x1b8: {  	s9 =	simm.s32 $0xC080;
	v3 =	vperm.xlane v3, v2  }
0x1b9: {  	[tilespmem:s9], [sflag:$0x1] =	stream.indirect_vreg.gather [hbm4b:s3+s2], $0x80, v4, vm0, $0xb8;
	[tilespmem:$0x18080] =	vst v63  }
0x1ba: {  	s17 =	simm.s32 $0xC880;
	v3 =	vadd.s32 v1, v3  }
0x1bb: {  	[tilespmem:s17], [sflag:$0x1] =	stream.indirect_vreg.gather [hbm4b:s4+s2], $0x80, v4, vm0, $0xb8;
	[tilespmem:$0x18080] =	vst v63  }
0x1bc: {  	s18 =	simm.s32 $0xD080  }
0x1bd: {  	[tilespmem:s18], [sflag:$0x1] =	stream.indirect_vreg.gather [hbm4b:s5+s2], $0x80, v4, vm0, $0xb8;
	[tilespmem:$0x18080] =	vst v63  }
0x1be: {  	s9 =	simm.s32 $0xD880  }
0x1bf: {  	[tilespmem:s9], [sflag:$0x1] =	stream.indirect_vreg.gather [hbm4b:s3+s2], $0x80, v3, vm0, $0xb8;
	[tilespmem:$0x18080] =	vst v63  }
0x1c0: {  	s9 =	simm.s32 $0xE080  }
0x1c1: {  	[tilespmem:s9], [sflag:$0x1] =	stream.indirect_vreg.gather [hbm4b:s4+s2], $0x80, v3, vm0, $0xb8;
	[tilespmem:$0x18080] =	vst v63  }
0x1c2: {  	s9 =	simm.s32 $0xE880  }
0x1c3: {  	[tilespmem:s9], [sflag:$0x1] =	stream.indirect_vreg.gather [hbm4b:s5+s2], $0x80, v3, vm0, $0xb8;
	[tilespmem:$0x18080] =	vst v63  }
0x1c4: {  	v3 =	vld [tilespmem:$0x50];
	_ =	sdelay $0x4  }
0x1c5: {  	v21 =	vshrl.u32 v3, $0x3  }
0x1c6: {  	v4 =	vmul.u32 $0x30, v21  }
0x1c7: {  	v3 =	vand.u32 $0x7, v3  }
0x1c8: {  	v3 =	vor.u32 v3, v4  }
0x1c9: {  	v4 =	vperm.xlane v3, v0;
	_ =	sdelay $0x1  }
0x1ca: {  	v4 =	vadd.s32 v1, v4;
	_ =	sdelay $0x3  }
0x1cb: {  	s9 =	simm.s32 $0xF080;
	v3 =	vperm.xlane v3, v2  }
0x1cc: {  	[tilespmem:s9], [sflag:$0x1] =	stream.indirect_vreg.gather [hbm4b:s3+s2], $0x80, v4, vm0, $0xb8;
	[tilespmem:$0x18080] =	vst v63  }
0x1cd: {  	s19 =	simm.s32 $0xF880;
	v3 =	vadd.s32 v1, v3  }
0x1ce: {  	[tilespmem:s19], [sflag:$0x1] =	stream.indirect_vreg.gather [hbm4b:s4+s2], $0x80, v4, vm0, $0xb8;
	[tilespmem:$0x18080] =	vst v63  }
0x1cf: {  	s20 =	simm.s32 $0x10080  }
0x1d0: {  	[tilespmem:s20], [sflag:$0x1] =	stream.indirect_vreg.gather [hbm4b:s5+s2], $0x80, v4, vm0, $0xb8;
	[tilespmem:$0x18080] =	vst v63  }
0x1d1: {  	s9 =	simm.s32 $0x10880  }
0x1d2: {  	[tilespmem:s9], [sflag:$0x1] =	stream.indirect_vreg.gather [hbm4b:s3+s2], $0x80, v3, vm0, $0xb8;
	[tilespmem:$0x18080] =	vst v63  }
0x1d3: {  	s9 =	simm.s32 $0x11080  }
0x1d4: {  	[tilespmem:s9], [sflag:$0x1] =	stream.indirect_vreg.gather [hbm4b:s4+s2], $0x80, v3, vm0, $0xb8;
	[tilespmem:$0x18080] =	vst v63  }
0x1d5: {  	s9 =	simm.s32 $0x11880  }
0x1d6: {  	[tilespmem:s9], [sflag:$0x1] =	stream.indirect_vreg.gather [hbm4b:s5+s2], $0x80, v3, vm0, $0xb8;
	[tilespmem:$0x18080] =	vst v63  }
0x1d7: {  	v3 =	vld [tilespmem:$0x60];
	_ =	sdelay $0x4  }
0x1d8: {  	v22 =	vshrl.u32 v3, $0x3  }
0x1d9: {  	v4 =	vmul.u32 $0x30, v22  }
0x1da: {  	v3 =	vand.u32 $0x7, v3  }
0x1db: {  	v3 =	vor.u32 v3, v4  }
0x1dc: {  	v4 =	vperm.xlane v3, v0;
	_ =	sdelay $0x1  }
0x1dd: {  	v4 =	vadd.s32 v1, v4;
	_ =	sdelay $0x3  }
0x1de: {  	s9 =	simm.s32 $0x12080;
	v3 =	vperm.xlane v3, v2  }
0x1df: {  	[tilespmem:s9], [sflag:$0x1] =	stream.indirect_vreg.gather [hbm4b:s3+s2], $0x80, v4, vm0, $0xb8;
	[tilespmem:$0x18080] =	vst v63  }
0x1e0: {  	s21 =	simm.s32 $0x12880;
	v3 =	vadd.s32 v1, v3  }
0x1e1: {  	[tilespmem:s21], [sflag:$0x1] =	stream.indirect_vreg.gather [hbm4b:s4+s2], $0x80, v4, vm0, $0xb8;
	[tilespmem:$0x18080] =	vst v63  }
0x1e2: {  	s22 =	simm.s32 $0x13080  }
0x1e3: {  	[tilespmem:s22], [sflag:$0x1] =	stream.indirect_vreg.gather [hbm4b:s5+s2], $0x80, v4, vm0, $0xb8;
	[tilespmem:$0x18080] =	vst v63  }
0x1e4: {  	s9 =	simm.s32 $0x13880  }
0x1e5: {  	[tilespmem:s9], [sflag:$0x1] =	stream.indirect_vreg.gather [hbm4b:s3+s2], $0x80, v3, vm0, $0xb8;
	[tilespmem:$0x18080] =	vst v63  }
0x1e6: {  	s9 =	simm.s32 $0x14080  }
0x1e7: {  	[tilespmem:s9], [sflag:$0x1] =	stream.indirect_vreg.gather [hbm4b:s4+s2], $0x80, v3, vm0, $0xb8;
	[tilespmem:$0x18080] =	vst v63  }
0x1e8: {  	s9 =	simm.s32 $0x14880  }
0x1e9: {  	[tilespmem:s9], [sflag:$0x1] =	stream.indirect_vreg.gather [hbm4b:s5+s2], $0x80, v3, vm0, $0xb8;
	[tilespmem:$0x18080] =	vst v63  }
0x1ea: {  	v3 =	vld [tilespmem:$0x70];
	_ =	sdelay $0x4  }
0x1eb: {  	v23 =	vshrl.u32 v3, $0x3  }
0x1ec: {  	v4 =	vmul.u32 $0x30, v23  }
0x1ed: {  	v3 =	vand.u32 $0x7, v3  }
0x1ee: {  	v3 =	vor.u32 v3, v4  }
0x1ef: {  	v4 =	vperm.xlane v3, v0;
	_ =	sdelay $0x1  }
0x1f0: {  	v4 =	vadd.s32 v1, v4;
	_ =	sdelay $0x3  }
0x1f1: {  	s9 =	simm.s32 $0x15080;
	v3 =	vperm.xlane v3, v2  }
0x1f2: {  	[tilespmem:s9], [sflag:$0x1] =	stream.indirect_vreg.gather [hbm4b:s3+s2], $0x80, v4, vm0, $0xb8;
	[tilespmem:$0x18080] =	vst v63  }
0x1f3: {  	s23 =	simm.s32 $0x15880;
	v3 =	vadd.s32 v1, v3  }
0x1f4: {  	[tilespmem:s23], [sflag:$0x1] =	stream.indirect_vreg.gather [hbm4b:s4+s2], $0x80, v4, vm0, $0xb8;
	[tilespmem:$0x18080] =	vst v63  }
0x1f5: {  	s24 =	simm.s32 $0x16080  }
0x1f6: {  	[tilespmem:s24], [sflag:$0x1] =	stream.indirect_vreg.gather [hbm4b:s5+s2], $0x80, v4, vm0, $0xb8;
	[tilespmem:$0x18080] =	vst v63  }
0x1f7: {  	s9 =	simm.s32 $0x16880  }
0x1f8: {  	[tilespmem:s9], [sflag:$0x1] =	stream.indirect_vreg.gather [hbm4b:s3+s2], $0x80, v3, vm0, $0xb8;
	[tilespmem:$0x18080] =	vst v63  }
0x1f9: {  	s9 =	simm.s32 $0x17080  }
0x1fa: {  	[tilespmem:s9], [sflag:$0x1] =	stream.indirect_vreg.gather [hbm4b:s4+s2], $0x80, v3, vm0, $0xb8;
	[tilespmem:$0x18080] =	vst v63  }
0x1fb: {  	s9 =	simm.s32 $0x17880  }
0x1fc: {  	[tilespmem:s9], [sflag:$0x1] =	stream.indirect_vreg.gather [hbm4b:s5+s2], $0x80, v3, vm0, $0xb8;
	[tilespmem:$0x18080] =	vst v63  }
0x1fd: {  	_ =	swait.ge [sflag:s1], $0x18000  }
0x1fe: {  	[sflag:s1] =	ssyncset.done $0x0  }
0x1ff: {  	s9 =	rddreg [dreg:$0x8];
	[sflag:s1] =	ssyncadd.s32 $0xFFFE8000  }
0x200: {  	[hbm4b:s9+s2] =	stream.linear.scatter [tilespmem:s16], [sflag:$0x2], $0x18000, $0x38;
	[tilespmem:$0x18080] =	vst v63  }
0x201: {  	_ =	swait.ge [sflag:s7], $0x18000  }
0x202: {  	[sflag:s7] =	ssyncset.done $0x0  }
0x203: {  	s9 =	rddreg [dreg:$0x9];
	[sflag:s7] =	ssyncadd.s32 $0xFFFE8000  }
0x204: {  	[tilespmem:s2], [sflag:$0x2] =	stream.linear.gather [hbm4b:s9+s2], $0x80, $0x38;
	[tilespmem:$0x18080] =	vst v63  }
0x205: {  	_ =	swait.ge [sflag:s7], $0x80  }
0x206: {  	[sflag:s7] =	ssyncset.done $0x0  }
0x207: {  	[sflag:s7] =	ssyncadd.s32 $0xFFFFFF80  }
0x208: {  	v3 =	vld [tilespmem:$0x0];
	_ =	sdelay $0x4  }
0x209: {  	v24 =	vshrl.u32 v3, $0x3  }
0x20a: {  	v4 =	vmul.u32 $0x30, v24  }
0x20b: {  	v3 =	vand.u32 $0x7, v3  }
0x20c: {  	v3 =	vor.u32 v3, v4  }
0x20d: {  	v4 =	vperm.xlane v3, v0;
	_ =	sdelay $0x1  }
0x20e: {  	v4 =	vadd.s32 v1, v4;
	_ =	sdelay $0x3  }
0x20f: {  	v3 =	vperm.xlane v3, v2  }
0x210: {  	[tilespmem:s16], [sflag:$0x1] =	stream.indirect_vreg.gather [hbm4b:s3+s2], $0x80, v4, vm0, $0xb8;
	[tilespmem:$0x18080] =	vst v63  }
0x211: {  	s25 =	simm.s32 $0x880;
	v3 =	vadd.s32 v1, v3  }
0x212: {  	[tilespmem:s25], [sflag:$0x1] =	stream.indirect_vreg.gather [hbm4b:s4+s2], $0x80, v4, vm0, $0xb8;
	[tilespmem:$0x18080] =	vst v63  }
0x213: {  	s26 =	simm.s32 $0x1080  }
0x214: {  	[tilespmem:s26], [sflag:$0x1] =	stream.indirect_vreg.gather [hbm4b:s5+s2], $0x80, v4, vm0, $0xb8;
	[tilespmem:$0x18080] =	vst v63  }
0x215: {  	s28 =	simm.s32 $0x1880  }
0x216: {  	[tilespmem:s28], [sflag:$0x1] =	stream.indirect_vreg.gather [hbm4b:s3+s2], $0x80, v3, vm0, $0xb8;
	[tilespmem:$0x18080] =	vst v63  }
0x217: {  	s29 =	simm.s32 $0x2080  }
0x218: {  	[tilespmem:s29], [sflag:$0x1] =	stream.indirect_vreg.gather [hbm4b:s4+s2], $0x80, v3, vm0, $0xb8;
	[tilespmem:$0x18080] =	vst v63  }
0x219: {  	s9 =	simm.s32 $0x2880  }
0x21a: {  	[tilespmem:s9], [sflag:$0x1] =	stream.indirect_vreg.gather [hbm4b:s5+s2], $0x80, v3, vm0, $0xb8;
	[tilespmem:$0x18080] =	vst v63  }
0x21b: {  	v3 =	vld [tilespmem:$0x10];
	_ =	sdelay $0x4  }
0x21c: {  	v25 =	vshrl.u32 v3, $0x3  }
0x21d: {  	v4 =	vmul.u32 $0x30, v25  }
0x21e: {  	v3 =	vand.u32 $0x7, v3  }
0x21f: {  	v3 =	vor.u32 v3, v4  }
0x220: {  	v4 =	vperm.xlane v3, v0;
	_ =	sdelay $0x1  }
0x221: {  	v4 =	vadd.s32 v1, v4;
	_ =	sdelay $0x3  }
0x222: {  	s9 =	simm.s32 $0x3080;
	v3 =	vperm.xlane v3, v2  }
0x223: {  	[tilespmem:s9], [sflag:$0x1] =	stream.indirect_vreg.gather [hbm4b:s3+s2], $0x80, v4, vm0, $0xb8;
	[tilespmem:$0x18080] =	vst v63  }
0x224: {  	s30 =	simm.s32 $0x3880;
	v3 =	vadd.s32 v1, v3  }
0x225: {  	[tilespmem:s30], [sflag:$0x1] =	stream.indirect_vreg.gather [hbm4b:s4+s2], $0x80, v4, vm0, $0xb8;
	[tilespmem:$0x18080] =	vst v63  }
0x226: {  	s31 =	simm.s32 $0x4080  }
0x227: {  	[tilespmem:s31], [sflag:$0x1] =	stream.indirect_vreg.gather [hbm4b:s5+s2], $0x80, v4, vm0, $0xb8;
	[tilespmem:$0x18080] =	vst v63  }
0x228: {  	s0 =	simm.s32 $0x4880  }
0x229: {  	[tilespmem:s0], [sflag:$0x1] =	stream.indirect_vreg.gather [hbm4b:s3+s2], $0x80, v3, vm0, $0xb8;
	[tilespmem:$0x18080] =	vst v63  }
0x22a: {  	s6 =	simm.s32 $0x5080  }
0x22b: {  	[tilespmem:s6], [sflag:$0x1] =	stream.indirect_vreg.gather [hbm4b:s4+s2], $0x80, v3, vm0, $0xb8;
	[tilespmem:$0x18080] =	vst v63  }
0x22c: {  	s9 =	simm.s32 $0x5880  }
0x22d: {  	[tilespmem:s9], [sflag:$0x1] =	stream.indirect_vreg.gather [hbm4b:s5+s2], $0x80, v3, vm0, $0xb8;
	[tilespmem:$0x18080] =	vst v63  }
0x22e: {  	v3 =	vld [tilespmem:$0x20];
	_ =	sdelay $0x4  }
0x22f: {  	v26 =	vshrl.u32 v3, $0x3  }
0x230: {  	v4 =	vmul.u32 $0x30, v26  }
0x231: {  	v3 =	vand.u32 $0x7, v3  }
0x232: {  	v3 =	vor.u32 v3, v4  }
0x233: {  	v4 =	vperm.xlane v3, v0;
	_ =	sdelay $0x1  }
0x234: {  	v4 =	vadd.s32 v1, v4;
	_ =	sdelay $0x3  }
0x235: {  	s9 =	simm.s32 $0x6080;
	v3 =	vperm.xlane v3, v2  }
0x236: {  	[tilespmem:s9], [sflag:$0x1] =	stream.indirect_vreg.gather [hbm4b:s3+s2], $0x80, v4, vm0, $0xb8;
	[tilespmem:$0x18080] =	vst v63  }
0x237: {  	s8 =	simm.s32 $0x6880;
	v3 =	vadd.s32 v1, v3  }
0x238: {  	[tilespmem:s8], [sflag:$0x1] =	stream.indirect_vreg.gather [hbm4b:s4+s2], $0x80, v4, vm0, $0xb8;
	[tilespmem:$0x18080] =	vst v63  }
0x239: {  	s10 =	simm.s32 $0x7080  }
0x23a: {  	[tilespmem:s10], [sflag:$0x1] =	stream.indirect_vreg.gather [hbm4b:s5+s2], $0x80, v4, vm0, $0xb8;
	[tilespmem:$0x18080] =	vst v63  }
0x23b: {  	s11 =	simm.s32 $0x7880  }
0x23c: {  	[tilespmem:s11], [sflag:$0x1] =	stream.indirect_vreg.gather [hbm4b:s3+s2], $0x80, v3, vm0, $0xb8;
	[tilespmem:$0x18080] =	vst v63  }
0x23d: {  	s12 =	simm.s32 $0x8080  }
0x23e: {  	[tilespmem:s12], [sflag:$0x1] =	stream.indirect_vreg.gather [hbm4b:s4+s2], $0x80, v3, vm0, $0xb8;
	[tilespmem:$0x18080] =	vst v63  }
0x23f: {  	s9 =	simm.s32 $0x8880  }
0x240: {  	[tilespmem:s9], [sflag:$0x1] =	stream.indirect_vreg.gather [hbm4b:s5+s2], $0x80, v3, vm0, $0xb8;
	[tilespmem:$0x18080] =	vst v63  }
0x241: {  	v3 =	vld [tilespmem:$0x30];
	_ =	sdelay $0x4  }
0x242: {  	v27 =	vshrl.u32 v3, $0x3  }
0x243: {  	v4 =	vmul.u32 $0x30, v27  }
0x244: {  	v3 =	vand.u32 $0x7, v3  }
0x245: {  	v3 =	vor.u32 v3, v4  }
0x246: {  	v4 =	vperm.xlane v3, v0;
	_ =	sdelay $0x1  }
0x247: {  	v4 =	vadd.s32 v1, v4;
	_ =	sdelay $0x3  }
0x248: {  	s9 =	simm.s32 $0x9080;
	v3 =	vperm.xlane v3, v2  }
0x249: {  	[tilespmem:s9], [sflag:$0x1] =	stream.indirect_vreg.gather [hbm4b:s3+s2], $0x80, v4, vm0, $0xb8;
	[tilespmem:$0x18080] =	vst v63  }
0x24a: {  	s13 =	simm.s32 $0x9880;
	v3 =	vadd.s32 v1, v3  }
0x24b: {  	[tilespmem:s13], [sflag:$0x1] =	stream.indirect_vreg.gather [hbm4b:s4+s2], $0x80, v4, vm0, $0xb8;
	[tilespmem:$0x18080] =	vst v63  }
0x24c: {  	s14 =	simm.s32 $0xA080  }
0x24d: {  	[tilespmem:s14], [sflag:$0x1] =	stream.indirect_vreg.gather [hbm4b:s5+s2], $0x80, v4, vm0, $0xb8;
	[tilespmem:$0x18080] =	vst v63  }
0x24e: {  	s15 =	simm.s32 $0xA880  }
0x24f: {  	[tilespmem:s15], [sflag:$0x1] =	stream.indirect_vreg.gather [hbm4b:s3+s2], $0x80, v3, vm0, $0xb8;
	[tilespmem:$0x18080] =	vst v63  }
0x250: {  	s9 =	simm.s32 $0xB080  }
0x251: {  	[tilespmem:s9], [sflag:$0x1] =	stream.indirect_vreg.gather [hbm4b:s4+s2], $0x80, v3, vm0, $0xb8;
	[tilespmem:$0x18080] =	vst v63  }
0x252: {  	s9 =	simm.s32 $0xB880  }
0x253: {  	[tilespmem:s9], [sflag:$0x1] =	stream.indirect_vreg.gather [hbm4b:s5+s2], $0x80, v3, vm0, $0xb8;
	[tilespmem:$0x18080] =	vst v63  }
0x254: {  	v3 =	vld [tilespmem:$0x40];
	_ =	sdelay $0x4  }
0x255: {  	v28 =	vshrl.u32 v3, $0x3  }
0x256: {  	v4 =	vmul.u32 $0x30, v28  }
0x257: {  	v3 =	vand.u32 $0x7, v3  }
0x258: {  	v3 =	vor.u32 v3, v4  }
0x259: {  	v4 =	vperm.xlane v3, v0;
	_ =	sdelay $0x1  }
0x25a: {  	v4 =	vadd.s32 v1, v4;
	_ =	sdelay $0x3  }
0x25b: {  	s9 =	simm.s32 $0xC080;
	v3 =	vperm.xlane v3, v2  }
0x25c: {  	[tilespmem:s9], [sflag:$0x1] =	stream.indirect_vreg.gather [hbm4b:s3+s2], $0x80, v4, vm0, $0xb8;
	[tilespmem:$0x18080] =	vst v63  }
0x25d: {  	s17 =	simm.s32 $0xC880;
	v3 =	vadd.s32 v1, v3  }
0x25e: {  	[tilespmem:s17], [sflag:$0x1] =	stream.indirect_vreg.gather [hbm4b:s4+s2], $0x80, v4, vm0, $0xb8;
	[tilespmem:$0x18080] =	vst v63  }
0x25f: {  	s18 =	simm.s32 $0xD080  }
0x260: {  	[tilespmem:s18], [sflag:$0x1] =	stream.indirect_vreg.gather [hbm4b:s5+s2], $0x80, v4, vm0, $0xb8;
	[tilespmem:$0x18080] =	vst v63  }
0x261: {  	s9 =	simm.s32 $0xD880  }
0x262: {  	[tilespmem:s9], [sflag:$0x1] =	stream.indirect_vreg.gather [hbm4b:s3+s2], $0x80, v3, vm0, $0xb8;
	[tilespmem:$0x18080] =	vst v63  }
0x263: {  	s9 =	simm.s32 $0xE080  }
0x264: {  	[tilespmem:s9], [sflag:$0x1] =	stream.indirect_vreg.gather [hbm4b:s4+s2], $0x80, v3, vm0, $0xb8;
	[tilespmem:$0x18080] =	vst v63  }
0x265: {  	s9 =	simm.s32 $0xE880  }
0x266: {  	[tilespmem:s9], [sflag:$0x1] =	stream.indirect_vreg.gather [hbm4b:s5+s2], $0x80, v3, vm0, $0xb8;
	[tilespmem:$0x18080] =	vst v63  }
0x267: {  	v3 =	vld [tilespmem:$0x50];
	_ =	sdelay $0x4  }
0x268: {  	v29 =	vshrl.u32 v3, $0x3  }
0x269: {  	v4 =	vmul.u32 $0x30, v29  }
0x26a: {  	v3 =	vand.u32 $0x7, v3  }
0x26b: {  	v3 =	vor.u32 v3, v4  }
0x26c: {  	v4 =	vperm.xlane v3, v0;
	_ =	sdelay $0x1  }
0x26d: {  	v4 =	vadd.s32 v1, v4;
	_ =	sdelay $0x3  }
0x26e: {  	s9 =	simm.s32 $0xF080;
	v3 =	vperm.xlane v3, v2  }
0x26f: {  	[tilespmem:s9], [sflag:$0x1] =	stream.indirect_vreg.gather [hbm4b:s3+s2], $0x80, v4, vm0, $0xb8;
	[tilespmem:$0x18080] =	vst v63  }
0x270: {  	s19 =	simm.s32 $0xF880;
	v3 =	vadd.s32 v1, v3  }
0x271: {  	[tilespmem:s19], [sflag:$0x1] =	stream.indirect_vreg.gather [hbm4b:s4+s2], $0x80, v4, vm0, $0xb8;
	[tilespmem:$0x18080] =	vst v63  }
0x272: {  	s20 =	simm.s32 $0x10080  }
0x273: {  	[tilespmem:s20], [sflag:$0x1] =	stream.indirect_vreg.gather [hbm4b:s5+s2], $0x80, v4, vm0, $0xb8;
	[tilespmem:$0x18080] =	vst v63  }
0x274: {  	s9 =	simm.s32 $0x10880  }
0x275: {  	[tilespmem:s9], [sflag:$0x1] =	stream.indirect_vreg.gather [hbm4b:s3+s2], $0x80, v3, vm0, $0xb8;
	[tilespmem:$0x18080] =	vst v63  }
0x276: {  	s9 =	simm.s32 $0x11080  }
0x277: {  	[tilespmem:s9], [sflag:$0x1] =	stream.indirect_vreg.gather [hbm4b:s4+s2], $0x80, v3, vm0, $0xb8;
	[tilespmem:$0x18080] =	vst v63  }
0x278: {  	s9 =	simm.s32 $0x11880  }
0x279: {  	[tilespmem:s9], [sflag:$0x1] =	stream.indirect_vreg.gather [hbm4b:s5+s2], $0x80, v3, vm0, $0xb8;
	[tilespmem:$0x18080] =	vst v63  }
0x27a: {  	v3 =	vld [tilespmem:$0x60];
	_ =	sdelay $0x4  }
0x27b: {  	v30 =	vshrl.u32 v3, $0x3  }
0x27c: {  	v4 =	vmul.u32 $0x30, v30  }
0x27d: {  	v3 =	vand.u32 $0x7, v3  }
0x27e: {  	v3 =	vor.u32 v3, v4  }
0x27f: {  	v4 =	vperm.xlane v3, v0;
	_ =	sdelay $0x1  }
0x280: {  	v4 =	vadd.s32 v1, v4;
	_ =	sdelay $0x3  }
0x281: {  	s9 =	simm.s32 $0x12080;
	v3 =	vperm.xlane v3, v2  }
0x282: {  	[tilespmem:s9], [sflag:$0x1] =	stream.indirect_vreg.gather [hbm4b:s3+s2], $0x80, v4, vm0, $0xb8;
	[tilespmem:$0x18080] =	vst v63  }
0x283: {  	s21 =	simm.s32 $0x12880;
	v3 =	vadd.s32 v1, v3  }
0x284: {  	[tilespmem:s21], [sflag:$0x1] =	stream.indirect_vreg.gather [hbm4b:s4+s2], $0x80, v4, vm0, $0xb8;
	[tilespmem:$0x18080] =	vst v63  }
0x285: {  	s22 =	simm.s32 $0x13080  }
0x286: {  	[tilespmem:s22], [sflag:$0x1] =	stream.indirect_vreg.gather [hbm4b:s5+s2], $0x80, v4, vm0, $0xb8;
	[tilespmem:$0x18080] =	vst v63  }
0x287: {  	s9 =	simm.s32 $0x13880  }
0x288: {  	[tilespmem:s9], [sflag:$0x1] =	stream.indirect_vreg.gather [hbm4b:s3+s2], $0x80, v3, vm0, $0xb8;
	[tilespmem:$0x18080] =	vst v63  }
0x289: {  	s9 =	simm.s32 $0x14080  }
0x28a: {  	[tilespmem:s9], [sflag:$0x1] =	stream.indirect_vreg.gather [hbm4b:s4+s2], $0x80, v3, vm0, $0xb8;
	[tilespmem:$0x18080] =	vst v63  }
0x28b: {  	s9 =	simm.s32 $0x14880  }
0x28c: {  	[tilespmem:s9], [sflag:$0x1] =	stream.indirect_vreg.gather [hbm4b:s5+s2], $0x80, v3, vm0, $0xb8;
	[tilespmem:$0x18080] =	vst v63  }
0x28d: {  	v3 =	vld [tilespmem:$0x70];
	_ =	sdelay $0x4  }
0x28e: {  	v31 =	vshrl.u32 v3, $0x3  }
0x28f: {  	v4 =	vmul.u32 $0x30, v31  }
0x290: {  	v3 =	vand.u32 $0x7, v3  }
0x291: {  	v3 =	vor.u32 v3, v4  }
0x292: {  	v4 =	vperm.xlane v3, v0;
	_ =	sdelay $0x1  }
0x293: {  	v4 =	vadd.s32 v1, v4;
	_ =	sdelay $0x3  }
0x294: {  	s9 =	simm.s32 $0x15080;
	v3 =	vperm.xlane v3, v2  }
0x295: {  	[tilespmem:s9], [sflag:$0x1] =	stream.indirect_vreg.gather [hbm4b:s3+s2], $0x80, v4, vm0, $0xb8;
	[tilespmem:$0x18080] =	vst v63  }
0x296: {  	s23 =	simm.s32 $0x15880;
	v3 =	vadd.s32 v1, v3  }
0x297: {  	[tilespmem:s23], [sflag:$0x1] =	stream.indirect_vreg.gather [hbm4b:s4+s2], $0x80, v4, vm0, $0xb8;
	[tilespmem:$0x18080] =	vst v63  }
0x298: {  	s24 =	simm.s32 $0x16080  }
0x299: {  	[tilespmem:s24], [sflag:$0x1] =	stream.indirect_vreg.gather [hbm4b:s5+s2], $0x80, v4, vm0, $0xb8;
	[tilespmem:$0x18080] =	vst v63  }
0x29a: {  	s9 =	simm.s32 $0x16880  }
0x29b: {  	[tilespmem:s9], [sflag:$0x1] =	stream.indirect_vreg.gather [hbm4b:s3+s2], $0x80, v3, vm0, $0xb8;
	[tilespmem:$0x18080] =	vst v63  }
0x29c: {  	s9 =	simm.s32 $0x17080  }
0x29d: {  	[tilespmem:s9], [sflag:$0x1] =	stream.indirect_vreg.gather [hbm4b:s4+s2], $0x80, v3, vm0, $0xb8;
	[tilespmem:$0x18080] =	vst v63  }
0x29e: {  	s9 =	simm.s32 $0x17880  }
0x29f: {  	[tilespmem:s9], [sflag:$0x1] =	stream.indirect_vreg.gather [hbm4b:s5+s2], $0x80, v3, vm0, $0xb8;
	[tilespmem:$0x18080] =	vst v63  }
0x2a0: {  	_ =	swait.ge [sflag:s1], $0x18000  }
0x2a1: {  	[sflag:s1] =	ssyncset.done $0x0  }
0x2a2: {  	s9 =	rddreg [dreg:$0xa];
	[sflag:s1] =	ssyncadd.s32 $0xFFFE8000  }
0x2a3: {  	[hbm4b:s9+s2] =	stream.linear.scatter [tilespmem:s16], [sflag:$0x2], $0x18000, $0x38;
	[tilespmem:$0x18080] =	vst v63  }
0x2a4: {  	_ =	swait.ge [sflag:s7], $0x18000  }
0x2a5: {  	[sflag:s7] =	ssyncset.done $0x0  }
0x2a6: {  	s9 =	rddreg [dreg:$0xb];
	[sflag:s7] =	ssyncadd.s32 $0xFFFE8000  }
0x2a7: {  	[tilespmem:s2], [sflag:$0x2] =	stream.linear.gather [hbm4b:s9+s2], $0x80, $0x38;
	[tilespmem:$0x18080] =	vst v63  }
0x2a8: {  	_ =	swait.ge [sflag:s7], $0x80  }
0x2a9: {  	[sflag:s7] =	ssyncset.done $0x0  }
0x2aa: {  	[sflag:s7] =	ssyncadd.s32 $0xFFFFFF80  }
0x2ab: {  	v3 =	vld [tilespmem:$0x0];
	_ =	sdelay $0x4  }
0x2ac: {  	v32 =	vshrl.u32 v3, $0x3  }
0x2ad: {  	v4 =	vmul.u32 $0x30, v32  }
0x2ae: {  	v3 =	vand.u32 $0x7, v3  }
0x2af: {  	v3 =	vor.u32 v3, v4  }
0x2b0: {  	v4 =	vperm.xlane v3, v0;
	_ =	sdelay $0x1  }
0x2b1: {  	v4 =	vadd.s32 v1, v4;
	_ =	sdelay $0x3  }
0x2b2: {  	v3 =	vperm.xlane v3, v2  }
0x2b3: {  	[tilespmem:s16], [sflag:$0x1] =	stream.indirect_vreg.gather [hbm4b:s3+s2], $0x80, v4, vm0, $0xb8;
	[tilespmem:$0x18080] =	vst v63  }
0x2b4: {  	s25 =	simm.s32 $0x880;
	v3 =	vadd.s32 v1, v3  }
0x2b5: {  	[tilespmem:s25], [sflag:$0x1] =	stream.indirect_vreg.gather [hbm4b:s4+s2], $0x80, v4, vm0, $0xb8;
	[tilespmem:$0x18080] =	vst v63  }
0x2b6: {  	s26 =	simm.s32 $0x1080  }
0x2b7: {  	[tilespmem:s26], [sflag:$0x1] =	stream.indirect_vreg.gather [hbm4b:s5+s2], $0x80, v4, vm0, $0xb8;
	[tilespmem:$0x18080] =	vst v63  }
0x2b8: {  	s28 =	simm.s32 $0x1880  }
0x2b9: {  	[tilespmem:s28], [sflag:$0x1] =	stream.indirect_vreg.gather [hbm4b:s3+s2], $0x80, v3, vm0, $0xb8;
	[tilespmem:$0x18080] =	vst v63  }
0x2ba: {  	s29 =	simm.s32 $0x2080  }
0x2bb: {  	[tilespmem:s29], [sflag:$0x1] =	stream.indirect_vreg.gather [hbm4b:s4+s2], $0x80, v3, vm0, $0xb8;
	[tilespmem:$0x18080] =	vst v63  }
0x2bc: {  	s9 =	simm.s32 $0x2880  }
0x2bd: {  	[tilespmem:s9], [sflag:$0x1] =	stream.indirect_vreg.gather [hbm4b:s5+s2], $0x80, v3, vm0, $0xb8;
	[tilespmem:$0x18080] =	vst v63  }
0x2be: {  	v3 =	vld [tilespmem:$0x10];
	_ =	sdelay $0x4  }
0x2bf: {  	v33 =	vshrl.u32 v3, $0x3  }
0x2c0: {  	v4 =	vmul.u32 $0x30, v33  }
0x2c1: {  	v3 =	vand.u32 $0x7, v3  }
0x2c2: {  	v3 =	vor.u32 v3, v4  }
0x2c3: {  	v4 =	vperm.xlane v3, v0;
	_ =	sdelay $0x1  }
0x2c4: {  	v4 =	vadd.s32 v1, v4;
	_ =	sdelay $0x3  }
0x2c5: {  	s9 =	simm.s32 $0x3080;
	v3 =	vperm.xlane v3, v2  }
0x2c6: {  	[tilespmem:s9], [sflag:$0x1] =	stream.indirect_vreg.gather [hbm4b:s3+s2], $0x80, v4, vm0, $0xb8;
	[tilespmem:$0x18080] =	vst v63  }
0x2c7: {  	s30 =	simm.s32 $0x3880;
	v3 =	vadd.s32 v1, v3  }
0x2c8: {  	[tilespmem:s30], [sflag:$0x1] =	stream.indirect_vreg.gather [hbm4b:s4+s2], $0x80, v4, vm0, $0xb8;
	[tilespmem:$0x18080] =	vst v63  }
0x2c9: {  	s31 =	simm.s32 $0x4080  }
0x2ca: {  	[tilespmem:s31], [sflag:$0x1] =	stream.indirect_vreg.gather [hbm4b:s5+s2], $0x80, v4, vm0, $0xb8;
	[tilespmem:$0x18080] =	vst v63  }
0x2cb: {  	s0 =	simm.s32 $0x4880  }
0x2cc: {  	[tilespmem:s0], [sflag:$0x1] =	stream.indirect_vreg.gather [hbm4b:s3+s2], $0x80, v3, vm0, $0xb8;
	[tilespmem:$0x18080] =	vst v63  }
0x2cd: {  	s6 =	simm.s32 $0x5080  }
0x2ce: {  	[tilespmem:s6], [sflag:$0x1] =	stream.indirect_vreg.gather [hbm4b:s4+s2], $0x80, v3, vm0, $0xb8;
	[tilespmem:$0x18080] =	vst v63  }
0x2cf: {  	s9 =	simm.s32 $0x5880  }
0x2d0: {  	[tilespmem:s9], [sflag:$0x1] =	stream.indirect_vreg.gather [hbm4b:s5+s2], $0x80, v3, vm0, $0xb8;
	[tilespmem:$0x18080] =	vst v63  }
0x2d1: {  	v3 =	vld [tilespmem:$0x20];
	_ =	sdelay $0x4  }
0x2d2: {  	v34 =	vshrl.u32 v3, $0x3  }
0x2d3: {  	v4 =	vmul.u32 $0x30, v34  }
0x2d4: {  	v3 =	vand.u32 $0x7, v3  }
0x2d5: {  	v3 =	vor.u32 v3, v4  }
0x2d6: {  	v4 =	vperm.xlane v3, v0;
	_ =	sdelay $0x1  }
0x2d7: {  	v4 =	vadd.s32 v1, v4;
	_ =	sdelay $0x3  }
0x2d8: {  	s9 =	simm.s32 $0x6080;
	v3 =	vperm.xlane v3, v2  }
0x2d9: {  	[tilespmem:s9], [sflag:$0x1] =	stream.indirect_vreg.gather [hbm4b:s3+s2], $0x80, v4, vm0, $0xb8;
	[tilespmem:$0x18080] =	vst v63  }
0x2da: {  	s8 =	simm.s32 $0x6880;
	v3 =	vadd.s32 v1, v3  }
0x2db: {  	[tilespmem:s8], [sflag:$0x1] =	stream.indirect_vreg.gather [hbm4b:s4+s2], $0x80, v4, vm0, $0xb8;
	[tilespmem:$0x18080] =	vst v63  }
0x2dc: {  	s10 =	simm.s32 $0x7080  }
0x2dd: {  	[tilespmem:s10], [sflag:$0x1] =	stream.indirect_vreg.gather [hbm4b:s5+s2], $0x80, v4, vm0, $0xb8;
	[tilespmem:$0x18080] =	vst v63  }
0x2de: {  	s11 =	simm.s32 $0x7880  }
0x2df: {  	[tilespmem:s11], [sflag:$0x1] =	stream.indirect_vreg.gather [hbm4b:s3+s2], $0x80, v3, vm0, $0xb8;
	[tilespmem:$0x18080] =	vst v63  }
0x2e0: {  	s12 =	simm.s32 $0x8080  }
0x2e1: {  	[tilespmem:s12], [sflag:$0x1] =	stream.indirect_vreg.gather [hbm4b:s4+s2], $0x80, v3, vm0, $0xb8;
	[tilespmem:$0x18080] =	vst v63  }
0x2e2: {  	s9 =	simm.s32 $0x8880  }
0x2e3: {  	[tilespmem:s9], [sflag:$0x1] =	stream.indirect_vreg.gather [hbm4b:s5+s2], $0x80, v3, vm0, $0xb8;
	[tilespmem:$0x18080] =	vst v63  }
0x2e4: {  	v3 =	vld [tilespmem:$0x30];
	_ =	sdelay $0x4  }
0x2e5: {  	v35 =	vshrl.u32 v3, $0x3  }
0x2e6: {  	v4 =	vmul.u32 $0x30, v35  }
0x2e7: {  	v3 =	vand.u32 $0x7, v3  }
0x2e8: {  	v3 =	vor.u32 v3, v4  }
0x2e9: {  	v4 =	vperm.xlane v3, v0;
	_ =	sdelay $0x1  }
0x2ea: {  	v4 =	vadd.s32 v1, v4;
	_ =	sdelay $0x3  }
0x2eb: {  	s9 =	simm.s32 $0x9080;
	v3 =	vperm.xlane v3, v2  }
0x2ec: {  	[tilespmem:s9], [sflag:$0x1] =	stream.indirect_vreg.gather [hbm4b:s3+s2], $0x80, v4, vm0, $0xb8;
	[tilespmem:$0x18080] =	vst v63  }
0x2ed: {  	s13 =	simm.s32 $0x9880;
	v3 =	vadd.s32 v1, v3  }
0x2ee: {  	[tilespmem:s13], [sflag:$0x1] =	stream.indirect_vreg.gather [hbm4b:s4+s2], $0x80, v4, vm0, $0xb8;
	[tilespmem:$0x18080] =	vst v63  }
0x2ef: {  	s14 =	simm.s32 $0xA080  }
0x2f0: {  	[tilespmem:s14], [sflag:$0x1] =	stream.indirect_vreg.gather [hbm4b:s5+s2], $0x80, v4, vm0, $0xb8;
	[tilespmem:$0x18080] =	vst v63  }
0x2f1: {  	s15 =	simm.s32 $0xA880  }
0x2f2: {  	[tilespmem:s15], [sflag:$0x1] =	stream.indirect_vreg.gather [hbm4b:s3+s2], $0x80, v3, vm0, $0xb8;
	[tilespmem:$0x18080] =	vst v63  }
0x2f3: {  	s9 =	simm.s32 $0xB080  }
0x2f4: {  	[tilespmem:s9], [sflag:$0x1] =	stream.indirect_vreg.gather [hbm4b:s4+s2], $0x80, v3, vm0, $0xb8;
	[tilespmem:$0x18080] =	vst v63  }
0x2f5: {  	s9 =	simm.s32 $0xB880  }
0x2f6: {  	[tilespmem:s9], [sflag:$0x1] =	stream.indirect_vreg.gather [hbm4b:s5+s2], $0x80, v3, vm0, $0xb8;
	[tilespmem:$0x18080] =	vst v63  }
0x2f7: {  	v3 =	vld [tilespmem:$0x40];
	_ =	sdelay $0x4  }
0x2f8: {  	v36 =	vshrl.u32 v3, $0x3  }
0x2f9: {  	v4 =	vmul.u32 $0x30, v36  }
0x2fa: {  	v3 =	vand.u32 $0x7, v3  }
0x2fb: {  	v3 =	vor.u32 v3, v4  }
0x2fc: {  	v4 =	vperm.xlane v3, v0;
	_ =	sdelay $0x1  }
0x2fd: {  	v4 =	vadd.s32 v1, v4;
	_ =	sdelay $0x3  }
0x2fe: {  	s9 =	simm.s32 $0xC080;
	v3 =	vperm.xlane v3, v2  }
0x2ff: {  	[tilespmem:s9], [sflag:$0x1] =	stream.indirect_vreg.gather [hbm4b:s3+s2], $0x80, v4, vm0, $0xb8;
	[tilespmem:$0x18080] =	vst v63  }
0x300: {  	s17 =	simm.s32 $0xC880;
	v3 =	vadd.s32 v1, v3  }
0x301: {  	[tilespmem:s17], [sflag:$0x1] =	stream.indirect_vreg.gather [hbm4b:s4+s2], $0x80, v4, vm0, $0xb8;
	[tilespmem:$0x18080] =	vst v63  }
0x302: {  	s18 =	simm.s32 $0xD080  }
0x303: {  	[tilespmem:s18], [sflag:$0x1] =	stream.indirect_vreg.gather [hbm4b:s5+s2], $0x80, v4, vm0, $0xb8;
	[tilespmem:$0x18080] =	vst v63  }
0x304: {  	s9 =	simm.s32 $0xD880  }
0x305: {  	[tilespmem:s9], [sflag:$0x1] =	stream.indirect_vreg.gather [hbm4b:s3+s2], $0x80, v3, vm0, $0xb8;
	[tilespmem:$0x18080] =	vst v63  }
0x306: {  	s9 =	simm.s32 $0xE080  }
0x307: {  	[tilespmem:s9], [sflag:$0x1] =	stream.indirect_vreg.gather [hbm4b:s4+s2], $0x80, v3, vm0, $0xb8;
	[tilespmem:$0x18080] =	vst v63  }
0x308: {  	s9 =	simm.s32 $0xE880  }
0x309: {  	[tilespmem:s9], [sflag:$0x1] =	stream.indirect_vreg.gather [hbm4b:s5+s2], $0x80, v3, vm0, $0xb8;
	[tilespmem:$0x18080] =	vst v63  }
0x30a: {  	v3 =	vld [tilespmem:$0x50];
	_ =	sdelay $0x4  }
0x30b: {  	v37 =	vshrl.u32 v3, $0x3  }
0x30c: {  	v4 =	vmul.u32 $0x30, v37  }
0x30d: {  	v3 =	vand.u32 $0x7, v3  }
0x30e: {  	v3 =	vor.u32 v3, v4  }
0x30f: {  	v4 =	vperm.xlane v3, v0;
	_ =	sdelay $0x1  }
0x310: {  	v4 =	vadd.s32 v1, v4;
	_ =	sdelay $0x3  }
0x311: {  	s9 =	simm.s32 $0xF080;
	v3 =	vperm.xlane v3, v2  }
0x312: {  	[tilespmem:s9], [sflag:$0x1] =	stream.indirect_vreg.gather [hbm4b:s3+s2], $0x80, v4, vm0, $0xb8;
	[tilespmem:$0x18080] =	vst v63  }
0x313: {  	s19 =	simm.s32 $0xF880;
	v3 =	vadd.s32 v1, v3  }
0x314: {  	[tilespmem:s19], [sflag:$0x1] =	stream.indirect_vreg.gather [hbm4b:s4+s2], $0x80, v4, vm0, $0xb8;
	[tilespmem:$0x18080] =	vst v63  }
0x315: {  	s20 =	simm.s32 $0x10080  }
0x316: {  	[tilespmem:s20], [sflag:$0x1] =	stream.indirect_vreg.gather [hbm4b:s5+s2], $0x80, v4, vm0, $0xb8;
	[tilespmem:$0x18080] =	vst v63  }
0x317: {  	s9 =	simm.s32 $0x10880  }
0x318: {  	[tilespmem:s9], [sflag:$0x1] =	stream.indirect_vreg.gather [hbm4b:s3+s2], $0x80, v3, vm0, $0xb8;
	[tilespmem:$0x18080] =	vst v63  }
0x319: {  	s9 =	simm.s32 $0x11080  }
0x31a: {  	[tilespmem:s9], [sflag:$0x1] =	stream.indirect_vreg.gather [hbm4b:s4+s2], $0x80, v3, vm0, $0xb8;
	[tilespmem:$0x18080] =	vst v63  }
0x31b: {  	s9 =	simm.s32 $0x11880  }
0x31c: {  	[tilespmem:s9], [sflag:$0x1] =	stream.indirect_vreg.gather [hbm4b:s5+s2], $0x80, v3, vm0, $0xb8;
	[tilespmem:$0x18080] =	vst v63  }
0x31d: {  	v3 =	vld [tilespmem:$0x60];
	_ =	sdelay $0x4  }
0x31e: {  	v38 =	vshrl.u32 v3, $0x3  }
0x31f: {  	v4 =	vmul.u32 $0x30, v38  }
0x320: {  	v3 =	vand.u32 $0x7, v3  }
0x321: {  	v3 =	vor.u32 v3, v4  }
0x322: {  	v4 =	vperm.xlane v3, v0;
	_ =	sdelay $0x1  }
0x323: {  	v4 =	vadd.s32 v1, v4;
	_ =	sdelay $0x3  }
0x324: {  	s9 =	simm.s32 $0x12080;
	v3 =	vperm.xlane v3, v2  }
0x325: {  	[tilespmem:s9], [sflag:$0x1] =	stream.indirect_vreg.gather [hbm4b:s3+s2], $0x80, v4, vm0, $0xb8;
	[tilespmem:$0x18080] =	vst v63  }
0x326: {  	s21 =	simm.s32 $0x12880;
	v3 =	vadd.s32 v1, v3  }
0x327: {  	[tilespmem:s21], [sflag:$0x1] =	stream.indirect_vreg.gather [hbm4b:s4+s2], $0x80, v4, vm0, $0xb8;
	[tilespmem:$0x18080] =	vst v63  }
0x328: {  	s22 =	simm.s32 $0x13080  }
0x329: {  	[tilespmem:s22], [sflag:$0x1] =	stream.indirect_vreg.gather [hbm4b:s5+s2], $0x80, v4, vm0, $0xb8;
	[tilespmem:$0x18080] =	vst v63  }
0x32a: {  	s9 =	simm.s32 $0x13880  }
0x32b: {  	[tilespmem:s9], [sflag:$0x1] =	stream.indirect_vreg.gather [hbm4b:s3+s2], $0x80, v3, vm0, $0xb8;
	[tilespmem:$0x18080] =	vst v63  }
0x32c: {  	s9 =	simm.s32 $0x14080  }
0x32d: {  	[tilespmem:s9], [sflag:$0x1] =	stream.indirect_vreg.gather [hbm4b:s4+s2], $0x80, v3, vm0, $0xb8;
	[tilespmem:$0x18080] =	vst v63  }
0x32e: {  	s9 =	simm.s32 $0x14880  }
0x32f: {  	[tilespmem:s9], [sflag:$0x1] =	stream.indirect_vreg.gather [hbm4b:s5+s2], $0x80, v3, vm0, $0xb8;
	[tilespmem:$0x18080] =	vst v63  }
0x330: {  	v3 =	vld [tilespmem:$0x70];
	_ =	sdelay $0x4  }
0x331: {  	v39 =	vshrl.u32 v3, $0x3  }
0x332: {  	v4 =	vmul.u32 $0x30, v39  }
0x333: {  	v3 =	vand.u32 $0x7, v3  }
0x334: {  	v3 =	vor.u32 v3, v4  }
0x335: {  	v4 =	vperm.xlane v3, v0;
	_ =	sdelay $0x1  }
0x336: {  	v4 =	vadd.s32 v1, v4;
	_ =	sdelay $0x3  }
0x337: {  	s9 =	simm.s32 $0x15080;
	v3 =	vperm.xlane v3, v2  }
0x338: {  	[tilespmem:s9], [sflag:$0x1] =	stream.indirect_vreg.gather [hbm4b:s3+s2], $0x80, v4, vm0, $0xb8;
	[tilespmem:$0x18080] =	vst v63  }
0x339: {  	s23 =	simm.s32 $0x15880;
	v3 =	vadd.s32 v1, v3  }
0x33a: {  	[tilespmem:s23], [sflag:$0x1] =	stream.indirect_vreg.gather [hbm4b:s4+s2], $0x80, v4, vm0, $0xb8;
	[tilespmem:$0x18080] =	vst v63  }
0x33b: {  	s24 =	simm.s32 $0x16080  }
0x33c: {  	[tilespmem:s24], [sflag:$0x1] =	stream.indirect_vreg.gather [hbm4b:s5+s2], $0x80, v4, vm0, $0xb8;
	[tilespmem:$0x18080] =	vst v63  }
0x33d: {  	s9 =	simm.s32 $0x16880  }
0x33e: {  	[tilespmem:s9], [sflag:$0x1] =	stream.indirect_vreg.gather [hbm4b:s3+s2], $0x80, v3, vm0, $0xb8;
	[tilespmem:$0x18080] =	vst v63  }
0x33f: {  	s9 =	simm.s32 $0x17080  }
0x340: {  	[tilespmem:s9], [sflag:$0x1] =	stream.indirect_vreg.gather [hbm4b:s4+s2], $0x80, v3, vm0, $0xb8;
	[tilespmem:$0x18080] =	vst v63  }
0x341: {  	s9 =	simm.s32 $0x17880  }
0x342: {  	[tilespmem:s9], [sflag:$0x1] =	stream.indirect_vreg.gather [hbm4b:s5+s2], $0x80, v3, vm0, $0xb8;
	[tilespmem:$0x18080] =	vst v63  }
0x343: {  	_ =	swait.ge [sflag:s1], $0x18000  }
0x344: {  	[sflag:s1] =	ssyncset.done $0x0  }
0x345: {  	s9 =	rddreg [dreg:$0xc];
	[sflag:s1] =	ssyncadd.s32 $0xFFFE8000  }
0x346: {  	[hbm4b:s9+s2] =	stream.linear.scatter [tilespmem:s16], [sflag:$0x2], $0x18000, $0x38;
	[tilespmem:$0x18080] =	vst v63  }
0x347: {  	_ =	swait.ge [sflag:s7], $0x18000  }
0x348: {  	[sflag:s7] =	ssyncset.done $0x0  }
0x349: {  	s9 =	rddreg [dreg:$0xd];
	[sflag:s7] =	ssyncadd.s32 $0xFFFE8000  }
0x34a: {  	[tilespmem:s2], [sflag:$0x2] =	stream.linear.gather [hbm4b:s9+s2], $0x80, $0x38;
	[tilespmem:$0x18080] =	vst v63  }
0x34b: {  	_ =	swait.ge [sflag:s7], $0x80  }
0x34c: {  	[sflag:s7] =	ssyncset.done $0x0  }
0x34d: {  	[sflag:s7] =	ssyncadd.s32 $0xFFFFFF80  }
0x34e: {  	v3 =	vld [tilespmem:$0x0];
	_ =	sdelay $0x4  }
0x34f: {  	v40 =	vshrl.u32 v3, $0x3  }
0x350: {  	v4 =	vmul.u32 $0x30, v40  }
0x351: {  	v3 =	vand.u32 $0x7, v3  }
0x352: {  	v3 =	vor.u32 v3, v4  }
0x353: {  	v4 =	vperm.xlane v3, v0;
	_ =	sdelay $0x1  }
0x354: {  	v4 =	vadd.s32 v1, v4;
	_ =	sdelay $0x3  }
0x355: {  	v3 =	vperm.xlane v3, v2  }
0x356: {  	[tilespmem:s16], [sflag:$0x1] =	stream.indirect_vreg.gather [hbm4b:s3+s2], $0x80, v4, vm0, $0xb8;
	[tilespmem:$0x18080] =	vst v63  }
0x357: {  	s25 =	simm.s32 $0x880;
	v3 =	vadd.s32 v1, v3  }
0x358: {  	[tilespmem:s25], [sflag:$0x1] =	stream.indirect_vreg.gather [hbm4b:s4+s2], $0x80, v4, vm0, $0xb8;
	[tilespmem:$0x18080] =	vst v63  }
0x359: {  	s26 =	simm.s32 $0x1080  }
0x35a: {  	[tilespmem:s26], [sflag:$0x1] =	stream.indirect_vreg.gather [hbm4b:s5+s2], $0x80, v4, vm0, $0xb8;
	[tilespmem:$0x18080] =	vst v63  }
0x35b: {  	s28 =	simm.s32 $0x1880  }
0x35c: {  	[tilespmem:s28], [sflag:$0x1] =	stream.indirect_vreg.gather [hbm4b:s3+s2], $0x80, v3, vm0, $0xb8;
	[tilespmem:$0x18080] =	vst v63  }
0x35d: {  	s29 =	simm.s32 $0x2080  }
0x35e: {  	[tilespmem:s29], [sflag:$0x1] =	stream.indirect_vreg.gather [hbm4b:s4+s2], $0x80, v3, vm0, $0xb8;
	[tilespmem:$0x18080] =	vst v63  }
0x35f: {  	s9 =	simm.s32 $0x2880  }
0x360: {  	[tilespmem:s9], [sflag:$0x1] =	stream.indirect_vreg.gather [hbm4b:s5+s2], $0x80, v3, vm0, $0xb8;
	[tilespmem:$0x18080] =	vst v63  }
0x361: {  	v3 =	vld [tilespmem:$0x10];
	_ =	sdelay $0x4  }
0x362: {  	v41 =	vshrl.u32 v3, $0x3  }
0x363: {  	v4 =	vmul.u32 $0x30, v41  }
0x364: {  	v3 =	vand.u32 $0x7, v3  }
0x365: {  	v3 =	vor.u32 v3, v4  }
0x366: {  	v4 =	vperm.xlane v3, v0;
	_ =	sdelay $0x1  }
0x367: {  	v4 =	vadd.s32 v1, v4;
	_ =	sdelay $0x3  }
0x368: {  	s9 =	simm.s32 $0x3080;
	v3 =	vperm.xlane v3, v2  }
0x369: {  	[tilespmem:s9], [sflag:$0x1] =	stream.indirect_vreg.gather [hbm4b:s3+s2], $0x80, v4, vm0, $0xb8;
	[tilespmem:$0x18080] =	vst v63  }
0x36a: {  	s30 =	simm.s32 $0x3880;
	v3 =	vadd.s32 v1, v3  }
0x36b: {  	[tilespmem:s30], [sflag:$0x1] =	stream.indirect_vreg.gather [hbm4b:s4+s2], $0x80, v4, vm0, $0xb8;
	[tilespmem:$0x18080] =	vst v63  }
0x36c: {  	s31 =	simm.s32 $0x4080  }
0x36d: {  	[tilespmem:s31], [sflag:$0x1] =	stream.indirect_vreg.gather [hbm4b:s5+s2], $0x80, v4, vm0, $0xb8;
	[tilespmem:$0x18080] =	vst v63  }
0x36e: {  	s0 =	simm.s32 $0x4880  }
0x36f: {  	[tilespmem:s0], [sflag:$0x1] =	stream.indirect_vreg.gather [hbm4b:s3+s2], $0x80, v3, vm0, $0xb8;
	[tilespmem:$0x18080] =	vst v63  }
0x370: {  	s6 =	simm.s32 $0x5080  }
0x371: {  	[tilespmem:s6], [sflag:$0x1] =	stream.indirect_vreg.gather [hbm4b:s4+s2], $0x80, v3, vm0, $0xb8;
	[tilespmem:$0x18080] =	vst v63  }
0x372: {  	s9 =	simm.s32 $0x5880  }
0x373: {  	[tilespmem:s9], [sflag:$0x1] =	stream.indirect_vreg.gather [hbm4b:s5+s2], $0x80, v3, vm0, $0xb8;
	[tilespmem:$0x18080] =	vst v63  }
0x374: {  	v3 =	vld [tilespmem:$0x20];
	_ =	sdelay $0x4  }
0x375: {  	v42 =	vshrl.u32 v3, $0x3  }
0x376: {  	v4 =	vmul.u32 $0x30, v42  }
0x377: {  	v3 =	vand.u32 $0x7, v3  }
0x378: {  	v3 =	vor.u32 v3, v4  }
0x379: {  	v4 =	vperm.xlane v3, v0;
	_ =	sdelay $0x1  }
0x37a: {  	v4 =	vadd.s32 v1, v4;
	_ =	sdelay $0x3  }
0x37b: {  	s9 =	simm.s32 $0x6080;
	v3 =	vperm.xlane v3, v2  }
0x37c: {  	[tilespmem:s9], [sflag:$0x1] =	stream.indirect_vreg.gather [hbm4b:s3+s2], $0x80, v4, vm0, $0xb8;
	[tilespmem:$0x18080] =	vst v63  }
0x37d: {  	s8 =	simm.s32 $0x6880;
	v3 =	vadd.s32 v1, v3  }
0x37e: {  	[tilespmem:s8], [sflag:$0x1] =	stream.indirect_vreg.gather [hbm4b:s4+s2], $0x80, v4, vm0, $0xb8;
	[tilespmem:$0x18080] =	vst v63  }
0x37f: {  	s10 =	simm.s32 $0x7080  }
0x380: {  	[tilespmem:s10], [sflag:$0x1] =	stream.indirect_vreg.gather [hbm4b:s5+s2], $0x80, v4, vm0, $0xb8;
	[tilespmem:$0x18080] =	vst v63  }
0x381: {  	s11 =	simm.s32 $0x7880  }
0x382: {  	[tilespmem:s11], [sflag:$0x1] =	stream.indirect_vreg.gather [hbm4b:s3+s2], $0x80, v3, vm0, $0xb8;
	[tilespmem:$0x18080] =	vst v63  }
0x383: {  	s12 =	simm.s32 $0x8080  }
0x384: {  	[tilespmem:s12], [sflag:$0x1] =	stream.indirect_vreg.gather [hbm4b:s4+s2], $0x80, v3, vm0, $0xb8;
	[tilespmem:$0x18080] =	vst v63  }
0x385: {  	s9 =	simm.s32 $0x8880  }
0x386: {  	[tilespmem:s9], [sflag:$0x1] =	stream.indirect_vreg.gather [hbm4b:s5+s2], $0x80, v3, vm0, $0xb8;
	[tilespmem:$0x18080] =	vst v63  }
0x387: {  	v3 =	vld [tilespmem:$0x30];
	_ =	sdelay $0x4  }
0x388: {  	v43 =	vshrl.u32 v3, $0x3  }
0x389: {  	v4 =	vmul.u32 $0x30, v43  }
0x38a: {  	v3 =	vand.u32 $0x7, v3  }
0x38b: {  	v3 =	vor.u32 v3, v4  }
0x38c: {  	v4 =	vperm.xlane v3, v0;
	_ =	sdelay $0x1  }
0x38d: {  	v4 =	vadd.s32 v1, v4;
	_ =	sdelay $0x3  }
0x38e: {  	s9 =	simm.s32 $0x9080;
	v3 =	vperm.xlane v3, v2  }
0x38f: {  	[tilespmem:s9], [sflag:$0x1] =	stream.indirect_vreg.gather [hbm4b:s3+s2], $0x80, v4, vm0, $0xb8;
	[tilespmem:$0x18080] =	vst v63  }
0x390: {  	s13 =	simm.s32 $0x9880;
	v3 =	vadd.s32 v1, v3  }
0x391: {  	[tilespmem:s13], [sflag:$0x1] =	stream.indirect_vreg.gather [hbm4b:s4+s2], $0x80, v4, vm0, $0xb8;
	[tilespmem:$0x18080] =	vst v63  }
0x392: {  	s14 =	simm.s32 $0xA080  }
0x393: {  	[tilespmem:s14], [sflag:$0x1] =	stream.indirect_vreg.gather [hbm4b:s5+s2], $0x80, v4, vm0, $0xb8;
	[tilespmem:$0x18080] =	vst v63  }
0x394: {  	s15 =	simm.s32 $0xA880  }
0x395: {  	[tilespmem:s15], [sflag:$0x1] =	stream.indirect_vreg.gather [hbm4b:s3+s2], $0x80, v3, vm0, $0xb8;
	[tilespmem:$0x18080] =	vst v63  }
0x396: {  	s9 =	simm.s32 $0xB080  }
0x397: {  	[tilespmem:s9], [sflag:$0x1] =	stream.indirect_vreg.gather [hbm4b:s4+s2], $0x80, v3, vm0, $0xb8;
	[tilespmem:$0x18080] =	vst v63  }
0x398: {  	s9 =	simm.s32 $0xB880  }
0x399: {  	[tilespmem:s9], [sflag:$0x1] =	stream.indirect_vreg.gather [hbm4b:s5+s2], $0x80, v3, vm0, $0xb8;
	[tilespmem:$0x18080] =	vst v63  }
0x39a: {  	v3 =	vld [tilespmem:$0x40];
	_ =	sdelay $0x4  }
0x39b: {  	v44 =	vshrl.u32 v3, $0x3  }
0x39c: {  	v4 =	vmul.u32 $0x30, v44  }
0x39d: {  	v3 =	vand.u32 $0x7, v3  }
0x39e: {  	v3 =	vor.u32 v3, v4  }
0x39f: {  	v4 =	vperm.xlane v3, v0;
	_ =	sdelay $0x1  }
0x3a0: {  	v4 =	vadd.s32 v1, v4;
	_ =	sdelay $0x3  }
0x3a1: {  	s9 =	simm.s32 $0xC080;
	v3 =	vperm.xlane v3, v2  }
0x3a2: {  	[tilespmem:s9], [sflag:$0x1] =	stream.indirect_vreg.gather [hbm4b:s3+s2], $0x80, v4, vm0, $0xb8;
	[tilespmem:$0x18080] =	vst v63  }
0x3a3: {  	s17 =	simm.s32 $0xC880;
	v3 =	vadd.s32 v1, v3  }
0x3a4: {  	[tilespmem:s17], [sflag:$0x1] =	stream.indirect_vreg.gather [hbm4b:s4+s2], $0x80, v4, vm0, $0xb8;
	[tilespmem:$0x18080] =	vst v63  }
0x3a5: {  	s18 =	simm.s32 $0xD080  }
0x3a6: {  	[tilespmem:s18], [sflag:$0x1] =	stream.indirect_vreg.gather [hbm4b:s5+s2], $0x80, v4, vm0, $0xb8;
	[tilespmem:$0x18080] =	vst v63  }
0x3a7: {  	s9 =	simm.s32 $0xD880  }
0x3a8: {  	[tilespmem:s9], [sflag:$0x1] =	stream.indirect_vreg.gather [hbm4b:s3+s2], $0x80, v3, vm0, $0xb8;
	[tilespmem:$0x18080] =	vst v63  }
0x3a9: {  	s9 =	simm.s32 $0xE080  }
0x3aa: {  	[tilespmem:s9], [sflag:$0x1] =	stream.indirect_vreg.gather [hbm4b:s4+s2], $0x80, v3, vm0, $0xb8;
	[tilespmem:$0x18080] =	vst v63  }
0x3ab: {  	s9 =	simm.s32 $0xE880  }
0x3ac: {  	[tilespmem:s9], [sflag:$0x1] =	stream.indirect_vreg.gather [hbm4b:s5+s2], $0x80, v3, vm0, $0xb8;
	[tilespmem:$0x18080] =	vst v63  }
0x3ad: {  	v3 =	vld [tilespmem:$0x50];
	_ =	sdelay $0x4  }
0x3ae: {  	v45 =	vshrl.u32 v3, $0x3  }
0x3af: {  	v4 =	vmul.u32 $0x30, v45  }
0x3b0: {  	v3 =	vand.u32 $0x7, v3  }
0x3b1: {  	v3 =	vor.u32 v3, v4  }
0x3b2: {  	v4 =	vperm.xlane v3, v0;
	_ =	sdelay $0x1  }
0x3b3: {  	v4 =	vadd.s32 v1, v4;
	_ =	sdelay $0x3  }
0x3b4: {  	s9 =	simm.s32 $0xF080;
	v3 =	vperm.xlane v3, v2  }
0x3b5: {  	[tilespmem:s9], [sflag:$0x1] =	stream.indirect_vreg.gather [hbm4b:s3+s2], $0x80, v4, vm0, $0xb8;
	[tilespmem:$0x18080] =	vst v63  }
0x3b6: {  	s19 =	simm.s32 $0xF880;
	v3 =	vadd.s32 v1, v3  }
0x3b7: {  	[tilespmem:s19], [sflag:$0x1] =	stream.indirect_vreg.gather [hbm4b:s4+s2], $0x80, v4, vm0, $0xb8;
	[tilespmem:$0x18080] =	vst v63  }
0x3b8: {  	s20 =	simm.s32 $0x10080  }
0x3b9: {  	[tilespmem:s20], [sflag:$0x1] =	stream.indirect_vreg.gather [hbm4b:s5+s2], $0x80, v4, vm0, $0xb8;
	[tilespmem:$0x18080] =	vst v63  }
0x3ba: {  	s19 =	simm.s32 $0x10880  }
0x3bb: {  	[tilespmem:s19], [sflag:$0x1] =	stream.indirect_vreg.gather [hbm4b:s3+s2], $0x80, v3, vm0, $0xb8;
	[tilespmem:$0x18080] =	vst v63  }
0x3bc: {  	s20 =	simm.s32 $0x11080  }
0x3bd: {  	[tilespmem:s20], [sflag:$0x1] =	stream.indirect_vreg.gather [hbm4b:s4+s2], $0x80, v3, vm0, $0xb8;
	[tilespmem:$0x18080] =	vst v63  }
0x3be: {  	s9 =	simm.s32 $0x11880  }
0x3bf: {  	[tilespmem:s9], [sflag:$0x1] =	stream.indirect_vreg.gather [hbm4b:s5+s2], $0x80, v3, vm0, $0xb8;
	[tilespmem:$0x18080] =	vst v63  }
0x3c0: {  	v3 =	vld [tilespmem:$0x60];
	_ =	sdelay $0x4  }
0x3c1: {  	v46 =	vshrl.u32 v3, $0x3  }
0x3c2: {  	v4 =	vmul.u32 $0x30, v46  }
0x3c3: {  	v3 =	vand.u32 $0x7, v3  }
0x3c4: {  	v3 =	vor.u32 v3, v4  }
0x3c5: {  	v4 =	vperm.xlane v3, v0;
	_ =	sdelay $0x1  }
0x3c6: {  	v4 =	vadd.s32 v1, v4;
	_ =	sdelay $0x3  }
0x3c7: {  	s19 =	simm.s32 $0x12080;
	v3 =	vperm.xlane v3, v2  }
0x3c8: {  	[tilespmem:s19], [sflag:$0x1] =	stream.indirect_vreg.gather [hbm4b:s3+s2], $0x80, v4, vm0, $0xb8;
	[tilespmem:$0x18080] =	vst v63  }
0x3c9: {  	s21 =	simm.s32 $0x12880;
	v3 =	vadd.s32 v1, v3  }
0x3ca: {  	[tilespmem:s21], [sflag:$0x1] =	stream.indirect_vreg.gather [hbm4b:s4+s2], $0x80, v4, vm0, $0xb8;
	[tilespmem:$0x18080] =	vst v63  }
0x3cb: {  	s22 =	simm.s32 $0x13080  }
0x3cc: {  	[tilespmem:s22], [sflag:$0x1] =	stream.indirect_vreg.gather [hbm4b:s5+s2], $0x80, v4, vm0, $0xb8;
	[tilespmem:$0x18080] =	vst v63  }
0x3cd: {  	s20 =	simm.s32 $0x13880  }
0x3ce: {  	[tilespmem:s20], [sflag:$0x1] =	stream.indirect_vreg.gather [hbm4b:s3+s2], $0x80, v3, vm0, $0xb8;
	[tilespmem:$0x18080] =	vst v63  }
0x3cf: {  	s21 =	simm.s32 $0x14080  }
0x3d0: {  	[tilespmem:s21], [sflag:$0x1] =	stream.indirect_vreg.gather [hbm4b:s4+s2], $0x80, v3, vm0, $0xb8;
	[tilespmem:$0x18080] =	vst v63  }
0x3d1: {  	s22 =	simm.s32 $0x14880  }
0x3d2: {  	[tilespmem:s22], [sflag:$0x1] =	stream.indirect_vreg.gather [hbm4b:s5+s2], $0x80, v3, vm0, $0xb8;
	[tilespmem:$0x18080] =	vst v63  }
0x3d3: {  	v3 =	vld [tilespmem:$0x70];
	_ =	sdelay $0x4  }
0x3d4: {  	v47 =	vshrl.u32 v3, $0x3  }
0x3d5: {  	v4 =	vmul.u32 $0x30, v47  }
0x3d6: {  	v3 =	vand.u32 $0x7, v3  }
0x3d7: {  	v3 =	vor.u32 v3, v4  }
0x3d8: {  	v4 =	vperm.xlane v3, v0;
	_ =	sdelay $0x1  }
0x3d9: {  	v4 =	vadd.s32 v1, v4;
	_ =	sdelay $0x3  }
0x3da: {  	s9 =	simm.s32 $0x15080;
	v3 =	vperm.xlane v3, v2  }
0x3db: {  	[tilespmem:s9], [sflag:$0x1] =	stream.indirect_vreg.gather [hbm4b:s3+s2], $0x80, v4, vm0, $0xb8;
	[tilespmem:$0x18080] =	vst v63  }
0x3dc: {  	s23 =	simm.s32 $0x15880;
	v3 =	vadd.s32 v1, v3  }
0x3dd: {  	[tilespmem:s23], [sflag:$0x1] =	stream.indirect_vreg.gather [hbm4b:s4+s2], $0x80, v4, vm0, $0xb8;
	[tilespmem:$0x18080] =	vst v63  }
0x3de: {  	s24 =	simm.s32 $0x16080  }
0x3df: {  	[tilespmem:s24], [sflag:$0x1] =	stream.indirect_vreg.gather [hbm4b:s5+s2], $0x80, v4, vm0, $0xb8;
	[tilespmem:$0x18080] =	vst v63  }
0x3e0: {  	s19 =	simm.s32 $0x16880  }
0x3e1: {  	[tilespmem:s19], [sflag:$0x1] =	stream.indirect_vreg.gather [hbm4b:s3+s2], $0x80, v3, vm0, $0xb8;
	[tilespmem:$0x18080] =	vst v63  }
0x3e2: {  	s20 =	simm.s32 $0x17080  }
0x3e3: {  	[tilespmem:s20], [sflag:$0x1] =	stream.indirect_vreg.gather [hbm4b:s4+s2], $0x80, v3, vm0, $0xb8;
	[tilespmem:$0x18080] =	vst v63  }
0x3e4: {  	s21 =	simm.s32 $0x17880  }
0x3e5: {  	[tilespmem:s21], [sflag:$0x1] =	stream.indirect_vreg.gather [hbm4b:s5+s2], $0x80, v3, vm0, $0xb8;
	[tilespmem:$0x18080] =	vst v63  }
0x3e6: {  	_ =	swait.ge [sflag:s1], $0x18000  }
0x3e7: {  	[sflag:s1] =	ssyncset.done $0x0  }
0x3e8: {  	s22 =	rddreg [dreg:$0xe];
	[sflag:s1] =	ssyncadd.s32 $0xFFFE8000  }
0x3e9: {  	[hbm4b:s22+s2] =	stream.linear.scatter [tilespmem:s16], [sflag:$0x2], $0x18000, $0x38;
	[tilespmem:$0x18080] =	vst v63  }
0x3ea: {  	_ =	swait.ge [sflag:s7], $0x18000  }
0x3eb: {  	[sflag:s7] =	ssyncset.done $0x0  }
0x3ec: {  	s23 =	rddreg [dreg:$0xf];
	[sflag:s7] =	ssyncadd.s32 $0xFFFE8000  }
0x3ed: {  	[tilespmem:s2], [sflag:$0x2] =	stream.linear.gather [hbm4b:s23+s2], $0x80, $0x38;
	[tilespmem:$0x18080] =	vst v63  }
0x3ee: {  	_ =	swait.ge [sflag:s7], $0x80  }
0x3ef: {  	[sflag:s7] =	ssyncset.done $0x0  }
0x3f0: {  	[sflag:s7] =	ssyncadd.s32 $0xFFFFFF80  }
0x3f1: {  	v3 =	vld [tilespmem:$0x0];
	_ =	sdelay $0x4  }
0x3f2: {  	v48 =	vshrl.u32 v3, $0x3  }
0x3f3: {  	v4 =	vmul.u32 $0x30, v48  }
0x3f4: {  	v3 =	vand.u32 $0x7, v3  }
0x3f5: {  	v3 =	vor.u32 v3, v4  }
0x3f6: {  	v4 =	vperm.xlane v3, v0;
	_ =	sdelay $0x1  }
0x3f7: {  	v4 =	vadd.s32 v1, v4;
	_ =	sdelay $0x3  }
0x3f8: {  	v3 =	vperm.xlane v3, v2  }
0x3f9: {  	[tilespmem:s16], [sflag:$0x1] =	stream.indirect_vreg.gather [hbm4b:s3+s2], $0x80, v4, vm0, $0xb8;
	[tilespmem:$0x18080] =	vst v63  }
0x3fa: {  	s25 =	simm.s32 $0x880;
	v3 =	vadd.s32 v1, v3  }
0x3fb: {  	[tilespmem:s25], [sflag:$0x1] =	stream.indirect_vreg.gather [hbm4b:s4+s2], $0x80, v4, vm0, $0xb8;
	[tilespmem:$0x18080] =	vst v63  }
0x3fc: {  	s26 =	simm.s32 $0x1080  }
0x3fd: {  	[tilespmem:s26], [sflag:$0x1] =	stream.indirect_vreg.gather [hbm4b:s5+s2], $0x80, v4, vm0, $0xb8;
	[tilespmem:$0x18080] =	vst v63  }
0x3fe: {  	s28 =	simm.s32 $0x1880  }
0x3ff: {  	[tilespmem:s28], [sflag:$0x1] =	stream.indirect_vreg.gather [hbm4b:s3+s2], $0x80, v3, vm0, $0xb8;
	[tilespmem:$0x18080] =	vst v63  }
0x400: {  	s29 =	simm.s32 $0x2080  }
0x401: {  	[tilespmem:s29], [sflag:$0x1] =	stream.indirect_vreg.gather [hbm4b:s4+s2], $0x80, v3, vm0, $0xb8;
	[tilespmem:$0x18080] =	vst v63  }
0x402: {  	s24 =	simm.s32 $0x2880  }
0x403: {  	[tilespmem:s24], [sflag:$0x1] =	stream.indirect_vreg.gather [hbm4b:s5+s2], $0x80, v3, vm0, $0xb8;
	[tilespmem:$0x18080] =	vst v63  }
0x404: {  	v3 =	vld [tilespmem:$0x10];
	_ =	sdelay $0x4  }
0x405: {  	v49 =	vshrl.u32 v3, $0x3  }
0x406: {  	v4 =	vmul.u32 $0x30, v49  }
0x407: {  	v3 =	vand.u32 $0x7, v3  }
0x408: {  	v3 =	vor.u32 v3, v4  }
0x409: {  	v4 =	vperm.xlane v3, v0;
	_ =	sdelay $0x1  }
0x40a: {  	v4 =	vadd.s32 v1, v4;
	_ =	sdelay $0x3  }
0x40b: {  	s29 =	simm.s32 $0x3080;
	v3 =	vperm.xlane v3, v2  }
0x40c: {  	[tilespmem:s29], [sflag:$0x1] =	stream.indirect_vreg.gather [hbm4b:s3+s2], $0x80, v4, vm0, $0xb8;
	[tilespmem:$0x18080] =	vst v63  }
0x40d: {  	s30 =	simm.s32 $0x3880;
	v3 =	vadd.s32 v1, v3  }
0x40e: {  	[tilespmem:s30], [sflag:$0x1] =	stream.indirect_vreg.gather [hbm4b:s4+s2], $0x80, v4, vm0, $0xb8;
	[tilespmem:$0x18080] =	vst v63  }
0x40f: {  	s31 =	simm.s32 $0x4080  }
0x410: {  	[tilespmem:s31], [sflag:$0x1] =	stream.indirect_vreg.gather [hbm4b:s5+s2], $0x80, v4, vm0, $0xb8;
	[tilespmem:$0x18080] =	vst v63  }
0x411: {  	s19 =	simm.s32 $0x4880  }
0x412: {  	[tilespmem:s19], [sflag:$0x1] =	stream.indirect_vreg.gather [hbm4b:s3+s2], $0x80, v3, vm0, $0xb8;
	[tilespmem:$0x18080] =	vst v63  }
0x413: {  	s6 =	simm.s32 $0x5080  }
0x414: {  	[tilespmem:s6], [sflag:$0x1] =	stream.indirect_vreg.gather [hbm4b:s4+s2], $0x80, v3, vm0, $0xb8;
	[tilespmem:$0x18080] =	vst v63  }
0x415: {  	s20 =	simm.s32 $0x5880  }
0x416: {  	[tilespmem:s20], [sflag:$0x1] =	stream.indirect_vreg.gather [hbm4b:s5+s2], $0x80, v3, vm0, $0xb8;
	[tilespmem:$0x18080] =	vst v63  }
0x417: {  	v3 =	vld [tilespmem:$0x20];
	_ =	sdelay $0x4  }
0x418: {  	v50 =	vshrl.u32 v3, $0x3  }
0x419: {  	v4 =	vmul.u32 $0x30, v50  }
0x41a: {  	v3 =	vand.u32 $0x7, v3  }
0x41b: {  	v3 =	vor.u32 v3, v4  }
0x41c: {  	v4 =	vperm.xlane v3, v0;
	_ =	sdelay $0x1  }
0x41d: {  	v4 =	vadd.s32 v1, v4;
	_ =	sdelay $0x3  }
0x41e: {  	s21 =	simm.s32 $0x6080;
	v3 =	vperm.xlane v3, v2  }
0x41f: {  	[tilespmem:s21], [sflag:$0x1] =	stream.indirect_vreg.gather [hbm4b:s3+s2], $0x80, v4, vm0, $0xb8;
	[tilespmem:$0x18080] =	vst v63  }
0x420: {  	s8 =	simm.s32 $0x6880;
	v3 =	vadd.s32 v1, v3  }
0x421: {  	[tilespmem:s8], [sflag:$0x1] =	stream.indirect_vreg.gather [hbm4b:s4+s2], $0x80, v4, vm0, $0xb8;
	[tilespmem:$0x18080] =	vst v63  }
0x422: {  	s10 =	simm.s32 $0x7080  }
0x423: {  	[tilespmem:s10], [sflag:$0x1] =	stream.indirect_vreg.gather [hbm4b:s5+s2], $0x80, v4, vm0, $0xb8;
	[tilespmem:$0x18080] =	vst v63  }
0x424: {  	s11 =	simm.s32 $0x7880  }
0x425: {  	[tilespmem:s11], [sflag:$0x1] =	stream.indirect_vreg.gather [hbm4b:s3+s2], $0x80, v3, vm0, $0xb8;
	[tilespmem:$0x18080] =	vst v63  }
0x426: {  	s12 =	simm.s32 $0x8080  }
0x427: {  	[tilespmem:s12], [sflag:$0x1] =	stream.indirect_vreg.gather [hbm4b:s4+s2], $0x80, v3, vm0, $0xb8;
	[tilespmem:$0x18080] =	vst v63  }
0x428: {  	s22 =	simm.s32 $0x8880  }
0x429: {  	[tilespmem:s22], [sflag:$0x1] =	stream.indirect_vreg.gather [hbm4b:s5+s2], $0x80, v3, vm0, $0xb8;
	[tilespmem:$0x18080] =	vst v63  }
0x42a: {  	v3 =	vld [tilespmem:$0x30];
	_ =	sdelay $0x4  }
0x42b: {  	v51 =	vshrl.u32 v3, $0x3  }
0x42c: {  	v4 =	vmul.u32 $0x30, v51  }
0x42d: {  	v3 =	vand.u32 $0x7, v3  }
0x42e: {  	v3 =	vor.u32 v3, v4  }
0x42f: {  	v4 =	vperm.xlane v3, v0;
	_ =	sdelay $0x1  }
0x430: {  	v4 =	vadd.s32 v1, v4;
	_ =	sdelay $0x3  }
0x431: {  	s23 =	simm.s32 $0x9080;
	v3 =	vperm.xlane v3, v2  }
0x432: {  	[tilespmem:s23], [sflag:$0x1] =	stream.indirect_vreg.gather [hbm4b:s3+s2], $0x80, v4, vm0, $0xb8;
	[tilespmem:$0x18080] =	vst v63  }
0x433: {  	s13 =	simm.s32 $0x9880;
	v3 =	vadd.s32 v1, v3  }
0x434: {  	[tilespmem:s13], [sflag:$0x1] =	stream.indirect_vreg.gather [hbm4b:s4+s2], $0x80, v4, vm0, $0xb8;
	[tilespmem:$0x18080] =	vst v63  }
0x435: {  	s14 =	simm.s32 $0xA080  }
0x436: {  	[tilespmem:s14], [sflag:$0x1] =	stream.indirect_vreg.gather [hbm4b:s5+s2], $0x80, v4, vm0, $0xb8;
	[tilespmem:$0x18080] =	vst v63  }
0x437: {  	s15 =	simm.s32 $0xA880  }
0x438: {  	[tilespmem:s15], [sflag:$0x1] =	stream.indirect_vreg.gather [hbm4b:s3+s2], $0x80, v3, vm0, $0xb8;
	[tilespmem:$0x18080] =	vst v63  }
0x439: {  	s24 =	simm.s32 $0xB080  }
0x43a: {  	[tilespmem:s24], [sflag:$0x1] =	stream.indirect_vreg.gather [hbm4b:s4+s2], $0x80, v3, vm0, $0xb8;
	[tilespmem:$0x18080] =	vst v63  }
0x43b: {  	s19 =	simm.s32 $0xB880  }
0x43c: {  	[tilespmem:s19], [sflag:$0x1] =	stream.indirect_vreg.gather [hbm4b:s5+s2], $0x80, v3, vm0, $0xb8;
	[tilespmem:$0x18080] =	vst v63  }
0x43d: {  	v3 =	vld [tilespmem:$0x40];
	_ =	sdelay $0x4  }
0x43e: {  	v52 =	vshrl.u32 v3, $0x3  }
0x43f: {  	v4 =	vmul.u32 $0x30, v52  }
0x440: {  	v3 =	vand.u32 $0x7, v3  }
0x441: {  	v3 =	vor.u32 v3, v4  }
0x442: {  	v4 =	vperm.xlane v3, v0;
	_ =	sdelay $0x1  }
0x443: {  	v4 =	vadd.s32 v1, v4;
	_ =	sdelay $0x3  }
0x444: {  	s20 =	simm.s32 $0xC080;
	v3 =	vperm.xlane v3, v2  }
0x445: {  	[tilespmem:s20], [sflag:$0x1] =	stream.indirect_vreg.gather [hbm4b:s3+s2], $0x80, v4, vm0, $0xb8;
	[tilespmem:$0x18080] =	vst v63  }
0x446: {  	s17 =	simm.s32 $0xC880;
	v3 =	vadd.s32 v1, v3  }
0x447: {  	[tilespmem:s17], [sflag:$0x1] =	stream.indirect_vreg.gather [hbm4b:s4+s2], $0x80, v4, vm0, $0xb8;
	[tilespmem:$0x18080] =	vst v63  }
0x448: {  	s18 =	simm.s32 $0xD080  }
0x449: {  	[tilespmem:s18], [sflag:$0x1] =	stream.indirect_vreg.gather [hbm4b:s5+s2], $0x80, v4, vm0, $0xb8;
	[tilespmem:$0x18080] =	vst v63  }
0x44a: {  	s21 =	simm.s32 $0xD880  }
0x44b: {  	[tilespmem:s21], [sflag:$0x1] =	stream.indirect_vreg.gather [hbm4b:s3+s2], $0x80, v3, vm0, $0xb8;
	[tilespmem:$0x18080] =	vst v63  }
0x44c: {  	s22 =	simm.s32 $0xE080  }
0x44d: {  	[tilespmem:s22], [sflag:$0x1] =	stream.indirect_vreg.gather [hbm4b:s4+s2], $0x80, v3, vm0, $0xb8;
	[tilespmem:$0x18080] =	vst v63  }
0x44e: {  	s23 =	simm.s32 $0xE880  }
0x44f: {  	[tilespmem:s23], [sflag:$0x1] =	stream.indirect_vreg.gather [hbm4b:s5+s2], $0x80, v3, vm0, $0xb8;
	[tilespmem:$0x18080] =	vst v63  }
0x450: {  	v3 =	vld [tilespmem:$0x50];
	_ =	sdelay $0x4  }
0x451: {  	v53 =	vshrl.u32 v3, $0x3  }
0x452: {  	v4 =	vmul.u32 $0x30, v53  }
0x453: {  	v3 =	vand.u32 $0x7, v3  }
0x454: {  	v3 =	vor.u32 v3, v4  }
0x455: {  	v4 =	vperm.xlane v3, v0;
	_ =	sdelay $0x1  }
0x456: {  	v4 =	vadd.s32 v1, v4;
	_ =	sdelay $0x3  }
0x457: {  	s24 =	simm.s32 $0xF080;
	v3 =	vperm.xlane v3, v2  }
0x458: {  	[tilespmem:s24], [sflag:$0x1] =	stream.indirect_vreg.gather [hbm4b:s3+s2], $0x80, v4, vm0, $0xb8;
	[tilespmem:$0x18080] =	vst v63  }
0x459: {  	s21 =	simm.s32 $0xF880;
	v3 =	vadd.s32 v1, v3  }
0x45a: {  	[tilespmem:s21], [sflag:$0x1] =	stream.indirect_vreg.gather [hbm4b:s4+s2], $0x80, v4, vm0, $0xb8;
	[tilespmem:$0x18080] =	vst v63  }
0x45b: {  	s22 =	simm.s32 $0x10080  }
0x45c: {  	[tilespmem:s22], [sflag:$0x1] =	stream.indirect_vreg.gather [hbm4b:s5+s2], $0x80, v4, vm0, $0xb8;
	[tilespmem:$0x18080] =	vst v63  }
0x45d: {  	s23 =	simm.s32 $0x10880  }
0x45e: {  	[tilespmem:s23], [sflag:$0x1] =	stream.indirect_vreg.gather [hbm4b:s3+s2], $0x80, v3, vm0, $0xb8;
	[tilespmem:$0x18080] =	vst v63  }
0x45f: {  	s24 =	simm.s32 $0x11080  }
0x460: {  	[tilespmem:s24], [sflag:$0x1] =	stream.indirect_vreg.gather [hbm4b:s4+s2], $0x80, v3, vm0, $0xb8;
	[tilespmem:$0x18080] =	vst v63  }
0x461: {  	s9 =	simm.s32 $0x11880  }
0x462: {  	[tilespmem:s9], [sflag:$0x1] =	stream.indirect_vreg.gather [hbm4b:s5+s2], $0x80, v3, vm0, $0xb8;
	[tilespmem:$0x18080] =	vst v63  }
0x463: {  	v3 =	vld [tilespmem:$0x60];
	_ =	sdelay $0x4  }
0x464: {  	v54 =	vshrl.u32 v3, $0x3  }
0x465: {  	v4 =	vmul.u32 $0x30, v54  }
0x466: {  	v3 =	vand.u32 $0x7, v3  }
0x467: {  	v3 =	vor.u32 v3, v4  }
0x468: {  	v4 =	vperm.xlane v3, v0;
	_ =	sdelay $0x1  }
0x469: {  	v4 =	vadd.s32 v1, v4;
	_ =	sdelay $0x3  }
0x46a: {  	s9 =	simm.s32 $0x12080;
	v3 =	vperm.xlane v3, v2  }
0x46b: {  	[tilespmem:s9], [sflag:$0x1] =	stream.indirect_vreg.gather [hbm4b:s3+s2], $0x80, v4, vm0, $0xb8;
	[tilespmem:$0x18080] =	vst v63  }
0x46c: {  	v3 =	vadd.s32 v1, v3;
	s9 =	simm.s32 $0x12880  }
0x46d: {  	[tilespmem:s9], [sflag:$0x1] =	stream.indirect_vreg.gather [hbm4b:s4+s2], $0x80, v4, vm0, $0xb8;
	[tilespmem:$0x18080] =	vst v63  }
0x46e: {  	s9 =	simm.s32 $0x13080  }
0x46f: {  	[tilespmem:s9], [sflag:$0x1] =	stream.indirect_vreg.gather [hbm4b:s5+s2], $0x80, v4, vm0, $0xb8;
	[tilespmem:$0x18080] =	vst v63  }
0x470: {  	s9 =	simm.s32 $0x13880  }
0x471: {  	[tilespmem:s9], [sflag:$0x1] =	stream.indirect_vreg.gather [hbm4b:s3+s2], $0x80, v3, vm0, $0xb8;
	[tilespmem:$0x18080] =	vst v63  }
0x472: {  	s9 =	simm.s32 $0x14080  }
0x473: {  	[tilespmem:s9], [sflag:$0x1] =	stream.indirect_vreg.gather [hbm4b:s4+s2], $0x80, v3, vm0, $0xb8;
	[tilespmem:$0x18080] =	vst v63  }
0x474: {  	s9 =	simm.s32 $0x14880  }
0x475: {  	[tilespmem:s9], [sflag:$0x1] =	stream.indirect_vreg.gather [hbm4b:s5+s2], $0x80, v3, vm0, $0xb8;
	[tilespmem:$0x18080] =	vst v63  }
0x476: {  	v3 =	vld [tilespmem:$0x70];
	_ =	sdelay $0x4  }
0x477: {  	v55 =	vshrl.u32 v3, $0x3  }
0x478: {  	v4 =	vmul.u32 $0x30, v55  }
0x479: {  	v3 =	vand.u32 $0x7, v3  }
0x47a: {  	v3 =	vor.u32 v3, v4  }
0x47b: {  	v4 =	vperm.xlane v3, v0;
	_ =	sdelay $0x1  }
0x47c: {  	v4 =	vadd.s32 v1, v4;
	_ =	sdelay $0x3  }
0x47d: {  	s9 =	simm.s32 $0x15080;
	v3 =	vperm.xlane v3, v2  }
0x47e: {  	[tilespmem:s9], [sflag:$0x1] =	stream.indirect_vreg.gather [hbm4b:s3+s2], $0x80, v4, vm0, $0xb8;
	[tilespmem:$0x18080] =	vst v63  }
0x47f: {  	v3 =	vadd.s32 v1, v3;
	s9 =	simm.s32 $0x15880  }
0x480: {  	[tilespmem:s9], [sflag:$0x1] =	stream.indirect_vreg.gather [hbm4b:s4+s2], $0x80, v4, vm0, $0xb8;
	[tilespmem:$0x18080] =	vst v63  }
0x481: {  	s9 =	simm.s32 $0x16080  }
0x482: {  	[tilespmem:s9], [sflag:$0x1] =	stream.indirect_vreg.gather [hbm4b:s5+s2], $0x80, v4, vm0, $0xb8;
	[tilespmem:$0x18080] =	vst v63  }
0x483: {  	s9 =	simm.s32 $0x16880  }
0x484: {  	[tilespmem:s9], [sflag:$0x1] =	stream.indirect_vreg.gather [hbm4b:s3+s2], $0x80, v3, vm0, $0xb8;
	[tilespmem:$0x18080] =	vst v63  }
0x485: {  	s9 =	simm.s32 $0x17080  }
0x486: {  	[tilespmem:s9], [sflag:$0x1] =	stream.indirect_vreg.gather [hbm4b:s4+s2], $0x80, v3, vm0, $0xb8;
	[tilespmem:$0x18080] =	vst v63  }
0x487: {  	s9 =	simm.s32 $0x17880  }
0x488: {  	[tilespmem:s9], [sflag:$0x1] =	stream.indirect_vreg.gather [hbm4b:s5+s2], $0x80, v3, vm0, $0xb8;
	[tilespmem:$0x18080] =	vst v63  }
0x489: {  	_ =	swait.ge [sflag:s1], $0x18000  }
0x48a: {  	[sflag:s1] =	ssyncset.done $0x0  }
0x48b: {  	s9 =	rddreg [dreg:$0x10];
	[sflag:s1] =	ssyncadd.s32 $0xFFFE8000  }
0x48c: {  	[hbm4b:s9+s2] =	stream.linear.scatter [tilespmem:s16], [sflag:$0x2], $0x18000, $0x38;
	[tilespmem:$0x18080] =	vst v63  }
0x48d: {  	_ =	swait.ge [sflag:s7], $0x18000  }
0x48e: {  	[sflag:s7] =	ssyncset.done $0x0  }
0x48f: {  	s9 =	rddreg [dreg:$0x11];
	[sflag:s7] =	ssyncadd.s32 $0xFFFE8000  }
0x490: {  	[tilespmem:s2], [sflag:$0x2] =	stream.linear.gather [hbm4b:s9+s2], $0x80, $0x38;
	[tilespmem:$0x18080] =	vst v63  }
0x491: {  	_ =	swait.ge [sflag:s7], $0x80  }
0x492: {  	[sflag:s7] =	ssyncset.done $0x0  }
0x493: {  	[sflag:s7] =	ssyncadd.s32 $0xFFFFFF80  }
0x494: {  	v3 =	vld [tilespmem:$0x0];
	_ =	sdelay $0x4  }
0x495: {  	v56 =	vshrl.u32 v3, $0x3  }
0x496: {  	v4 =	vmul.u32 $0x30, v56  }
0x497: {  	v3 =	vand.u32 $0x7, v3  }
0x498: {  	v3 =	vor.u32 v3, v4  }
0x499: {  	v4 =	vperm.xlane v3, v0;
	_ =	sdelay $0x1  }
0x49a: {  	v4 =	vadd.s32 v1, v4;
	_ =	sdelay $0x3  }
0x49b: {  	v3 =	vperm.xlane v3, v2  }
0x49c: {  	[tilespmem:s16], [sflag:$0x1] =	stream.indirect_vreg.gather [hbm4b:s3+s2], $0x80, v4, vm0, $0xb8;
	[tilespmem:$0x18080] =	vst v63  }
0x49d: {  	s0 =	simm.s32 $0x880;
	v3 =	vadd.s32 v1, v3  }
0x49e: {  	[tilespmem:s0], [sflag:$0x1] =	stream.indirect_vreg.gather [hbm4b:s4+s2], $0x80, v4, vm0, $0xb8;
	[tilespmem:$0x18080] =	vst v63  }
0x49f: {  	s25 =	simm.s32 $0x1080  }
0x4a0: {  	[tilespmem:s25], [sflag:$0x1] =	stream.indirect_vreg.gather [hbm4b:s5+s2], $0x80, v4, vm0, $0xb8;
	[tilespmem:$0x18080] =	vst v63  }
0x4a1: {  	s26 =	simm.s32 $0x1880  }
0x4a2: {  	[tilespmem:s26], [sflag:$0x1] =	stream.indirect_vreg.gather [hbm4b:s3+s2], $0x80, v3, vm0, $0xb8;
	[tilespmem:$0x18080] =	vst v63  }
0x4a3: {  	s28 =	simm.s32 $0x2080  }
0x4a4: {  	[tilespmem:s28], [sflag:$0x1] =	stream.indirect_vreg.gather [hbm4b:s4+s2], $0x80, v3, vm0, $0xb8;
	[tilespmem:$0x18080] =	vst v63  }
0x4a5: {  	s26 =	simm.s32 $0x2880  }
0x4a6: {  	[tilespmem:s26], [sflag:$0x1] =	stream.indirect_vreg.gather [hbm4b:s5+s2], $0x80, v3, vm0, $0xb8;
	[tilespmem:$0x18080] =	vst v63  }
0x4a7: {  	v3 =	vld [tilespmem:$0x10];
	_ =	sdelay $0x4  }
0x4a8: {  	v57 =	vshrl.u32 v3, $0x3  }
0x4a9: {  	v4 =	vmul.u32 $0x30, v57  }
0x4aa: {  	v3 =	vand.u32 $0x7, v3  }
0x4ab: {  	v3 =	vor.u32 v3, v4  }
0x4ac: {  	v4 =	vperm.xlane v3, v0;
	_ =	sdelay $0x1  }
0x4ad: {  	v4 =	vadd.s32 v1, v4;
	_ =	sdelay $0x3  }
0x4ae: {  	s28 =	simm.s32 $0x3080;
	v3 =	vperm.xlane v3, v2  }
0x4af: {  	[tilespmem:s28], [sflag:$0x1] =	stream.indirect_vreg.gather [hbm4b:s3+s2], $0x80, v4, vm0, $0xb8;
	[tilespmem:$0x18080] =	vst v63  }
0x4b0: {  	s29 =	simm.s32 $0x3880;
	v3 =	vadd.s32 v1, v3  }
0x4b1: {  	[tilespmem:s29], [sflag:$0x1] =	stream.indirect_vreg.gather [hbm4b:s4+s2], $0x80, v4, vm0, $0xb8;
	[tilespmem:$0x18080] =	vst v63  }
0x4b2: {  	s30 =	simm.s32 $0x4080  }
0x4b3: {  	[tilespmem:s30], [sflag:$0x1] =	stream.indirect_vreg.gather [hbm4b:s5+s2], $0x80, v4, vm0, $0xb8;
	[tilespmem:$0x18080] =	vst v63  }
0x4b4: {  	s31 =	simm.s32 $0x4880  }
0x4b5: {  	[tilespmem:s31], [sflag:$0x1] =	stream.indirect_vreg.gather [hbm4b:s3+s2], $0x80, v3, vm0, $0xb8;
	[tilespmem:$0x18080] =	vst v63  }
0x4b6: {  	s6 =	simm.s32 $0x5080  }
0x4b7: {  	[tilespmem:s6], [sflag:$0x1] =	stream.indirect_vreg.gather [hbm4b:s4+s2], $0x80, v3, vm0, $0xb8;
	[tilespmem:$0x18080] =	vst v63  }
0x4b8: {  	s31 =	simm.s32 $0x5880  }
0x4b9: {  	[tilespmem:s31], [sflag:$0x1] =	stream.indirect_vreg.gather [hbm4b:s5+s2], $0x80, v3, vm0, $0xb8;
	[tilespmem:$0x18080] =	vst v63  }
0x4ba: {  	v3 =	vld [tilespmem:$0x20];
	_ =	sdelay $0x4  }
0x4bb: {  	v58 =	vshrl.u32 v3, $0x3  }
0x4bc: {  	v4 =	vmul.u32 $0x30, v58  }
0x4bd: {  	v3 =	vand.u32 $0x7, v3  }
0x4be: {  	v3 =	vor.u32 v3, v4  }
0x4bf: {  	v4 =	vperm.xlane v3, v0;
	_ =	sdelay $0x1  }
0x4c0: {  	v4 =	vadd.s32 v1, v4;
	_ =	sdelay $0x3  }
0x4c1: {  	s6 =	simm.s32 $0x6080;
	v3 =	vperm.xlane v3, v2  }
0x4c2: {  	[tilespmem:s6], [sflag:$0x1] =	stream.indirect_vreg.gather [hbm4b:s3+s2], $0x80, v4, vm0, $0xb8;
	[tilespmem:$0x18080] =	vst v63  }
0x4c3: {  	s8 =	simm.s32 $0x6880;
	v3 =	vadd.s32 v1, v3  }
0x4c4: {  	[tilespmem:s8], [sflag:$0x1] =	stream.indirect_vreg.gather [hbm4b:s4+s2], $0x80, v4, vm0, $0xb8;
	[tilespmem:$0x18080] =	vst v63  }
0x4c5: {  	s10 =	simm.s32 $0x7080  }
0x4c6: {  	[tilespmem:s10], [sflag:$0x1] =	stream.indirect_vreg.gather [hbm4b:s5+s2], $0x80, v4, vm0, $0xb8;
	[tilespmem:$0x18080] =	vst v63  }
0x4c7: {  	s11 =	simm.s32 $0x7880  }
0x4c8: {  	[tilespmem:s11], [sflag:$0x1] =	stream.indirect_vreg.gather [hbm4b:s3+s2], $0x80, v3, vm0, $0xb8;
	[tilespmem:$0x18080] =	vst v63  }
0x4c9: {  	s12 =	simm.s32 $0x8080  }
0x4ca: {  	[tilespmem:s12], [sflag:$0x1] =	stream.indirect_vreg.gather [hbm4b:s4+s2], $0x80, v3, vm0, $0xb8;
	[tilespmem:$0x18080] =	vst v63  }
0x4cb: {  	s8 =	simm.s32 $0x8880  }
0x4cc: {  	[tilespmem:s8], [sflag:$0x1] =	stream.indirect_vreg.gather [hbm4b:s5+s2], $0x80, v3, vm0, $0xb8;
	[tilespmem:$0x18080] =	vst v63  }
0x4cd: {  	v3 =	vld [tilespmem:$0x30];
	_ =	sdelay $0x4  }
0x4ce: {  	v59 =	vshrl.u32 v3, $0x3  }
0x4cf: {  	v4 =	vmul.u32 $0x30, v59  }
0x4d0: {  	v3 =	vand.u32 $0x7, v3  }
0x4d1: {  	v3 =	vor.u32 v3, v4  }
0x4d2: {  	v4 =	vperm.xlane v3, v0;
	_ =	sdelay $0x1  }
0x4d3: {  	v4 =	vadd.s32 v1, v4;
	_ =	sdelay $0x3  }
0x4d4: {  	s9 =	simm.s32 $0x9080;
	v3 =	vperm.xlane v3, v2  }
0x4d5: {  	[tilespmem:s9], [sflag:$0x1] =	stream.indirect_vreg.gather [hbm4b:s3+s2], $0x80, v4, vm0, $0xb8;
	[tilespmem:$0x18080] =	vst v63  }
0x4d6: {  	s13 =	simm.s32 $0x9880;
	v3 =	vadd.s32 v1, v3  }
0x4d7: {  	[tilespmem:s13], [sflag:$0x1] =	stream.indirect_vreg.gather [hbm4b:s4+s2], $0x80, v4, vm0, $0xb8;
	[tilespmem:$0x18080] =	vst v63  }
0x4d8: {  	s14 =	simm.s32 $0xA080  }
0x4d9: {  	[tilespmem:s14], [sflag:$0x1] =	stream.indirect_vreg.gather [hbm4b:s5+s2], $0x80, v4, vm0, $0xb8;
	[tilespmem:$0x18080] =	vst v63  }
0x4da: {  	s15 =	simm.s32 $0xA880  }
0x4db: {  	[tilespmem:s15], [sflag:$0x1] =	stream.indirect_vreg.gather [hbm4b:s3+s2], $0x80, v3, vm0, $0xb8;
	[tilespmem:$0x18080] =	vst v63  }
0x4dc: {  	s10 =	simm.s32 $0xB080  }
0x4dd: {  	[tilespmem:s10], [sflag:$0x1] =	stream.indirect_vreg.gather [hbm4b:s4+s2], $0x80, v3, vm0, $0xb8;
	[tilespmem:$0x18080] =	vst v63  }
0x4de: {  	s11 =	simm.s32 $0xB880  }
0x4df: {  	[tilespmem:s11], [sflag:$0x1] =	stream.indirect_vreg.gather [hbm4b:s5+s2], $0x80, v3, vm0, $0xb8;
	[tilespmem:$0x18080] =	vst v63  }
0x4e0: {  	v3 =	vld [tilespmem:$0x40];
	_ =	sdelay $0x4  }
0x4e1: {  	v60 =	vshrl.u32 v3, $0x3  }
0x4e2: {  	v4 =	vmul.u32 $0x30, v60  }
0x4e3: {  	v3 =	vand.u32 $0x7, v3  }
0x4e4: {  	v3 =	vor.u32 v3, v4  }
0x4e5: {  	v4 =	vperm.xlane v3, v0;
	_ =	sdelay $0x1  }
0x4e6: {  	v4 =	vadd.s32 v1, v4;
	_ =	sdelay $0x3  }
0x4e7: {  	s12 =	simm.s32 $0xC080;
	v3 =	vperm.xlane v3, v2  }
0x4e8: {  	[tilespmem:s12], [sflag:$0x1] =	stream.indirect_vreg.gather [hbm4b:s3+s2], $0x80, v4, vm0, $0xb8;
	[tilespmem:$0x18080] =	vst v63  }
0x4e9: {  	s17 =	simm.s32 $0xC880;
	v3 =	vadd.s32 v1, v3  }
0x4ea: {  	[tilespmem:s17], [sflag:$0x1] =	stream.indirect_vreg.gather [hbm4b:s4+s2], $0x80, v4, vm0, $0xb8;
	[tilespmem:$0x18080] =	vst v63  }
0x4eb: {  	s18 =	simm.s32 $0xD080  }
0x4ec: {  	[tilespmem:s18], [sflag:$0x1] =	stream.indirect_vreg.gather [hbm4b:s5+s2], $0x80, v4, vm0, $0xb8;
	[tilespmem:$0x18080] =	vst v63  }
0x4ed: {  	s19 =	simm.s32 $0xD880  }
0x4ee: {  	[tilespmem:s19], [sflag:$0x1] =	stream.indirect_vreg.gather [hbm4b:s3+s2], $0x80, v3, vm0, $0xb8;
	[tilespmem:$0x18080] =	vst v63  }
0x4ef: {  	s20 =	simm.s32 $0xE080  }
0x4f0: {  	[tilespmem:s20], [sflag:$0x1] =	stream.indirect_vreg.gather [hbm4b:s4+s2], $0x80, v3, vm0, $0xb8;
	[tilespmem:$0x18080] =	vst v63  }
0x4f1: {  	s14 =	simm.s32 $0xE880  }
0x4f2: {  	[tilespmem:s14], [sflag:$0x1] =	stream.indirect_vreg.gather [hbm4b:s5+s2], $0x80, v3, vm0, $0xb8;
	[tilespmem:$0x18080] =	vst v63  }
0x4f3: {  	v3 =	vld [tilespmem:$0x50];
	_ =	sdelay $0x4  }
0x4f4: {  	v61 =	vshrl.u32 v3, $0x3  }
0x4f5: {  	v4 =	vmul.u32 $0x30, v61  }
0x4f6: {  	v3 =	vand.u32 $0x7, v3  }
0x4f7: {  	v3 =	vor.u32 v3, v4  }
0x4f8: {  	v4 =	vperm.xlane v3, v0;
	_ =	sdelay $0x1  }
0x4f9: {  	v4 =	vadd.s32 v1, v4;
	_ =	sdelay $0x3  }
0x4fa: {  	s15 =	simm.s32 $0xF080;
	v3 =	vperm.xlane v3, v2  }
0x4fb: {  	[tilespmem:s15], [sflag:$0x1] =	stream.indirect_vreg.gather [hbm4b:s3+s2], $0x80, v4, vm0, $0xb8;
	[tilespmem:$0x18080] =	vst v63  }
0x4fc: {  	s21 =	simm.s32 $0xF880;
	v3 =	vadd.s32 v1, v3  }
0x4fd: {  	[tilespmem:s21], [sflag:$0x1] =	stream.indirect_vreg.gather [hbm4b:s4+s2], $0x80, v4, vm0, $0xb8;
	[tilespmem:$0x18080] =	vst v63  }
0x4fe: {  	s22 =	simm.s32 $0x10080  }
0x4ff: {  	[tilespmem:s22], [sflag:$0x1] =	stream.indirect_vreg.gather [hbm4b:s5+s2], $0x80, v4, vm0, $0xb8;
	[tilespmem:$0x18080] =	vst v63  }
0x500: {  	s23 =	simm.s32 $0x10880  }
0x501: {  	[tilespmem:s23], [sflag:$0x1] =	stream.indirect_vreg.gather [hbm4b:s3+s2], $0x80, v3, vm0, $0xb8;
	[tilespmem:$0x18080] =	vst v63  }
0x502: {  	s24 =	simm.s32 $0x11080  }
0x503: {  	[tilespmem:s24], [sflag:$0x1] =	stream.indirect_vreg.gather [hbm4b:s4+s2], $0x80, v3, vm0, $0xb8;
	[tilespmem:$0x18080] =	vst v63  }
0x504: {  	s17 =	simm.s32 $0x11880  }
0x505: {  	[tilespmem:s17], [sflag:$0x1] =	stream.indirect_vreg.gather [hbm4b:s5+s2], $0x80, v3, vm0, $0xb8;
	[tilespmem:$0x18080] =	vst v63  }
0x506: {  	v3 =	vld [tilespmem:$0x60];
	_ =	sdelay $0x4  }
0x507: {  	v62 =	vshrl.u32 v3, $0x3  }
0x508: {  	v4 =	vmul.u32 $0x30, v62  }
0x509: {  	v3 =	vand.u32 $0x7, v3  }
0x50a: {  	v3 =	vor.u32 v3, v4  }
0x50b: {  	v4 =	vperm.xlane v3, v0;
	_ =	sdelay $0x1  }
0x50c: {  	v4 =	vadd.s32 v1, v4;
	_ =	sdelay $0x3  }
0x50d: {  	s18 =	simm.s32 $0x12080;
	v3 =	vperm.xlane v3, v2  }
0x50e: {  	[tilespmem:s18], [sflag:$0x1] =	stream.indirect_vreg.gather [hbm4b:s3+s2], $0x80, v4, vm0, $0xb8;
	[tilespmem:$0x18080] =	vst v63  }
0x50f: {  	s19 =	simm.s32 $0x12880;
	v3 =	vadd.s32 v1, v3  }
0x510: {  	[tilespmem:s19], [sflag:$0x1] =	stream.indirect_vreg.gather [hbm4b:s4+s2], $0x80, v4, vm0, $0xb8;
	[tilespmem:$0x18080] =	vst v63  }
0x511: {  	s20 =	simm.s32 $0x13080  }
0x512: {  	[tilespmem:s20], [sflag:$0x1] =	stream.indirect_vreg.gather [hbm4b:s5+s2], $0x80, v4, vm0, $0xb8;
	[tilespmem:$0x18080] =	vst v63  }
0x513: {  	s21 =	simm.s32 $0x13880  }
0x514: {  	[tilespmem:s21], [sflag:$0x1] =	stream.indirect_vreg.gather [hbm4b:s3+s2], $0x80, v3, vm0, $0xb8;
	[tilespmem:$0x18080] =	vst v63  }
0x515: {  	s22 =	simm.s32 $0x14080  }
0x516: {  	[tilespmem:s22], [sflag:$0x1] =	stream.indirect_vreg.gather [hbm4b:s4+s2], $0x80, v3, vm0, $0xb8;
	[tilespmem:$0x18080] =	vst v63  }
0x517: {  	s23 =	simm.s32 $0x14880  }
0x518: {  	[tilespmem:s23], [sflag:$0x1] =	stream.indirect_vreg.gather [hbm4b:s5+s2], $0x80, v3, vm0, $0xb8;
	[tilespmem:$0x18080] =	vst v63  }
0x519: {  	v3 =	vld [tilespmem:$0x70];
	_ =	sdelay $0x4  }
0x51a: {  	v63 =	vshrl.u32 v3, $0x3  }
0x51b: {  	v4 =	vmul.u32 $0x30, v63  }
0x51c: {  	v3 =	vand.u32 $0x7, v3  }
0x51d: {  	v3 =	vor.u32 v3, v4  }
0x51e: {  	v4 =	vperm.xlane v3, v0;
	_ =	sdelay $0x1  }
0x51f: {  	v4 =	vadd.s32 v1, v4;
	_ =	sdelay $0x3  }
0x520: {  	s24 =	simm.s32 $0x15080;
	v3 =	vperm.xlane v3, v2  }
0x521: {  	[tilespmem:s24], [sflag:$0x1] =	stream.indirect_vreg.gather [hbm4b:s3+s2], $0x80, v4, vm0, $0xb8;
	[tilespmem:$0x18080] =	vst v63  }
0x522: {  	s25 =	simm.s32 $0x15880;
	v3 =	vadd.s32 v1, v3  }
0x523: {  	[tilespmem:s25], [sflag:$0x1] =	stream.indirect_vreg.gather [hbm4b:s4+s2], $0x80, v4, vm0, $0xb8;
	[tilespmem:$0x18080] =	vst v63  }
0x524: {  	s26 =	simm.s32 $0x16080  }
0x525: {  	[tilespmem:s26], [sflag:$0x1] =	stream.indirect_vreg.gather [hbm4b:s5+s2], $0x80, v4, vm0, $0xb8;
	[tilespmem:$0x18080] =	vst v63  }
0x526: {  	s28 =	simm.s32 $0x16880  }
0x527: {  	[tilespmem:s28], [sflag:$0x1] =	stream.indirect_vreg.gather [hbm4b:s3+s2], $0x80, v3, vm0, $0xb8;
	[tilespmem:$0x18080] =	vst v63  }
0x528: {  	s29 =	simm.s32 $0x17080  }
0x529: {  	[tilespmem:s29], [sflag:$0x1] =	stream.indirect_vreg.gather [hbm4b:s4+s2], $0x80, v3, vm0, $0xb8;
	[tilespmem:$0x18080] =	vst v63  }
0x52a: {  	s30 =	simm.s32 $0x17880  }
0x52b: {  	[tilespmem:s30], [sflag:$0x1] =	stream.indirect_vreg.gather [hbm4b:s5+s2], $0x80, v3, vm0, $0xb8;
	[tilespmem:$0x18080] =	vst v63  }
0x52c: {  	s13 =	rddreg [dreg:$0x13];
	_ =	swait.ge [sflag:s1], $0x18000  }
0x52d: {  	p0 =	sne.s32 s13, $0x1;
	[sflag:s1] =	ssyncset.done $0x0  }
.Ltmp0:
0x52e: {  	s31 =	rddreg [dreg:$0x12];
	[sflag:s1] =	ssyncadd.s32 $0xFFFE8000;
	(pc) =	sbr.rel @p0 .LBB2_1-.Ltmp0, $4  }
0x52f: {  	[hbm4b:s31+s2] =	stream.linear.scatter [tilespmem:s16], [sflag:$0x2], $0x18000, $0x38;
	[tilespmem:$0x18080] =	vst v63  }
0x530: {  	_ =	swait.ge [sflag:s7], $0x18000  }
0x531: {  	[sflag:s7] =	ssyncset.done $0x0  }
0x532: {  	s0 =	sadd.s32 $0xFFFFFFFF, s13;
	[sflag:s7] =	ssyncadd.s32 $0xFFFE8000  }
0x533: {  	_ =	sfence.sel $0x180000  }
0x534: {  	[bflag:$0x0] =	sbarrier.arrive $0xFFFF  }
0x535: {  	_ =	strace $0x9000004A  }
0x536: {  	s0 =	stileid.u32;
	[bflag:$0x2] =	sbarrier.arrive $0xFFFF  }
0x537: {  	p0 =	sne.s32 s0, $0x0;
	s0 =	rddreg [dreg:$0x2]  }
0x538: {  	s0 =	sadd.s32 @!p0 $0x100000, s0  }
0x539: {  	[sflag:s0] =	ssyncadd.tile.s32 @!p0 $0x1;
	_ =	shalt  }
.Lfunc_end2:
_tile_overlayer_lowered:
.L_overlay_start_2:
0x53a: {  	(tag) =	ssettag $0x2  }
0x53b: {  	s0 =	rddreg [dreg:$0x0];
	s2 =	stileid.u32  }
0x53c: {  	s1 =	rddreg [dreg:$0x1];
	p0 =	sne.s32 s2, $0x0  }
0x53d: {  	s3 =	rddreg [dreg:$0x2];
	[bflag:$0x3] =	sbarrier.arrive $0xFFFF;
	s2 =	simm.s32 @!p0 $0x1C02  }
0x53e: {  	[timem:s3], [sflag:s2] =	dma.local @!p0 [hbm:s0], s1  }
0x53f: {  	s0 =	simm.s32 @!p0 $0x2  }
0x540: {  	_ =	swait.ge @!p0 [sflag:s0], s1  }
0x541: {  	s1 =	ssub.s32 @!p0 $0x0, s1;
	[sflag:s0] =	ssyncset.done @!p0 $0x0  }
0x542: {  	[sflag:s0] =	ssyncadd.s32 @!p0 s1  }
0x543: {  	[bflag:$0x3] =	sbarrier.arrive $0xFFFF  }
0x544: {  	_ =	shalt  }

// kernel: kernel.7.cloned.1.call-start
scs
__scs_entry_jumppad:
0x0: {  	(pc) =	sbr.rel $0x88, $3  }
0x1: {  	(tag) =	ssettag $0x0;
	lr =	simm.s32 $0x1  }
0x2: {  	[smem:$0x3F9E] =	sst lr;
	_ =	strace $0xD0000000  }
0x3: {  	_ = 	snop  }
0x4: {  	_ = 	snop  }
0x5: {  	_ = 	snop  }
0x6: {  	_ = 	snop  }
0x7: {  	_ = 	snop  }
__scs_overlays_trampoline_lowered:
0x8: {  	[smem:$0x3FAD] =	sst s0  }
0x9: {  	[smem:$0x3FAE] =	sst s1  }
0xa: {  	[smem:$0x3FAF] =	sst s2  }
0xb: {  	[smem:$0x3FB0] =	sst s3  }
0xc: {  	[smem:$0x3FB1] =	sst s4  }
0xd: {  	[smem:$0x3FB2] =	sst s5  }
0xe: {  	[smem:$0x3FB3] =	sst s6  }
0xf: {  	[smem:$0x3FB4] =	sst s7  }
0x10: {  	[smem:$0x3FB5] =	sst s8  }
0x11: {  	[smem:$0x3FB6] =	sst s9;
	s0 =	simm.s32 @!p0 $0x0  }
0x12: {  	s1 =	sld [smem:$0x3F9C];
	s0 =	simm.s32 @p0 $0x1  }
0x13: {  	[smem:$0x3FB7] =	sst s0;
	s0 =	simm.s32 @!p1 $0x0  }
0x14: {  	s2 =	sld [smem:$0x3F9B];
	s0 =	simm.s32 @p1 $0x1  }
0x15: {  	[smem:$0x3FB8] =	sst s0;
	s0 =	simm.s32 @!p2 $0x0  }
0x16: {  	s3 =	sld [smem:$0x3FDB];
	s0 =	simm.s32 @p2 $0x1  }
0x17: {  	s4 =	simm.s32 $0x1BF5;
	[smem:$0x3FBA] =	sst s0  }
0x18: {  	s0 =	sld [smem:$0x3F9D];
	_ =	swait.ge [sflag:s4], $0x0  }
0x19: {  	s7 =	sld [smem:$0x3F9E]  }
0x1a: {  	s8 =	sadd.s32 $0xFFFFE003, lr  }
0x1b: {  	s9 =	sadd.s32 $0xFFFFFEF7, lr;
	s5 =	simm.s32 $0xFFFFFFFF;
	p2 =	slt.u32 s8, $0xFFFFF086  }
0x1c: {  	p1 =	slt.u32 s9, $0xF7A;
	s5 =	simm.s32 @!p2 $0x0  }
0x1d: {  	s5 =	simm.s32 @p1 $0x1;
	p0 =	seq.s32 s7, s2  }
0x1e: {  	s7 =	smul.u32 @!p0 $0xF7A, s2;
	p2 =	seq.s32 @!p0 s5, $0x0  }
0x1f: {  	s9 =	smul.u32 $0xF7A, s1;
	s8 =	simm.s32 @!p0 $0x1BF5;
	p2 =	por !p2, p0  }
0x20: {  	[sflag:s8] =	ssyncset.s32 @!p0 $0xFFFFF086;
	s6 =	sadd.s32 @!p0 s3, s7;
	s7 =	simm.s32 @!p0 $0x108  }
0x21: {  	s3 =	sadd.s32 s3, s9;
	s6 =	sadd.s32 @!p0 $0x88, s6;
	s7 =	simm.s32 @p2 $0x1082  }
0x22: {  	[simem:s7], [sflag:s8] =	dma.local @!p0 [hbm:s6], $0xF7A  }
0x23: {  	s9 =	sor.u32 $0xD0000000, s2;
	s6 =	simm.s32 $0x108;
	_ =	swait.ge @!p0 [sflag:s8], $0x0  }
0x24: {  	s3 =	sadd.s32 $0x88, s3;
	s6 =	simm.s32 @!p1 $0x1082;
	[sflag:s4] =	ssyncset.s32 $0xFFFFF086  }
0x25: {  	[simem:s6], [sflag:s4] =	dma.local [hbm:s3], $0xF7A  }
0x26: {  	[smem:$0x3F9E] =	sst s1;
	(tag) =	ssettag s2;
	_ =	strace s9  }
0x27: {  	s1 =	sld [smem:$0x3FAE]  }
0x28: {  	s2 =	sld [smem:$0x3FAF]  }
0x29: {  	s4 =	sld [smem:$0x3FB1]  }
0x2a: {  	p0 =	seq.s32 s5, $0x0;
	s5 =	sld [smem:$0x3FB2]  }
0x2b: {  	s6 =	sld [smem:$0x3FB3]  }
0x2c: {  	s7 =	sld [smem:$0x3FB4]  }
0x2d: {  	s3 =	simm.s32 $0x108;
	s8 =	sld [smem:$0x3FB5]  }
0x2e: {  	s3 =	simm.s32 @!p0 $0x1082;
	s9 =	sld [smem:$0x3FB6]  }
0x2f: {  	lr =	sadd.s32 s0, s3;
	s0 =	sld [smem:$0x3FAD]  }
0x30: {  	s3 =	sld [smem:$0x3FB0]  }
0x31: {  	[smem:$0x3FB9] =	sst s10  }
0x32: {  	s10 =	sld [smem:$0x3FB7];
	_ =	sdelay $0x3  }
0x33: {  	p0 =	seq.s32 s10, $0x1;
	s10 =	sld [smem:$0x3FB9];
	_ =	sdelay $0x3  }
0x34: {  	[smem:$0x3FB9] =	sst s10  }
0x35: {  	s10 =	sld [smem:$0x3FB8];
	_ =	sdelay $0x3  }
0x36: {  	p1 =	seq.s32 s10, $0x1;
	s10 =	sld [smem:$0x3FB9];
	_ =	sdelay $0x3  }
0x37: {  	[smem:$0x3FB9] =	sst s10  }
0x38: {  	s10 =	sld [smem:$0x3FBA]  }
0x39: {  	_ = 	snop;
	(pc) =	sbr.ind lr, $3  }
0x3a: {  	_ = 	snop  }
0x3b: {  	_ = 	snop  }
0x3c: {  	p2 =	seq.s32 s10, $0x1;
	s10 =	sld [smem:$0x3FB9]  }
0x3d: {  	_ =	shalt  }
0x3e: {  	_ =	shalt  }
0x3f: {  	_ =	shalt  }
0x40: {  	_ =	shalt  }
0x41: {  	_ =	shalt  }
0x42: {  	_ =	shalt  }
0x43: {  	_ =	shalt  }
0x44: {  	_ =	shalt  }
0x45: {  	_ =	shalt  }
0x46: {  	_ =	shalt  }
0x47: {  	_ =	shalt  }
0x48: {  	_ =	shalt  }
0x49: {  	_ =	shalt  }
0x4a: {  	_ =	shalt  }
0x4b: {  	_ =	shalt  }
0x4c: {  	_ =	shalt  }
0x4d: {  	_ =	shalt  }
0x4e: {  	_ =	shalt  }
0x4f: {  	_ =	shalt  }
0x50: {  	_ =	shalt  }
0x51: {  	_ =	shalt  }
0x52: {  	_ =	shalt  }
0x53: {  	_ =	shalt  }
0x54: {  	_ =	shalt  }
0x55: {  	_ =	shalt  }
0x56: {  	_ =	shalt  }
0x57: {  	_ =	shalt  }
0x58: {  	_ =	shalt  }
0x59: {  	_ =	shalt  }
0x5a: {  	_ =	shalt  }
0x5b: {  	_ =	shalt  }
0x5c: {  	_ =	shalt  }
0x5d: {  	_ =	shalt  }
0x5e: {  	_ =	shalt  }
0x5f: {  	_ =	shalt  }
0x60: {  	_ =	shalt  }
0x61: {  	_ =	shalt  }
0x62: {  	_ =	shalt  }
0x63: {  	_ =	shalt  }
0x64: {  	_ =	shalt  }
0x65: {  	_ =	shalt  }
0x66: {  	_ =	shalt  }
0x67: {  	_ =	shalt  }
0x68: {  	_ =	shalt  }
0x69: {  	_ =	shalt  }
0x6a: {  	_ =	shalt  }
0x6b: {  	_ =	shalt  }
0x6c: {  	_ =	shalt  }
0x6d: {  	_ =	shalt  }
0x6e: {  	_ =	shalt  }
0x6f: {  	_ =	shalt  }
0x70: {  	_ =	shalt  }
0x71: {  	_ =	shalt  }
0x72: {  	_ =	shalt  }
0x73: {  	_ =	shalt  }
0x74: {  	_ =	shalt  }
0x75: {  	_ =	shalt  }
0x76: {  	_ =	shalt  }
0x77: {  	_ =	shalt  }
0x78: {  	_ =	shalt  }
0x79: {  	_ =	shalt  }
0x7a: {  	_ =	shalt  }
0x7b: {  	_ =	shalt  }
0x7c: {  	_ =	shalt  }
0x7d: {  	_ =	shalt  }
0x7e: {  	_ =	shalt  }
0x7f: {  	_ =	shalt  }
0x80: {  	_ =	shalt  }
0x81: {  	_ =	shalt  }
0x82: {  	_ =	shalt  }
0x83: {  	_ =	shalt  }
0x84: {  	_ =	shalt  }
0x85: {  	_ =	shalt  }
0x86: {  	_ =	shalt  }
0x87: {  	_ =	shalt  }
.Lfunc_end0:
.L_simem_size_0:
called_computation_lowered:
.L_overlay_start_0:
0x88: {  	s2 =	sld [smem:$0x3FD9]  }
0x89: {  	s3 =	sld [smem:$0x3FFE];
	_ =	sdelay $0x1  }
0x8a: {  	s1 =	srdreg.scid  }
0x8b: {  	s0 =	sand.u32 $0x1, s1  }
0x8c: {  	s17 =	sshll.u32 s0, $0xA;
	s2 =	sadd.s32 s3, s2  }
0x8d: {  	s2 =	sadd.s32 s2, s17  }
0x8e: {  	[smem:$0x3FC5] =	sst s2  }
0x8f: {  	_ = 	snop  }
0x90: {  	s2 =	sld [smem:$0x3FC9]  }
0x91: {  	s18 =	sld [smem:$0x3FD0];
	(tm) =	ssettm $0x1  }
0x92: {  	s4 =	sld [smem:$0x3FFB];
	_ =	sdelay $0x3  }
0x93: {  	_ =	strace s4  }
0x94: {  	s4 =	sld [smem:$0x3FFC];
	_ =	sdelay $0x3  }
0x95: {  	_ =	strace s4  }
0x96: {  	s4 =	sld [smem:$0x3FFD];
	_ =	sdelay $0x3  }
0x97: {  	_ =	strace s4  }
0x98: {  	_ =	strace $0x8FFFFFFF  }
0x99: {  	s19 =	sld [smem:$0x3FDB];
	_ =	sdelay $0x1  }
0x9a: {  	s5 =	simm.s32 $_scs_section_size  }
0x9b: {  	s6 =	simm.s32 $_size__tile_overlayer_lowered;
	s7 =	simm.s32 $_tile_overlayer_lowered  }
0x9c: {  	s22 =	simm.s32 $0x1BFF;
	s21 =	sshll.u32 s7, $0x1;
	s4 =	sadd.s32 s5, s19  }
0x9d: {  	s8 =	simm.s32 $0x0;
	s20 =	sshll.u32 s6, $0x1;
	s6 =	sadd.s32 s21, s4  }
0x9e: {  	[timem:s8], [sflag:s22] =	dma.local [hbm:s6], s20  }
0x9f: {  	_ =	swait.ge [sflag:s22], s20  }
0xa0: {  	s5 =	ssub.s32 $0x0, s20;
	[sflag:s22] =	ssyncset.done $0x0  }
0xa1: {  	[sflag:s22] =	ssyncadd.s32 s5;
	_ =	sdelay $0x1  }
0xa2: {  	s23 =	simm.s32 $0x1B8B  }
0xa3: {  	_ =	swait.ge [sflag:s23], $0x1  }
0xa4: {  	[sflag:s23] =	ssyncset.done $0x0  }
0xa5: {  	s25 =	simm.s32 $0x1B8E;
	s24 =	sld [smem:$0x3FFE];
	[sflag:s23] =	ssyncadd.s32 $0xFFFFFFFF  }
0xa6: {  	s26 =	simm.s32 $execute0_lowered;
	[smem:$0x3FD2] =	sst s25  }
0xa7: {  	s6 =	sshll.u32 s26, $0x1;
	_ =	strace $0x80000046;
	[dreg:$0x1] =	wrdreg $0xFFFFFFFF  }
0xa8: {  	s28 =	simm.s32 $_size_execute0_lowered;
	s4 =	sadd.s32 s4, s6;
	[dreg:$0x0] =	wrdreg $0x0  }
0xa9: {  	s6 =	sshll.u32 s28, $0x1;
	[dreg:$0x2] =	wrdreg s4  }
0xaa: {  	[dreg:$0x3] =	wrdreg s6  }
0xab: {  	[dreg:$0x4] =	wrdreg $0xC0  }
0xac: {  	_ =	task [dreg:s8], $0x5FFFF  }
0xad: {  	[dreg:$0x1] =	wrdreg $0xFFFFFFFF  }
0xae: {  	[dreg:$0x0] =	wrdreg $0x60  }
0xaf: {  	[dreg:$0x2] =	wrdreg s2  }
0xb0: {  	[dreg:$0x3] =	wrdreg s24  }
0xb1: {  	[dreg:$0x4] =	wrdreg s18  }
0xb2: {  	[dreg:$0x5] =	wrdreg $0x9  }
0xb3: {  	_ =	task.clear_ibuf [dreg:s8], $0x6FFFF;
	_ =	strace $0x90000046  }
0xb4: {  	s29 =	simm.s32 $0x9;
	_ =	strace $0x80000048  }
0xb5: {  	_ =	swait.ge [sflag:s29], $0x1  }
0xb6: {  	[sflag:s29] =	ssyncadd.s32 $0xFFFFFFFF  }
0xb7: {  	_ =	strace $0x90000048  }
0xb8: {  	_ =	sfence  }
0xb9: {  	s30 =	sld [smem:$0x0];
	_ =	sdelay $0x2  }
0xba: {  	s31 =	sshll.u32 s1, $0xD;
	s1 =	sshrl.u32 s1, $0x2  }
0xbb: {  	s3 =	sand.u32 $0x4000, s31;
	s1 =	sadd.s32 s1, s30  }
0xbc: {  	s0 =	sor.u32 s3, s0;
	s1 =	sshll.u32 s1, $0x11  }
0xbd: {  	s0 =	sor.u32 s1, s0  }
0xbe: {  	s0 =	sadd.s32 $0x8F2B, s0  }
0xbf: {  	[sflag:s0] =	ssyncadd.remote.s32 $0x1  }
0xc0: {  	_ =	sfence.sel $0xFFFF  }
0xc1: {  	[dreg:$0x0] =	wrdreg $0xFFFFFFFF;
	(pc) =	sbr.abs _section_cstart, $3  }
0xc2: {  	[dreg:$0x1] =	wrdreg $0xFFFFFFFF  }
0xc3: {  	_ =	task.clear_ibuf [dreg:s8], $0x2FFFF;
	_ =	strace $0x9FFFFFFF  }
0xc4: {  	(tm) =	ssettm $0x7FFFFFFF  }
0xc5: {  	_ =	shalt  }
tec
execute0_lowered:
.L_overlay_start_1:
0x0: {  	(tag) =	ssettag $0x1  }
0x1: {  	s0 =	rddreg [dreg:$0x0]  }
0x2: {  	s1 =	rddreg [dreg:$0x1];
	s3 =	srdreg.scid  }
0x3: {  	s2 =	rddreg [dreg:$0x2];
	s5 =	stileid.u32;
	s4 =	sand.u32 $0x1, s3  }
0x4: {  	s3 =	simm.s32 $0x0;
	s5 =	sshll.u32 s5, $0x8;
	s6 =	sshll.u32 s4, $0x7  }
0x5: {  	s1 =	sadd.s32 $0xE00, s1;
	[smem:$0x7FF] =	sst s3;
	s5 =	sor.u32 s6, s5  }
0x6: {  	s4 =	ssub.s32 $0x2, s4;
	_ =	strace $0x80000047;
	s6 =	smul.u32 $0x300, s5  }
0x7: {  	s7 =	sadd.s32 s1, s5;
	s8 =	sor.u32 $0x10, s5;
	s31 =	sor.u32 $0x20, s5  }
0x8: {  	s11 =	sor.u32 $0x30, s5;
	s15 =	sor.u32 $0x40, s5;
	s19 =	sor.u32 $0x50, s5  }
0x9: {  	s23 =	sor.u32 $0x60, s5;
	[dreg:$0x4] =	wrdreg s7;
	s30 =	sadd.s32 s1, s8  }
0xa: {  	s5 =	sor.u32 $0x70, s5;
	s10 =	sadd.s32 s1, s31;
	[dreg:$0x6] =	wrdreg s30  }
0xb: {  	s29 =	smul.u32 $0x300, s8;
	s14 =	sadd.s32 s1, s11;
	[dreg:$0x8] =	wrdreg s10  }
0xc: {  	s9 =	smul.u32 $0x300, s31;
	s18 =	sadd.s32 s1, s15;
	[dreg:$0xa] =	wrdreg s14  }
0xd: {  	s13 =	smul.u32 $0x300, s11;
	s22 =	sadd.s32 s1, s19;
	[dreg:$0xc] =	wrdreg s18  }
0xe: {  	s17 =	smul.u32 $0x300, s15;
	s26 =	sadd.s32 s1, s23;
	[dreg:$0xe] =	wrdreg s22  }
0xf: {  	s21 =	smul.u32 $0x300, s19;
	s1 =	sadd.s32 s1, s5;
	[dreg:$0x10] =	wrdreg s26  }
0x10: {  	s25 =	smul.u32 $0x300, s23;
	s6 =	sadd.s32 s0, s6;
	[dreg:$0x12] =	wrdreg s1  }
0x11: {  	s30 =	sshrl.u32 s4, $0x1;
	[dreg:$0x5] =	wrdreg s6;
	s7 =	sadd.s32 s0, s29  }
0x12: {  	s1 =	simm.s32 $0x1;
	s12 =	sadd.s32 s0, s9;
	[dreg:$0x7] =	wrdreg s7  }
0x13: {  	s16 =	sadd.s32 s0, s13;
	s20 =	sadd.s32 s0, s17;
	[dreg:$0x9] =	wrdreg s12  }
0x14: {  	s24 =	sadd.s32 s0, s21;
	s28 =	sadd.s32 s0, s25;
	[dreg:$0xb] =	wrdreg s16  }
0x15: {  	s29 =	smul.u32 $0x300, s5;
	s31 =	ssub.s32 s4, s30;
	[dreg:$0xd] =	wrdreg s20  }
0x16: {  	v2 =	vlaneseq.u32;
	s4 =	sadd.s32 $0x100, s2;
	s5 =	sadd.s32 $0x200, s2;
	[dreg:$0xf] =	wrdreg s24  }
0x17: {  	vm0 =	vmmov $0xffff;
	v1 =	vshrl.u32 v2, $0x3;
	[dreg:$0x11] =	wrdreg s28;
	s7 =	simm.s32 $0x2;
	s0 =	sadd.s32 s0, s29  }
0x18: {  	v0 =	vand.u32 $0x7, v2;
	v2 =	vor.u32 $0x8, v2;
	v1 =	vmul.u32 $0x8, v1;
	s16 =	simm.s32 $0x80;
	[dreg:$0x13] =	wrdreg s0;
	s0 =	smax.u32 s31, $0x1  }
.LBB2_1:
0x19: {  	[dreg:$0x14] =	wrdreg s0  }
0x1a: {  	s9 =	rddreg [dreg:$0x4]  }
0x1b: {  	[tilespmem:s3], [sflag:$0x2] =	stream.linear.gather [hbm4b:s9+s3], $0x80, $0x38;
	[tilespmem:$0x18080] =	vst v63  }
0x1c: {  	_ =	swait.ge [sflag:s7], $0x80  }
0x1d: {  	[sflag:s7] =	ssyncset.done $0x0  }
0x1e: {  	s11 =	rddreg [dreg:$0x5];
	[sflag:s7] =	ssyncadd.s32 $0xFFFFFF80  }
0x1f: {  	[tilespmem:s16], [sflag:$0x2] =	stream.linear.gather [hbm4b:s11+s3], $0x18000, $0x38;
	[tilespmem:$0x18080] =	vst v63  }
0x20: {  	_ =	swait.ge [sflag:s7], $0x18000  }
0x21: {  	[sflag:s7] =	ssyncset.done $0x0  }
0x22: {  	[sflag:s7] =	ssyncadd.s32 $0xFFFE8000  }
0x23: {  	v3 =	vld [tilespmem:$0x0];
	_ =	sdelay $0x4  }
0x24: {  	v4 =	vshrl.u32 v3, $0x3  }
0x25: {  	v4 =	vmul.u32 $0x30, v4  }
0x26: {  	v3 =	vand.u32 $0x7, v3  }
0x27: {  	v3 =	vor.u32 v3, v4  }
0x28: {  	v4 =	vperm.xlane v3, v0;
	_ =	sdelay $0x1  }
0x29: {  	v4 =	vadd.s32 v1, v4;
	_ =	sdelay $0x3  }
0x2a: {  	v3 =	vperm.xlane v3, v2  }
0x2b: {  	[hbm4b:s2+s3] =	stream.indirect_vreg.scatter [tilespmem:s16], [sflag:$0x1], $0x80, v4, vm0, $0xb8;
	[tilespmem:$0x18080] =	vst v63  }
0x2c: {  	s12 =	simm.s32 $0x880;
	v3 =	vadd.s32 v1, v3  }
0x2d: {  	[hbm4b:s4+s3] =	stream.indirect_vreg.scatter [tilespmem:s12], [sflag:$0x1], $0x80, v4, vm0, $0xb8;
	[tilespmem:$0x18080] =	vst v63  }
0x2e: {  	s13 =	simm.s32 $0x1080  }
0x2f: {  	[hbm4b:s5+s3] =	stream.indirect_vreg.scatter [tilespmem:s13], [sflag:$0x1], $0x80, v4, vm0, $0xb8;
	[tilespmem:$0x18080] =	vst v63  }
0x30: {  	s14 =	simm.s32 $0x1880  }
0x31: {  	[hbm4b:s2+s3] =	stream.indirect_vreg.scatter [tilespmem:s14], [sflag:$0x1], $0x80, v3, vm0, $0xb8;
	[tilespmem:$0x18080] =	vst v63  }
0x32: {  	s15 =	simm.s32 $0x2080  }
0x33: {  	[hbm4b:s4+s3] =	stream.indirect_vreg.scatter [tilespmem:s15], [sflag:$0x1], $0x80, v3, vm0, $0xb8;
	[tilespmem:$0x18080] =	vst v63  }
0x34: {  	s17 =	simm.s32 $0x2880  }
0x35: {  	[hbm4b:s5+s3] =	stream.indirect_vreg.scatter [tilespmem:s17], [sflag:$0x1], $0x80, v3, vm0, $0xb8;
	[tilespmem:$0x18080] =	vst v63  }
0x36: {  	v3 =	vld [tilespmem:$0x10];
	_ =	sdelay $0x4  }
0x37: {  	v57 =	vshrl.u32 v3, $0x3  }
0x38: {  	v4 =	vmul.u32 $0x30, v57  }
0x39: {  	v3 =	vand.u32 $0x7, v3  }
0x3a: {  	v3 =	vor.u32 v3, v4  }
0x3b: {  	v4 =	vperm.xlane v3, v0;
	_ =	sdelay $0x1  }
0x3c: {  	v4 =	vadd.s32 v1, v4;
	_ =	sdelay $0x3  }
0x3d: {  	s18 =	simm.s32 $0x3080;
	v3 =	vperm.xlane v3, v2  }
0x3e: {  	[hbm4b:s2+s3] =	stream.indirect_vreg.scatter [tilespmem:s18], [sflag:$0x1], $0x80, v4, vm0, $0xb8;
	[tilespmem:$0x18080] =	vst v63  }
0x3f: {  	s19 =	simm.s32 $0x3880;
	v3 =	vadd.s32 v1, v3  }
0x40: {  	[hbm4b:s4+s3] =	stream.indirect_vreg.scatter [tilespmem:s19], [sflag:$0x1], $0x80, v4, vm0, $0xb8;
	[tilespmem:$0x18080] =	vst v63  }
0x41: {  	s20 =	simm.s32 $0x4080  }
0x42: {  	[hbm4b:s5+s3] =	stream.indirect_vreg.scatter [tilespmem:s20], [sflag:$0x1], $0x80, v4, vm0, $0xb8;
	[tilespmem:$0x18080] =	vst v63  }
0x43: {  	s21 =	simm.s32 $0x4880  }
0x44: {  	[hbm4b:s2+s3] =	stream.indirect_vreg.scatter [tilespmem:s21], [sflag:$0x1], $0x80, v3, vm0, $0xb8;
	[tilespmem:$0x18080] =	vst v63  }
0x45: {  	s22 =	simm.s32 $0x5080  }
0x46: {  	[hbm4b:s4+s3] =	stream.indirect_vreg.scatter [tilespmem:s22], [sflag:$0x1], $0x80, v3, vm0, $0xb8;
	[tilespmem:$0x18080] =	vst v63  }
0x47: {  	s23 =	simm.s32 $0x5880  }
0x48: {  	[hbm4b:s5+s3] =	stream.indirect_vreg.scatter [tilespmem:s23], [sflag:$0x1], $0x80, v3, vm0, $0xb8;
	[tilespmem:$0x18080] =	vst v63  }
0x49: {  	v3 =	vld [tilespmem:$0x20];
	_ =	sdelay $0x4  }
0x4a: {  	v58 =	vshrl.u32 v3, $0x3  }
0x4b: {  	v4 =	vmul.u32 $0x30, v58  }
0x4c: {  	v3 =	vand.u32 $0x7, v3  }
0x4d: {  	v3 =	vor.u32 v3, v4  }
0x4e: {  	v4 =	vperm.xlane v3, v0;
	_ =	sdelay $0x1  }
0x4f: {  	v4 =	vadd.s32 v1, v4;
	_ =	sdelay $0x3  }
0x50: {  	s24 =	simm.s32 $0x6080;
	v3 =	vperm.xlane v3, v2  }
0x51: {  	[hbm4b:s2+s3] =	stream.indirect_vreg.scatter [tilespmem:s24], [sflag:$0x1], $0x80, v4, vm0, $0xb8;
	[tilespmem:$0x18080] =	vst v63  }
0x52: {  	s25 =	simm.s32 $0x6880;
	v3 =	vadd.s32 v1, v3  }
0x53: {  	[hbm4b:s4+s3] =	stream.indirect_vreg.scatter [tilespmem:s25], [sflag:$0x1], $0x80, v4, vm0, $0xb8;
	[tilespmem:$0x18080] =	vst v63  }
0x54: {  	s26 =	simm.s32 $0x7080  }
0x55: {  	[hbm4b:s5+s3] =	stream.indirect_vreg.scatter [tilespmem:s26], [sflag:$0x1], $0x80, v4, vm0, $0xb8;
	[tilespmem:$0x18080] =	vst v63  }
0x56: {  	s28 =	simm.s32 $0x7880  }
0x57: {  	[hbm4b:s2+s3] =	stream.indirect_vreg.scatter [tilespmem:s28], [sflag:$0x1], $0x80, v3, vm0, $0xb8;
	[tilespmem:$0x18080] =	vst v63  }
0x58: {  	s29 =	simm.s32 $0x8080  }
0x59: {  	[hbm4b:s4+s3] =	stream.indirect_vreg.scatter [tilespmem:s29], [sflag:$0x1], $0x80, v3, vm0, $0xb8;
	[tilespmem:$0x18080] =	vst v63  }
0x5a: {  	s30 =	simm.s32 $0x8880  }
0x5b: {  	[hbm4b:s5+s3] =	stream.indirect_vreg.scatter [tilespmem:s30], [sflag:$0x1], $0x80, v3, vm0, $0xb8;
	[tilespmem:$0x18080] =	vst v63  }
0x5c: {  	v3 =	vld [tilespmem:$0x30];
	_ =	sdelay $0x4  }
0x5d: {  	v59 =	vshrl.u32 v3, $0x3  }
0x5e: {  	v4 =	vmul.u32 $0x30, v59  }
0x5f: {  	v3 =	vand.u32 $0x7, v3  }
0x60: {  	v3 =	vor.u32 v3, v4  }
0x61: {  	v4 =	vperm.xlane v3, v0;
	_ =	sdelay $0x1  }
0x62: {  	v4 =	vadd.s32 v1, v4;
	_ =	sdelay $0x3  }
0x63: {  	s31 =	simm.s32 $0x9080;
	v3 =	vperm.xlane v3, v2  }
0x64: {  	[hbm4b:s2+s3] =	stream.indirect_vreg.scatter [tilespmem:s31], [sflag:$0x1], $0x80, v4, vm0, $0xb8;
	[tilespmem:$0x18080] =	vst v63  }
0x65: {  	s9 =	simm.s32 $0x9880;
	v3 =	vadd.s32 v1, v3  }
0x66: {  	[hbm4b:s4+s3] =	stream.indirect_vreg.scatter [tilespmem:s9], [sflag:$0x1], $0x80, v4, vm0, $0xb8;
	[tilespmem:$0x18080] =	vst v63  }
0x67: {  	s12 =	simm.s32 $0xA080  }
0x68: {  	[hbm4b:s5+s3] =	stream.indirect_vreg.scatter [tilespmem:s12], [sflag:$0x1], $0x80, v4, vm0, $0xb8;
	[tilespmem:$0x18080] =	vst v63  }
0x69: {  	s15 =	simm.s32 $0xA880  }
0x6a: {  	[hbm4b:s2+s3] =	stream.indirect_vreg.scatter [tilespmem:s15], [sflag:$0x1], $0x80, v3, vm0, $0xb8;
	[tilespmem:$0x18080] =	vst v63  }
0x6b: {  	s17 =	simm.s32 $0xB080  }
0x6c: {  	[hbm4b:s4+s3] =	stream.indirect_vreg.scatter [tilespmem:s17], [sflag:$0x1], $0x80, v3, vm0, $0xb8;
	[tilespmem:$0x18080] =	vst v63  }
0x6d: {  	s18 =	simm.s32 $0xB880  }
0x6e: {  	[hbm4b:s5+s3] =	stream.indirect_vreg.scatter [tilespmem:s18], [sflag:$0x1], $0x80, v3, vm0, $0xb8;
	[tilespmem:$0x18080] =	vst v63  }
0x6f: {  	v3 =	vld [tilespmem:$0x40];
	_ =	sdelay $0x4  }
0x70: {  	v60 =	vshrl.u32 v3, $0x3  }
0x71: {  	v4 =	vmul.u32 $0x30, v60  }
0x72: {  	v3 =	vand.u32 $0x7, v3  }
0x73: {  	v3 =	vor.u32 v3, v4  }
0x74: {  	v4 =	vperm.xlane v3, v0;
	_ =	sdelay $0x1  }
0x75: {  	v4 =	vadd.s32 v1, v4;
	_ =	sdelay $0x3  }
0x76: {  	s19 =	simm.s32 $0xC080;
	v3 =	vperm.xlane v3, v2  }
0x77: {  	[hbm4b:s2+s3] =	stream.indirect_vreg.scatter [tilespmem:s19], [sflag:$0x1], $0x80, v4, vm0, $0xb8;
	[tilespmem:$0x18080] =	vst v63  }
0x78: {  	s20 =	simm.s32 $0xC880;
	v3 =	vadd.s32 v1, v3  }
0x79: {  	[hbm4b:s4+s3] =	stream.indirect_vreg.scatter [tilespmem:s20], [sflag:$0x1], $0x80, v4, vm0, $0xb8;
	[tilespmem:$0x18080] =	vst v63  }
0x7a: {  	s21 =	simm.s32 $0xD080  }
0x7b: {  	[hbm4b:s5+s3] =	stream.indirect_vreg.scatter [tilespmem:s21], [sflag:$0x1], $0x80, v4, vm0, $0xb8;
	[tilespmem:$0x18080] =	vst v63  }
0x7c: {  	s22 =	simm.s32 $0xD880  }
0x7d: {  	[hbm4b:s2+s3] =	stream.indirect_vreg.scatter [tilespmem:s22], [sflag:$0x1], $0x80, v3, vm0, $0xb8;
	[tilespmem:$0x18080] =	vst v63  }
0x7e: {  	s23 =	simm.s32 $0xE080  }
0x7f: {  	[hbm4b:s4+s3] =	stream.indirect_vreg.scatter [tilespmem:s23], [sflag:$0x1], $0x80, v3, vm0, $0xb8;
	[tilespmem:$0x18080] =	vst v63  }
0x80: {  	s24 =	simm.s32 $0xE880  }
0x81: {  	[hbm4b:s5+s3] =	stream.indirect_vreg.scatter [tilespmem:s24], [sflag:$0x1], $0x80, v3, vm0, $0xb8;
	[tilespmem:$0x18080] =	vst v63  }
0x82: {  	v3 =	vld [tilespmem:$0x50];
	_ =	sdelay $0x4  }
0x83: {  	v61 =	vshrl.u32 v3, $0x3  }
0x84: {  	v4 =	vmul.u32 $0x30, v61  }
0x85: {  	v3 =	vand.u32 $0x7, v3  }
0x86: {  	v3 =	vor.u32 v3, v4  }
0x87: {  	v4 =	vperm.xlane v3, v0;
	_ =	sdelay $0x1  }
0x88: {  	v4 =	vadd.s32 v1, v4;
	_ =	sdelay $0x3  }
0x89: {  	s25 =	simm.s32 $0xF080;
	v3 =	vperm.xlane v3, v2  }
0x8a: {  	[hbm4b:s2+s3] =	stream.indirect_vreg.scatter [tilespmem:s25], [sflag:$0x1], $0x80, v4, vm0, $0xb8;
	[tilespmem:$0x18080] =	vst v63  }
0x8b: {  	s26 =	simm.s32 $0xF880;
	v3 =	vadd.s32 v1, v3  }
0x8c: {  	[hbm4b:s4+s3] =	stream.indirect_vreg.scatter [tilespmem:s26], [sflag:$0x1], $0x80, v4, vm0, $0xb8;
	[tilespmem:$0x18080] =	vst v63  }
0x8d: {  	s28 =	simm.s32 $0x10080  }
0x8e: {  	[hbm4b:s5+s3] =	stream.indirect_vreg.scatter [tilespmem:s28], [sflag:$0x1], $0x80, v4, vm0, $0xb8;
	[tilespmem:$0x18080] =	vst v63  }
0x8f: {  	s29 =	simm.s32 $0x10880  }
0x90: {  	[hbm4b:s2+s3] =	stream.indirect_vreg.scatter [tilespmem:s29], [sflag:$0x1], $0x80, v3, vm0, $0xb8;
	[tilespmem:$0x18080] =	vst v63  }
0x91: {  	s30 =	simm.s32 $0x11080  }
0x92: {  	[hbm4b:s4+s3] =	stream.indirect_vreg.scatter [tilespmem:s30], [sflag:$0x1], $0x80, v3, vm0, $0xb8;
	[tilespmem:$0x18080] =	vst v63  }
0x93: {  	s31 =	simm.s32 $0x11880  }
0x94: {  	[hbm4b:s5+s3] =	stream.indirect_vreg.scatter [tilespmem:s31], [sflag:$0x1], $0x80, v3, vm0, $0xb8;
	[tilespmem:$0x18080] =	vst v63  }
0x95: {  	v3 =	vld [tilespmem:$0x60];
	_ =	sdelay $0x4  }
0x96: {  	v62 =	vshrl.u32 v3, $0x3  }
0x97: {  	v4 =	vmul.u32 $0x30, v62  }
0x98: {  	v3 =	vand.u32 $0x7, v3  }
0x99: {  	v3 =	vor.u32 v3, v4  }
0x9a: {  	v4 =	vperm.xlane v3, v0;
	_ =	sdelay $0x1  }
0x9b: {  	v4 =	vadd.s32 v1, v4;
	_ =	sdelay $0x3  }
0x9c: {  	s0 =	simm.s32 $0x12080;
	v3 =	vperm.xlane v3, v2  }
0x9d: {  	[hbm4b:s2+s3] =	stream.indirect_vreg.scatter [tilespmem:s0], [sflag:$0x1], $0x80, v4, vm0, $0xb8;
	[tilespmem:$0x18080] =	vst v63  }
0x9e: {  	s12 =	simm.s32 $0x12880;
	v3 =	vadd.s32 v1, v3  }
0x9f: {  	[hbm4b:s4+s3] =	stream.indirect_vreg.scatter [tilespmem:s12], [sflag:$0x1], $0x80, v4, vm0, $0xb8;
	[tilespmem:$0x18080] =	vst v63  }
0xa0: {  	s15 =	simm.s32 $0x13080  }
0xa1: {  	[hbm4b:s5+s3] =	stream.indirect_vreg.scatter [tilespmem:s15], [sflag:$0x1], $0x80, v4, vm0, $0xb8;
	[tilespmem:$0x18080] =	vst v63  }
0xa2: {  	s23 =	simm.s32 $0x13880  }
0xa3: {  	[hbm4b:s2+s3] =	stream.indirect_vreg.scatter [tilespmem:s23], [sflag:$0x1], $0x80, v3, vm0, $0xb8;
	[tilespmem:$0x18080] =	vst v63  }
0xa4: {  	s24 =	simm.s32 $0x14080  }
0xa5: {  	[hbm4b:s4+s3] =	stream.indirect_vreg.scatter [tilespmem:s24], [sflag:$0x1], $0x80, v3, vm0, $0xb8;
	[tilespmem:$0x18080] =	vst v63  }
0xa6: {  	s25 =	simm.s32 $0x14880  }
0xa7: {  	[hbm4b:s5+s3] =	stream.indirect_vreg.scatter [tilespmem:s25], [sflag:$0x1], $0x80, v3, vm0, $0xb8;
	[tilespmem:$0x18080] =	vst v63  }
0xa8: {  	v3 =	vld [tilespmem:$0x70];
	_ =	sdelay $0x4  }
0xa9: {  	v63 =	vshrl.u32 v3, $0x3  }
0xaa: {  	v4 =	vmul.u32 $0x30, v63  }
0xab: {  	v3 =	vand.u32 $0x7, v3  }
0xac: {  	v3 =	vor.u32 v3, v4  }
0xad: {  	v4 =	vperm.xlane v3, v0;
	_ =	sdelay $0x1  }
0xae: {  	v4 =	vadd.s32 v1, v4;
	_ =	sdelay $0x3  }
0xaf: {  	s26 =	simm.s32 $0x15080;
	v3 =	vperm.xlane v3, v2  }
0xb0: {  	[hbm4b:s2+s3] =	stream.indirect_vreg.scatter [tilespmem:s26], [sflag:$0x1], $0x80, v4, vm0, $0xb8;
	[tilespmem:$0x18080] =	vst v63  }
0xb1: {  	s28 =	simm.s32 $0x15880;
	v3 =	vadd.s32 v1, v3  }
0xb2: {  	[hbm4b:s4+s3] =	stream.indirect_vreg.scatter [tilespmem:s28], [sflag:$0x1], $0x80, v4, vm0, $0xb8;
	[tilespmem:$0x18080] =	vst v63  }
0xb3: {  	s29 =	simm.s32 $0x16080  }
0xb4: {  	[hbm4b:s5+s3] =	stream.indirect_vreg.scatter [tilespmem:s29], [sflag:$0x1], $0x80, v4, vm0, $0xb8;
	[tilespmem:$0x18080] =	vst v63  }
0xb5: {  	s30 =	simm.s32 $0x16880  }
0xb6: {  	[hbm4b:s2+s3] =	stream.indirect_vreg.scatter [tilespmem:s30], [sflag:$0x1], $0x80, v3, vm0, $0xb8;
	[tilespmem:$0x18080] =	vst v63  }
0xb7: {  	s31 =	simm.s32 $0x17080  }
0xb8: {  	[hbm4b:s4+s3] =	stream.indirect_vreg.scatter [tilespmem:s31], [sflag:$0x1], $0x80, v3, vm0, $0xb8;
	[tilespmem:$0x18080] =	vst v63  }
0xb9: {  	s0 =	simm.s32 $0x17880  }
0xba: {  	[hbm4b:s5+s3] =	stream.indirect_vreg.scatter [tilespmem:s0], [sflag:$0x1], $0x80, v3, vm0, $0xb8;
	[tilespmem:$0x18080] =	vst v63  }
0xbb: {  	_ =	swait.ge [sflag:s1], $0x18000  }
0xbc: {  	[sflag:s1] =	ssyncset.done $0x0  }
0xbd: {  	s12 =	rddreg [dreg:$0x6];
	[sflag:s1] =	ssyncadd.s32 $0xFFFE8000  }
0xbe: {  	[tilespmem:s3], [sflag:$0x2] =	stream.linear.gather [hbm4b:s12+s3], $0x80, $0x38;
	[tilespmem:$0x18080] =	vst v63  }
0xbf: {  	_ =	swait.ge [sflag:s7], $0x80  }
0xc0: {  	[sflag:s7] =	ssyncset.done $0x0  }
0xc1: {  	s15 =	rddreg [dreg:$0x7];
	[sflag:s7] =	ssyncadd.s32 $0xFFFFFF80  }
0xc2: {  	[tilespmem:s16], [sflag:$0x2] =	stream.linear.gather [hbm4b:s15+s3], $0x18000, $0x38;
	[tilespmem:$0x18080] =	vst v63  }
0xc3: {  	_ =	swait.ge [sflag:s7], $0x18000  }
0xc4: {  	[sflag:s7] =	ssyncset.done $0x0  }
0xc5: {  	[sflag:s7] =	ssyncadd.s32 $0xFFFE8000  }
0xc6: {  	v3 =	vld [tilespmem:$0x0];
	_ =	sdelay $0x4  }
0xc7: {  	v8 =	vshrl.u32 v3, $0x3  }
0xc8: {  	v4 =	vmul.u32 $0x30, v8  }
0xc9: {  	v3 =	vand.u32 $0x7, v3  }
0xca: {  	v3 =	vor.u32 v3, v4  }
0xcb: {  	v4 =	vperm.xlane v3, v0;
	_ =	sdelay $0x1  }
0xcc: {  	v4 =	vadd.s32 v1, v4;
	_ =	sdelay $0x3  }
0xcd: {  	v3 =	vperm.xlane v3, v2  }
0xce: {  	[hbm4b:s2+s3] =	stream.indirect_vreg.scatter [tilespmem:s16], [sflag:$0x1], $0x80, v4, vm0, $0xb8;
	[tilespmem:$0x18080] =	vst v63  }
0xcf: {  	s25 =	simm.s32 $0x880;
	v3 =	vadd.s32 v1, v3  }
0xd0: {  	[hbm4b:s4+s3] =	stream.indirect_vreg.scatter [tilespmem:s25], [sflag:$0x1], $0x80, v4, vm0, $0xb8;
	[tilespmem:$0x18080] =	vst v63  }
0xd1: {  	s26 =	simm.s32 $0x1080  }
0xd2: {  	[hbm4b:s5+s3] =	stream.indirect_vreg.scatter [tilespmem:s26], [sflag:$0x1], $0x80, v4, vm0, $0xb8;
	[tilespmem:$0x18080] =	vst v63  }
0xd3: {  	s28 =	simm.s32 $0x1880  }
0xd4: {  	[hbm4b:s2+s3] =	stream.indirect_vreg.scatter [tilespmem:s28], [sflag:$0x1], $0x80, v3, vm0, $0xb8;
	[tilespmem:$0x18080] =	vst v63  }
0xd5: {  	s29 =	simm.s32 $0x2080  }
0xd6: {  	[hbm4b:s4+s3] =	stream.indirect_vreg.scatter [tilespmem:s29], [sflag:$0x1], $0x80, v3, vm0, $0xb8;
	[tilespmem:$0x18080] =	vst v63  }
0xd7: {  	s6 =	simm.s32 $0x2880  }
0xd8: {  	[hbm4b:s5+s3] =	stream.indirect_vreg.scatter [tilespmem:s6], [sflag:$0x1], $0x80, v3, vm0, $0xb8;
	[tilespmem:$0x18080] =	vst v63  }
0xd9: {  	v3 =	vld [tilespmem:$0x10];
	_ =	sdelay $0x4  }
0xda: {  	v9 =	vshrl.u32 v3, $0x3  }
0xdb: {  	v4 =	vmul.u32 $0x30, v9  }
0xdc: {  	v3 =	vand.u32 $0x7, v3  }
0xdd: {  	v3 =	vor.u32 v3, v4  }
0xde: {  	v4 =	vperm.xlane v3, v0;
	_ =	sdelay $0x1  }
0xdf: {  	v4 =	vadd.s32 v1, v4;
	_ =	sdelay $0x3  }
0xe0: {  	s8 =	simm.s32 $0x3080;
	v3 =	vperm.xlane v3, v2  }
0xe1: {  	[hbm4b:s2+s3] =	stream.indirect_vreg.scatter [tilespmem:s8], [sflag:$0x1], $0x80, v4, vm0, $0xb8;
	[tilespmem:$0x18080] =	vst v63  }
0xe2: {  	s30 =	simm.s32 $0x3880;
	v3 =	vadd.s32 v1, v3  }
0xe3: {  	[hbm4b:s4+s3] =	stream.indirect_vreg.scatter [tilespmem:s30], [sflag:$0x1], $0x80, v4, vm0, $0xb8;
	[tilespmem:$0x18080] =	vst v63  }
0xe4: {  	s31 =	simm.s32 $0x4080  }
0xe5: {  	[hbm4b:s5+s3] =	stream.indirect_vreg.scatter [tilespmem:s31], [sflag:$0x1], $0x80, v4, vm0, $0xb8;
	[tilespmem:$0x18080] =	vst v63  }
0xe6: {  	s0 =	simm.s32 $0x4880  }
0xe7: {  	[hbm4b:s2+s3] =	stream.indirect_vreg.scatter [tilespmem:s0], [sflag:$0x1], $0x80, v3, vm0, $0xb8;
	[tilespmem:$0x18080] =	vst v63  }
0xe8: {  	s6 =	simm.s32 $0x5080  }
0xe9: {  	[hbm4b:s4+s3] =	stream.indirect_vreg.scatter [tilespmem:s6], [sflag:$0x1], $0x80, v3, vm0, $0xb8;
	[tilespmem:$0x18080] =	vst v63  }
0xea: {  	s10 =	simm.s32 $0x5880  }
0xeb: {  	[hbm4b:s5+s3] =	stream.indirect_vreg.scatter [tilespmem:s10], [sflag:$0x1], $0x80, v3, vm0, $0xb8;
	[tilespmem:$0x18080] =	vst v63  }
0xec: {  	v3 =	vld [tilespmem:$0x20];
	_ =	sdelay $0x4  }
0xed: {  	v10 =	vshrl.u32 v3, $0x3  }
0xee: {  	v4 =	vmul.u32 $0x30, v10  }
0xef: {  	v3 =	vand.u32 $0x7, v3  }
0xf0: {  	v3 =	vor.u32 v3, v4  }
0xf1: {  	v4 =	vperm.xlane v3, v0;
	_ =	sdelay $0x1  }
0xf2: {  	v4 =	vadd.s32 v1, v4;
	_ =	sdelay $0x3  }
0xf3: {  	s11 =	simm.s32 $0x6080;
	v3 =	vperm.xlane v3, v2  }
0xf4: {  	[hbm4b:s2+s3] =	stream.indirect_vreg.scatter [tilespmem:s11], [sflag:$0x1], $0x80, v4, vm0, $0xb8;
	[tilespmem:$0x18080] =	vst v63  }
0xf5: {  	s8 =	simm.s32 $0x6880;
	v3 =	vadd.s32 v1, v3  }
0xf6: {  	[hbm4b:s4+s3] =	stream.indirect_vreg.scatter [tilespmem:s8], [sflag:$0x1], $0x80, v4, vm0, $0xb8;
	[tilespmem:$0x18080] =	vst v63  }
0xf7: {  	s10 =	simm.s32 $0x7080  }
0xf8: {  	[hbm4b:s5+s3] =	stream.indirect_vreg.scatter [tilespmem:s10], [sflag:$0x1], $0x80, v4, vm0, $0xb8;
	[tilespmem:$0x18080] =	vst v63  }
0xf9: {  	s11 =	simm.s32 $0x7880  }
0xfa: {  	[hbm4b:s2+s3] =	stream.indirect_vreg.scatter [tilespmem:s11], [sflag:$0x1], $0x80, v3, vm0, $0xb8;
	[tilespmem:$0x18080] =	vst v63  }
0xfb: {  	s12 =	simm.s32 $0x8080  }
0xfc: {  	[hbm4b:s4+s3] =	stream.indirect_vreg.scatter [tilespmem:s12], [sflag:$0x1], $0x80, v3, vm0, $0xb8;
	[tilespmem:$0x18080] =	vst v63  }
0xfd: {  	s13 =	simm.s32 $0x8880  }
0xfe: {  	[hbm4b:s5+s3] =	stream.indirect_vreg.scatter [tilespmem:s13], [sflag:$0x1], $0x80, v3, vm0, $0xb8;
	[tilespmem:$0x18080] =	vst v63  }
0xff: {  	v3 =	vld [tilespmem:$0x30];
	_ =	sdelay $0x4  }
0x100: {  	v11 =	vshrl.u32 v3, $0x3  }
0x101: {  	v4 =	vmul.u32 $0x30, v11  }
0x102: {  	v3 =	vand.u32 $0x7, v3  }
0x103: {  	v3 =	vor.u32 v3, v4  }
0x104: {  	v4 =	vperm.xlane v3, v0;
	_ =	sdelay $0x1  }
0x105: {  	v4 =	vadd.s32 v1, v4;
	_ =	sdelay $0x3  }
0x106: {  	s14 =	simm.s32 $0x9080;
	v3 =	vperm.xlane v3, v2  }
0x107: {  	[hbm4b:s2+s3] =	stream.indirect_vreg.scatter [tilespmem:s14], [sflag:$0x1], $0x80, v4, vm0, $0xb8;
	[tilespmem:$0x18080] =	vst v63  }
0x108: {  	s13 =	simm.s32 $0x9880;
	v3 =	vadd.s32 v1, v3  }
0x109: {  	[hbm4b:s4+s3] =	stream.indirect_vreg.scatter [tilespmem:s13], [sflag:$0x1], $0x80, v4, vm0, $0xb8;
	[tilespmem:$0x18080] =	vst v63  }
0x10a: {  	s14 =	simm.s32 $0xA080  }
0x10b: {  	[hbm4b:s5+s3] =	stream.indirect_vreg.scatter [tilespmem:s14], [sflag:$0x1], $0x80, v4, vm0, $0xb8;
	[tilespmem:$0x18080] =	vst v63  }
0x10c: {  	s15 =	simm.s32 $0xA880  }
0x10d: {  	[hbm4b:s2+s3] =	stream.indirect_vreg.scatter [tilespmem:s15], [sflag:$0x1], $0x80, v3, vm0, $0xb8;
	[tilespmem:$0x18080] =	vst v63  }
0x10e: {  	s9 =	simm.s32 $0xB080  }
0x10f: {  	[hbm4b:s4+s3] =	stream.indirect_vreg.scatter [tilespmem:s9], [sflag:$0x1], $0x80, v3, vm0, $0xb8;
	[tilespmem:$0x18080] =	vst v63  }
0x110: {  	s17 =	simm.s32 $0xB880  }
0x111: {  	[hbm4b:s5+s3] =	stream.indirect_vreg.scatter [tilespmem:s17], [sflag:$0x1], $0x80, v3, vm0, $0xb8;
	[tilespmem:$0x18080] =	vst v63  }
0x112: {  	v3 =	vld [tilespmem:$0x40];
	_ =	sdelay $0x4  }
0x113: {  	v12 =	vshrl.u32 v3, $0x3  }
0x114: {  	v4 =	vmul.u32 $0x30, v12  }
0x115: {  	v3 =	vand.u32 $0x7, v3  }
0x116: {  	v3 =	vor.u32 v3, v4  }
0x117: {  	v4 =	vperm.xlane v3, v0;
	_ =	sdelay $0x1  }
0x118: {  	v4 =	vadd.s32 v1, v4;
	_ =	sdelay $0x3  }
0x119: {  	s18 =	simm.s32 $0xC080;
	v3 =	vperm.xlane v3, v2  }
0x11a: {  	[hbm4b:s2+s3] =	stream.indirect_vreg.scatter [tilespmem:s18], [sflag:$0x1], $0x80, v4, vm0, $0xb8;
	[tilespmem:$0x18080] =	vst v63  }
0x11b: {  	s17 =	simm.s32 $0xC880;
	v3 =	vadd.s32 v1, v3  }
0x11c: {  	[hbm4b:s4+s3] =	stream.indirect_vreg.scatter [tilespmem:s17], [sflag:$0x1], $0x80, v4, vm0, $0xb8;
	[tilespmem:$0x18080] =	vst v63  }
0x11d: {  	s18 =	simm.s32 $0xD080  }
0x11e: {  	[hbm4b:s5+s3] =	stream.indirect_vreg.scatter [tilespmem:s18], [sflag:$0x1], $0x80, v4, vm0, $0xb8;
	[tilespmem:$0x18080] =	vst v63  }
0x11f: {  	s9 =	simm.s32 $0xD880  }
0x120: {  	[hbm4b:s2+s3] =	stream.indirect_vreg.scatter [tilespmem:s9], [sflag:$0x1], $0x80, v3, vm0, $0xb8;
	[tilespmem:$0x18080] =	vst v63  }
0x121: {  	s9 =	simm.s32 $0xE080  }
0x122: {  	[hbm4b:s4+s3] =	stream.indirect_vreg.scatter [tilespmem:s9], [sflag:$0x1], $0x80, v3, vm0, $0xb8;
	[tilespmem:$0x18080] =	vst v63  }
0x123: {  	s19 =	simm.s32 $0xE880  }
0x124: {  	[hbm4b:s5+s3] =	stream.indirect_vreg.scatter [tilespmem:s19], [sflag:$0x1], $0x80, v3, vm0, $0xb8;
	[tilespmem:$0x18080] =	vst v63  }
0x125: {  	v3 =	vld [tilespmem:$0x50];
	_ =	sdelay $0x4  }
0x126: {  	v13 =	vshrl.u32 v3, $0x3  }
0x127: {  	v4 =	vmul.u32 $0x30, v13  }
0x128: {  	v3 =	vand.u32 $0x7, v3  }
0x129: {  	v3 =	vor.u32 v3, v4  }
0x12a: {  	v4 =	vperm.xlane v3, v0;
	_ =	sdelay $0x1  }
0x12b: {  	v4 =	vadd.s32 v1, v4;
	_ =	sdelay $0x3  }
0x12c: {  	s20 =	simm.s32 $0xF080;
	v3 =	vperm.xlane v3, v2  }
0x12d: {  	[hbm4b:s2+s3] =	stream.indirect_vreg.scatter [tilespmem:s20], [sflag:$0x1], $0x80, v4, vm0, $0xb8;
	[tilespmem:$0x18080] =	vst v63  }
0x12e: {  	s19 =	simm.s32 $0xF880;
	v3 =	vadd.s32 v1, v3  }
0x12f: {  	[hbm4b:s4+s3] =	stream.indirect_vreg.scatter [tilespmem:s19], [sflag:$0x1], $0x80, v4, vm0, $0xb8;
	[tilespmem:$0x18080] =	vst v63  }
0x130: {  	s20 =	simm.s32 $0x10080  }
0x131: {  	[hbm4b:s5+s3] =	stream.indirect_vreg.scatter [tilespmem:s20], [sflag:$0x1], $0x80, v4, vm0, $0xb8;
	[tilespmem:$0x18080] =	vst v63  }
0x132: {  	s9 =	simm.s32 $0x10880  }
0x133: {  	[hbm4b:s2+s3] =	stream.indirect_vreg.scatter [tilespmem:s9], [sflag:$0x1], $0x80, v3, vm0, $0xb8;
	[tilespmem:$0x18080] =	vst v63  }
0x134: {  	s9 =	simm.s32 $0x11080  }
0x135: {  	[hbm4b:s4+s3] =	stream.indirect_vreg.scatter [tilespmem:s9], [sflag:$0x1], $0x80, v3, vm0, $0xb8;
	[tilespmem:$0x18080] =	vst v63  }
0x136: {  	s21 =	simm.s32 $0x11880  }
0x137: {  	[hbm4b:s5+s3] =	stream.indirect_vreg.scatter [tilespmem:s21], [sflag:$0x1], $0x80, v3, vm0, $0xb8;
	[tilespmem:$0x18080] =	vst v63  }
0x138: {  	v3 =	vld [tilespmem:$0x60];
	_ =	sdelay $0x4  }
0x139: {  	v14 =	vshrl.u32 v3, $0x3  }
0x13a: {  	v4 =	vmul.u32 $0x30, v14  }
0x13b: {  	v3 =	vand.u32 $0x7, v3  }
0x13c: {  	v3 =	vor.u32 v3, v4  }
0x13d: {  	v4 =	vperm.xlane v3, v0;
	_ =	sdelay $0x1  }
0x13e: {  	v4 =	vadd.s32 v1, v4;
	_ =	sdelay $0x3  }
0x13f: {  	s22 =	simm.s32 $0x12080;
	v3 =	vperm.xlane v3, v2  }
0x140: {  	[hbm4b:s2+s3] =	stream.indirect_vreg.scatter [tilespmem:s22], [sflag:$0x1], $0x80, v4, vm0, $0xb8;
	[tilespmem:$0x18080] =	vst v63  }
0x141: {  	s21 =	simm.s32 $0x12880;
	v3 =	vadd.s32 v1, v3  }
0x142: {  	[hbm4b:s4+s3] =	stream.indirect_vreg.scatter [tilespmem:s21], [sflag:$0x1], $0x80, v4, vm0, $0xb8;
	[tilespmem:$0x18080] =	vst v63  }
0x143: {  	s22 =	simm.s32 $0x13080  }
0x144: {  	[hbm4b:s5+s3] =	stream.indirect_vreg.scatter [tilespmem:s22], [sflag:$0x1], $0x80, v4, vm0, $0xb8;
	[tilespmem:$0x18080] =	vst v63  }
0x145: {  	s9 =	simm.s32 $0x13880  }
0x146: {  	[hbm4b:s2+s3] =	stream.indirect_vreg.scatter [tilespmem:s9], [sflag:$0x1], $0x80, v3, vm0, $0xb8;
	[tilespmem:$0x18080] =	vst v63  }
0x147: {  	s9 =	simm.s32 $0x14080  }
0x148: {  	[hbm4b:s4+s3] =	stream.indirect_vreg.scatter [tilespmem:s9], [sflag:$0x1], $0x80, v3, vm0, $0xb8;
	[tilespmem:$0x18080] =	vst v63  }
0x149: {  	s23 =	simm.s32 $0x14880  }
0x14a: {  	[hbm4b:s5+s3] =	stream.indirect_vreg.scatter [tilespmem:s23], [sflag:$0x1], $0x80, v3, vm0, $0xb8;
	[tilespmem:$0x18080] =	vst v63  }
0x14b: {  	v3 =	vld [tilespmem:$0x70];
	_ =	sdelay $0x4  }
0x14c: {  	v15 =	vshrl.u32 v3, $0x3  }
0x14d: {  	v4 =	vmul.u32 $0x30, v15  }
0x14e: {  	v3 =	vand.u32 $0x7, v3  }
0x14f: {  	v3 =	vor.u32 v3, v4  }
0x150: {  	v4 =	vperm.xlane v3, v0;
	_ =	sdelay $0x1  }
0x151: {  	v4 =	vadd.s32 v1, v4;
	_ =	sdelay $0x3  }
0x152: {  	s24 =	simm.s32 $0x15080;
	v3 =	vperm.xlane v3, v2  }
0x153: {  	[hbm4b:s2+s3] =	stream.indirect_vreg.scatter [tilespmem:s24], [sflag:$0x1], $0x80, v4, vm0, $0xb8;
	[tilespmem:$0x18080] =	vst v63  }
0x154: {  	s23 =	simm.s32 $0x15880;
	v3 =	vadd.s32 v1, v3  }
0x155: {  	[hbm4b:s4+s3] =	stream.indirect_vreg.scatter [tilespmem:s23], [sflag:$0x1], $0x80, v4, vm0, $0xb8;
	[tilespmem:$0x18080] =	vst v63  }
0x156: {  	s24 =	simm.s32 $0x16080  }
0x157: {  	[hbm4b:s5+s3] =	stream.indirect_vreg.scatter [tilespmem:s24], [sflag:$0x1], $0x80, v4, vm0, $0xb8;
	[tilespmem:$0x18080] =	vst v63  }
0x158: {  	s9 =	simm.s32 $0x16880  }
0x159: {  	[hbm4b:s2+s3] =	stream.indirect_vreg.scatter [tilespmem:s9], [sflag:$0x1], $0x80, v3, vm0, $0xb8;
	[tilespmem:$0x18080] =	vst v63  }
0x15a: {  	s9 =	simm.s32 $0x17080  }
0x15b: {  	[hbm4b:s4+s3] =	stream.indirect_vreg.scatter [tilespmem:s9], [sflag:$0x1], $0x80, v3, vm0, $0xb8;
	[tilespmem:$0x18080] =	vst v63  }
0x15c: {  	s9 =	simm.s32 $0x17880  }
0x15d: {  	[hbm4b:s5+s3] =	stream.indirect_vreg.scatter [tilespmem:s9], [sflag:$0x1], $0x80, v3, vm0, $0xb8;
	[tilespmem:$0x18080] =	vst v63  }
0x15e: {  	_ =	swait.ge [sflag:s1], $0x18000  }
0x15f: {  	[sflag:s1] =	ssyncset.done $0x0  }
0x160: {  	s9 =	rddreg [dreg:$0x8];
	[sflag:s1] =	ssyncadd.s32 $0xFFFE8000  }
0x161: {  	[tilespmem:s3], [sflag:$0x2] =	stream.linear.gather [hbm4b:s9+s3], $0x80, $0x38;
	[tilespmem:$0x18080] =	vst v63  }
0x162: {  	_ =	swait.ge [sflag:s7], $0x80  }
0x163: {  	[sflag:s7] =	ssyncset.done $0x0  }
0x164: {  	s9 =	rddreg [dreg:$0x9];
	[sflag:s7] =	ssyncadd.s32 $0xFFFFFF80  }
0x165: {  	[tilespmem:s16], [sflag:$0x2] =	stream.linear.gather [hbm4b:s9+s3], $0x18000, $0x38;
	[tilespmem:$0x18080] =	vst v63  }
0x166: {  	_ =	swait.ge [sflag:s7], $0x18000  }
0x167: {  	[sflag:s7] =	ssyncset.done $0x0  }
0x168: {  	[sflag:s7] =	ssyncadd.s32 $0xFFFE8000  }
0x169: {  	v3 =	vld [tilespmem:$0x0];
	_ =	sdelay $0x4  }
0x16a: {  	v16 =	vshrl.u32 v3, $0x3  }
0x16b: {  	v4 =	vmul.u32 $0x30, v16  }
0x16c: {  	v3 =	vand.u32 $0x7, v3  }
0x16d: {  	v3 =	vor.u32 v3, v4  }
0x16e: {  	v4 =	vperm.xlane v3, v0;
	_ =	sdelay $0x1  }
0x16f: {  	v4 =	vadd.s32 v1, v4;
	_ =	sdelay $0x3  }
0x170: {  	v3 =	vperm.xlane v3, v2  }
0x171: {  	[hbm4b:s2+s3] =	stream.indirect_vreg.scatter [tilespmem:s16], [sflag:$0x1], $0x80, v4, vm0, $0xb8;
	[tilespmem:$0x18080] =	vst v63  }
0x172: {  	v3 =	vadd.s32 v1, v3  }
0x173: {  	[hbm4b:s4+s3] =	stream.indirect_vreg.scatter [tilespmem:s25], [sflag:$0x1], $0x80, v4, vm0, $0xb8;
	[tilespmem:$0x18080] =	vst v63  }
0x174: {  	_ = 	snop  }
0x175: {  	[hbm4b:s5+s3] =	stream.indirect_vreg.scatter [tilespmem:s26], [sflag:$0x1], $0x80, v4, vm0, $0xb8;
	[tilespmem:$0x18080] =	vst v63  }
0x176: {  	_ = 	snop  }
0x177: {  	[hbm4b:s2+s3] =	stream.indirect_vreg.scatter [tilespmem:s28], [sflag:$0x1], $0x80, v3, vm0, $0xb8;
	[tilespmem:$0x18080] =	vst v63  }
0x178: {  	_ = 	snop  }
0x179: {  	[hbm4b:s4+s3] =	stream.indirect_vreg.scatter [tilespmem:s29], [sflag:$0x1], $0x80, v3, vm0, $0xb8;
	[tilespmem:$0x18080] =	vst v63  }
0x17a: {  	s9 =	simm.s32 $0x2880  }
0x17b: {  	[hbm4b:s5+s3] =	stream.indirect_vreg.scatter [tilespmem:s9], [sflag:$0x1], $0x80, v3, vm0, $0xb8;
	[tilespmem:$0x18080] =	vst v63  }
0x17c: {  	v3 =	vld [tilespmem:$0x10];
	_ =	sdelay $0x4  }
0x17d: {  	v17 =	vshrl.u32 v3, $0x3  }
0x17e: {  	v4 =	vmul.u32 $0x30, v17  }
0x17f: {  	v3 =	vand.u32 $0x7, v3  }
0x180: {  	v3 =	vor.u32 v3, v4  }
0x181: {  	v4 =	vperm.xlane v3, v0;
	_ =	sdelay $0x1  }
0x182: {  	v4 =	vadd.s32 v1, v4;
	_ =	sdelay $0x3  }
0x183: {  	s9 =	simm.s32 $0x3080;
	v3 =	vperm.xlane v3, v2  }
0x184: {  	[hbm4b:s2+s3] =	stream.indirect_vreg.scatter [tilespmem:s9], [sflag:$0x1], $0x80, v4, vm0, $0xb8;
	[tilespmem:$0x18080] =	vst v63  }
0x185: {  	v3 =	vadd.s32 v1, v3  }
0x186: {  	[hbm4b:s4+s3] =	stream.indirect_vreg.scatter [tilespmem:s30], [sflag:$0x1], $0x80, v4, vm0, $0xb8;
	[tilespmem:$0x18080] =	vst v63  }
0x187: {  	_ = 	snop  }
0x188: {  	[hbm4b:s5+s3] =	stream.indirect_vreg.scatter [tilespmem:s31], [sflag:$0x1], $0x80, v4, vm0, $0xb8;
	[tilespmem:$0x18080] =	vst v63  }
0x189: {  	_ = 	snop  }
0x18a: {  	[hbm4b:s2+s3] =	stream.indirect_vreg.scatter [tilespmem:s0], [sflag:$0x1], $0x80, v3, vm0, $0xb8;
	[tilespmem:$0x18080] =	vst v63  }
0x18b: {  	_ = 	snop  }
0x18c: {  	[hbm4b:s4+s3] =	stream.indirect_vreg.scatter [tilespmem:s6], [sflag:$0x1], $0x80, v3, vm0, $0xb8;
	[tilespmem:$0x18080] =	vst v63  }
0x18d: {  	s9 =	simm.s32 $0x5880  }
0x18e: {  	[hbm4b:s5+s3] =	stream.indirect_vreg.scatter [tilespmem:s9], [sflag:$0x1], $0x80, v3, vm0, $0xb8;
	[tilespmem:$0x18080] =	vst v63  }
0x18f: {  	v3 =	vld [tilespmem:$0x20];
	_ =	sdelay $0x4  }
0x190: {  	v18 =	vshrl.u32 v3, $0x3  }
0x191: {  	v4 =	vmul.u32 $0x30, v18  }
0x192: {  	v3 =	vand.u32 $0x7, v3  }
0x193: {  	v3 =	vor.u32 v3, v4  }
0x194: {  	v4 =	vperm.xlane v3, v0;
	_ =	sdelay $0x1  }
0x195: {  	v4 =	vadd.s32 v1, v4;
	_ =	sdelay $0x3  }
0x196: {  	s9 =	simm.s32 $0x6080;
	v3 =	vperm.xlane v3, v2  }
0x197: {  	[hbm4b:s2+s3] =	stream.indirect_vreg.scatter [tilespmem:s9], [sflag:$0x1], $0x80, v4, vm0, $0xb8;
	[tilespmem:$0x18080] =	vst v63  }
0x198: {  	v3 =	vadd.s32 v1, v3  }
0x199: {  	[hbm4b:s4+s3] =	stream.indirect_vreg.scatter [tilespmem:s8], [sflag:$0x1], $0x80, v4, vm0, $0xb8;
	[tilespmem:$0x18080] =	vst v63  }
0x19a: {  	_ = 	snop  }
0x19b: {  	[hbm4b:s5+s3] =	stream.indirect_vreg.scatter [tilespmem:s10], [sflag:$0x1], $0x80, v4, vm0, $0xb8;
	[tilespmem:$0x18080] =	vst v63  }
0x19c: {  	_ = 	snop  }
0x19d: {  	[hbm4b:s2+s3] =	stream.indirect_vreg.scatter [tilespmem:s11], [sflag:$0x1], $0x80, v3, vm0, $0xb8;
	[tilespmem:$0x18080] =	vst v63  }
0x19e: {  	_ = 	snop  }
0x19f: {  	[hbm4b:s4+s3] =	stream.indirect_vreg.scatter [tilespmem:s12], [sflag:$0x1], $0x80, v3, vm0, $0xb8;
	[tilespmem:$0x18080] =	vst v63  }
0x1a0: {  	s9 =	simm.s32 $0x8880  }
0x1a1: {  	[hbm4b:s5+s3] =	stream.indirect_vreg.scatter [tilespmem:s9], [sflag:$0x1], $0x80, v3, vm0, $0xb8;
	[tilespmem:$0x18080] =	vst v63  }
0x1a2: {  	v3 =	vld [tilespmem:$0x30];
	_ =	sdelay $0x4  }
0x1a3: {  	v19 =	vshrl.u32 v3, $0x3  }
0x1a4: {  	v4 =	vmul.u32 $0x30, v19  }
0x1a5: {  	v3 =	vand.u32 $0x7, v3  }
0x1a6: {  	v3 =	vor.u32 v3, v4  }
0x1a7: {  	v4 =	vperm.xlane v3, v0;
	_ =	sdelay $0x1  }
0x1a8: {  	v4 =	vadd.s32 v1, v4;
	_ =	sdelay $0x3  }
0x1a9: {  	s9 =	simm.s32 $0x9080;
	v3 =	vperm.xlane v3, v2  }
0x1aa: {  	[hbm4b:s2+s3] =	stream.indirect_vreg.scatter [tilespmem:s9], [sflag:$0x1], $0x80, v4, vm0, $0xb8;
	[tilespmem:$0x18080] =	vst v63  }
0x1ab: {  	v3 =	vadd.s32 v1, v3  }
0x1ac: {  	[hbm4b:s4+s3] =	stream.indirect_vreg.scatter [tilespmem:s13], [sflag:$0x1], $0x80, v4, vm0, $0xb8;
	[tilespmem:$0x18080] =	vst v63  }
0x1ad: {  	_ = 	snop  }
0x1ae: {  	[hbm4b:s5+s3] =	stream.indirect_vreg.scatter [tilespmem:s14], [sflag:$0x1], $0x80, v4, vm0, $0xb8;
	[tilespmem:$0x18080] =	vst v63  }
0x1af: {  	_ = 	snop  }
0x1b0: {  	[hbm4b:s2+s3] =	stream.indirect_vreg.scatter [tilespmem:s15], [sflag:$0x1], $0x80, v3, vm0, $0xb8;
	[tilespmem:$0x18080] =	vst v63  }
0x1b1: {  	s9 =	simm.s32 $0xB080  }
0x1b2: {  	[hbm4b:s4+s3] =	stream.indirect_vreg.scatter [tilespmem:s9], [sflag:$0x1], $0x80, v3, vm0, $0xb8;
	[tilespmem:$0x18080] =	vst v63  }
0x1b3: {  	s9 =	simm.s32 $0xB880  }
0x1b4: {  	[hbm4b:s5+s3] =	stream.indirect_vreg.scatter [tilespmem:s9], [sflag:$0x1], $0x80, v3, vm0, $0xb8;
	[tilespmem:$0x18080] =	vst v63  }
0x1b5: {  	v3 =	vld [tilespmem:$0x40];
	_ =	sdelay $0x4  }
0x1b6: {  	v20 =	vshrl.u32 v3, $0x3  }
0x1b7: {  	v4 =	vmul.u32 $0x30, v20  }
0x1b8: {  	v3 =	vand.u32 $0x7, v3  }
0x1b9: {  	v3 =	vor.u32 v3, v4  }
0x1ba: {  	v4 =	vperm.xlane v3, v0;
	_ =	sdelay $0x1  }
0x1bb: {  	v4 =	vadd.s32 v1, v4;
	_ =	sdelay $0x3  }
0x1bc: {  	s9 =	simm.s32 $0xC080;
	v3 =	vperm.xlane v3, v2  }
0x1bd: {  	[hbm4b:s2+s3] =	stream.indirect_vreg.scatter [tilespmem:s9], [sflag:$0x1], $0x80, v4, vm0, $0xb8;
	[tilespmem:$0x18080] =	vst v63  }
0x1be: {  	s17 =	simm.s32 $0xC880;
	v3 =	vadd.s32 v1, v3  }
0x1bf: {  	[hbm4b:s4+s3] =	stream.indirect_vreg.scatter [tilespmem:s17], [sflag:$0x1], $0x80, v4, vm0, $0xb8;
	[tilespmem:$0x18080] =	vst v63  }
0x1c0: {  	s18 =	simm.s32 $0xD080  }
0x1c1: {  	[hbm4b:s5+s3] =	stream.indirect_vreg.scatter [tilespmem:s18], [sflag:$0x1], $0x80, v4, vm0, $0xb8;
	[tilespmem:$0x18080] =	vst v63  }
0x1c2: {  	s9 =	simm.s32 $0xD880  }
0x1c3: {  	[hbm4b:s2+s3] =	stream.indirect_vreg.scatter [tilespmem:s9], [sflag:$0x1], $0x80, v3, vm0, $0xb8;
	[tilespmem:$0x18080] =	vst v63  }
0x1c4: {  	s9 =	simm.s32 $0xE080  }
0x1c5: {  	[hbm4b:s4+s3] =	stream.indirect_vreg.scatter [tilespmem:s9], [sflag:$0x1], $0x80, v3, vm0, $0xb8;
	[tilespmem:$0x18080] =	vst v63  }
0x1c6: {  	s9 =	simm.s32 $0xE880  }
0x1c7: {  	[hbm4b:s5+s3] =	stream.indirect_vreg.scatter [tilespmem:s9], [sflag:$0x1], $0x80, v3, vm0, $0xb8;
	[tilespmem:$0x18080] =	vst v63  }
0x1c8: {  	v3 =	vld [tilespmem:$0x50];
	_ =	sdelay $0x4  }
0x1c9: {  	v21 =	vshrl.u32 v3, $0x3  }
0x1ca: {  	v4 =	vmul.u32 $0x30, v21  }
0x1cb: {  	v3 =	vand.u32 $0x7, v3  }
0x1cc: {  	v3 =	vor.u32 v3, v4  }
0x1cd: {  	v4 =	vperm.xlane v3, v0;
	_ =	sdelay $0x1  }
0x1ce: {  	v4 =	vadd.s32 v1, v4;
	_ =	sdelay $0x3  }
0x1cf: {  	s9 =	simm.s32 $0xF080;
	v3 =	vperm.xlane v3, v2  }
0x1d0: {  	[hbm4b:s2+s3] =	stream.indirect_vreg.scatter [tilespmem:s9], [sflag:$0x1], $0x80, v4, vm0, $0xb8;
	[tilespmem:$0x18080] =	vst v63  }
0x1d1: {  	s19 =	simm.s32 $0xF880;
	v3 =	vadd.s32 v1, v3  }
0x1d2: {  	[hbm4b:s4+s3] =	stream.indirect_vreg.scatter [tilespmem:s19], [sflag:$0x1], $0x80, v4, vm0, $0xb8;
	[tilespmem:$0x18080] =	vst v63  }
0x1d3: {  	s20 =	simm.s32 $0x10080  }
0x1d4: {  	[hbm4b:s5+s3] =	stream.indirect_vreg.scatter [tilespmem:s20], [sflag:$0x1], $0x80, v4, vm0, $0xb8;
	[tilespmem:$0x18080] =	vst v63  }
0x1d5: {  	s9 =	simm.s32 $0x10880  }
0x1d6: {  	[hbm4b:s2+s3] =	stream.indirect_vreg.scatter [tilespmem:s9], [sflag:$0x1], $0x80, v3, vm0, $0xb8;
	[tilespmem:$0x18080] =	vst v63  }
0x1d7: {  	s9 =	simm.s32 $0x11080  }
0x1d8: {  	[hbm4b:s4+s3] =	stream.indirect_vreg.scatter [tilespmem:s9], [sflag:$0x1], $0x80, v3, vm0, $0xb8;
	[tilespmem:$0x18080] =	vst v63  }
0x1d9: {  	s9 =	simm.s32 $0x11880  }
0x1da: {  	[hbm4b:s5+s3] =	stream.indirect_vreg.scatter [tilespmem:s9], [sflag:$0x1], $0x80, v3, vm0, $0xb8;
	[tilespmem:$0x18080] =	vst v63  }
0x1db: {  	v3 =	vld [tilespmem:$0x60];
	_ =	sdelay $0x4  }
0x1dc: {  	v22 =	vshrl.u32 v3, $0x3  }
0x1dd: {  	v4 =	vmul.u32 $0x30, v22  }
0x1de: {  	v3 =	vand.u32 $0x7, v3  }
0x1df: {  	v3 =	vor.u32 v3, v4  }
0x1e0: {  	v4 =	vperm.xlane v3, v0;
	_ =	sdelay $0x1  }
0x1e1: {  	v4 =	vadd.s32 v1, v4;
	_ =	sdelay $0x3  }
0x1e2: {  	s9 =	simm.s32 $0x12080;
	v3 =	vperm.xlane v3, v2  }
0x1e3: {  	[hbm4b:s2+s3] =	stream.indirect_vreg.scatter [tilespmem:s9], [sflag:$0x1], $0x80, v4, vm0, $0xb8;
	[tilespmem:$0x18080] =	vst v63  }
0x1e4: {  	s21 =	simm.s32 $0x12880;
	v3 =	vadd.s32 v1, v3  }
0x1e5: {  	[hbm4b:s4+s3] =	stream.indirect_vreg.scatter [tilespmem:s21], [sflag:$0x1], $0x80, v4, vm0, $0xb8;
	[tilespmem:$0x18080] =	vst v63  }
0x1e6: {  	s22 =	simm.s32 $0x13080  }
0x1e7: {  	[hbm4b:s5+s3] =	stream.indirect_vreg.scatter [tilespmem:s22], [sflag:$0x1], $0x80, v4, vm0, $0xb8;
	[tilespmem:$0x18080] =	vst v63  }
0x1e8: {  	s9 =	simm.s32 $0x13880  }
0x1e9: {  	[hbm4b:s2+s3] =	stream.indirect_vreg.scatter [tilespmem:s9], [sflag:$0x1], $0x80, v3, vm0, $0xb8;
	[tilespmem:$0x18080] =	vst v63  }
0x1ea: {  	s9 =	simm.s32 $0x14080  }
0x1eb: {  	[hbm4b:s4+s3] =	stream.indirect_vreg.scatter [tilespmem:s9], [sflag:$0x1], $0x80, v3, vm0, $0xb8;
	[tilespmem:$0x18080] =	vst v63  }
0x1ec: {  	s9 =	simm.s32 $0x14880  }
0x1ed: {  	[hbm4b:s5+s3] =	stream.indirect_vreg.scatter [tilespmem:s9], [sflag:$0x1], $0x80, v3, vm0, $0xb8;
	[tilespmem:$0x18080] =	vst v63  }
0x1ee: {  	v3 =	vld [tilespmem:$0x70];
	_ =	sdelay $0x4  }
0x1ef: {  	v23 =	vshrl.u32 v3, $0x3  }
0x1f0: {  	v4 =	vmul.u32 $0x30, v23  }
0x1f1: {  	v3 =	vand.u32 $0x7, v3  }
0x1f2: {  	v3 =	vor.u32 v3, v4  }
0x1f3: {  	v4 =	vperm.xlane v3, v0;
	_ =	sdelay $0x1  }
0x1f4: {  	v4 =	vadd.s32 v1, v4;
	_ =	sdelay $0x3  }
0x1f5: {  	s9 =	simm.s32 $0x15080;
	v3 =	vperm.xlane v3, v2  }
0x1f6: {  	[hbm4b:s2+s3] =	stream.indirect_vreg.scatter [tilespmem:s9], [sflag:$0x1], $0x80, v4, vm0, $0xb8;
	[tilespmem:$0x18080] =	vst v63  }
0x1f7: {  	s23 =	simm.s32 $0x15880;
	v3 =	vadd.s32 v1, v3  }
0x1f8: {  	[hbm4b:s4+s3] =	stream.indirect_vreg.scatter [tilespmem:s23], [sflag:$0x1], $0x80, v4, vm0, $0xb8;
	[tilespmem:$0x18080] =	vst v63  }
0x1f9: {  	s24 =	simm.s32 $0x16080  }
0x1fa: {  	[hbm4b:s5+s3] =	stream.indirect_vreg.scatter [tilespmem:s24], [sflag:$0x1], $0x80, v4, vm0, $0xb8;
	[tilespmem:$0x18080] =	vst v63  }
0x1fb: {  	s9 =	simm.s32 $0x16880  }
0x1fc: {  	[hbm4b:s2+s3] =	stream.indirect_vreg.scatter [tilespmem:s9], [sflag:$0x1], $0x80, v3, vm0, $0xb8;
	[tilespmem:$0x18080] =	vst v63  }
0x1fd: {  	s9 =	simm.s32 $0x17080  }
0x1fe: {  	[hbm4b:s4+s3] =	stream.indirect_vreg.scatter [tilespmem:s9], [sflag:$0x1], $0x80, v3, vm0, $0xb8;
	[tilespmem:$0x18080] =	vst v63  }
0x1ff: {  	s9 =	simm.s32 $0x17880  }
0x200: {  	[hbm4b:s5+s3] =	stream.indirect_vreg.scatter [tilespmem:s9], [sflag:$0x1], $0x80, v3, vm0, $0xb8;
	[tilespmem:$0x18080] =	vst v63  }
0x201: {  	_ =	swait.ge [sflag:s1], $0x18000  }
0x202: {  	[sflag:s1] =	ssyncset.done $0x0  }
0x203: {  	s9 =	rddreg [dreg:$0xa];
	[sflag:s1] =	ssyncadd.s32 $0xFFFE8000  }
0x204: {  	[tilespmem:s3], [sflag:$0x2] =	stream.linear.gather [hbm4b:s9+s3], $0x80, $0x38;
	[tilespmem:$0x18080] =	vst v63  }
0x205: {  	_ =	swait.ge [sflag:s7], $0x80  }
0x206: {  	[sflag:s7] =	ssyncset.done $0x0  }
0x207: {  	s9 =	rddreg [dreg:$0xb];
	[sflag:s7] =	ssyncadd.s32 $0xFFFFFF80  }
0x208: {  	[tilespmem:s16], [sflag:$0x2] =	stream.linear.gather [hbm4b:s9+s3], $0x18000, $0x38;
	[tilespmem:$0x18080] =	vst v63  }
0x209: {  	_ =	swait.ge [sflag:s7], $0x18000  }
0x20a: {  	[sflag:s7] =	ssyncset.done $0x0  }
0x20b: {  	[sflag:s7] =	ssyncadd.s32 $0xFFFE8000  }
0x20c: {  	v3 =	vld [tilespmem:$0x0];
	_ =	sdelay $0x4  }
0x20d: {  	v24 =	vshrl.u32 v3, $0x3  }
0x20e: {  	v4 =	vmul.u32 $0x30, v24  }
0x20f: {  	v3 =	vand.u32 $0x7, v3  }
0x210: {  	v3 =	vor.u32 v3, v4  }
0x211: {  	v4 =	vperm.xlane v3, v0;
	_ =	sdelay $0x1  }
0x212: {  	v4 =	vadd.s32 v1, v4;
	_ =	sdelay $0x3  }
0x213: {  	v3 =	vperm.xlane v3, v2  }
0x214: {  	[hbm4b:s2+s3] =	stream.indirect_vreg.scatter [tilespmem:s16], [sflag:$0x1], $0x80, v4, vm0, $0xb8;
	[tilespmem:$0x18080] =	vst v63  }
0x215: {  	s25 =	simm.s32 $0x880;
	v3 =	vadd.s32 v1, v3  }
0x216: {  	[hbm4b:s4+s3] =	stream.indirect_vreg.scatter [tilespmem:s25], [sflag:$0x1], $0x80, v4, vm0, $0xb8;
	[tilespmem:$0x18080] =	vst v63  }
0x217: {  	s26 =	simm.s32 $0x1080  }
0x218: {  	[hbm4b:s5+s3] =	stream.indirect_vreg.scatter [tilespmem:s26], [sflag:$0x1], $0x80, v4, vm0, $0xb8;
	[tilespmem:$0x18080] =	vst v63  }
0x219: {  	s28 =	simm.s32 $0x1880  }
0x21a: {  	[hbm4b:s2+s3] =	stream.indirect_vreg.scatter [tilespmem:s28], [sflag:$0x1], $0x80, v3, vm0, $0xb8;
	[tilespmem:$0x18080] =	vst v63  }
0x21b: {  	s29 =	simm.s32 $0x2080  }
0x21c: {  	[hbm4b:s4+s3] =	stream.indirect_vreg.scatter [tilespmem:s29], [sflag:$0x1], $0x80, v3, vm0, $0xb8;
	[tilespmem:$0x18080] =	vst v63  }
0x21d: {  	s9 =	simm.s32 $0x2880  }
0x21e: {  	[hbm4b:s5+s3] =	stream.indirect_vreg.scatter [tilespmem:s9], [sflag:$0x1], $0x80, v3, vm0, $0xb8;
	[tilespmem:$0x18080] =	vst v63  }
0x21f: {  	v3 =	vld [tilespmem:$0x10];
	_ =	sdelay $0x4  }
0x220: {  	v25 =	vshrl.u32 v3, $0x3  }
0x221: {  	v4 =	vmul.u32 $0x30, v25  }
0x222: {  	v3 =	vand.u32 $0x7, v3  }
0x223: {  	v3 =	vor.u32 v3, v4  }
0x224: {  	v4 =	vperm.xlane v3, v0;
	_ =	sdelay $0x1  }
0x225: {  	v4 =	vadd.s32 v1, v4;
	_ =	sdelay $0x3  }
0x226: {  	s9 =	simm.s32 $0x3080;
	v3 =	vperm.xlane v3, v2  }
0x227: {  	[hbm4b:s2+s3] =	stream.indirect_vreg.scatter [tilespmem:s9], [sflag:$0x1], $0x80, v4, vm0, $0xb8;
	[tilespmem:$0x18080] =	vst v63  }
0x228: {  	s30 =	simm.s32 $0x3880;
	v3 =	vadd.s32 v1, v3  }
0x229: {  	[hbm4b:s4+s3] =	stream.indirect_vreg.scatter [tilespmem:s30], [sflag:$0x1], $0x80, v4, vm0, $0xb8;
	[tilespmem:$0x18080] =	vst v63  }
0x22a: {  	s31 =	simm.s32 $0x4080  }
0x22b: {  	[hbm4b:s5+s3] =	stream.indirect_vreg.scatter [tilespmem:s31], [sflag:$0x1], $0x80, v4, vm0, $0xb8;
	[tilespmem:$0x18080] =	vst v63  }
0x22c: {  	s0 =	simm.s32 $0x4880  }
0x22d: {  	[hbm4b:s2+s3] =	stream.indirect_vreg.scatter [tilespmem:s0], [sflag:$0x1], $0x80, v3, vm0, $0xb8;
	[tilespmem:$0x18080] =	vst v63  }
0x22e: {  	s6 =	simm.s32 $0x5080  }
0x22f: {  	[hbm4b:s4+s3] =	stream.indirect_vreg.scatter [tilespmem:s6], [sflag:$0x1], $0x80, v3, vm0, $0xb8;
	[tilespmem:$0x18080] =	vst v63  }
0x230: {  	s9 =	simm.s32 $0x5880  }
0x231: {  	[hbm4b:s5+s3] =	stream.indirect_vreg.scatter [tilespmem:s9], [sflag:$0x1], $0x80, v3, vm0, $0xb8;
	[tilespmem:$0x18080] =	vst v63  }
0x232: {  	v3 =	vld [tilespmem:$0x20];
	_ =	sdelay $0x4  }
0x233: {  	v26 =	vshrl.u32 v3, $0x3  }
0x234: {  	v4 =	vmul.u32 $0x30, v26  }
0x235: {  	v3 =	vand.u32 $0x7, v3  }
0x236: {  	v3 =	vor.u32 v3, v4  }
0x237: {  	v4 =	vperm.xlane v3, v0;
	_ =	sdelay $0x1  }
0x238: {  	v4 =	vadd.s32 v1, v4;
	_ =	sdelay $0x3  }
0x239: {  	s9 =	simm.s32 $0x6080;
	v3 =	vperm.xlane v3, v2  }
0x23a: {  	[hbm4b:s2+s3] =	stream.indirect_vreg.scatter [tilespmem:s9], [sflag:$0x1], $0x80, v4, vm0, $0xb8;
	[tilespmem:$0x18080] =	vst v63  }
0x23b: {  	s8 =	simm.s32 $0x6880;
	v3 =	vadd.s32 v1, v3  }
0x23c: {  	[hbm4b:s4+s3] =	stream.indirect_vreg.scatter [tilespmem:s8], [sflag:$0x1], $0x80, v4, vm0, $0xb8;
	[tilespmem:$0x18080] =	vst v63  }
0x23d: {  	s10 =	simm.s32 $0x7080  }
0x23e: {  	[hbm4b:s5+s3] =	stream.indirect_vreg.scatter [tilespmem:s10], [sflag:$0x1], $0x80, v4, vm0, $0xb8;
	[tilespmem:$0x18080] =	vst v63  }
0x23f: {  	s11 =	simm.s32 $0x7880  }
0x240: {  	[hbm4b:s2+s3] =	stream.indirect_vreg.scatter [tilespmem:s11], [sflag:$0x1], $0x80, v3, vm0, $0xb8;
	[tilespmem:$0x18080] =	vst v63  }
0x241: {  	s12 =	simm.s32 $0x8080  }
0x242: {  	[hbm4b:s4+s3] =	stream.indirect_vreg.scatter [tilespmem:s12], [sflag:$0x1], $0x80, v3, vm0, $0xb8;
	[tilespmem:$0x18080] =	vst v63  }
0x243: {  	s9 =	simm.s32 $0x8880  }
0x244: {  	[hbm4b:s5+s3] =	stream.indirect_vreg.scatter [tilespmem:s9], [sflag:$0x1], $0x80, v3, vm0, $0xb8;
	[tilespmem:$0x18080] =	vst v63  }
0x245: {  	v3 =	vld [tilespmem:$0x30];
	_ =	sdelay $0x4  }
0x246: {  	v27 =	vshrl.u32 v3, $0x3  }
0x247: {  	v4 =	vmul.u32 $0x30, v27  }
0x248: {  	v3 =	vand.u32 $0x7, v3  }
0x249: {  	v3 =	vor.u32 v3, v4  }
0x24a: {  	v4 =	vperm.xlane v3, v0;
	_ =	sdelay $0x1  }
0x24b: {  	v4 =	vadd.s32 v1, v4;
	_ =	sdelay $0x3  }
0x24c: {  	s9 =	simm.s32 $0x9080;
	v3 =	vperm.xlane v3, v2  }
0x24d: {  	[hbm4b:s2+s3] =	stream.indirect_vreg.scatter [tilespmem:s9], [sflag:$0x1], $0x80, v4, vm0, $0xb8;
	[tilespmem:$0x18080] =	vst v63  }
0x24e: {  	s13 =	simm.s32 $0x9880;
	v3 =	vadd.s32 v1, v3  }
0x24f: {  	[hbm4b:s4+s3] =	stream.indirect_vreg.scatter [tilespmem:s13], [sflag:$0x1], $0x80, v4, vm0, $0xb8;
	[tilespmem:$0x18080] =	vst v63  }
0x250: {  	s14 =	simm.s32 $0xA080  }
0x251: {  	[hbm4b:s5+s3] =	stream.indirect_vreg.scatter [tilespmem:s14], [sflag:$0x1], $0x80, v4, vm0, $0xb8;
	[tilespmem:$0x18080] =	vst v63  }
0x252: {  	s15 =	simm.s32 $0xA880  }
0x253: {  	[hbm4b:s2+s3] =	stream.indirect_vreg.scatter [tilespmem:s15], [sflag:$0x1], $0x80, v3, vm0, $0xb8;
	[tilespmem:$0x18080] =	vst v63  }
0x254: {  	s9 =	simm.s32 $0xB080  }
0x255: {  	[hbm4b:s4+s3] =	stream.indirect_vreg.scatter [tilespmem:s9], [sflag:$0x1], $0x80, v3, vm0, $0xb8;
	[tilespmem:$0x18080] =	vst v63  }
0x256: {  	s9 =	simm.s32 $0xB880  }
0x257: {  	[hbm4b:s5+s3] =	stream.indirect_vreg.scatter [tilespmem:s9], [sflag:$0x1], $0x80, v3, vm0, $0xb8;
	[tilespmem:$0x18080] =	vst v63  }
0x258: {  	v3 =	vld [tilespmem:$0x40];
	_ =	sdelay $0x4  }
0x259: {  	v28 =	vshrl.u32 v3, $0x3  }
0x25a: {  	v4 =	vmul.u32 $0x30, v28  }
0x25b: {  	v3 =	vand.u32 $0x7, v3  }
0x25c: {  	v3 =	vor.u32 v3, v4  }
0x25d: {  	v4 =	vperm.xlane v3, v0;
	_ =	sdelay $0x1  }
0x25e: {  	v4 =	vadd.s32 v1, v4;
	_ =	sdelay $0x3  }
0x25f: {  	s9 =	simm.s32 $0xC080;
	v3 =	vperm.xlane v3, v2  }
0x260: {  	[hbm4b:s2+s3] =	stream.indirect_vreg.scatter [tilespmem:s9], [sflag:$0x1], $0x80, v4, vm0, $0xb8;
	[tilespmem:$0x18080] =	vst v63  }
0x261: {  	s17 =	simm.s32 $0xC880;
	v3 =	vadd.s32 v1, v3  }
0x262: {  	[hbm4b:s4+s3] =	stream.indirect_vreg.scatter [tilespmem:s17], [sflag:$0x1], $0x80, v4, vm0, $0xb8;
	[tilespmem:$0x18080] =	vst v63  }
0x263: {  	s18 =	simm.s32 $0xD080  }
0x264: {  	[hbm4b:s5+s3] =	stream.indirect_vreg.scatter [tilespmem:s18], [sflag:$0x1], $0x80, v4, vm0, $0xb8;
	[tilespmem:$0x18080] =	vst v63  }
0x265: {  	s9 =	simm.s32 $0xD880  }
0x266: {  	[hbm4b:s2+s3] =	stream.indirect_vreg.scatter [tilespmem:s9], [sflag:$0x1], $0x80, v3, vm0, $0xb8;
	[tilespmem:$0x18080] =	vst v63  }
0x267: {  	s9 =	simm.s32 $0xE080  }
0x268: {  	[hbm4b:s4+s3] =	stream.indirect_vreg.scatter [tilespmem:s9], [sflag:$0x1], $0x80, v3, vm0, $0xb8;
	[tilespmem:$0x18080] =	vst v63  }
0x269: {  	s9 =	simm.s32 $0xE880  }
0x26a: {  	[hbm4b:s5+s3] =	stream.indirect_vreg.scatter [tilespmem:s9], [sflag:$0x1], $0x80, v3, vm0, $0xb8;
	[tilespmem:$0x18080] =	vst v63  }
0x26b: {  	v3 =	vld [tilespmem:$0x50];
	_ =	sdelay $0x4  }
0x26c: {  	v29 =	vshrl.u32 v3, $0x3  }
0x26d: {  	v4 =	vmul.u32 $0x30, v29  }
0x26e: {  	v3 =	vand.u32 $0x7, v3  }
0x26f: {  	v3 =	vor.u32 v3, v4  }
0x270: {  	v4 =	vperm.xlane v3, v0;
	_ =	sdelay $0x1  }
0x271: {  	v4 =	vadd.s32 v1, v4;
	_ =	sdelay $0x3  }
0x272: {  	s9 =	simm.s32 $0xF080;
	v3 =	vperm.xlane v3, v2  }
0x273: {  	[hbm4b:s2+s3] =	stream.indirect_vreg.scatter [tilespmem:s9], [sflag:$0x1], $0x80, v4, vm0, $0xb8;
	[tilespmem:$0x18080] =	vst v63  }
0x274: {  	s19 =	simm.s32 $0xF880;
	v3 =	vadd.s32 v1, v3  }
0x275: {  	[hbm4b:s4+s3] =	stream.indirect_vreg.scatter [tilespmem:s19], [sflag:$0x1], $0x80, v4, vm0, $0xb8;
	[tilespmem:$0x18080] =	vst v63  }
0x276: {  	s20 =	simm.s32 $0x10080  }
0x277: {  	[hbm4b:s5+s3] =	stream.indirect_vreg.scatter [tilespmem:s20], [sflag:$0x1], $0x80, v4, vm0, $0xb8;
	[tilespmem:$0x18080] =	vst v63  }
0x278: {  	s9 =	simm.s32 $0x10880  }
0x279: {  	[hbm4b:s2+s3] =	stream.indirect_vreg.scatter [tilespmem:s9], [sflag:$0x1], $0x80, v3, vm0, $0xb8;
	[tilespmem:$0x18080] =	vst v63  }
0x27a: {  	s9 =	simm.s32 $0x11080  }
0x27b: {  	[hbm4b:s4+s3] =	stream.indirect_vreg.scatter [tilespmem:s9], [sflag:$0x1], $0x80, v3, vm0, $0xb8;
	[tilespmem:$0x18080] =	vst v63  }
0x27c: {  	s9 =	simm.s32 $0x11880  }
0x27d: {  	[hbm4b:s5+s3] =	stream.indirect_vreg.scatter [tilespmem:s9], [sflag:$0x1], $0x80, v3, vm0, $0xb8;
	[tilespmem:$0x18080] =	vst v63  }
0x27e: {  	v3 =	vld [tilespmem:$0x60];
	_ =	sdelay $0x4  }
0x27f: {  	v30 =	vshrl.u32 v3, $0x3  }
0x280: {  	v4 =	vmul.u32 $0x30, v30  }
0x281: {  	v3 =	vand.u32 $0x7, v3  }
0x282: {  	v3 =	vor.u32 v3, v4  }
0x283: {  	v4 =	vperm.xlane v3, v0;
	_ =	sdelay $0x1  }
0x284: {  	v4 =	vadd.s32 v1, v4;
	_ =	sdelay $0x3  }
0x285: {  	s9 =	simm.s32 $0x12080;
	v3 =	vperm.xlane v3, v2  }
0x286: {  	[hbm4b:s2+s3] =	stream.indirect_vreg.scatter [tilespmem:s9], [sflag:$0x1], $0x80, v4, vm0, $0xb8;
	[tilespmem:$0x18080] =	vst v63  }
0x287: {  	s21 =	simm.s32 $0x12880;
	v3 =	vadd.s32 v1, v3  }
0x288: {  	[hbm4b:s4+s3] =	stream.indirect_vreg.scatter [tilespmem:s21], [sflag:$0x1], $0x80, v4, vm0, $0xb8;
	[tilespmem:$0x18080] =	vst v63  }
0x289: {  	s22 =	simm.s32 $0x13080  }
0x28a: {  	[hbm4b:s5+s3] =	stream.indirect_vreg.scatter [tilespmem:s22], [sflag:$0x1], $0x80, v4, vm0, $0xb8;
	[tilespmem:$0x18080] =	vst v63  }
0x28b: {  	s9 =	simm.s32 $0x13880  }
0x28c: {  	[hbm4b:s2+s3] =	stream.indirect_vreg.scatter [tilespmem:s9], [sflag:$0x1], $0x80, v3, vm0, $0xb8;
	[tilespmem:$0x18080] =	vst v63  }
0x28d: {  	s9 =	simm.s32 $0x14080  }
0x28e: {  	[hbm4b:s4+s3] =	stream.indirect_vreg.scatter [tilespmem:s9], [sflag:$0x1], $0x80, v3, vm0, $0xb8;
	[tilespmem:$0x18080] =	vst v63  }
0x28f: {  	s9 =	simm.s32 $0x14880  }
0x290: {  	[hbm4b:s5+s3] =	stream.indirect_vreg.scatter [tilespmem:s9], [sflag:$0x1], $0x80, v3, vm0, $0xb8;
	[tilespmem:$0x18080] =	vst v63  }
0x291: {  	v3 =	vld [tilespmem:$0x70];
	_ =	sdelay $0x4  }
0x292: {  	v31 =	vshrl.u32 v3, $0x3  }
0x293: {  	v4 =	vmul.u32 $0x30, v31  }
0x294: {  	v3 =	vand.u32 $0x7, v3  }
0x295: {  	v3 =	vor.u32 v3, v4  }
0x296: {  	v4 =	vperm.xlane v3, v0;
	_ =	sdelay $0x1  }
0x297: {  	v4 =	vadd.s32 v1, v4;
	_ =	sdelay $0x3  }
0x298: {  	s9 =	simm.s32 $0x15080;
	v3 =	vperm.xlane v3, v2  }
0x299: {  	[hbm4b:s2+s3] =	stream.indirect_vreg.scatter [tilespmem:s9], [sflag:$0x1], $0x80, v4, vm0, $0xb8;
	[tilespmem:$0x18080] =	vst v63  }
0x29a: {  	s23 =	simm.s32 $0x15880;
	v3 =	vadd.s32 v1, v3  }
0x29b: {  	[hbm4b:s4+s3] =	stream.indirect_vreg.scatter [tilespmem:s23], [sflag:$0x1], $0x80, v4, vm0, $0xb8;
	[tilespmem:$0x18080] =	vst v63  }
0x29c: {  	s24 =	simm.s32 $0x16080  }
0x29d: {  	[hbm4b:s5+s3] =	stream.indirect_vreg.scatter [tilespmem:s24], [sflag:$0x1], $0x80, v4, vm0, $0xb8;
	[tilespmem:$0x18080] =	vst v63  }
0x29e: {  	s9 =	simm.s32 $0x16880  }
0x29f: {  	[hbm4b:s2+s3] =	stream.indirect_vreg.scatter [tilespmem:s9], [sflag:$0x1], $0x80, v3, vm0, $0xb8;
	[tilespmem:$0x18080] =	vst v63  }
0x2a0: {  	s9 =	simm.s32 $0x17080  }
0x2a1: {  	[hbm4b:s4+s3] =	stream.indirect_vreg.scatter [tilespmem:s9], [sflag:$0x1], $0x80, v3, vm0, $0xb8;
	[tilespmem:$0x18080] =	vst v63  }
0x2a2: {  	s9 =	simm.s32 $0x17880  }
0x2a3: {  	[hbm4b:s5+s3] =	stream.indirect_vreg.scatter [tilespmem:s9], [sflag:$0x1], $0x80, v3, vm0, $0xb8;
	[tilespmem:$0x18080] =	vst v63  }
0x2a4: {  	_ =	swait.ge [sflag:s1], $0x18000  }
0x2a5: {  	[sflag:s1] =	ssyncset.done $0x0  }
0x2a6: {  	s9 =	rddreg [dreg:$0xc];
	[sflag:s1] =	ssyncadd.s32 $0xFFFE8000  }
0x2a7: {  	[tilespmem:s3], [sflag:$0x2] =	stream.linear.gather [hbm4b:s9+s3], $0x80, $0x38;
	[tilespmem:$0x18080] =	vst v63  }
0x2a8: {  	_ =	swait.ge [sflag:s7], $0x80  }
0x2a9: {  	[sflag:s7] =	ssyncset.done $0x0  }
0x2aa: {  	s9 =	rddreg [dreg:$0xd];
	[sflag:s7] =	ssyncadd.s32 $0xFFFFFF80  }
0x2ab: {  	[tilespmem:s16], [sflag:$0x2] =	stream.linear.gather [hbm4b:s9+s3], $0x18000, $0x38;
	[tilespmem:$0x18080] =	vst v63  }
0x2ac: {  	_ =	swait.ge [sflag:s7], $0x18000  }
0x2ad: {  	[sflag:s7] =	ssyncset.done $0x0  }
0x2ae: {  	[sflag:s7] =	ssyncadd.s32 $0xFFFE8000  }
0x2af: {  	v3 =	vld [tilespmem:$0x0];
	_ =	sdelay $0x4  }
0x2b0: {  	v32 =	vshrl.u32 v3, $0x3  }
0x2b1: {  	v4 =	vmul.u32 $0x30, v32  }
0x2b2: {  	v3 =	vand.u32 $0x7, v3  }
0x2b3: {  	v3 =	vor.u32 v3, v4  }
0x2b4: {  	v4 =	vperm.xlane v3, v0;
	_ =	sdelay $0x1  }
0x2b5: {  	v4 =	vadd.s32 v1, v4;
	_ =	sdelay $0x3  }
0x2b6: {  	v3 =	vperm.xlane v3, v2  }
0x2b7: {  	[hbm4b:s2+s3] =	stream.indirect_vreg.scatter [tilespmem:s16], [sflag:$0x1], $0x80, v4, vm0, $0xb8;
	[tilespmem:$0x18080] =	vst v63  }
0x2b8: {  	s25 =	simm.s32 $0x880;
	v3 =	vadd.s32 v1, v3  }
0x2b9: {  	[hbm4b:s4+s3] =	stream.indirect_vreg.scatter [tilespmem:s25], [sflag:$0x1], $0x80, v4, vm0, $0xb8;
	[tilespmem:$0x18080] =	vst v63  }
0x2ba: {  	s26 =	simm.s32 $0x1080  }
0x2bb: {  	[hbm4b:s5+s3] =	stream.indirect_vreg.scatter [tilespmem:s26], [sflag:$0x1], $0x80, v4, vm0, $0xb8;
	[tilespmem:$0x18080] =	vst v63  }
0x2bc: {  	s28 =	simm.s32 $0x1880  }
0x2bd: {  	[hbm4b:s2+s3] =	stream.indirect_vreg.scatter [tilespmem:s28], [sflag:$0x1], $0x80, v3, vm0, $0xb8;
	[tilespmem:$0x18080] =	vst v63  }
0x2be: {  	s29 =	simm.s32 $0x2080  }
0x2bf: {  	[hbm4b:s4+s3] =	stream.indirect_vreg.scatter [tilespmem:s29], [sflag:$0x1], $0x80, v3, vm0, $0xb8;
	[tilespmem:$0x18080] =	vst v63  }
0x2c0: {  	s9 =	simm.s32 $0x2880  }
0x2c1: {  	[hbm4b:s5+s3] =	stream.indirect_vreg.scatter [tilespmem:s9], [sflag:$0x1], $0x80, v3, vm0, $0xb8;
	[tilespmem:$0x18080] =	vst v63  }
0x2c2: {  	v3 =	vld [tilespmem:$0x10];
	_ =	sdelay $0x4  }
0x2c3: {  	v33 =	vshrl.u32 v3, $0x3  }
0x2c4: {  	v4 =	vmul.u32 $0x30, v33  }
0x2c5: {  	v3 =	vand.u32 $0x7, v3  }
0x2c6: {  	v3 =	vor.u32 v3, v4  }
0x2c7: {  	v4 =	vperm.xlane v3, v0;
	_ =	sdelay $0x1  }
0x2c8: {  	v4 =	vadd.s32 v1, v4;
	_ =	sdelay $0x3  }
0x2c9: {  	s9 =	simm.s32 $0x3080;
	v3 =	vperm.xlane v3, v2  }
0x2ca: {  	[hbm4b:s2+s3] =	stream.indirect_vreg.scatter [tilespmem:s9], [sflag:$0x1], $0x80, v4, vm0, $0xb8;
	[tilespmem:$0x18080] =	vst v63  }
0x2cb: {  	s30 =	simm.s32 $0x3880;
	v3 =	vadd.s32 v1, v3  }
0x2cc: {  	[hbm4b:s4+s3] =	stream.indirect_vreg.scatter [tilespmem:s30], [sflag:$0x1], $0x80, v4, vm0, $0xb8;
	[tilespmem:$0x18080] =	vst v63  }
0x2cd: {  	s31 =	simm.s32 $0x4080  }
0x2ce: {  	[hbm4b:s5+s3] =	stream.indirect_vreg.scatter [tilespmem:s31], [sflag:$0x1], $0x80, v4, vm0, $0xb8;
	[tilespmem:$0x18080] =	vst v63  }
0x2cf: {  	s0 =	simm.s32 $0x4880  }
0x2d0: {  	[hbm4b:s2+s3] =	stream.indirect_vreg.scatter [tilespmem:s0], [sflag:$0x1], $0x80, v3, vm0, $0xb8;
	[tilespmem:$0x18080] =	vst v63  }
0x2d1: {  	s6 =	simm.s32 $0x5080  }
0x2d2: {  	[hbm4b:s4+s3] =	stream.indirect_vreg.scatter [tilespmem:s6], [sflag:$0x1], $0x80, v3, vm0, $0xb8;
	[tilespmem:$0x18080] =	vst v63  }
0x2d3: {  	s9 =	simm.s32 $0x5880  }
0x2d4: {  	[hbm4b:s5+s3] =	stream.indirect_vreg.scatter [tilespmem:s9], [sflag:$0x1], $0x80, v3, vm0, $0xb8;
	[tilespmem:$0x18080] =	vst v63  }
0x2d5: {  	v3 =	vld [tilespmem:$0x20];
	_ =	sdelay $0x4  }
0x2d6: {  	v34 =	vshrl.u32 v3, $0x3  }
0x2d7: {  	v4 =	vmul.u32 $0x30, v34  }
0x2d8: {  	v3 =	vand.u32 $0x7, v3  }
0x2d9: {  	v3 =	vor.u32 v3, v4  }
0x2da: {  	v4 =	vperm.xlane v3, v0;
	_ =	sdelay $0x1  }
0x2db: {  	v4 =	vadd.s32 v1, v4;
	_ =	sdelay $0x3  }
0x2dc: {  	s9 =	simm.s32 $0x6080;
	v3 =	vperm.xlane v3, v2  }
0x2dd: {  	[hbm4b:s2+s3] =	stream.indirect_vreg.scatter [tilespmem:s9], [sflag:$0x1], $0x80, v4, vm0, $0xb8;
	[tilespmem:$0x18080] =	vst v63  }
0x2de: {  	s8 =	simm.s32 $0x6880;
	v3 =	vadd.s32 v1, v3  }
0x2df: {  	[hbm4b:s4+s3] =	stream.indirect_vreg.scatter [tilespmem:s8], [sflag:$0x1], $0x80, v4, vm0, $0xb8;
	[tilespmem:$0x18080] =	vst v63  }
0x2e0: {  	s10 =	simm.s32 $0x7080  }
0x2e1: {  	[hbm4b:s5+s3] =	stream.indirect_vreg.scatter [tilespmem:s10], [sflag:$0x1], $0x80, v4, vm0, $0xb8;
	[tilespmem:$0x18080] =	vst v63  }
0x2e2: {  	s11 =	simm.s32 $0x7880  }
0x2e3: {  	[hbm4b:s2+s3] =	stream.indirect_vreg.scatter [tilespmem:s11], [sflag:$0x1], $0x80, v3, vm0, $0xb8;
	[tilespmem:$0x18080] =	vst v63  }
0x2e4: {  	s12 =	simm.s32 $0x8080  }
0x2e5: {  	[hbm4b:s4+s3] =	stream.indirect_vreg.scatter [tilespmem:s12], [sflag:$0x1], $0x80, v3, vm0, $0xb8;
	[tilespmem:$0x18080] =	vst v63  }
0x2e6: {  	s9 =	simm.s32 $0x8880  }
0x2e7: {  	[hbm4b:s5+s3] =	stream.indirect_vreg.scatter [tilespmem:s9], [sflag:$0x1], $0x80, v3, vm0, $0xb8;
	[tilespmem:$0x18080] =	vst v63  }
0x2e8: {  	v3 =	vld [tilespmem:$0x30];
	_ =	sdelay $0x4  }
0x2e9: {  	v35 =	vshrl.u32 v3, $0x3  }
0x2ea: {  	v4 =	vmul.u32 $0x30, v35  }
0x2eb: {  	v3 =	vand.u32 $0x7, v3  }
0x2ec: {  	v3 =	vor.u32 v3, v4  }
0x2ed: {  	v4 =	vperm.xlane v3, v0;
	_ =	sdelay $0x1  }
0x2ee: {  	v4 =	vadd.s32 v1, v4;
	_ =	sdelay $0x3  }
0x2ef: {  	s9 =	simm.s32 $0x9080;
	v3 =	vperm.xlane v3, v2  }
0x2f0: {  	[hbm4b:s2+s3] =	stream.indirect_vreg.scatter [tilespmem:s9], [sflag:$0x1], $0x80, v4, vm0, $0xb8;
	[tilespmem:$0x18080] =	vst v63  }
0x2f1: {  	s13 =	simm.s32 $0x9880;
	v3 =	vadd.s32 v1, v3  }
0x2f2: {  	[hbm4b:s4+s3] =	stream.indirect_vreg.scatter [tilespmem:s13], [sflag:$0x1], $0x80, v4, vm0, $0xb8;
	[tilespmem:$0x18080] =	vst v63  }
0x2f3: {  	s14 =	simm.s32 $0xA080  }
0x2f4: {  	[hbm4b:s5+s3] =	stream.indirect_vreg.scatter [tilespmem:s14], [sflag:$0x1], $0x80, v4, vm0, $0xb8;
	[tilespmem:$0x18080] =	vst v63  }
0x2f5: {  	s15 =	simm.s32 $0xA880  }
0x2f6: {  	[hbm4b:s2+s3] =	stream.indirect_vreg.scatter [tilespmem:s15], [sflag:$0x1], $0x80, v3, vm0, $0xb8;
	[tilespmem:$0x18080] =	vst v63  }
0x2f7: {  	s9 =	simm.s32 $0xB080  }
0x2f8: {  	[hbm4b:s4+s3] =	stream.indirect_vreg.scatter [tilespmem:s9], [sflag:$0x1], $0x80, v3, vm0, $0xb8;
	[tilespmem:$0x18080] =	vst v63  }
0x2f9: {  	s9 =	simm.s32 $0xB880  }
0x2fa: {  	[hbm4b:s5+s3] =	stream.indirect_vreg.scatter [tilespmem:s9], [sflag:$0x1], $0x80, v3, vm0, $0xb8;
	[tilespmem:$0x18080] =	vst v63  }
0x2fb: {  	v3 =	vld [tilespmem:$0x40];
	_ =	sdelay $0x4  }
0x2fc: {  	v36 =	vshrl.u32 v3, $0x3  }
0x2fd: {  	v4 =	vmul.u32 $0x30, v36  }
0x2fe: {  	v3 =	vand.u32 $0x7, v3  }
0x2ff: {  	v3 =	vor.u32 v3, v4  }
0x300: {  	v4 =	vperm.xlane v3, v0;
	_ =	sdelay $0x1  }
0x301: {  	v4 =	vadd.s32 v1, v4;
	_ =	sdelay $0x3  }
0x302: {  	s9 =	simm.s32 $0xC080;
	v3 =	vperm.xlane v3, v2  }
0x303: {  	[hbm4b:s2+s3] =	stream.indirect_vreg.scatter [tilespmem:s9], [sflag:$0x1], $0x80, v4, vm0, $0xb8;
	[tilespmem:$0x18080] =	vst v63  }
0x304: {  	s17 =	simm.s32 $0xC880;
	v3 =	vadd.s32 v1, v3  }
0x305: {  	[hbm4b:s4+s3] =	stream.indirect_vreg.scatter [tilespmem:s17], [sflag:$0x1], $0x80, v4, vm0, $0xb8;
	[tilespmem:$0x18080] =	vst v63  }
0x306: {  	s18 =	simm.s32 $0xD080  }
0x307: {  	[hbm4b:s5+s3] =	stream.indirect_vreg.scatter [tilespmem:s18], [sflag:$0x1], $0x80, v4, vm0, $0xb8;
	[tilespmem:$0x18080] =	vst v63  }
0x308: {  	s9 =	simm.s32 $0xD880  }
0x309: {  	[hbm4b:s2+s3] =	stream.indirect_vreg.scatter [tilespmem:s9], [sflag:$0x1], $0x80, v3, vm0, $0xb8;
	[tilespmem:$0x18080] =	vst v63  }
0x30a: {  	s9 =	simm.s32 $0xE080  }
0x30b: {  	[hbm4b:s4+s3] =	stream.indirect_vreg.scatter [tilespmem:s9], [sflag:$0x1], $0x80, v3, vm0, $0xb8;
	[tilespmem:$0x18080] =	vst v63  }
0x30c: {  	s9 =	simm.s32 $0xE880  }
0x30d: {  	[hbm4b:s5+s3] =	stream.indirect_vreg.scatter [tilespmem:s9], [sflag:$0x1], $0x80, v3, vm0, $0xb8;
	[tilespmem:$0x18080] =	vst v63  }
0x30e: {  	v3 =	vld [tilespmem:$0x50];
	_ =	sdelay $0x4  }
0x30f: {  	v37 =	vshrl.u32 v3, $0x3  }
0x310: {  	v4 =	vmul.u32 $0x30, v37  }
0x311: {  	v3 =	vand.u32 $0x7, v3  }
0x312: {  	v3 =	vor.u32 v3, v4  }
0x313: {  	v4 =	vperm.xlane v3, v0;
	_ =	sdelay $0x1  }
0x314: {  	v4 =	vadd.s32 v1, v4;
	_ =	sdelay $0x3  }
0x315: {  	s9 =	simm.s32 $0xF080;
	v3 =	vperm.xlane v3, v2  }
0x316: {  	[hbm4b:s2+s3] =	stream.indirect_vreg.scatter [tilespmem:s9], [sflag:$0x1], $0x80, v4, vm0, $0xb8;
	[tilespmem:$0x18080] =	vst v63  }
0x317: {  	s19 =	simm.s32 $0xF880;
	v3 =	vadd.s32 v1, v3  }
0x318: {  	[hbm4b:s4+s3] =	stream.indirect_vreg.scatter [tilespmem:s19], [sflag:$0x1], $0x80, v4, vm0, $0xb8;
	[tilespmem:$0x18080] =	vst v63  }
0x319: {  	s20 =	simm.s32 $0x10080  }
0x31a: {  	[hbm4b:s5+s3] =	stream.indirect_vreg.scatter [tilespmem:s20], [sflag:$0x1], $0x80, v4, vm0, $0xb8;
	[tilespmem:$0x18080] =	vst v63  }
0x31b: {  	s9 =	simm.s32 $0x10880  }
0x31c: {  	[hbm4b:s2+s3] =	stream.indirect_vreg.scatter [tilespmem:s9], [sflag:$0x1], $0x80, v3, vm0, $0xb8;
	[tilespmem:$0x18080] =	vst v63  }
0x31d: {  	s9 =	simm.s32 $0x11080  }
0x31e: {  	[hbm4b:s4+s3] =	stream.indirect_vreg.scatter [tilespmem:s9], [sflag:$0x1], $0x80, v3, vm0, $0xb8;
	[tilespmem:$0x18080] =	vst v63  }
0x31f: {  	s9 =	simm.s32 $0x11880  }
0x320: {  	[hbm4b:s5+s3] =	stream.indirect_vreg.scatter [tilespmem:s9], [sflag:$0x1], $0x80, v3, vm0, $0xb8;
	[tilespmem:$0x18080] =	vst v63  }
0x321: {  	v3 =	vld [tilespmem:$0x60];
	_ =	sdelay $0x4  }
0x322: {  	v38 =	vshrl.u32 v3, $0x3  }
0x323: {  	v4 =	vmul.u32 $0x30, v38  }
0x324: {  	v3 =	vand.u32 $0x7, v3  }
0x325: {  	v3 =	vor.u32 v3, v4  }
0x326: {  	v4 =	vperm.xlane v3, v0;
	_ =	sdelay $0x1  }
0x327: {  	v4 =	vadd.s32 v1, v4;
	_ =	sdelay $0x3  }
0x328: {  	s9 =	simm.s32 $0x12080;
	v3 =	vperm.xlane v3, v2  }
0x329: {  	[hbm4b:s2+s3] =	stream.indirect_vreg.scatter [tilespmem:s9], [sflag:$0x1], $0x80, v4, vm0, $0xb8;
	[tilespmem:$0x18080] =	vst v63  }
0x32a: {  	s21 =	simm.s32 $0x12880;
	v3 =	vadd.s32 v1, v3  }
0x32b: {  	[hbm4b:s4+s3] =	stream.indirect_vreg.scatter [tilespmem:s21], [sflag:$0x1], $0x80, v4, vm0, $0xb8;
	[tilespmem:$0x18080] =	vst v63  }
0x32c: {  	s22 =	simm.s32 $0x13080  }
0x32d: {  	[hbm4b:s5+s3] =	stream.indirect_vreg.scatter [tilespmem:s22], [sflag:$0x1], $0x80, v4, vm0, $0xb8;
	[tilespmem:$0x18080] =	vst v63  }
0x32e: {  	s9 =	simm.s32 $0x13880  }
0x32f: {  	[hbm4b:s2+s3] =	stream.indirect_vreg.scatter [tilespmem:s9], [sflag:$0x1], $0x80, v3, vm0, $0xb8;
	[tilespmem:$0x18080] =	vst v63  }
0x330: {  	s9 =	simm.s32 $0x14080  }
0x331: {  	[hbm4b:s4+s3] =	stream.indirect_vreg.scatter [tilespmem:s9], [sflag:$0x1], $0x80, v3, vm0, $0xb8;
	[tilespmem:$0x18080] =	vst v63  }
0x332: {  	s9 =	simm.s32 $0x14880  }
0x333: {  	[hbm4b:s5+s3] =	stream.indirect_vreg.scatter [tilespmem:s9], [sflag:$0x1], $0x80, v3, vm0, $0xb8;
	[tilespmem:$0x18080] =	vst v63  }
0x334: {  	v3 =	vld [tilespmem:$0x70];
	_ =	sdelay $0x4  }
0x335: {  	v39 =	vshrl.u32 v3, $0x3  }
0x336: {  	v4 =	vmul.u32 $0x30, v39  }
0x337: {  	v3 =	vand.u32 $0x7, v3  }
0x338: {  	v3 =	vor.u32 v3, v4  }
0x339: {  	v4 =	vperm.xlane v3, v0;
	_ =	sdelay $0x1  }
0x33a: {  	v4 =	vadd.s32 v1, v4;
	_ =	sdelay $0x3  }
0x33b: {  	s9 =	simm.s32 $0x15080;
	v3 =	vperm.xlane v3, v2  }
0x33c: {  	[hbm4b:s2+s3] =	stream.indirect_vreg.scatter [tilespmem:s9], [sflag:$0x1], $0x80, v4, vm0, $0xb8;
	[tilespmem:$0x18080] =	vst v63  }
0x33d: {  	s23 =	simm.s32 $0x15880;
	v3 =	vadd.s32 v1, v3  }
0x33e: {  	[hbm4b:s4+s3] =	stream.indirect_vreg.scatter [tilespmem:s23], [sflag:$0x1], $0x80, v4, vm0, $0xb8;
	[tilespmem:$0x18080] =	vst v63  }
0x33f: {  	s24 =	simm.s32 $0x16080  }
0x340: {  	[hbm4b:s5+s3] =	stream.indirect_vreg.scatter [tilespmem:s24], [sflag:$0x1], $0x80, v4, vm0, $0xb8;
	[tilespmem:$0x18080] =	vst v63  }
0x341: {  	s9 =	simm.s32 $0x16880  }
0x342: {  	[hbm4b:s2+s3] =	stream.indirect_vreg.scatter [tilespmem:s9], [sflag:$0x1], $0x80, v3, vm0, $0xb8;
	[tilespmem:$0x18080] =	vst v63  }
0x343: {  	s9 =	simm.s32 $0x17080  }
0x344: {  	[hbm4b:s4+s3] =	stream.indirect_vreg.scatter [tilespmem:s9], [sflag:$0x1], $0x80, v3, vm0, $0xb8;
	[tilespmem:$0x18080] =	vst v63  }
0x345: {  	s9 =	simm.s32 $0x17880  }
0x346: {  	[hbm4b:s5+s3] =	stream.indirect_vreg.scatter [tilespmem:s9], [sflag:$0x1], $0x80, v3, vm0, $0xb8;
	[tilespmem:$0x18080] =	vst v63  }
0x347: {  	_ =	swait.ge [sflag:s1], $0x18000  }
0x348: {  	[sflag:s1] =	ssyncset.done $0x0  }
0x349: {  	s9 =	rddreg [dreg:$0xe];
	[sflag:s1] =	ssyncadd.s32 $0xFFFE8000  }
0x34a: {  	[tilespmem:s3], [sflag:$0x2] =	stream.linear.gather [hbm4b:s9+s3], $0x80, $0x38;
	[tilespmem:$0x18080] =	vst v63  }
0x34b: {  	_ =	swait.ge [sflag:s7], $0x80  }
0x34c: {  	[sflag:s7] =	ssyncset.done $0x0  }
0x34d: {  	s9 =	rddreg [dreg:$0xf];
	[sflag:s7] =	ssyncadd.s32 $0xFFFFFF80  }
0x34e: {  	[tilespmem:s16], [sflag:$0x2] =	stream.linear.gather [hbm4b:s9+s3], $0x18000, $0x38;
	[tilespmem:$0x18080] =	vst v63  }
0x34f: {  	_ =	swait.ge [sflag:s7], $0x18000  }
0x350: {  	[sflag:s7] =	ssyncset.done $0x0  }
0x351: {  	[sflag:s7] =	ssyncadd.s32 $0xFFFE8000  }
0x352: {  	v3 =	vld [tilespmem:$0x0];
	_ =	sdelay $0x4  }
0x353: {  	v40 =	vshrl.u32 v3, $0x3  }
0x354: {  	v4 =	vmul.u32 $0x30, v40  }
0x355: {  	v3 =	vand.u32 $0x7, v3  }
0x356: {  	v3 =	vor.u32 v3, v4  }
0x357: {  	v4 =	vperm.xlane v3, v0;
	_ =	sdelay $0x1  }
0x358: {  	v4 =	vadd.s32 v1, v4;
	_ =	sdelay $0x3  }
0x359: {  	v3 =	vperm.xlane v3, v2  }
0x35a: {  	[hbm4b:s2+s3] =	stream.indirect_vreg.scatter [tilespmem:s16], [sflag:$0x1], $0x80, v4, vm0, $0xb8;
	[tilespmem:$0x18080] =	vst v63  }
0x35b: {  	s25 =	simm.s32 $0x880;
	v3 =	vadd.s32 v1, v3  }
0x35c: {  	[hbm4b:s4+s3] =	stream.indirect_vreg.scatter [tilespmem:s25], [sflag:$0x1], $0x80, v4, vm0, $0xb8;
	[tilespmem:$0x18080] =	vst v63  }
0x35d: {  	s26 =	simm.s32 $0x1080  }
0x35e: {  	[hbm4b:s5+s3] =	stream.indirect_vreg.scatter [tilespmem:s26], [sflag:$0x1], $0x80, v4, vm0, $0xb8;
	[tilespmem:$0x18080] =	vst v63  }
0x35f: {  	s28 =	simm.s32 $0x1880  }
0x360: {  	[hbm4b:s2+s3] =	stream.indirect_vreg.scatter [tilespmem:s28], [sflag:$0x1], $0x80, v3, vm0, $0xb8;
	[tilespmem:$0x18080] =	vst v63  }
0x361: {  	s29 =	simm.s32 $0x2080  }
0x362: {  	[hbm4b:s4+s3] =	stream.indirect_vreg.scatter [tilespmem:s29], [sflag:$0x1], $0x80, v3, vm0, $0xb8;
	[tilespmem:$0x18080] =	vst v63  }
0x363: {  	s9 =	simm.s32 $0x2880  }
0x364: {  	[hbm4b:s5+s3] =	stream.indirect_vreg.scatter [tilespmem:s9], [sflag:$0x1], $0x80, v3, vm0, $0xb8;
	[tilespmem:$0x18080] =	vst v63  }
0x365: {  	v3 =	vld [tilespmem:$0x10];
	_ =	sdelay $0x4  }
0x366: {  	v41 =	vshrl.u32 v3, $0x3  }
0x367: {  	v4 =	vmul.u32 $0x30, v41  }
0x368: {  	v3 =	vand.u32 $0x7, v3  }
0x369: {  	v3 =	vor.u32 v3, v4  }
0x36a: {  	v4 =	vperm.xlane v3, v0;
	_ =	sdelay $0x1  }
0x36b: {  	v4 =	vadd.s32 v1, v4;
	_ =	sdelay $0x3  }
0x36c: {  	s9 =	simm.s32 $0x3080;
	v3 =	vperm.xlane v3, v2  }
0x36d: {  	[hbm4b:s2+s3] =	stream.indirect_vreg.scatter [tilespmem:s9], [sflag:$0x1], $0x80, v4, vm0, $0xb8;
	[tilespmem:$0x18080] =	vst v63  }
0x36e: {  	s30 =	simm.s32 $0x3880;
	v3 =	vadd.s32 v1, v3  }
0x36f: {  	[hbm4b:s4+s3] =	stream.indirect_vreg.scatter [tilespmem:s30], [sflag:$0x1], $0x80, v4, vm0, $0xb8;
	[tilespmem:$0x18080] =	vst v63  }
0x370: {  	s31 =	simm.s32 $0x4080  }
0x371: {  	[hbm4b:s5+s3] =	stream.indirect_vreg.scatter [tilespmem:s31], [sflag:$0x1], $0x80, v4, vm0, $0xb8;
	[tilespmem:$0x18080] =	vst v63  }
0x372: {  	s0 =	simm.s32 $0x4880  }
0x373: {  	[hbm4b:s2+s3] =	stream.indirect_vreg.scatter [tilespmem:s0], [sflag:$0x1], $0x80, v3, vm0, $0xb8;
	[tilespmem:$0x18080] =	vst v63  }
0x374: {  	s6 =	simm.s32 $0x5080  }
0x375: {  	[hbm4b:s4+s3] =	stream.indirect_vreg.scatter [tilespmem:s6], [sflag:$0x1], $0x80, v3, vm0, $0xb8;
	[tilespmem:$0x18080] =	vst v63  }
0x376: {  	s9 =	simm.s32 $0x5880  }
0x377: {  	[hbm4b:s5+s3] =	stream.indirect_vreg.scatter [tilespmem:s9], [sflag:$0x1], $0x80, v3, vm0, $0xb8;
	[tilespmem:$0x18080] =	vst v63  }
0x378: {  	v3 =	vld [tilespmem:$0x20];
	_ =	sdelay $0x4  }
0x379: {  	v42 =	vshrl.u32 v3, $0x3  }
0x37a: {  	v4 =	vmul.u32 $0x30, v42  }
0x37b: {  	v3 =	vand.u32 $0x7, v3  }
0x37c: {  	v3 =	vor.u32 v3, v4  }
0x37d: {  	v4 =	vperm.xlane v3, v0;
	_ =	sdelay $0x1  }
0x37e: {  	v4 =	vadd.s32 v1, v4;
	_ =	sdelay $0x3  }
0x37f: {  	s9 =	simm.s32 $0x6080;
	v3 =	vperm.xlane v3, v2  }
0x380: {  	[hbm4b:s2+s3] =	stream.indirect_vreg.scatter [tilespmem:s9], [sflag:$0x1], $0x80, v4, vm0, $0xb8;
	[tilespmem:$0x18080] =	vst v63  }
0x381: {  	s8 =	simm.s32 $0x6880;
	v3 =	vadd.s32 v1, v3  }
0x382: {  	[hbm4b:s4+s3] =	stream.indirect_vreg.scatter [tilespmem:s8], [sflag:$0x1], $0x80, v4, vm0, $0xb8;
	[tilespmem:$0x18080] =	vst v63  }
0x383: {  	s10 =	simm.s32 $0x7080  }
0x384: {  	[hbm4b:s5+s3] =	stream.indirect_vreg.scatter [tilespmem:s10], [sflag:$0x1], $0x80, v4, vm0, $0xb8;
	[tilespmem:$0x18080] =	vst v63  }
0x385: {  	s11 =	simm.s32 $0x7880  }
0x386: {  	[hbm4b:s2+s3] =	stream.indirect_vreg.scatter [tilespmem:s11], [sflag:$0x1], $0x80, v3, vm0, $0xb8;
	[tilespmem:$0x18080] =	vst v63  }
0x387: {  	s12 =	simm.s32 $0x8080  }
0x388: {  	[hbm4b:s4+s3] =	stream.indirect_vreg.scatter [tilespmem:s12], [sflag:$0x1], $0x80, v3, vm0, $0xb8;
	[tilespmem:$0x18080] =	vst v63  }
0x389: {  	s9 =	simm.s32 $0x8880  }
0x38a: {  	[hbm4b:s5+s3] =	stream.indirect_vreg.scatter [tilespmem:s9], [sflag:$0x1], $0x80, v3, vm0, $0xb8;
	[tilespmem:$0x18080] =	vst v63  }
0x38b: {  	v3 =	vld [tilespmem:$0x30];
	_ =	sdelay $0x4  }
0x38c: {  	v43 =	vshrl.u32 v3, $0x3  }
0x38d: {  	v4 =	vmul.u32 $0x30, v43  }
0x38e: {  	v3 =	vand.u32 $0x7, v3  }
0x38f: {  	v3 =	vor.u32 v3, v4  }
0x390: {  	v4 =	vperm.xlane v3, v0;
	_ =	sdelay $0x1  }
0x391: {  	v4 =	vadd.s32 v1, v4;
	_ =	sdelay $0x3  }
0x392: {  	s9 =	simm.s32 $0x9080;
	v3 =	vperm.xlane v3, v2  }
0x393: {  	[hbm4b:s2+s3] =	stream.indirect_vreg.scatter [tilespmem:s9], [sflag:$0x1], $0x80, v4, vm0, $0xb8;
	[tilespmem:$0x18080] =	vst v63  }
0x394: {  	s13 =	simm.s32 $0x9880;
	v3 =	vadd.s32 v1, v3  }
0x395: {  	[hbm4b:s4+s3] =	stream.indirect_vreg.scatter [tilespmem:s13], [sflag:$0x1], $0x80, v4, vm0, $0xb8;
	[tilespmem:$0x18080] =	vst v63  }
0x396: {  	s14 =	simm.s32 $0xA080  }
0x397: {  	[hbm4b:s5+s3] =	stream.indirect_vreg.scatter [tilespmem:s14], [sflag:$0x1], $0x80, v4, vm0, $0xb8;
	[tilespmem:$0x18080] =	vst v63  }
0x398: {  	s15 =	simm.s32 $0xA880  }
0x399: {  	[hbm4b:s2+s3] =	stream.indirect_vreg.scatter [tilespmem:s15], [sflag:$0x1], $0x80, v3, vm0, $0xb8;
	[tilespmem:$0x18080] =	vst v63  }
0x39a: {  	s9 =	simm.s32 $0xB080  }
0x39b: {  	[hbm4b:s4+s3] =	stream.indirect_vreg.scatter [tilespmem:s9], [sflag:$0x1], $0x80, v3, vm0, $0xb8;
	[tilespmem:$0x18080] =	vst v63  }
0x39c: {  	s9 =	simm.s32 $0xB880  }
0x39d: {  	[hbm4b:s5+s3] =	stream.indirect_vreg.scatter [tilespmem:s9], [sflag:$0x1], $0x80, v3, vm0, $0xb8;
	[tilespmem:$0x18080] =	vst v63  }
0x39e: {  	v3 =	vld [tilespmem:$0x40];
	_ =	sdelay $0x4  }
0x39f: {  	v44 =	vshrl.u32 v3, $0x3  }
0x3a0: {  	v4 =	vmul.u32 $0x30, v44  }
0x3a1: {  	v3 =	vand.u32 $0x7, v3  }
0x3a2: {  	v3 =	vor.u32 v3, v4  }
0x3a3: {  	v4 =	vperm.xlane v3, v0;
	_ =	sdelay $0x1  }
0x3a4: {  	v4 =	vadd.s32 v1, v4;
	_ =	sdelay $0x3  }
0x3a5: {  	s9 =	simm.s32 $0xC080;
	v3 =	vperm.xlane v3, v2  }
0x3a6: {  	[hbm4b:s2+s3] =	stream.indirect_vreg.scatter [tilespmem:s9], [sflag:$0x1], $0x80, v4, vm0, $0xb8;
	[tilespmem:$0x18080] =	vst v63  }
0x3a7: {  	s17 =	simm.s32 $0xC880;
	v3 =	vadd.s32 v1, v3  }
0x3a8: {  	[hbm4b:s4+s3] =	stream.indirect_vreg.scatter [tilespmem:s17], [sflag:$0x1], $0x80, v4, vm0, $0xb8;
	[tilespmem:$0x18080] =	vst v63  }
0x3a9: {  	s18 =	simm.s32 $0xD080  }
0x3aa: {  	[hbm4b:s5+s3] =	stream.indirect_vreg.scatter [tilespmem:s18], [sflag:$0x1], $0x80, v4, vm0, $0xb8;
	[tilespmem:$0x18080] =	vst v63  }
0x3ab: {  	s9 =	simm.s32 $0xD880  }
0x3ac: {  	[hbm4b:s2+s3] =	stream.indirect_vreg.scatter [tilespmem:s9], [sflag:$0x1], $0x80, v3, vm0, $0xb8;
	[tilespmem:$0x18080] =	vst v63  }
0x3ad: {  	s9 =	simm.s32 $0xE080  }
0x3ae: {  	[hbm4b:s4+s3] =	stream.indirect_vreg.scatter [tilespmem:s9], [sflag:$0x1], $0x80, v3, vm0, $0xb8;
	[tilespmem:$0x18080] =	vst v63  }
0x3af: {  	s9 =	simm.s32 $0xE880  }
0x3b0: {  	[hbm4b:s5+s3] =	stream.indirect_vreg.scatter [tilespmem:s9], [sflag:$0x1], $0x80, v3, vm0, $0xb8;
	[tilespmem:$0x18080] =	vst v63  }
0x3b1: {  	v3 =	vld [tilespmem:$0x50];
	_ =	sdelay $0x4  }
0x3b2: {  	v45 =	vshrl.u32 v3, $0x3  }
0x3b3: {  	v4 =	vmul.u32 $0x30, v45  }
0x3b4: {  	v3 =	vand.u32 $0x7, v3  }
0x3b5: {  	v3 =	vor.u32 v3, v4  }
0x3b6: {  	v4 =	vperm.xlane v3, v0;
	_ =	sdelay $0x1  }
0x3b7: {  	v4 =	vadd.s32 v1, v4;
	_ =	sdelay $0x3  }
0x3b8: {  	s9 =	simm.s32 $0xF080;
	v3 =	vperm.xlane v3, v2  }
0x3b9: {  	[hbm4b:s2+s3] =	stream.indirect_vreg.scatter [tilespmem:s9], [sflag:$0x1], $0x80, v4, vm0, $0xb8;
	[tilespmem:$0x18080] =	vst v63  }
0x3ba: {  	s19 =	simm.s32 $0xF880;
	v3 =	vadd.s32 v1, v3  }
0x3bb: {  	[hbm4b:s4+s3] =	stream.indirect_vreg.scatter [tilespmem:s19], [sflag:$0x1], $0x80, v4, vm0, $0xb8;
	[tilespmem:$0x18080] =	vst v63  }
0x3bc: {  	s20 =	simm.s32 $0x10080  }
0x3bd: {  	[hbm4b:s5+s3] =	stream.indirect_vreg.scatter [tilespmem:s20], [sflag:$0x1], $0x80, v4, vm0, $0xb8;
	[tilespmem:$0x18080] =	vst v63  }
0x3be: {  	s19 =	simm.s32 $0x10880  }
0x3bf: {  	[hbm4b:s2+s3] =	stream.indirect_vreg.scatter [tilespmem:s19], [sflag:$0x1], $0x80, v3, vm0, $0xb8;
	[tilespmem:$0x18080] =	vst v63  }
0x3c0: {  	s20 =	simm.s32 $0x11080  }
0x3c1: {  	[hbm4b:s4+s3] =	stream.indirect_vreg.scatter [tilespmem:s20], [sflag:$0x1], $0x80, v3, vm0, $0xb8;
	[tilespmem:$0x18080] =	vst v63  }
0x3c2: {  	s9 =	simm.s32 $0x11880  }
0x3c3: {  	[hbm4b:s5+s3] =	stream.indirect_vreg.scatter [tilespmem:s9], [sflag:$0x1], $0x80, v3, vm0, $0xb8;
	[tilespmem:$0x18080] =	vst v63  }
0x3c4: {  	v3 =	vld [tilespmem:$0x60];
	_ =	sdelay $0x4  }
0x3c5: {  	v46 =	vshrl.u32 v3, $0x3  }
0x3c6: {  	v4 =	vmul.u32 $0x30, v46  }
0x3c7: {  	v3 =	vand.u32 $0x7, v3  }
0x3c8: {  	v3 =	vor.u32 v3, v4  }
0x3c9: {  	v4 =	vperm.xlane v3, v0;
	_ =	sdelay $0x1  }
0x3ca: {  	v4 =	vadd.s32 v1, v4;
	_ =	sdelay $0x3  }
0x3cb: {  	s19 =	simm.s32 $0x12080;
	v3 =	vperm.xlane v3, v2  }
0x3cc: {  	[hbm4b:s2+s3] =	stream.indirect_vreg.scatter [tilespmem:s19], [sflag:$0x1], $0x80, v4, vm0, $0xb8;
	[tilespmem:$0x18080] =	vst v63  }
0x3cd: {  	s21 =	simm.s32 $0x12880;
	v3 =	vadd.s32 v1, v3  }
0x3ce: {  	[hbm4b:s4+s3] =	stream.indirect_vreg.scatter [tilespmem:s21], [sflag:$0x1], $0x80, v4, vm0, $0xb8;
	[tilespmem:$0x18080] =	vst v63  }
0x3cf: {  	s22 =	simm.s32 $0x13080  }
0x3d0: {  	[hbm4b:s5+s3] =	stream.indirect_vreg.scatter [tilespmem:s22], [sflag:$0x1], $0x80, v4, vm0, $0xb8;
	[tilespmem:$0x18080] =	vst v63  }
0x3d1: {  	s20 =	simm.s32 $0x13880  }
0x3d2: {  	[hbm4b:s2+s3] =	stream.indirect_vreg.scatter [tilespmem:s20], [sflag:$0x1], $0x80, v3, vm0, $0xb8;
	[tilespmem:$0x18080] =	vst v63  }
0x3d3: {  	s21 =	simm.s32 $0x14080  }
0x3d4: {  	[hbm4b:s4+s3] =	stream.indirect_vreg.scatter [tilespmem:s21], [sflag:$0x1], $0x80, v3, vm0, $0xb8;
	[tilespmem:$0x18080] =	vst v63  }
0x3d5: {  	s22 =	simm.s32 $0x14880  }
0x3d6: {  	[hbm4b:s5+s3] =	stream.indirect_vreg.scatter [tilespmem:s22], [sflag:$0x1], $0x80, v3, vm0, $0xb8;
	[tilespmem:$0x18080] =	vst v63  }
0x3d7: {  	v3 =	vld [tilespmem:$0x70];
	_ =	sdelay $0x4  }
0x3d8: {  	v47 =	vshrl.u32 v3, $0x3  }
0x3d9: {  	v4 =	vmul.u32 $0x30, v47  }
0x3da: {  	v3 =	vand.u32 $0x7, v3  }
0x3db: {  	v3 =	vor.u32 v3, v4  }
0x3dc: {  	v4 =	vperm.xlane v3, v0;
	_ =	sdelay $0x1  }
0x3dd: {  	v4 =	vadd.s32 v1, v4;
	_ =	sdelay $0x3  }
0x3de: {  	s9 =	simm.s32 $0x15080;
	v3 =	vperm.xlane v3, v2  }
0x3df: {  	[hbm4b:s2+s3] =	stream.indirect_vreg.scatter [tilespmem:s9], [sflag:$0x1], $0x80, v4, vm0, $0xb8;
	[tilespmem:$0x18080] =	vst v63  }
0x3e0: {  	s23 =	simm.s32 $0x15880;
	v3 =	vadd.s32 v1, v3  }
0x3e1: {  	[hbm4b:s4+s3] =	stream.indirect_vreg.scatter [tilespmem:s23], [sflag:$0x1], $0x80, v4, vm0, $0xb8;
	[tilespmem:$0x18080] =	vst v63  }
0x3e2: {  	s24 =	simm.s32 $0x16080  }
0x3e3: {  	[hbm4b:s5+s3] =	stream.indirect_vreg.scatter [tilespmem:s24], [sflag:$0x1], $0x80, v4, vm0, $0xb8;
	[tilespmem:$0x18080] =	vst v63  }
0x3e4: {  	s19 =	simm.s32 $0x16880  }
0x3e5: {  	[hbm4b:s2+s3] =	stream.indirect_vreg.scatter [tilespmem:s19], [sflag:$0x1], $0x80, v3, vm0, $0xb8;
	[tilespmem:$0x18080] =	vst v63  }
0x3e6: {  	s20 =	simm.s32 $0x17080  }
0x3e7: {  	[hbm4b:s4+s3] =	stream.indirect_vreg.scatter [tilespmem:s20], [sflag:$0x1], $0x80, v3, vm0, $0xb8;
	[tilespmem:$0x18080] =	vst v63  }
0x3e8: {  	s21 =	simm.s32 $0x17880  }
0x3e9: {  	[hbm4b:s5+s3] =	stream.indirect_vreg.scatter [tilespmem:s21], [sflag:$0x1], $0x80, v3, vm0, $0xb8;
	[tilespmem:$0x18080] =	vst v63  }
0x3ea: {  	_ =	swait.ge [sflag:s1], $0x18000  }
0x3eb: {  	[sflag:s1] =	ssyncset.done $0x0  }
0x3ec: {  	s22 =	rddreg [dreg:$0x10];
	[sflag:s1] =	ssyncadd.s32 $0xFFFE8000  }
0x3ed: {  	[tilespmem:s3], [sflag:$0x2] =	stream.linear.gather [hbm4b:s22+s3], $0x80, $0x38;
	[tilespmem:$0x18080] =	vst v63  }
0x3ee: {  	_ =	swait.ge [sflag:s7], $0x80  }
0x3ef: {  	[sflag:s7] =	ssyncset.done $0x0  }
0x3f0: {  	s23 =	rddreg [dreg:$0x11];
	[sflag:s7] =	ssyncadd.s32 $0xFFFFFF80  }
0x3f1: {  	[tilespmem:s16], [sflag:$0x2] =	stream.linear.gather [hbm4b:s23+s3], $0x18000, $0x38;
	[tilespmem:$0x18080] =	vst v63  }
0x3f2: {  	_ =	swait.ge [sflag:s7], $0x18000  }
0x3f3: {  	[sflag:s7] =	ssyncset.done $0x0  }
0x3f4: {  	[sflag:s7] =	ssyncadd.s32 $0xFFFE8000  }
0x3f5: {  	v3 =	vld [tilespmem:$0x0];
	_ =	sdelay $0x4  }
0x3f6: {  	v48 =	vshrl.u32 v3, $0x3  }
0x3f7: {  	v4 =	vmul.u32 $0x30, v48  }
0x3f8: {  	v3 =	vand.u32 $0x7, v3  }
0x3f9: {  	v3 =	vor.u32 v3, v4  }
0x3fa: {  	v4 =	vperm.xlane v3, v0;
	_ =	sdelay $0x1  }
0x3fb: {  	v4 =	vadd.s32 v1, v4;
	_ =	sdelay $0x3  }
0x3fc: {  	v3 =	vperm.xlane v3, v2  }
0x3fd: {  	[hbm4b:s2+s3] =	stream.indirect_vreg.scatter [tilespmem:s16], [sflag:$0x1], $0x80, v4, vm0, $0xb8;
	[tilespmem:$0x18080] =	vst v63  }
0x3fe: {  	s25 =	simm.s32 $0x880;
	v3 =	vadd.s32 v1, v3  }
0x3ff: {  	[hbm4b:s4+s3] =	stream.indirect_vreg.scatter [tilespmem:s25], [sflag:$0x1], $0x80, v4, vm0, $0xb8;
	[tilespmem:$0x18080] =	vst v63  }
0x400: {  	s26 =	simm.s32 $0x1080  }
0x401: {  	[hbm4b:s5+s3] =	stream.indirect_vreg.scatter [tilespmem:s26], [sflag:$0x1], $0x80, v4, vm0, $0xb8;
	[tilespmem:$0x18080] =	vst v63  }
0x402: {  	s28 =	simm.s32 $0x1880  }
0x403: {  	[hbm4b:s2+s3] =	stream.indirect_vreg.scatter [tilespmem:s28], [sflag:$0x1], $0x80, v3, vm0, $0xb8;
	[tilespmem:$0x18080] =	vst v63  }
0x404: {  	s29 =	simm.s32 $0x2080  }
0x405: {  	[hbm4b:s4+s3] =	stream.indirect_vreg.scatter [tilespmem:s29], [sflag:$0x1], $0x80, v3, vm0, $0xb8;
	[tilespmem:$0x18080] =	vst v63  }
0x406: {  	s24 =	simm.s32 $0x2880  }
0x407: {  	[hbm4b:s5+s3] =	stream.indirect_vreg.scatter [tilespmem:s24], [sflag:$0x1], $0x80, v3, vm0, $0xb8;
	[tilespmem:$0x18080] =	vst v63  }
0x408: {  	v3 =	vld [tilespmem:$0x10];
	_ =	sdelay $0x4  }
0x409: {  	v49 =	vshrl.u32 v3, $0x3  }
0x40a: {  	v4 =	vmul.u32 $0x30, v49  }
0x40b: {  	v3 =	vand.u32 $0x7, v3  }
0x40c: {  	v3 =	vor.u32 v3, v4  }
0x40d: {  	v4 =	vperm.xlane v3, v0;
	_ =	sdelay $0x1  }
0x40e: {  	v4 =	vadd.s32 v1, v4;
	_ =	sdelay $0x3  }
0x40f: {  	s29 =	simm.s32 $0x3080;
	v3 =	vperm.xlane v3, v2  }
0x410: {  	[hbm4b:s2+s3] =	stream.indirect_vreg.scatter [tilespmem:s29], [sflag:$0x1], $0x80, v4, vm0, $0xb8;
	[tilespmem:$0x18080] =	vst v63  }
0x411: {  	s30 =	simm.s32 $0x3880;
	v3 =	vadd.s32 v1, v3  }
0x412: {  	[hbm4b:s4+s3] =	stream.indirect_vreg.scatter [tilespmem:s30], [sflag:$0x1], $0x80, v4, vm0, $0xb8;
	[tilespmem:$0x18080] =	vst v63  }
0x413: {  	s31 =	simm.s32 $0x4080  }
0x414: {  	[hbm4b:s5+s3] =	stream.indirect_vreg.scatter [tilespmem:s31], [sflag:$0x1], $0x80, v4, vm0, $0xb8;
	[tilespmem:$0x18080] =	vst v63  }
0x415: {  	s19 =	simm.s32 $0x4880  }
0x416: {  	[hbm4b:s2+s3] =	stream.indirect_vreg.scatter [tilespmem:s19], [sflag:$0x1], $0x80, v3, vm0, $0xb8;
	[tilespmem:$0x18080] =	vst v63  }
0x417: {  	s6 =	simm.s32 $0x5080  }
0x418: {  	[hbm4b:s4+s3] =	stream.indirect_vreg.scatter [tilespmem:s6], [sflag:$0x1], $0x80, v3, vm0, $0xb8;
	[tilespmem:$0x18080] =	vst v63  }
0x419: {  	s20 =	simm.s32 $0x5880  }
0x41a: {  	[hbm4b:s5+s3] =	stream.indirect_vreg.scatter [tilespmem:s20], [sflag:$0x1], $0x80, v3, vm0, $0xb8;
	[tilespmem:$0x18080] =	vst v63  }
0x41b: {  	v3 =	vld [tilespmem:$0x20];
	_ =	sdelay $0x4  }
0x41c: {  	v50 =	vshrl.u32 v3, $0x3  }
0x41d: {  	v4 =	vmul.u32 $0x30, v50  }
0x41e: {  	v3 =	vand.u32 $0x7, v3  }
0x41f: {  	v3 =	vor.u32 v3, v4  }
0x420: {  	v4 =	vperm.xlane v3, v0;
	_ =	sdelay $0x1  }
0x421: {  	v4 =	vadd.s32 v1, v4;
	_ =	sdelay $0x3  }
0x422: {  	s21 =	simm.s32 $0x6080;
	v3 =	vperm.xlane v3, v2  }
0x423: {  	[hbm4b:s2+s3] =	stream.indirect_vreg.scatter [tilespmem:s21], [sflag:$0x1], $0x80, v4, vm0, $0xb8;
	[tilespmem:$0x18080] =	vst v63  }
0x424: {  	s8 =	simm.s32 $0x6880;
	v3 =	vadd.s32 v1, v3  }
0x425: {  	[hbm4b:s4+s3] =	stream.indirect_vreg.scatter [tilespmem:s8], [sflag:$0x1], $0x80, v4, vm0, $0xb8;
	[tilespmem:$0x18080] =	vst v63  }
0x426: {  	s10 =	simm.s32 $0x7080  }
0x427: {  	[hbm4b:s5+s3] =	stream.indirect_vreg.scatter [tilespmem:s10], [sflag:$0x1], $0x80, v4, vm0, $0xb8;
	[tilespmem:$0x18080] =	vst v63  }
0x428: {  	s11 =	simm.s32 $0x7880  }
0x429: {  	[hbm4b:s2+s3] =	stream.indirect_vreg.scatter [tilespmem:s11], [sflag:$0x1], $0x80, v3, vm0, $0xb8;
	[tilespmem:$0x18080] =	vst v63  }
0x42a: {  	s12 =	simm.s32 $0x8080  }
0x42b: {  	[hbm4b:s4+s3] =	stream.indirect_vreg.scatter [tilespmem:s12], [sflag:$0x1], $0x80, v3, vm0, $0xb8;
	[tilespmem:$0x18080] =	vst v63  }
0x42c: {  	s22 =	simm.s32 $0x8880  }
0x42d: {  	[hbm4b:s5+s3] =	stream.indirect_vreg.scatter [tilespmem:s22], [sflag:$0x1], $0x80, v3, vm0, $0xb8;
	[tilespmem:$0x18080] =	vst v63  }
0x42e: {  	v3 =	vld [tilespmem:$0x30];
	_ =	sdelay $0x4  }
0x42f: {  	v51 =	vshrl.u32 v3, $0x3  }
0x430: {  	v4 =	vmul.u32 $0x30, v51  }
0x431: {  	v3 =	vand.u32 $0x7, v3  }
0x432: {  	v3 =	vor.u32 v3, v4  }
0x433: {  	v4 =	vperm.xlane v3, v0;
	_ =	sdelay $0x1  }
0x434: {  	v4 =	vadd.s32 v1, v4;
	_ =	sdelay $0x3  }
0x435: {  	s23 =	simm.s32 $0x9080;
	v3 =	vperm.xlane v3, v2  }
0x436: {  	[hbm4b:s2+s3] =	stream.indirect_vreg.scatter [tilespmem:s23], [sflag:$0x1], $0x80, v4, vm0, $0xb8;
	[tilespmem:$0x18080] =	vst v63  }
0x437: {  	s13 =	simm.s32 $0x9880;
	v3 =	vadd.s32 v1, v3  }
0x438: {  	[hbm4b:s4+s3] =	stream.indirect_vreg.scatter [tilespmem:s13], [sflag:$0x1], $0x80, v4, vm0, $0xb8;
	[tilespmem:$0x18080] =	vst v63  }
0x439: {  	s14 =	simm.s32 $0xA080  }
0x43a: {  	[hbm4b:s5+s3] =	stream.indirect_vreg.scatter [tilespmem:s14], [sflag:$0x1], $0x80, v4, vm0, $0xb8;
	[tilespmem:$0x18080] =	vst v63  }
0x43b: {  	s15 =	simm.s32 $0xA880  }
0x43c: {  	[hbm4b:s2+s3] =	stream.indirect_vreg.scatter [tilespmem:s15], [sflag:$0x1], $0x80, v3, vm0, $0xb8;
	[tilespmem:$0x18080] =	vst v63  }
0x43d: {  	s24 =	simm.s32 $0xB080  }
0x43e: {  	[hbm4b:s4+s3] =	stream.indirect_vreg.scatter [tilespmem:s24], [sflag:$0x1], $0x80, v3, vm0, $0xb8;
	[tilespmem:$0x18080] =	vst v63  }
0x43f: {  	s19 =	simm.s32 $0xB880  }
0x440: {  	[hbm4b:s5+s3] =	stream.indirect_vreg.scatter [tilespmem:s19], [sflag:$0x1], $0x80, v3, vm0, $0xb8;
	[tilespmem:$0x18080] =	vst v63  }
0x441: {  	v3 =	vld [tilespmem:$0x40];
	_ =	sdelay $0x4  }
0x442: {  	v52 =	vshrl.u32 v3, $0x3  }
0x443: {  	v4 =	vmul.u32 $0x30, v52  }
0x444: {  	v3 =	vand.u32 $0x7, v3  }
0x445: {  	v3 =	vor.u32 v3, v4  }
0x446: {  	v4 =	vperm.xlane v3, v0;
	_ =	sdelay $0x1  }
0x447: {  	v4 =	vadd.s32 v1, v4;
	_ =	sdelay $0x3  }
0x448: {  	s20 =	simm.s32 $0xC080;
	v3 =	vperm.xlane v3, v2  }
0x449: {  	[hbm4b:s2+s3] =	stream.indirect_vreg.scatter [tilespmem:s20], [sflag:$0x1], $0x80, v4, vm0, $0xb8;
	[tilespmem:$0x18080] =	vst v63  }
0x44a: {  	s17 =	simm.s32 $0xC880;
	v3 =	vadd.s32 v1, v3  }
0x44b: {  	[hbm4b:s4+s3] =	stream.indirect_vreg.scatter [tilespmem:s17], [sflag:$0x1], $0x80, v4, vm0, $0xb8;
	[tilespmem:$0x18080] =	vst v63  }
0x44c: {  	s18 =	simm.s32 $0xD080  }
0x44d: {  	[hbm4b:s5+s3] =	stream.indirect_vreg.scatter [tilespmem:s18], [sflag:$0x1], $0x80, v4, vm0, $0xb8;
	[tilespmem:$0x18080] =	vst v63  }
0x44e: {  	s21 =	simm.s32 $0xD880  }
0x44f: {  	[hbm4b:s2+s3] =	stream.indirect_vreg.scatter [tilespmem:s21], [sflag:$0x1], $0x80, v3, vm0, $0xb8;
	[tilespmem:$0x18080] =	vst v63  }
0x450: {  	s22 =	simm.s32 $0xE080  }
0x451: {  	[hbm4b:s4+s3] =	stream.indirect_vreg.scatter [tilespmem:s22], [sflag:$0x1], $0x80, v3, vm0, $0xb8;
	[tilespmem:$0x18080] =	vst v63  }
0x452: {  	s23 =	simm.s32 $0xE880  }
0x453: {  	[hbm4b:s5+s3] =	stream.indirect_vreg.scatter [tilespmem:s23], [sflag:$0x1], $0x80, v3, vm0, $0xb8;
	[tilespmem:$0x18080] =	vst v63  }
0x454: {  	v3 =	vld [tilespmem:$0x50];
	_ =	sdelay $0x4  }
0x455: {  	v53 =	vshrl.u32 v3, $0x3  }
0x456: {  	v4 =	vmul.u32 $0x30, v53  }
0x457: {  	v3 =	vand.u32 $0x7, v3  }
0x458: {  	v3 =	vor.u32 v3, v4  }
0x459: {  	v4 =	vperm.xlane v3, v0;
	_ =	sdelay $0x1  }
0x45a: {  	v4 =	vadd.s32 v1, v4;
	_ =	sdelay $0x3  }
0x45b: {  	s24 =	simm.s32 $0xF080;
	v3 =	vperm.xlane v3, v2  }
0x45c: {  	[hbm4b:s2+s3] =	stream.indirect_vreg.scatter [tilespmem:s24], [sflag:$0x1], $0x80, v4, vm0, $0xb8;
	[tilespmem:$0x18080] =	vst v63  }
0x45d: {  	s21 =	simm.s32 $0xF880;
	v3 =	vadd.s32 v1, v3  }
0x45e: {  	[hbm4b:s4+s3] =	stream.indirect_vreg.scatter [tilespmem:s21], [sflag:$0x1], $0x80, v4, vm0, $0xb8;
	[tilespmem:$0x18080] =	vst v63  }
0x45f: {  	s22 =	simm.s32 $0x10080  }
0x460: {  	[hbm4b:s5+s3] =	stream.indirect_vreg.scatter [tilespmem:s22], [sflag:$0x1], $0x80, v4, vm0, $0xb8;
	[tilespmem:$0x18080] =	vst v63  }
0x461: {  	s23 =	simm.s32 $0x10880  }
0x462: {  	[hbm4b:s2+s3] =	stream.indirect_vreg.scatter [tilespmem:s23], [sflag:$0x1], $0x80, v3, vm0, $0xb8;
	[tilespmem:$0x18080] =	vst v63  }
0x463: {  	s24 =	simm.s32 $0x11080  }
0x464: {  	[hbm4b:s4+s3] =	stream.indirect_vreg.scatter [tilespmem:s24], [sflag:$0x1], $0x80, v3, vm0, $0xb8;
	[tilespmem:$0x18080] =	vst v63  }
0x465: {  	s9 =	simm.s32 $0x11880  }
0x466: {  	[hbm4b:s5+s3] =	stream.indirect_vreg.scatter [tilespmem:s9], [sflag:$0x1], $0x80, v3, vm0, $0xb8;
	[tilespmem:$0x18080] =	vst v63  }
0x467: {  	v3 =	vld [tilespmem:$0x60];
	_ =	sdelay $0x4  }
0x468: {  	v54 =	vshrl.u32 v3, $0x3  }
0x469: {  	v4 =	vmul.u32 $0x30, v54  }
0x46a: {  	v3 =	vand.u32 $0x7, v3  }
0x46b: {  	v3 =	vor.u32 v3, v4  }
0x46c: {  	v4 =	vperm.xlane v3, v0;
	_ =	sdelay $0x1  }
0x46d: {  	v4 =	vadd.s32 v1, v4;
	_ =	sdelay $0x3  }
0x46e: {  	s9 =	simm.s32 $0x12080;
	v3 =	vperm.xlane v3, v2  }
0x46f: {  	[hbm4b:s2+s3] =	stream.indirect_vreg.scatter [tilespmem:s9], [sflag:$0x1], $0x80, v4, vm0, $0xb8;
	[tilespmem:$0x18080] =	vst v63  }
0x470: {  	v3 =	vadd.s32 v1, v3;
	s9 =	simm.s32 $0x12880  }
0x471: {  	[hbm4b:s4+s3] =	stream.indirect_vreg.scatter [tilespmem:s9], [sflag:$0x1], $0x80, v4, vm0, $0xb8;
	[tilespmem:$0x18080] =	vst v63  }
0x472: {  	s9 =	simm.s32 $0x13080  }
0x473: {  	[hbm4b:s5+s3] =	stream.indirect_vreg.scatter [tilespmem:s9], [sflag:$0x1], $0x80, v4, vm0, $0xb8;
	[tilespmem:$0x18080] =	vst v63  }
0x474: {  	s9 =	simm.s32 $0x13880  }
0x475: {  	[hbm4b:s2+s3] =	stream.indirect_vreg.scatter [tilespmem:s9], [sflag:$0x1], $0x80, v3, vm0, $0xb8;
	[tilespmem:$0x18080] =	vst v63  }
0x476: {  	s9 =	simm.s32 $0x14080  }
0x477: {  	[hbm4b:s4+s3] =	stream.indirect_vreg.scatter [tilespmem:s9], [sflag:$0x1], $0x80, v3, vm0, $0xb8;
	[tilespmem:$0x18080] =	vst v63  }
0x478: {  	s9 =	simm.s32 $0x14880  }
0x479: {  	[hbm4b:s5+s3] =	stream.indirect_vreg.scatter [tilespmem:s9], [sflag:$0x1], $0x80, v3, vm0, $0xb8;
	[tilespmem:$0x18080] =	vst v63  }
0x47a: {  	v3 =	vld [tilespmem:$0x70];
	_ =	sdelay $0x4  }
0x47b: {  	v55 =	vshrl.u32 v3, $0x3  }
0x47c: {  	v4 =	vmul.u32 $0x30, v55  }
0x47d: {  	v3 =	vand.u32 $0x7, v3  }
0x47e: {  	v3 =	vor.u32 v3, v4  }
0x47f: {  	v4 =	vperm.xlane v3, v0;
	_ =	sdelay $0x1  }
0x480: {  	v4 =	vadd.s32 v1, v4;
	_ =	sdelay $0x3  }
0x481: {  	s9 =	simm.s32 $0x15080;
	v3 =	vperm.xlane v3, v2  }
0x482: {  	[hbm4b:s2+s3] =	stream.indirect_vreg.scatter [tilespmem:s9], [sflag:$0x1], $0x80, v4, vm0, $0xb8;
	[tilespmem:$0x18080] =	vst v63  }
0x483: {  	v3 =	vadd.s32 v1, v3;
	s9 =	simm.s32 $0x15880  }
0x484: {  	[hbm4b:s4+s3] =	stream.indirect_vreg.scatter [tilespmem:s9], [sflag:$0x1], $0x80, v4, vm0, $0xb8;
	[tilespmem:$0x18080] =	vst v63  }
0x485: {  	s9 =	simm.s32 $0x16080  }
0x486: {  	[hbm4b:s5+s3] =	stream.indirect_vreg.scatter [tilespmem:s9], [sflag:$0x1], $0x80, v4, vm0, $0xb8;
	[tilespmem:$0x18080] =	vst v63  }
0x487: {  	s9 =	simm.s32 $0x16880  }
0x488: {  	[hbm4b:s2+s3] =	stream.indirect_vreg.scatter [tilespmem:s9], [sflag:$0x1], $0x80, v3, vm0, $0xb8;
	[tilespmem:$0x18080] =	vst v63  }
0x489: {  	s9 =	simm.s32 $0x17080  }
0x48a: {  	[hbm4b:s4+s3] =	stream.indirect_vreg.scatter [tilespmem:s9], [sflag:$0x1], $0x80, v3, vm0, $0xb8;
	[tilespmem:$0x18080] =	vst v63  }
0x48b: {  	s9 =	simm.s32 $0x17880  }
0x48c: {  	[hbm4b:s5+s3] =	stream.indirect_vreg.scatter [tilespmem:s9], [sflag:$0x1], $0x80, v3, vm0, $0xb8;
	[tilespmem:$0x18080] =	vst v63  }
0x48d: {  	_ =	swait.ge [sflag:s1], $0x18000  }
0x48e: {  	[sflag:s1] =	ssyncset.done $0x0  }
0x48f: {  	s9 =	rddreg [dreg:$0x12];
	[sflag:s1] =	ssyncadd.s32 $0xFFFE8000  }
0x490: {  	[tilespmem:s3], [sflag:$0x2] =	stream.linear.gather [hbm4b:s9+s3], $0x80, $0x38;
	[tilespmem:$0x18080] =	vst v63  }
0x491: {  	_ =	swait.ge [sflag:s7], $0x80  }
0x492: {  	[sflag:s7] =	ssyncset.done $0x0  }
0x493: {  	s9 =	rddreg [dreg:$0x13];
	[sflag:s7] =	ssyncadd.s32 $0xFFFFFF80  }
0x494: {  	[tilespmem:s16], [sflag:$0x2] =	stream.linear.gather [hbm4b:s9+s3], $0x18000, $0x38;
	[tilespmem:$0x18080] =	vst v63  }
0x495: {  	_ =	swait.ge [sflag:s7], $0x18000  }
0x496: {  	[sflag:s7] =	ssyncset.done $0x0  }
0x497: {  	[sflag:s7] =	ssyncadd.s32 $0xFFFE8000  }
0x498: {  	v3 =	vld [tilespmem:$0x0];
	_ =	sdelay $0x4  }
0x499: {  	v56 =	vshrl.u32 v3, $0x3  }
0x49a: {  	v4 =	vmul.u32 $0x30, v56  }
0x49b: {  	v3 =	vand.u32 $0x7, v3  }
0x49c: {  	v3 =	vor.u32 v3, v4  }
0x49d: {  	v4 =	vperm.xlane v3, v0;
	_ =	sdelay $0x1  }
0x49e: {  	v4 =	vadd.s32 v1, v4;
	_ =	sdelay $0x3  }
0x49f: {  	v3 =	vperm.xlane v3, v2  }
0x4a0: {  	[hbm4b:s2+s3] =	stream.indirect_vreg.scatter [tilespmem:s16], [sflag:$0x1], $0x80, v4, vm0, $0xb8;
	[tilespmem:$0x18080] =	vst v63  }
0x4a1: {  	s0 =	simm.s32 $0x880;
	v3 =	vadd.s32 v1, v3  }
0x4a2: {  	[hbm4b:s4+s3] =	stream.indirect_vreg.scatter [tilespmem:s0], [sflag:$0x1], $0x80, v4, vm0, $0xb8;
	[tilespmem:$0x18080] =	vst v63  }
0x4a3: {  	s25 =	simm.s32 $0x1080  }
0x4a4: {  	[hbm4b:s5+s3] =	stream.indirect_vreg.scatter [tilespmem:s25], [sflag:$0x1], $0x80, v4, vm0, $0xb8;
	[tilespmem:$0x18080] =	vst v63  }
0x4a5: {  	s26 =	simm.s32 $0x1880  }
0x4a6: {  	[hbm4b:s2+s3] =	stream.indirect_vreg.scatter [tilespmem:s26], [sflag:$0x1], $0x80, v3, vm0, $0xb8;
	[tilespmem:$0x18080] =	vst v63  }
0x4a7: {  	s28 =	simm.s32 $0x2080  }
0x4a8: {  	[hbm4b:s4+s3] =	stream.indirect_vreg.scatter [tilespmem:s28], [sflag:$0x1], $0x80, v3, vm0, $0xb8;
	[tilespmem:$0x18080] =	vst v63  }
0x4a9: {  	s26 =	simm.s32 $0x2880  }
0x4aa: {  	[hbm4b:s5+s3] =	stream.indirect_vreg.scatter [tilespmem:s26], [sflag:$0x1], $0x80, v3, vm0, $0xb8;
	[tilespmem:$0x18080] =	vst v63  }
0x4ab: {  	v3 =	vld [tilespmem:$0x10];
	_ =	sdelay $0x4  }
0x4ac: {  	v57 =	vshrl.u32 v3, $0x3  }
0x4ad: {  	v4 =	vmul.u32 $0x30, v57  }
0x4ae: {  	v3 =	vand.u32 $0x7, v3  }
0x4af: {  	v3 =	vor.u32 v3, v4  }
0x4b0: {  	v4 =	vperm.xlane v3, v0;
	_ =	sdelay $0x1  }
0x4b1: {  	v4 =	vadd.s32 v1, v4;
	_ =	sdelay $0x3  }
0x4b2: {  	s28 =	simm.s32 $0x3080;
	v3 =	vperm.xlane v3, v2  }
0x4b3: {  	[hbm4b:s2+s3] =	stream.indirect_vreg.scatter [tilespmem:s28], [sflag:$0x1], $0x80, v4, vm0, $0xb8;
	[tilespmem:$0x18080] =	vst v63  }
0x4b4: {  	s29 =	simm.s32 $0x3880;
	v3 =	vadd.s32 v1, v3  }
0x4b5: {  	[hbm4b:s4+s3] =	stream.indirect_vreg.scatter [tilespmem:s29], [sflag:$0x1], $0x80, v4, vm0, $0xb8;
	[tilespmem:$0x18080] =	vst v63  }
0x4b6: {  	s30 =	simm.s32 $0x4080  }
0x4b7: {  	[hbm4b:s5+s3] =	stream.indirect_vreg.scatter [tilespmem:s30], [sflag:$0x1], $0x80, v4, vm0, $0xb8;
	[tilespmem:$0x18080] =	vst v63  }
0x4b8: {  	s31 =	simm.s32 $0x4880  }
0x4b9: {  	[hbm4b:s2+s3] =	stream.indirect_vreg.scatter [tilespmem:s31], [sflag:$0x1], $0x80, v3, vm0, $0xb8;
	[tilespmem:$0x18080] =	vst v63  }
0x4ba: {  	s6 =	simm.s32 $0x5080  }
0x4bb: {  	[hbm4b:s4+s3] =	stream.indirect_vreg.scatter [tilespmem:s6], [sflag:$0x1], $0x80, v3, vm0, $0xb8;
	[tilespmem:$0x18080] =	vst v63  }
0x4bc: {  	s31 =	simm.s32 $0x5880  }
0x4bd: {  	[hbm4b:s5+s3] =	stream.indirect_vreg.scatter [tilespmem:s31], [sflag:$0x1], $0x80, v3, vm0, $0xb8;
	[tilespmem:$0x18080] =	vst v63  }
0x4be: {  	v3 =	vld [tilespmem:$0x20];
	_ =	sdelay $0x4  }
0x4bf: {  	v58 =	vshrl.u32 v3, $0x3  }
0x4c0: {  	v4 =	vmul.u32 $0x30, v58  }
0x4c1: {  	v3 =	vand.u32 $0x7, v3  }
0x4c2: {  	v3 =	vor.u32 v3, v4  }
0x4c3: {  	v4 =	vperm.xlane v3, v0;
	_ =	sdelay $0x1  }
0x4c4: {  	v4 =	vadd.s32 v1, v4;
	_ =	sdelay $0x3  }
0x4c5: {  	s6 =	simm.s32 $0x6080;
	v3 =	vperm.xlane v3, v2  }
0x4c6: {  	[hbm4b:s2+s3] =	stream.indirect_vreg.scatter [tilespmem:s6], [sflag:$0x1], $0x80, v4, vm0, $0xb8;
	[tilespmem:$0x18080] =	vst v63  }
0x4c7: {  	s8 =	simm.s32 $0x6880;
	v3 =	vadd.s32 v1, v3  }
0x4c8: {  	[hbm4b:s4+s3] =	stream.indirect_vreg.scatter [tilespmem:s8], [sflag:$0x1], $0x80, v4, vm0, $0xb8;
	[tilespmem:$0x18080] =	vst v63  }
0x4c9: {  	s10 =	simm.s32 $0x7080  }
0x4ca: {  	[hbm4b:s5+s3] =	stream.indirect_vreg.scatter [tilespmem:s10], [sflag:$0x1], $0x80, v4, vm0, $0xb8;
	[tilespmem:$0x18080] =	vst v63  }
0x4cb: {  	s11 =	simm.s32 $0x7880  }
0x4cc: {  	[hbm4b:s2+s3] =	stream.indirect_vreg.scatter [tilespmem:s11], [sflag:$0x1], $0x80, v3, vm0, $0xb8;
	[tilespmem:$0x18080] =	vst v63  }
0x4cd: {  	s12 =	simm.s32 $0x8080  }
0x4ce: {  	[hbm4b:s4+s3] =	stream.indirect_vreg.scatter [tilespmem:s12], [sflag:$0x1], $0x80, v3, vm0, $0xb8;
	[tilespmem:$0x18080] =	vst v63  }
0x4cf: {  	s9 =	simm.s32 $0x8880  }
0x4d0: {  	[hbm4b:s5+s3] =	stream.indirect_vreg.scatter [tilespmem:s9], [sflag:$0x1], $0x80, v3, vm0, $0xb8;
	[tilespmem:$0x18080] =	vst v63  }
0x4d1: {  	v3 =	vld [tilespmem:$0x30];
	_ =	sdelay $0x4  }
0x4d2: {  	v59 =	vshrl.u32 v3, $0x3  }
0x4d3: {  	v4 =	vmul.u32 $0x30, v59  }
0x4d4: {  	v3 =	vand.u32 $0x7, v3  }
0x4d5: {  	v3 =	vor.u32 v3, v4  }
0x4d6: {  	v4 =	vperm.xlane v3, v0;
	_ =	sdelay $0x1  }
0x4d7: {  	v4 =	vadd.s32 v1, v4;
	_ =	sdelay $0x3  }
0x4d8: {  	s10 =	simm.s32 $0x9080;
	v3 =	vperm.xlane v3, v2  }
0x4d9: {  	[hbm4b:s2+s3] =	stream.indirect_vreg.scatter [tilespmem:s10], [sflag:$0x1], $0x80, v4, vm0, $0xb8;
	[tilespmem:$0x18080] =	vst v63  }
0x4da: {  	s13 =	simm.s32 $0x9880;
	v3 =	vadd.s32 v1, v3  }
0x4db: {  	[hbm4b:s4+s3] =	stream.indirect_vreg.scatter [tilespmem:s13], [sflag:$0x1], $0x80, v4, vm0, $0xb8;
	[tilespmem:$0x18080] =	vst v63  }
0x4dc: {  	s14 =	simm.s32 $0xA080  }
0x4dd: {  	[hbm4b:s5+s3] =	stream.indirect_vreg.scatter [tilespmem:s14], [sflag:$0x1], $0x80, v4, vm0, $0xb8;
	[tilespmem:$0x18080] =	vst v63  }
0x4de: {  	s15 =	simm.s32 $0xA880  }
0x4df: {  	[hbm4b:s2+s3] =	stream.indirect_vreg.scatter [tilespmem:s15], [sflag:$0x1], $0x80, v3, vm0, $0xb8;
	[tilespmem:$0x18080] =	vst v63  }
0x4e0: {  	s11 =	simm.s32 $0xB080  }
0x4e1: {  	[hbm4b:s4+s3] =	stream.indirect_vreg.scatter [tilespmem:s11], [sflag:$0x1], $0x80, v3, vm0, $0xb8;
	[tilespmem:$0x18080] =	vst v63  }
0x4e2: {  	s12 =	simm.s32 $0xB880  }
0x4e3: {  	[hbm4b:s5+s3] =	stream.indirect_vreg.scatter [tilespmem:s12], [sflag:$0x1], $0x80, v3, vm0, $0xb8;
	[tilespmem:$0x18080] =	vst v63  }
0x4e4: {  	v3 =	vld [tilespmem:$0x40];
	_ =	sdelay $0x4  }
0x4e5: {  	v60 =	vshrl.u32 v3, $0x3  }
0x4e6: {  	v4 =	vmul.u32 $0x30, v60  }
0x4e7: {  	v3 =	vand.u32 $0x7, v3  }
0x4e8: {  	v3 =	vor.u32 v3, v4  }
0x4e9: {  	v4 =	vperm.xlane v3, v0;
	_ =	sdelay $0x1  }
0x4ea: {  	v4 =	vadd.s32 v1, v4;
	_ =	sdelay $0x3  }
0x4eb: {  	s13 =	simm.s32 $0xC080;
	v3 =	vperm.xlane v3, v2  }
0x4ec: {  	[hbm4b:s2+s3] =	stream.indirect_vreg.scatter [tilespmem:s13], [sflag:$0x1], $0x80, v4, vm0, $0xb8;
	[tilespmem:$0x18080] =	vst v63  }
0x4ed: {  	s17 =	simm.s32 $0xC880;
	v3 =	vadd.s32 v1, v3  }
0x4ee: {  	[hbm4b:s4+s3] =	stream.indirect_vreg.scatter [tilespmem:s17], [sflag:$0x1], $0x80, v4, vm0, $0xb8;
	[tilespmem:$0x18080] =	vst v63  }
0x4ef: {  	s18 =	simm.s32 $0xD080  }
0x4f0: {  	[hbm4b:s5+s3] =	stream.indirect_vreg.scatter [tilespmem:s18], [sflag:$0x1], $0x80, v4, vm0, $0xb8;
	[tilespmem:$0x18080] =	vst v63  }
0x4f1: {  	s19 =	simm.s32 $0xD880  }
0x4f2: {  	[hbm4b:s2+s3] =	stream.indirect_vreg.scatter [tilespmem:s19], [sflag:$0x1], $0x80, v3, vm0, $0xb8;
	[tilespmem:$0x18080] =	vst v63  }
0x4f3: {  	s20 =	simm.s32 $0xE080  }
0x4f4: {  	[hbm4b:s4+s3] =	stream.indirect_vreg.scatter [tilespmem:s20], [sflag:$0x1], $0x80, v3, vm0, $0xb8;
	[tilespmem:$0x18080] =	vst v63  }
0x4f5: {  	s15 =	simm.s32 $0xE880  }
0x4f6: {  	[hbm4b:s5+s3] =	stream.indirect_vreg.scatter [tilespmem:s15], [sflag:$0x1], $0x80, v3, vm0, $0xb8;
	[tilespmem:$0x18080] =	vst v63  }
0x4f7: {  	v3 =	vld [tilespmem:$0x50];
	_ =	sdelay $0x4  }
0x4f8: {  	v61 =	vshrl.u32 v3, $0x3  }
0x4f9: {  	v4 =	vmul.u32 $0x30, v61  }
0x4fa: {  	v3 =	vand.u32 $0x7, v3  }
0x4fb: {  	v3 =	vor.u32 v3, v4  }
0x4fc: {  	v4 =	vperm.xlane v3, v0;
	_ =	sdelay $0x1  }
0x4fd: {  	v4 =	vadd.s32 v1, v4;
	_ =	sdelay $0x3  }
0x4fe: {  	s17 =	simm.s32 $0xF080;
	v3 =	vperm.xlane v3, v2  }
0x4ff: {  	[hbm4b:s2+s3] =	stream.indirect_vreg.scatter [tilespmem:s17], [sflag:$0x1], $0x80, v4, vm0, $0xb8;
	[tilespmem:$0x18080] =	vst v63  }
0x500: {  	s21 =	simm.s32 $0xF880;
	v3 =	vadd.s32 v1, v3  }
0x501: {  	[hbm4b:s4+s3] =	stream.indirect_vreg.scatter [tilespmem:s21], [sflag:$0x1], $0x80, v4, vm0, $0xb8;
	[tilespmem:$0x18080] =	vst v63  }
0x502: {  	s22 =	simm.s32 $0x10080  }
0x503: {  	[hbm4b:s5+s3] =	stream.indirect_vreg.scatter [tilespmem:s22], [sflag:$0x1], $0x80, v4, vm0, $0xb8;
	[tilespmem:$0x18080] =	vst v63  }
0x504: {  	s23 =	simm.s32 $0x10880  }
0x505: {  	[hbm4b:s2+s3] =	stream.indirect_vreg.scatter [tilespmem:s23], [sflag:$0x1], $0x80, v3, vm0, $0xb8;
	[tilespmem:$0x18080] =	vst v63  }
0x506: {  	s24 =	simm.s32 $0x11080  }
0x507: {  	[hbm4b:s4+s3] =	stream.indirect_vreg.scatter [tilespmem:s24], [sflag:$0x1], $0x80, v3, vm0, $0xb8;
	[tilespmem:$0x18080] =	vst v63  }
0x508: {  	s18 =	simm.s32 $0x11880  }
0x509: {  	[hbm4b:s5+s3] =	stream.indirect_vreg.scatter [tilespmem:s18], [sflag:$0x1], $0x80, v3, vm0, $0xb8;
	[tilespmem:$0x18080] =	vst v63  }
0x50a: {  	v3 =	vld [tilespmem:$0x60];
	_ =	sdelay $0x4  }
0x50b: {  	v62 =	vshrl.u32 v3, $0x3  }
0x50c: {  	v4 =	vmul.u32 $0x30, v62  }
0x50d: {  	v3 =	vand.u32 $0x7, v3  }
0x50e: {  	v3 =	vor.u32 v3, v4  }
0x50f: {  	v4 =	vperm.xlane v3, v0;
	_ =	sdelay $0x1  }
0x510: {  	v4 =	vadd.s32 v1, v4;
	_ =	sdelay $0x3  }
0x511: {  	s19 =	simm.s32 $0x12080;
	v3 =	vperm.xlane v3, v2  }
0x512: {  	[hbm4b:s2+s3] =	stream.indirect_vreg.scatter [tilespmem:s19], [sflag:$0x1], $0x80, v4, vm0, $0xb8;
	[tilespmem:$0x18080] =	vst v63  }
0x513: {  	s20 =	simm.s32 $0x12880;
	v3 =	vadd.s32 v1, v3  }
0x514: {  	[hbm4b:s4+s3] =	stream.indirect_vreg.scatter [tilespmem:s20], [sflag:$0x1], $0x80, v4, vm0, $0xb8;
	[tilespmem:$0x18080] =	vst v63  }
0x515: {  	s21 =	simm.s32 $0x13080  }
0x516: {  	[hbm4b:s5+s3] =	stream.indirect_vreg.scatter [tilespmem:s21], [sflag:$0x1], $0x80, v4, vm0, $0xb8;
	[tilespmem:$0x18080] =	vst v63  }
0x517: {  	s22 =	simm.s32 $0x13880  }
0x518: {  	[hbm4b:s2+s3] =	stream.indirect_vreg.scatter [tilespmem:s22], [sflag:$0x1], $0x80, v3, vm0, $0xb8;
	[tilespmem:$0x18080] =	vst v63  }
0x519: {  	s23 =	simm.s32 $0x14080  }
0x51a: {  	[hbm4b:s4+s3] =	stream.indirect_vreg.scatter [tilespmem:s23], [sflag:$0x1], $0x80, v3, vm0, $0xb8;
	[tilespmem:$0x18080] =	vst v63  }
0x51b: {  	s24 =	simm.s32 $0x14880  }
0x51c: {  	[hbm4b:s5+s3] =	stream.indirect_vreg.scatter [tilespmem:s24], [sflag:$0x1], $0x80, v3, vm0, $0xb8;
	[tilespmem:$0x18080] =	vst v63  }
0x51d: {  	v3 =	vld [tilespmem:$0x70];
	_ =	sdelay $0x4  }
0x51e: {  	v63 =	vshrl.u32 v3, $0x3  }
0x51f: {  	v4 =	vmul.u32 $0x30, v63  }
0x520: {  	v3 =	vand.u32 $0x7, v3  }
0x521: {  	v3 =	vor.u32 v3, v4  }
0x522: {  	v4 =	vperm.xlane v3, v0;
	_ =	sdelay $0x1  }
0x523: {  	v4 =	vadd.s32 v1, v4;
	_ =	sdelay $0x3  }
0x524: {  	s25 =	simm.s32 $0x15080;
	v3 =	vperm.xlane v3, v2  }
0x525: {  	[hbm4b:s2+s3] =	stream.indirect_vreg.scatter [tilespmem:s25], [sflag:$0x1], $0x80, v4, vm0, $0xb8;
	[tilespmem:$0x18080] =	vst v63  }
0x526: {  	s26 =	simm.s32 $0x15880;
	v3 =	vadd.s32 v1, v3  }
0x527: {  	[hbm4b:s4+s3] =	stream.indirect_vreg.scatter [tilespmem:s26], [sflag:$0x1], $0x80, v4, vm0, $0xb8;
	[tilespmem:$0x18080] =	vst v63  }
0x528: {  	s28 =	simm.s32 $0x16080  }
0x529: {  	[hbm4b:s5+s3] =	stream.indirect_vreg.scatter [tilespmem:s28], [sflag:$0x1], $0x80, v4, vm0, $0xb8;
	[tilespmem:$0x18080] =	vst v63  }
0x52a: {  	s29 =	simm.s32 $0x16880;
	s14 =	rddreg [dreg:$0x14]  }
0x52b: {  	[hbm4b:s2+s3] =	stream.indirect_vreg.scatter [tilespmem:s29], [sflag:$0x1], $0x80, v3, vm0, $0xb8;
	[tilespmem:$0x18080] =	vst v63  }
0x52c: {  	s30 =	simm.s32 $0x17080;
	p0 =	sne.s32 s14, $0x1  }
0x52d: {  	[hbm4b:s4+s3] =	stream.indirect_vreg.scatter [tilespmem:s30], [sflag:$0x1], $0x80, v3, vm0, $0xb8;
	[tilespmem:$0x18080] =	vst v63  }
.Ltmp0:
0x52e: {  	s31 =	simm.s32 $0x17880;
	(pc) =	sbr.rel @p0 .LBB2_1-.Ltmp0, $4  }
0x52f: {  	[hbm4b:s5+s3] =	stream.indirect_vreg.scatter [tilespmem:s31], [sflag:$0x1], $0x80, v3, vm0, $0xb8;
	[tilespmem:$0x18080] =	vst v63  }
0x530: {  	_ =	swait.ge [sflag:s1], $0x18000  }
0x531: {  	[sflag:s1] =	ssyncset.done $0x0  }
0x532: {  	s0 =	sadd.s32 $0xFFFFFFFF, s14;
	[sflag:s1] =	ssyncadd.s32 $0xFFFE8000  }
0x533: {  	_ =	sfence.sel $0x180000  }
0x534: {  	[bflag:$0x0] =	sbarrier.arrive $0xFFFF  }
0x535: {  	_ =	strace $0x90000047  }
0x536: {  	s0 =	stileid.u32;
	[bflag:$0x2] =	sbarrier.arrive $0xFFFF  }
0x537: {  	p0 =	sne.s32 s0, $0x0;
	s0 =	rddreg [dreg:$0x3]  }
0x538: {  	s0 =	sadd.s32 @!p0 $0x100000, s0  }
0x539: {  	[sflag:s0] =	ssyncadd.tile.s32 @!p0 $0x1;
	_ =	shalt  }
.Lfunc_end2:
_tile_overlayer_lowered:
.L_overlay_start_2:
0x53a: {  	(tag) =	ssettag $0x2  }
0x53b: {  	s0 =	rddreg [dreg:$0x0];
	s2 =	stileid.u32  }
0x53c: {  	s1 =	rddreg [dreg:$0x1];
	p0 =	sne.s32 s2, $0x0  }
0x53d: {  	s3 =	rddreg [dreg:$0x2];
	[bflag:$0x3] =	sbarrier.arrive $0xFFFF;
	s2 =	simm.s32 @!p0 $0x1C02  }
0x53e: {  	[timem:s3], [sflag:s2] =	dma.local @!p0 [hbm:s0], s1  }
0x53f: {  	s0 =	simm.s32 @!p0 $0x2  }
0x540: {  	_ =	swait.ge @!p0 [sflag:s0], s1  }
0x541: {  	s1 =	ssub.s32 @!p0 $0x0, s1;
	[sflag:s0] =	ssyncset.done @!p0 $0x0  }
0x542: {  	[sflag:s0] =	ssyncadd.s32 @!p0 s1  }
0x543: {  	[bflag:$0x3] =	sbarrier.arrive $0xFFFF  }
0x544: {  	_ =	shalt  }

</sc_bundles>
